<compile_context>
chip_gen: v7x
topology: tpu7x:2x2x1
jax: 0.10.2.dev20260603
libtpu: 0.0.44.dev20260713+nightly
codegen_flags: <defaults>
</compile_context>

<pallas_src>
import functools

import jax
import jax.numpy as jnp
from jax import lax
from jax.experimental import pallas as pl
from jax.experimental.pallas import tpu as pltpu
from jax.experimental.pallas import tpu_sc as plsc

MOMENTUM = 0.8
NC, NS, L = 2, 16, 16
NW = NC * NS
C = 64
NBUF = 3
SELU = 8


@functools.cache
def _build(M, D, B):
    OWN = pl.cdiv(M, NW)
    SEL = B + C + L
    mesh = plsc.VectorSubcoreMesh(
        core_axis_name="c", subcore_axis_name="s",
        num_cores=NC, num_subcores=NS)

    row_bufs = []
    for _ in range(NBUF):
        row_bufs += [
            pltpu.VMEM((C,), jnp.int32),
            pltpu.VMEM((C,), jnp.int32),
            pltpu.VMEM((C, D), jnp.float32),
            pltpu.VMEM((C, D), jnp.float32),
            pltpu.SemaphoreType.DMA,
            pltpu.SemaphoreType.DMA,
            pltpu.SemaphoreType.DMA,
        ]

    @functools.partial(
        pl.kernel, mesh=mesh, out_type=(),
        compiler_params=pltpu.CompilerParams(needs_layout_passes=False),
        scratch_types=[
            pltpu.VMEM((B,), jnp.int32),
            pltpu.VMEM((SEL,), jnp.int32),
            pltpu.VMEM((SEL,), jnp.int32),
            pltpu.VMEM((OWN + L,), jnp.int32),
        ] + row_bufs,
    )
    def sc_update(out_hbm, idx_hbm, val_hbm,
                  idx_v, sel_idx, sel_pos, aux, *bufflat):
        bufs = [tuple(bufflat[i * 7:(i + 1) * 7]) for i in range(NBUF)]
        wid = lax.axis_index("s") * NC + lax.axis_index("c")
        lo = wid * OWN
        hi = jnp.minimum(lo + OWN, M)
        lanes = lax.iota(jnp.int32, L)

        pltpu.sync_copy(idx_hbm, idx_v)

        def sel_body(i, off):
            for u in range(SELU):
                j = i * SELU + u
                v = idx_v[pl.ds(j * L, L)]
                msk = (v >= lo) & (v < hi)
                plsc.store_compressed(sel_idx.at[pl.ds(off, L)], v, mask=msk)
                plsc.store_compressed(sel_pos.at[pl.ds(off, L)],
                                      lanes + j * L, mask=msk)
                off = off + jnp.sum(msk.astype(jnp.int32))
            return off

        n = lax.fori_loop(0, B // (L * SELU), sel_body, jnp.int32(0))
        nvec = pl.cdiv(n, L)

        def _local(i):
            raw = sel_idx[pl.ds(i * L, L)]
            vl = jnp.minimum(jnp.maximum(raw - lo, 0), OWN - 1)
            vp = sel_pos[pl.ds(i * L, L)]
            valid = (lanes + i * L) < n
            return raw, vl, vp, valid

        def scat0(i, c_):
            _, vl, vp, valid = _local(i)
            plsc.store_scatter(aux, [vl], vp, mask=valid)
            return c_

        lax.fori_loop(0, nvec, scat0, jnp.int32(0))

        def fix_cond(state):
            return state[0] > 0

        def fix_body(state):
            _, it = state

            def chk(i, pend):
                _, vl, vp, valid = _local(i)
                cur = plsc.load_gather(aux, [vl])
                need = valid & (cur < vp)
                plsc.store_scatter(aux, [vl], vp, mask=need)
                return pend + jnp.sum(need.astype(jnp.int32))

            pend = lax.fori_loop(0, nvec, chk, jnp.int32(0))
            return pend, it + 1

        lax.while_loop(fix_cond, fix_body, (jnp.int32(1), jnp.int32(0)))

        def win_body(i, m):
            raw, vl, vp, valid = _local(i)
            cur = plsc.load_gather(aux, [vl])
            win = valid & (cur == vp)
            plsc.store_compressed(sel_idx.at[pl.ds(m, L)], raw, mask=win)
            plsc.store_compressed(sel_pos.at[pl.ds(m, L)], vp, mask=win)
            return m + jnp.sum(win.astype(jnp.int32))

        nwin = lax.fori_loop(0, nvec, win_body, jnp.int32(0))

        def stage(c_, buf):
            ci, cp, g, v, sg, sv, ss = buf
            for k in range(C // L):
                ci[pl.ds(k * L, L)] = sel_idx[pl.ds(c_ * C + k * L, L)]
                cp[pl.ds(k * L, L)] = sel_pos[pl.ds(c_ * C + k * L, L)]
            pltpu.async_copy(out_hbm.at[ci], g, sg)
            pltpu.async_copy(val_hbm.at[cp], v, sv)

        def wait_scatter(buf):
            ci, cp, g, v, sg, sv, ss = buf
            pltpu.make_async_copy(g, out_hbm.at[ci], ss).wait()

        def blend_scatter(buf):
            ci, cp, g, v, sg, sv, ss = buf
            pltpu.make_async_copy(out_hbm.at[ci], g, sg).wait()
            pltpu.make_async_copy(val_hbm.at[cp], v, sv).wait()

            def brow(r, carry):
                for rr in range(4):
                    row = r * 4 + rr
                    for d in range(D // L):
                        sl = pl.ds(d * L, L)
                        g[row, sl] = ((1.0 - MOMENTUM) * g[row, sl]
                                      + MOMENTUM * v[row, sl])
                return carry

            lax.fori_loop(0, C // 4, brow, jnp.int32(0))
            pltpu.async_copy(g, out_hbm.at[ci], ss)

        @pl.when(nwin > 0)
        def _process():
            head_i = sel_idx[pl.ds(nwin - 1, L)]
            head_p = sel_pos[pl.ds(nwin - 1, L)]
            fw_i = jnp.sum(jnp.where(lanes == 0, head_i, 0))
            fw_p = jnp.sum(jnp.where(lanes == 0, head_p, 0))
            for k in range(C // L):
                sel_idx[pl.ds(nwin + k * L, L)] = jnp.full((L,), fw_i,
                                                           jnp.int32)
                sel_pos[pl.ds(nwin + k * L, L)] = jnp.full((L,), fw_p,
                                                           jnp.int32)
            nch = pl.cdiv(nwin, C)

            stage(0, bufs[0])

            @pl.when(nch >= 2)
            def _():
                stage(1, bufs[1])

            def chunk_iter(c_, carry):
                for p in range(NBUF):
                    @pl.when(c_ % NBUF == p)
                    def _(p=p):
                        nxt = bufs[(p + 2) % NBUF]

                        @pl.when(c_ + 2 < nch)
                        def _():
                            @pl.when(c_ >= 1)
                            def _():
                                wait_scatter(nxt)
                            stage(c_ + 2, nxt)

                        blend_scatter(bufs[p])
                return carry

            lax.fori_loop(0, nch, chunk_iter, jnp.int32(0))

            for bi in range(NBUF):
                @pl.when(nch >= bi + 1)
                def _(bi=bi):
                    wait_scatter(bufs[bi])

    return sc_update


def kernel(mem, idx, val):
    M, D = mem.shape
    (B,) = idx.shape
    sc_update = _build(M, D, B)
    ref = jax.new_ref(mem)
    sc_update(ref, idx.astype(jnp.int32), val)
    return ref[...]

# --- scband reference (transcript-rebuilt; emitter-appended) ---
"""Pipeline reference for scband-qdtrack-17755394801762 (READ-ONLY COPY).

The authoritative reference and input builder live on the scoring server;
editing this copy changes nothing except your own understanding.
"""

import jax, jax.numpy as jnp
import numpy as np

MEMO_MOMENTUM = 0.8  # memory_momentum from init_kwargs


def setup_inputs(seed: int = 0) -> dict:
    key = jax.random.key(seed)
    k1, k2, k3 = jax.random.split(key, 3)
    M, D, B = 100000, 128, 16384
    mem = jax.random.normal(k1, (M, D), dtype=jnp.float32)
    idx = jax.random.randint(k2, (B,), 0, M, dtype=jnp.int64)
    val = jax.random.normal(k3, (B, D), dtype=jnp.float32)
    return {"mem": mem, "idx": idx, "val": val}


def reference(mem, idx, val):
    """Core scatter-memory op of QDTrack's track-memory update.

    For each matched track id (idx), the stored embedding is blended with the
    newly computed embedding using momentum:
        new_embed = (1 - m) * memory[idx] + m * val
    and written back into the memory (scatter-overwrite), mirroring
    QDTrack._forward_test's `valid_embeds[i] = (1 - m) * track.embeddings + m * valid_embeds[i]`
    followed by `self.track_memory.update(data)`.
    """
    m = MEMO_MOMENTUM
    gathered = jnp.take(mem, idx, axis=0)          # gather: memory read
    blended = (1.0 - m) * gathered + m * val       # momentum blend
    new_mem = mem.at[idx].set(blended)             # scatter-overwrite: memory write
    return new_mem

if __name__ == "__main__":
    import jax
    _d = setup_inputs()
    print(jax.jit(kernel)(*tuple(_d.values())))

</pallas_src>

<mosaic_0001>
#map = affine_map<(d0, d1) -> (0, 0)>
#map1 = affine_map<(d0, d1) -> (0)>
module attributes {stable_mosaic.version = 14 : i64} {
  func.func @new_body(%arg0: i32, %arg1: i32, %arg2: memref<100000x128xf32, #tpu.memory_space<hbm>>, %arg3: memref<16384xi32, #tpu.memory_space<hbm>>, %arg4: memref<16384x128xf32, #tpu.memory_space<hbm>>, %arg5: memref<100000x128xf32, #tpu.memory_space<hbm>>, %arg6: memref<16384xi32, #tpu.memory_space<vmem>>, %arg7: memref<16464xi32, #tpu.memory_space<vmem>>, %arg8: memref<16464xi32, #tpu.memory_space<vmem>>, %arg9: memref<3141xi32, #tpu.memory_space<vmem>>, %arg10: memref<64xi32, #tpu.memory_space<vmem>>, %arg11: memref<64xi32, #tpu.memory_space<vmem>>, %arg12: memref<64x128xf32, #tpu.memory_space<vmem>>, %arg13: memref<64x128xf32, #tpu.memory_space<vmem>>, %arg14: memref<!tpu.dma_semaphore, #tpu.memory_space<semaphore_mem>>, %arg15: memref<!tpu.dma_semaphore, #tpu.memory_space<semaphore_mem>>, %arg16: memref<!tpu.dma_semaphore, #tpu.memory_space<semaphore_mem>>, %arg17: memref<64xi32, #tpu.memory_space<vmem>>, %arg18: memref<64xi32, #tpu.memory_space<vmem>>, %arg19: memref<64x128xf32, #tpu.memory_space<vmem>>, %arg20: memref<64x128xf32, #tpu.memory_space<vmem>>, %arg21: memref<!tpu.dma_semaphore, #tpu.memory_space<semaphore_mem>>, %arg22: memref<!tpu.dma_semaphore, #tpu.memory_space<semaphore_mem>>, %arg23: memref<!tpu.dma_semaphore, #tpu.memory_space<semaphore_mem>>, %arg24: memref<64xi32, #tpu.memory_space<vmem>>, %arg25: memref<64xi32, #tpu.memory_space<vmem>>, %arg26: memref<64x128xf32, #tpu.memory_space<vmem>>, %arg27: memref<64x128xf32, #tpu.memory_space<vmem>>, %arg28: memref<!tpu.dma_semaphore, #tpu.memory_space<semaphore_mem>>, %arg29: memref<!tpu.dma_semaphore, #tpu.memory_space<semaphore_mem>>, %arg30: memref<!tpu.dma_semaphore, #tpu.memory_space<semaphore_mem>>) attributes {dimension_semantics = [#tpu.dimension_semantics<core_parallel>, #tpu.dimension_semantics<subcore_parallel>], iteration_bounds = array<i64: 2, 16>, scalar_prefetch = 0 : i64, scratch_operands = 25 : i64, tpu.core_type = #tpu.core_type<sc_vector_subcore>, window_params = [{transform_indices = #map}, {transform_indices = #map1}, {transform_indices = #map}, {transform_indices = #map}]} {
    %mul3A = arith.constant 2 : i32
    %mul3A_0 = arith.muli %arg1, %mul3A : i32
    %add3A = arith.addi %mul3A_0, %arg0 : i32
    %mul3A_1 = arith.constant 3125 : i32
    %mul3A_2 = arith.muli %add3A, %mul3A_1 : i32
    %add3A_3 = arith.constant 3125 : i32
    %add3A_4 = arith.addi %mul3A_2, %add3A_3 : i32
    %min3A = arith.constant 100000 : i32
    %min3A_5 = arith.minsi %add3A_4, %min3A : i32
    %iota3A = tpu.iota {dimensions = array<i32: 0>} : vector<16xi32>
    "tpu.region"() ({
      %run_scoped3A = tpu.sem_alloc : memref<!tpu.dma_semaphore, #tpu.memory_space<semaphore_mem>>
      tpu.enqueue_dma source(%arg3 : memref<16384xi32, #tpu.memory_space<hbm>>) target(%arg6 : memref<16384xi32, #tpu.memory_space<vmem>>) target_semaphore(%run_scoped3A : memref<!tpu.dma_semaphore, #tpu.memory_space<semaphore_mem>>)
      tpu.wait_dma2 semaphore(%run_scoped3A : memref<!tpu.dma_semaphore, #tpu.memory_space<semaphore_mem>>) src(%arg3 : memref<16384xi32, #tpu.memory_space<hbm>>) dst(%arg6 : memref<16384xi32, #tpu.memory_space<vmem>>)
      tpu.yield
    }) : () -> ()
    %scan3A = arith.constant 0 : i32
    %scan3A_6 = arith.constant 0 : i32
    %scan3A_7 = arith.constant 128 : i32
    %scan3A_8 = arith.addi %scan3A_6, %scan3A_7 : i32
    %scan3A_9 = arith.constant 1 : i32
    %scan3A_10 = scf.for %scan3A_41 = %scan3A_6 to %scan3A_8 step %scan3A_9 iter_args(%scan3A_42 = %scan3A) -> (i32)  : i32 {
      %mul3A_43 = arith.constant 8 : i32
      %mul3A_44 = arith.muli %scan3A_41, %mul3A_43 : i32
      %add3A_45 = arith.constant 0 : i32
      %add3A_46 = arith.addi %mul3A_44, %add3A_45 : i32
      %mul3A_47 = arith.constant 16 : i32
      %mul3A_48 = arith.muli %add3A_46, %mul3A_47 : i32
      %get3A = arith.index_cast %mul3A_48 : i32 to index
      %get3A_49 = tpu.vector_load %arg6[%get3A] {strides = array<i32>} : memref<16384xi32, #tpu.memory_space<vmem>>, vector<16xi32>,
      %ge3A = vector.broadcast %mul3A_2 : i32 to vector<16xi32>
      %ge3A_50 = arith.cmpi sge, %get3A_49, %ge3A : vector<16xi32>
      %lt3A = vector.broadcast %min3A_5 : i32 to vector<16xi32>
      %lt3A_51 = arith.cmpi slt, %get3A_49, %lt3A : vector<16xi32>
      %and3A = arith.andi %ge3A_50, %lt3A_51 : vector<16xi1>
      %swap3A = arith.index_cast %scan3A_42 : i32 to index
      %swap3A_52 = tpu.vector_load %arg7[%swap3A] masked %and3A {strides = array<i32>} : memref<16464xi32, #tpu.memory_space<vmem>>, vector<16xi32>, vector<16xi1>
      tpu.vector_store %arg7[%swap3A], %get3A_49 masked %and3A {strides = array<i32>} : memref<16464xi32, #tpu.memory_space<vmem>>, vector<16xi32>, vector<16xi1>
      %mul3A_53 = arith.constant 16 : i32
      %mul3A_54 = arith.muli %add3A_46, %mul3A_53 : i32
      %add3A_55 = vector.broadcast %mul3A_54 : i32 to vector<16xi32>
      %add3A_56 = arith.addi %iota3A, %add3A_55 : vector<16xi32>
      %swap3A_57 = arith.index_cast %scan3A_42 : i32 to index
      %swap3A_58 = tpu.vector_load %arg8[%swap3A_57] masked %and3A {strides = array<i32>} : memref<16464xi32, #tpu.memory_space<vmem>>, vector<16xi32>, vector<16xi1>
      tpu.vector_store %arg8[%swap3A_57], %add3A_56 masked %and3A {strides = array<i32>} : memref<16464xi32, #tpu.memory_space<vmem>>, vector<16xi32>, vector<16xi1>
      %convert_element_type3A_59 = arith.extui %and3A : vector<16xi1> to vector<16xi32>
      %reduce_sum3A = arith.constant true
      %reduce_sum3A_60 = vector.broadcast %reduce_sum3A : i1 to vector<16xi1>
      %reduce_sum3A_61 = tpu.scan <sum>, %convert_element_type3A_59 masked %reduce_sum3A_60 : vector<16xi32>, vector<16xi1> -> vector<16xi32>
      %reduce_sum3A_62 = vector.extract %reduce_sum3A_61[15] : i32 from vector<16xi32>
      %add3A_63 = arith.addi %scan3A_42, %reduce_sum3A_62 : i32
      %mul3A_64 = arith.constant 8 : i32
      %mul3A_65 = arith.muli %scan3A_41, %mul3A_64 : i32
      %add3A_66 = arith.constant 1 : i32
      %add3A_67 = arith.addi %mul3A_65, %add3A_66 : i32
      %mul3A_68 = arith.constant 16 : i32
      %mul3A_69 = arith.muli %add3A_67, %mul3A_68 : i32
      %get3A_70 = arith.index_cast %mul3A_69 : i32 to index
      %get3A_71 = tpu.vector_load %arg6[%get3A_70] {strides = array<i32>} : memref<16384xi32, #tpu.memory_space<vmem>>, vector<16xi32>,
      %ge3A_72 = vector.broadcast %mul3A_2 : i32 to vector<16xi32>
      %ge3A_73 = arith.cmpi sge, %get3A_71, %ge3A_72 : vector<16xi32>
      %lt3A_74 = vector.broadcast %min3A_5 : i32 to vector<16xi32>
      %lt3A_75 = arith.cmpi slt, %get3A_71, %lt3A_74 : vector<16xi32>
      %and3A_76 = arith.andi %ge3A_73, %lt3A_75 : vector<16xi1>
      %swap3A_77 = arith.index_cast %add3A_63 : i32 to index
      %swap3A_78 = tpu.vector_load %arg7[%swap3A_77] masked %and3A_76 {strides = array<i32>} : memref<16464xi32, #tpu.memory_space<vmem>>, vector<16xi32>, vector<16xi1>
      tpu.vector_store %arg7[%swap3A_77], %get3A_71 masked %and3A_76 {strides = array<i32>} : memref<16464xi32, #tpu.memory_space<vmem>>, vector<16xi32>, vector<16xi1>
      %mul3A_79 = arith.constant 16 : i32
      %mul3A_80 = arith.muli %add3A_67, %mul3A_79 : i32
      %add3A_81 = vector.broadcast %mul3A_80 : i32 to vector<16xi32>
      %add3A_82 = arith.addi %iota3A, %add3A_81 : vector<16xi32>
      %swap3A_83 = arith.index_cast %add3A_63 : i32 to index
      %swap3A_84 = tpu.vector_load %arg8[%swap3A_83] masked %and3A_76 {strides = array<i32>} : memref<16464xi32, #tpu.memory_space<vmem>>, vector<16xi32>, vector<16xi1>
      tpu.vector_store %arg8[%swap3A_83], %add3A_82 masked %and3A_76 {strides = array<i32>} : memref<16464xi32, #tpu.memory_space<vmem>>, vector<16xi32>, vector<16xi1>
      %convert_element_type3A_85 = arith.extui %and3A_76 : vector<16xi1> to vector<16xi32>
      %reduce_sum3A_86 = arith.constant true
      %reduce_sum3A_87 = vector.broadcast %reduce_sum3A_86 : i1 to vector<16xi1>
      %reduce_sum3A_88 = tpu.scan <sum>, %convert_element_type3A_85 masked %reduce_sum3A_87 : vector<16xi32>, vector<16xi1> -> vector<16xi32>
      %reduce_sum3A_89 = vector.extract %reduce_sum3A_88[15] : i32 from vector<16xi32>
      %add3A_90 = arith.addi %add3A_63, %reduce_sum3A_89 : i32
      %mul3A_91 = arith.constant 8 : i32
      %mul3A_92 = arith.muli %scan3A_41, %mul3A_91 : i32
      %add3A_93 = arith.constant 2 : i32
      %add3A_94 = arith.addi %mul3A_92, %add3A_93 : i32
      %mul3A_95 = arith.constant 16 : i32
      %mul3A_96 = arith.muli %add3A_94, %mul3A_95 : i32
      %get3A_97 = arith.index_cast %mul3A_96 : i32 to index
      %get3A_98 = tpu.vector_load %arg6[%get3A_97] {strides = array<i32>} : memref<16384xi32, #tpu.memory_space<vmem>>, vector<16xi32>,
      %ge3A_99 = vector.broadcast %mul3A_2 : i32 to vector<16xi32>
      %ge3A_100 = arith.cmpi sge, %get3A_98, %ge3A_99 : vector<16xi32>
      %lt3A_101 = vector.broadcast %min3A_5 : i32 to vector<16xi32>
      %lt3A_102 = arith.cmpi slt, %get3A_98, %lt3A_101 : vector<16xi32>
      %and3A_103 = arith.andi %ge3A_100, %lt3A_102 : vector<16xi1>
      %swap3A_104 = arith.index_cast %add3A_90 : i32 to index
      %swap3A_105 = tpu.vector_load %arg7[%swap3A_104] masked %and3A_103 {strides = array<i32>} : memref<16464xi32, #tpu.memory_space<vmem>>, vector<16xi32>, vector<16xi1>
      tpu.vector_store %arg7[%swap3A_104], %get3A_98 masked %and3A_103 {strides = array<i32>} : memref<16464xi32, #tpu.memory_space<vmem>>, vector<16xi32>, vector<16xi1>
      %mul3A_106 = arith.constant 16 : i32
      %mul3A_107 = arith.muli %add3A_94, %mul3A_106 : i32
      %add3A_108 = vector.broadcast %mul3A_107 : i32 to vector<16xi32>
      %add3A_109 = arith.addi %iota3A, %add3A_108 : vector<16xi32>
      %swap3A_110 = arith.index_cast %add3A_90 : i32 to index
      %swap3A_111 = tpu.vector_load %arg8[%swap3A_110] masked %and3A_103 {strides = array<i32>} : memref<16464xi32, #tpu.memory_space<vmem>>, vector<16xi32>, vector<16xi1>
      tpu.vector_store %arg8[%swap3A_110], %add3A_109 masked %and3A_103 {strides = array<i32>} : memref<16464xi32, #tpu.memory_space<vmem>>, vector<16xi32>, vector<16xi1>
      %convert_element_type3A_112 = arith.extui %and3A_103 : vector<16xi1> to vector<16xi32>
      %reduce_sum3A_113 = arith.constant true
      %reduce_sum3A_114 = vector.broadcast %reduce_sum3A_113 : i1 to vector<16xi1>
      %reduce_sum3A_115 = tpu.scan <sum>, %convert_element_type3A_112 masked %reduce_sum3A_114 : vector<16xi32>, vector<16xi1> -> vector<16xi32>
      %reduce_sum3A_116 = vector.extract %reduce_sum3A_115[15] : i32 from vector<16xi32>
      %add3A_117 = arith.addi %add3A_90, %reduce_sum3A_116 : i32
      %mul3A_118 = arith.constant 8 : i32
      %mul3A_119 = arith.muli %scan3A_41, %mul3A_118 : i32
      %add3A_120 = arith.constant 3 : i32
      %add3A_121 = arith.addi %mul3A_119, %add3A_120 : i32
      %mul3A_122 = arith.constant 16 : i32
      %mul3A_123 = arith.muli %add3A_121, %mul3A_122 : i32
      %get3A_124 = arith.index_cast %mul3A_123 : i32 to index
      %get3A_125 = tpu.vector_load %arg6[%get3A_124] {strides = array<i32>} : memref<16384xi32, #tpu.memory_space<vmem>>, vector<16xi32>,
      %ge3A_126 = vector.broadcast %mul3A_2 : i32 to vector<16xi32>
      %ge3A_127 = arith.cmpi sge, %get3A_125, %ge3A_126 : vector<16xi32>
      %lt3A_128 = vector.broadcast %min3A_5 : i32 to vector<16xi32>
      %lt3A_129 = arith.cmpi slt, %get3A_125, %lt3A_128 : vector<16xi32>
      %and3A_130 = arith.andi %ge3A_127, %lt3A_129 : vector<16xi1>
      %swap3A_131 = arith.index_cast %add3A_117 : i32 to index
      %swap3A_132 = tpu.vector_load %arg7[%swap3A_131] masked %and3A_130 {strides = array<i32>} : memref<16464xi32, #tpu.memory_space<vmem>>, vector<16xi32>, vector<16xi1>
      tpu.vector_store %arg7[%swap3A_131], %get3A_125 masked %and3A_130 {strides = array<i32>} : memref<16464xi32, #tpu.memory_space<vmem>>, vector<16xi32>, vector<16xi1>
      %mul3A_133 = arith.constant 16 : i32
      %mul3A_134 = arith.muli %add3A_121, %mul3A_133 : i32
      %add3A_135 = vector.broadcast %mul3A_134 : i32 to vector<16xi32>
      %add3A_136 = arith.addi %iota3A, %add3A_135 : vector<16xi32>
      %swap3A_137 = arith.index_cast %add3A_117 : i32 to index
      %swap3A_138 = tpu.vector_load %arg8[%swap3A_137] masked %and3A_130 {strides = array<i32>} : memref<16464xi32, #tpu.memory_space<vmem>>, vector<16xi32>, vector<16xi1>
      tpu.vector_store %arg8[%swap3A_137], %add3A_136 masked %and3A_130 {strides = array<i32>} : memref<16464xi32, #tpu.memory_space<vmem>>, vector<16xi32>, vector<16xi1>
      %convert_element_type3A_139 = arith.extui %and3A_130 : vector<16xi1> to vector<16xi32>
      %reduce_sum3A_140 = arith.constant true
      %reduce_sum3A_141 = vector.broadcast %reduce_sum3A_140 : i1 to vector<16xi1>
      %reduce_sum3A_142 = tpu.scan <sum>, %convert_element_type3A_139 masked %reduce_sum3A_141 : vector<16xi32>, vector<16xi1> -> vector<16xi32>
      %reduce_sum3A_143 = vector.extract %reduce_sum3A_142[15] : i32 from vector<16xi32>
      %add3A_144 = arith.addi %add3A_117, %reduce_sum3A_143 : i32
      %mul3A_145 = arith.constant 8 : i32
      %mul3A_146 = arith.muli %scan3A_41, %mul3A_145 : i32
      %add3A_147 = arith.constant 4 : i32
      %add3A_148 = arith.addi %mul3A_146, %add3A_147 : i32
      %mul3A_149 = arith.constant 16 : i32
      %mul3A_150 = arith.muli %add3A_148, %mul3A_149 : i32
      %get3A_151 = arith.index_cast %mul3A_150 : i32 to index
      %get3A_152 = tpu.vector_load %arg6[%get3A_151] {strides = array<i32>} : memref<16384xi32, #tpu.memory_space<vmem>>, vector<16xi32>,
      %ge3A_153 = vector.broadcast %mul3A_2 : i32 to vector<16xi32>
      %ge3A_154 = arith.cmpi sge, %get3A_152, %ge3A_153 : vector<16xi32>
      %lt3A_155 = vector.broadcast %min3A_5 : i32 to vector<16xi32>
      %lt3A_156 = arith.cmpi slt, %get3A_152, %lt3A_155 : vector<16xi32>
      %and3A_157 = arith.andi %ge3A_154, %lt3A_156 : vector<16xi1>
      %swap3A_158 = arith.index_cast %add3A_144 : i32 to index
      %swap3A_159 = tpu.vector_load %arg7[%swap3A_158] masked %and3A_157 {strides = array<i32>} : memref<16464xi32, #tpu.memory_space<vmem>>, vector<16xi32>, vector<16xi1>
      tpu.vector_store %arg7[%swap3A_158], %get3A_152 masked %and3A_157 {strides = array<i32>} : memref<16464xi32, #tpu.memory_space<vmem>>, vector<16xi32>, vector<16xi1>
      %mul3A_160 = arith.constant 16 : i32
      %mul3A_161 = arith.muli %add3A_148, %mul3A_160 : i32
      %add3A_162 = vector.broadcast %mul3A_161 : i32 to vector<16xi32>
      %add3A_163 = arith.addi %iota3A, %add3A_162 : vector<16xi32>
      %swap3A_164 = arith.index_cast %add3A_144 : i32 to index
      %swap3A_165 = tpu.vector_load %arg8[%swap3A_164] masked %and3A_157 {strides = array<i32>} : memref<16464xi32, #tpu.memory_space<vmem>>, vector<16xi32>, vector<16xi1>
      tpu.vector_store %arg8[%swap3A_164], %add3A_163 masked %and3A_157 {strides = array<i32>} : memref<16464xi32, #tpu.memory_space<vmem>>, vector<16xi32>, vector<16xi1>
      %convert_element_type3A_166 = arith.extui %and3A_157 : vector<16xi1> to vector<16xi32>
      %reduce_sum3A_167 = arith.constant true
      %reduce_sum3A_168 = vector.broadcast %reduce_sum3A_167 : i1 to vector<16xi1>
      %reduce_sum3A_169 = tpu.scan <sum>, %convert_element_type3A_166 masked %reduce_sum3A_168 : vector<16xi32>, vector<16xi1> -> vector<16xi32>
      %reduce_sum3A_170 = vector.extract %reduce_sum3A_169[15] : i32 from vector<16xi32>
      %add3A_171 = arith.addi %add3A_144, %reduce_sum3A_170 : i32
      %mul3A_172 = arith.constant 8 : i32
      %mul3A_173 = arith.muli %scan3A_41, %mul3A_172 : i32
      %add3A_174 = arith.constant 5 : i32
      %add3A_175 = arith.addi %mul3A_173, %add3A_174 : i32
      %mul3A_176 = arith.constant 16 : i32
      %mul3A_177 = arith.muli %add3A_175, %mul3A_176 : i32
      %get3A_178 = arith.index_cast %mul3A_177 : i32 to index
      %get3A_179 = tpu.vector_load %arg6[%get3A_178] {strides = array<i32>} : memref<16384xi32, #tpu.memory_space<vmem>>, vector<16xi32>,
      %ge3A_180 = vector.broadcast %mul3A_2 : i32 to vector<16xi32>
      %ge3A_181 = arith.cmpi sge, %get3A_179, %ge3A_180 : vector<16xi32>
      %lt3A_182 = vector.broadcast %min3A_5 : i32 to vector<16xi32>
      %lt3A_183 = arith.cmpi slt, %get3A_179, %lt3A_182 : vector<16xi32>
      %and3A_184 = arith.andi %ge3A_181, %lt3A_183 : vector<16xi1>
      %swap3A_185 = arith.index_cast %add3A_171 : i32 to index
      %swap3A_186 = tpu.vector_load %arg7[%swap3A_185] masked %and3A_184 {strides = array<i32>} : memref<16464xi32, #tpu.memory_space<vmem>>, vector<16xi32>, vector<16xi1>
      tpu.vector_store %arg7[%swap3A_185], %get3A_179 masked %and3A_184 {strides = array<i32>} : memref<16464xi32, #tpu.memory_space<vmem>>, vector<16xi32>, vector<16xi1>
      %mul3A_187 = arith.constant 16 : i32
      %mul3A_188 = arith.muli %add3A_175, %mul3A_187 : i32
      %add3A_189 = vector.broadcast %mul3A_188 : i32 to vector<16xi32>
      %add3A_190 = arith.addi %iota3A, %add3A_189 : vector<16xi32>
      %swap3A_191 = arith.index_cast %add3A_171 : i32 to index
      %swap3A_192 = tpu.vector_load %arg8[%swap3A_191] masked %and3A_184 {strides = array<i32>} : memref<16464xi32, #tpu.memory_space<vmem>>, vector<16xi32>, vector<16xi1>
      tpu.vector_store %arg8[%swap3A_191], %add3A_190 masked %and3A_184 {strides = array<i32>} : memref<16464xi32, #tpu.memory_space<vmem>>, vector<16xi32>, vector<16xi1>
      %convert_element_type3A_193 = arith.extui %and3A_184 : vector<16xi1> to vector<16xi32>
      %reduce_sum3A_194 = arith.constant true
      %reduce_sum3A_195 = vector.broadcast %reduce_sum3A_194 : i1 to vector<16xi1>
      %reduce_sum3A_196 = tpu.scan <sum>, %convert_element_type3A_193 masked %reduce_sum3A_195 : vector<16xi32>, vector<16xi1> -> vector<16xi32>
      %reduce_sum3A_197 = vector.extract %reduce_sum3A_196[15] : i32 from vector<16xi32>
      %add3A_198 = arith.addi %add3A_171, %reduce_sum3A_197 : i32
      %mul3A_199 = arith.constant 8 : i32
      %mul3A_200 = arith.muli %scan3A_41, %mul3A_199 : i32
      %add3A_201 = arith.constant 6 : i32
      %add3A_202 = arith.addi %mul3A_200, %add3A_201 : i32
      %mul3A_203 = arith.constant 16 : i32
      %mul3A_204 = arith.muli %add3A_202, %mul3A_203 : i32
      %get3A_205 = arith.index_cast %mul3A_204 : i32 to index
      %get3A_206 = tpu.vector_load %arg6[%get3A_205] {strides = array<i32>} : memref<16384xi32, #tpu.memory_space<vmem>>, vector<16xi32>,
      %ge3A_207 = vector.broadcast %mul3A_2 : i32 to vector<16xi32>
      %ge3A_208 = arith.cmpi sge, %get3A_206, %ge3A_207 : vector<16xi32>
      %lt3A_209 = vector.broadcast %min3A_5 : i32 to vector<16xi32>
      %lt3A_210 = arith.cmpi slt, %get3A_206, %lt3A_209 : vector<16xi32>
      %and3A_211 = arith.andi %ge3A_208, %lt3A_210 : vector<16xi1>
      %swap3A_212 = arith.index_cast %add3A_198 : i32 to index
      %swap3A_213 = tpu.vector_load %arg7[%swap3A_212] masked %and3A_211 {strides = array<i32>} : memref<16464xi32, #tpu.memory_space<vmem>>, vector<16xi32>, vector<16xi1>
      tpu.vector_store %arg7[%swap3A_212], %get3A_206 masked %and3A_211 {strides = array<i32>} : memref<16464xi32, #tpu.memory_space<vmem>>, vector<16xi32>, vector<16xi1>
      %mul3A_214 = arith.constant 16 : i32
      %mul3A_215 = arith.muli %add3A_202, %mul3A_214 : i32
      %add3A_216 = vector.broadcast %mul3A_215 : i32 to vector<16xi32>
      %add3A_217 = arith.addi %iota3A, %add3A_216 : vector<16xi32>
      %swap3A_218 = arith.index_cast %add3A_198 : i32 to index
      %swap3A_219 = tpu.vector_load %arg8[%swap3A_218] masked %and3A_211 {strides = array<i32>} : memref<16464xi32, #tpu.memory_space<vmem>>, vector<16xi32>, vector<16xi1>
      tpu.vector_store %arg8[%swap3A_218], %add3A_217 masked %and3A_211 {strides = array<i32>} : memref<16464xi32, #tpu.memory_space<vmem>>, vector<16xi32>, vector<16xi1>
      %convert_element_type3A_220 = arith.extui %and3A_211 : vector<16xi1> to vector<16xi32>
      %reduce_sum3A_221 = arith.constant true
      %reduce_sum3A_222 = vector.broadcast %reduce_sum3A_221 : i1 to vector<16xi1>
      %reduce_sum3A_223 = tpu.scan <sum>, %convert_element_type3A_220 masked %reduce_sum3A_222 : vector<16xi32>, vector<16xi1> -> vector<16xi32>
      %reduce_sum3A_224 = vector.extract %reduce_sum3A_223[15] : i32 from vector<16xi32>
      %add3A_225 = arith.addi %add3A_198, %reduce_sum3A_224 : i32
      %mul3A_226 = arith.constant 8 : i32
      %mul3A_227 = arith.muli %scan3A_41, %mul3A_226 : i32
      %add3A_228 = arith.constant 7 : i32
      %add3A_229 = arith.addi %mul3A_227, %add3A_228 : i32
      %mul3A_230 = arith.constant 16 : i32
      %mul3A_231 = arith.muli %add3A_229, %mul3A_230 : i32
      %get3A_232 = arith.index_cast %mul3A_231 : i32 to index
      %get3A_233 = tpu.vector_load %arg6[%get3A_232] {strides = array<i32>} : memref<16384xi32, #tpu.memory_space<vmem>>, vector<16xi32>,
      %ge3A_234 = vector.broadcast %mul3A_2 : i32 to vector<16xi32>
      %ge3A_235 = arith.cmpi sge, %get3A_233, %ge3A_234 : vector<16xi32>
      %lt3A_236 = vector.broadcast %min3A_5 : i32 to vector<16xi32>
      %lt3A_237 = arith.cmpi slt, %get3A_233, %lt3A_236 : vector<16xi32>
      %and3A_238 = arith.andi %ge3A_235, %lt3A_237 : vector<16xi1>
      %swap3A_239 = arith.index_cast %add3A_225 : i32 to index
      %swap3A_240 = tpu.vector_load %arg7[%swap3A_239] masked %and3A_238 {strides = array<i32>} : memref<16464xi32, #tpu.memory_space<vmem>>, vector<16xi32>, vector<16xi1>
      tpu.vector_store %arg7[%swap3A_239], %get3A_233 masked %and3A_238 {strides = array<i32>} : memref<16464xi32, #tpu.memory_space<vmem>>, vector<16xi32>, vector<16xi1>
      %mul3A_241 = arith.constant 16 : i32
      %mul3A_242 = arith.muli %add3A_229, %mul3A_241 : i32
      %add3A_243 = vector.broadcast %mul3A_242 : i32 to vector<16xi32>
      %add3A_244 = arith.addi %iota3A, %add3A_243 : vector<16xi32>
      %swap3A_245 = arith.index_cast %add3A_225 : i32 to index
      %swap3A_246 = tpu.vector_load %arg8[%swap3A_245] masked %and3A_238 {strides = array<i32>} : memref<16464xi32, #tpu.memory_space<vmem>>, vector<16xi32>, vector<16xi1>
      tpu.vector_store %arg8[%swap3A_245], %add3A_244 masked %and3A_238 {strides = array<i32>} : memref<16464xi32, #tpu.memory_space<vmem>>, vector<16xi32>, vector<16xi1>
      %convert_element_type3A_247 = arith.extui %and3A_238 : vector<16xi1> to vector<16xi32>
      %reduce_sum3A_248 = arith.constant true
      %reduce_sum3A_249 = vector.broadcast %reduce_sum3A_248 : i1 to vector<16xi1>
      %reduce_sum3A_250 = tpu.scan <sum>, %convert_element_type3A_247 masked %reduce_sum3A_249 : vector<16xi32>, vector<16xi1> -> vector<16xi32>
      %reduce_sum3A_251 = vector.extract %reduce_sum3A_250[15] : i32 from vector<16xi32>
      %add3A_252 = arith.addi %add3A_225, %reduce_sum3A_251 : i32
      scf.yield %add3A_252 : i32
    }
    %scan3A_11 = arith.constant 128 : i32
    %add3A_12 = arith.constant 15 : i32
    %add3A_13 = arith.addi %scan3A_10, %add3A_12 : i32
    %div3A = arith.constant 16 : i32
    %div3A_14 = arith.divsi %add3A_13, %div3A : i32
    %while3A = arith.constant 0 : i32
    %while3A_15 = arith.constant 0 : i32
    %while3A_16 = arith.subi %div3A_14, %while3A_15 : i32
    %while3A_17 = arith.addi %while3A_15, %while3A_16 : i32
    %while3A_18 = arith.constant 1 : i32
    %while3A_19 = arith.divsi %while3A_16, %while3A_18 : i32
    %while3A_20 = arith.muli %while3A_19, %while3A_18 : i32
    %while3A_21 = arith.addi %while3A_15, %while3A_20 : i32
    %while3A_22 = arith.constant 1 : i32
    scf.for %while3A_41 = %while3A_15 to %while3A_21 step %while3A_22  : i32 {
      %mul3A_42 = arith.constant 16 : i32
      %mul3A_43 = arith.muli %while3A_41, %mul3A_42 : i32
      %get3A = arith.index_cast %mul3A_43 : i32 to index
      %get3A_44 = tpu.vector_load %arg7[%get3A] {strides = array<i32>} : memref<16464xi32, #tpu.memory_space<vmem>>, vector<16xi32>,
      %sub3A = vector.broadcast %mul3A_2 : i32 to vector<16xi32>
      %sub3A_45 = arith.subi %get3A_44, %sub3A : vector<16xi32>
      %max3A = arith.constant 0 : i32
      %max3A_46 = vector.broadcast %max3A : i32 to vector<16xi32>
      %max3A_47 = arith.maxsi %sub3A_45, %max3A_46 : vector<16xi32>
      %min3A_48 = arith.constant 3124 : i32
      %min3A_49 = vector.broadcast %min3A_48 : i32 to vector<16xi32>
      %min3A_50 = arith.minsi %max3A_47, %min3A_49 : vector<16xi32>
      %mul3A_51 = arith.constant 16 : i32
      %mul3A_52 = arith.muli %while3A_41, %mul3A_51 : i32
      %get3A_53 = arith.index_cast %mul3A_52 : i32 to index
      %get3A_54 = tpu.vector_load %arg8[%get3A_53] {strides = array<i32>} : memref<16464xi32, #tpu.memory_space<vmem>>, vector<16xi32>,
      %mul3A_55 = arith.constant 16 : i32
      %mul3A_56 = arith.muli %while3A_41, %mul3A_55 : i32
      %add3A_57 = vector.broadcast %mul3A_56 : i32 to vector<16xi32>
      %add3A_58 = arith.addi %iota3A, %add3A_57 : vector<16xi32>
      %lt3A = vector.broadcast %scan3A_10 : i32 to vector<16xi32>
      %lt3A_59 = arith.cmpi slt, %add3A_58, %lt3A : vector<16xi32>
      tpu.vector_store_idx %arg9[%min3A_50], %get3A_54 masked %lt3A_59 : memref<3141xi32, #tpu.memory_space<vmem>>[vector<16xi32>], vector<16xi32>, vector<16xi1>
    }
    %while3A_23 = arith.constant 1 : i32
    scf.for %while3A_41 = %while3A_21 to %while3A_17 step %while3A_23  : i32 {
      %mul3A_42 = arith.constant 16 : i32
      %mul3A_43 = arith.muli %while3A_41, %mul3A_42 : i32
      %get3A = arith.index_cast %mul3A_43 : i32 to index
      %get3A_44 = tpu.vector_load %arg7[%get3A] {strides = array<i32>} : memref<16464xi32, #tpu.memory_space<vmem>>, vector<16xi32>,
      %sub3A = vector.broadcast %mul3A_2 : i32 to vector<16xi32>
      %sub3A_45 = arith.subi %get3A_44, %sub3A : vector<16xi32>
      %max3A = arith.constant 0 : i32
      %max3A_46 = vector.broadcast %max3A : i32 to vector<16xi32>
      %max3A_47 = arith.maxsi %sub3A_45, %max3A_46 : vector<16xi32>
      %min3A_48 = arith.constant 3124 : i32
      %min3A_49 = vector.broadcast %min3A_48 : i32 to vector<16xi32>
      %min3A_50 = arith.minsi %max3A_47, %min3A_49 : vector<16xi32>
      %mul3A_51 = arith.constant 16 : i32
      %mul3A_52 = arith.muli %while3A_41, %mul3A_51 : i32
      %get3A_53 = arith.index_cast %mul3A_52 : i32 to index
      %get3A_54 = tpu.vector_load %arg8[%get3A_53] {strides = array<i32>} : memref<16464xi32, #tpu.memory_space<vmem>>, vector<16xi32>,
      %mul3A_55 = arith.constant 16 : i32
      %mul3A_56 = arith.muli %while3A_41, %mul3A_55 : i32
      %add3A_57 = vector.broadcast %mul3A_56 : i32 to vector<16xi32>
      %add3A_58 = arith.addi %iota3A, %add3A_57 : vector<16xi32>
      %lt3A = vector.broadcast %scan3A_10 : i32 to vector<16xi32>
      %lt3A_59 = arith.cmpi slt, %add3A_58, %lt3A : vector<16xi32>
      tpu.vector_store_idx %arg9[%min3A_50], %get3A_54 masked %lt3A_59 : memref<3141xi32, #tpu.memory_space<vmem>>[vector<16xi32>], vector<16xi32>, vector<16xi1>
    }
    %while3A_24 = arith.constant 1 : i32
    %while3A_25 = arith.constant 0 : i32
    %while3A_26:2 = scf.while (%while3A_41 = %while3A_24, %while3A_42 = %while3A_25) : (i32, i32) -> (i32, i32) {
      %gt3A_43 = arith.constant 0 : i32
      %gt3A_44 = arith.cmpi sgt, %while3A_41, %gt3A_43 : i32
      scf.condition(%gt3A_44) %while3A_41, %while3A_42 : i32, i32
    } do {
    ^bb0(%while3A_41: i32, %while3A_42: i32):
      %while3A_43 = arith.constant 0 : i32
      %while3A_44 = arith.constant 0 : i32
      %while3A_45 = arith.subi %div3A_14, %while3A_43 : i32
      %while3A_46 = arith.addi %while3A_43, %while3A_45 : i32
      %while3A_47 = arith.constant 1 : i32
      %while3A_48 = arith.divsi %while3A_45, %while3A_47 : i32
      %while3A_49 = arith.muli %while3A_48, %while3A_47 : i32
      %while3A_50 = arith.addi %while3A_43, %while3A_49 : i32
      %while3A_51 = arith.constant 1 : i32
      %while3A_52 = scf.for %while3A_57 = %while3A_43 to %while3A_50 step %while3A_51 iter_args(%while3A_58 = %while3A_44) -> (i32)  : i32 {
        %mul3A_59 = arith.constant 16 : i32
        %mul3A_60 = arith.muli %while3A_57, %mul3A_59 : i32
        %get3A = arith.index_cast %mul3A_60 : i32 to index
        %get3A_61 = tpu.vector_load %arg7[%get3A] {strides = array<i32>} : memref<16464xi32, #tpu.memory_space<vmem>>, vector<16xi32>,
        %sub3A = vector.broadcast %mul3A_2 : i32 to vector<16xi32>
        %sub3A_62 = arith.subi %get3A_61, %sub3A : vector<16xi32>
        %max3A = arith.constant 0 : i32
        %max3A_63 = vector.broadcast %max3A : i32 to vector<16xi32>
        %max3A_64 = arith.maxsi %sub3A_62, %max3A_63 : vector<16xi32>
        %min3A_65 = arith.constant 3124 : i32
        %min3A_66 = vector.broadcast %min3A_65 : i32 to vector<16xi32>
        %min3A_67 = arith.minsi %max3A_64, %min3A_66 : vector<16xi32>
        %mul3A_68 = arith.constant 16 : i32
        %mul3A_69 = arith.muli %while3A_57, %mul3A_68 : i32
        %get3A_70 = arith.index_cast %mul3A_69 : i32 to index
        %get3A_71 = tpu.vector_load %arg8[%get3A_70] {strides = array<i32>} : memref<16464xi32, #tpu.memory_space<vmem>>, vector<16xi32>,
        %mul3A_72 = arith.constant 16 : i32
        %mul3A_73 = arith.muli %while3A_57, %mul3A_72 : i32
        %add3A_74 = vector.broadcast %mul3A_73 : i32 to vector<16xi32>
        %add3A_75 = arith.addi %iota3A, %add3A_74 : vector<16xi32>
        %lt3A = vector.broadcast %scan3A_10 : i32 to vector<16xi32>
        %lt3A_76 = arith.cmpi slt, %add3A_75, %lt3A : vector<16xi32>
        %gather3A = tpu.vector_load_idx %arg9[%min3A_67] : memref<3141xi32, #tpu.memory_space<vmem>>[vector<16xi32>], vector<16xi32>,
        %lt3A_77 = arith.cmpi slt, %gather3A, %get3A_71 : vector<16xi32>
        %and3A = arith.andi %lt3A_76, %lt3A_77 : vector<16xi1>
        tpu.vector_store_idx %arg9[%min3A_67], %get3A_71 masked %and3A : memref<3141xi32, #tpu.memory_space<vmem>>[vector<16xi32>], vector<16xi32>, vector<16xi1>
        %convert_element_type3A_78 = arith.extui %and3A : vector<16xi1> to vector<16xi32>
        %reduce_sum3A = arith.constant true
        %reduce_sum3A_79 = vector.broadcast %reduce_sum3A : i1 to vector<16xi1>
        %reduce_sum3A_80 = tpu.scan <sum>, %convert_element_type3A_78 masked %reduce_sum3A_79 : vector<16xi32>, vector<16xi1> -> vector<16xi32>
        %reduce_sum3A_81 = vector.extract %reduce_sum3A_80[15] : i32 from vector<16xi32>
        %add3A_82 = arith.addi %while3A_58, %reduce_sum3A_81 : i32
        scf.yield %add3A_82 : i32
      }
      %while3A_53 = arith.constant 1 : i32
      %while3A_54 = scf.for %while3A_57 = %while3A_50 to %while3A_46 step %while3A_53 iter_args(%while3A_58 = %while3A_52) -> (i32)  : i32 {
        %mul3A_59 = arith.constant 16 : i32
        %mul3A_60 = arith.muli %while3A_57, %mul3A_59 : i32
        %get3A = arith.index_cast %mul3A_60 : i32 to index
        %get3A_61 = tpu.vector_load %arg7[%get3A] {strides = array<i32>} : memref<16464xi32, #tpu.memory_space<vmem>>, vector<16xi32>,
        %sub3A = vector.broadcast %mul3A_2 : i32 to vector<16xi32>
        %sub3A_62 = arith.subi %get3A_61, %sub3A : vector<16xi32>
        %max3A = arith.constant 0 : i32
        %max3A_63 = vector.broadcast %max3A : i32 to vector<16xi32>
        %max3A_64 = arith.maxsi %sub3A_62, %max3A_63 : vector<16xi32>
        %min3A_65 = arith.constant 3124 : i32
        %min3A_66 = vector.broadcast %min3A_65 : i32 to vector<16xi32>
        %min3A_67 = arith.minsi %max3A_64, %min3A_66 : vector<16xi32>
        %mul3A_68 = arith.constant 16 : i32
        %mul3A_69 = arith.muli %while3A_57, %mul3A_68 : i32
        %get3A_70 = arith.index_cast %mul3A_69 : i32 to index
        %get3A_71 = tpu.vector_load %arg8[%get3A_70] {strides = array<i32>} : memref<16464xi32, #tpu.memory_space<vmem>>, vector<16xi32>,
        %mul3A_72 = arith.constant 16 : i32
        %mul3A_73 = arith.muli %while3A_57, %mul3A_72 : i32
        %add3A_74 = vector.broadcast %mul3A_73 : i32 to vector<16xi32>
        %add3A_75 = arith.addi %iota3A, %add3A_74 : vector<16xi32>
        %lt3A = vector.broadcast %scan3A_10 : i32 to vector<16xi32>
        %lt3A_76 = arith.cmpi slt, %add3A_75, %lt3A : vector<16xi32>
        %gather3A = tpu.vector_load_idx %arg9[%min3A_67] : memref<3141xi32, #tpu.memory_space<vmem>>[vector<16xi32>], vector<16xi32>,
        %lt3A_77 = arith.cmpi slt, %gather3A, %get3A_71 : vector<16xi32>
        %and3A = arith.andi %lt3A_76, %lt3A_77 : vector<16xi1>
        tpu.vector_store_idx %arg9[%min3A_67], %get3A_71 masked %and3A : memref<3141xi32, #tpu.memory_space<vmem>>[vector<16xi32>], vector<16xi32>, vector<16xi1>
        %convert_element_type3A_78 = arith.extui %and3A : vector<16xi1> to vector<16xi32>
        %reduce_sum3A = arith.constant true
        %reduce_sum3A_79 = vector.broadcast %reduce_sum3A : i1 to vector<16xi1>
        %reduce_sum3A_80 = tpu.scan <sum>, %convert_element_type3A_78 masked %reduce_sum3A_79 : vector<16xi32>, vector<16xi1> -> vector<16xi32>
        %reduce_sum3A_81 = vector.extract %reduce_sum3A_80[15] : i32 from vector<16xi32>
        %add3A_82 = arith.addi %while3A_58, %reduce_sum3A_81 : i32
        scf.yield %add3A_82 : i32
      }
      %add3A_55 = arith.constant 1 : i32
      %add3A_56 = arith.addi %while3A_42, %add3A_55 : i32
      scf.yield %while3A_54, %add3A_56 : i32, i32
    }
    %while3A_27 = arith.constant 0 : i32
    %while3A_28 = arith.constant 0 : i32
    %while3A_29 = arith.subi %div3A_14, %while3A_27 : i32
    %while3A_30 = arith.addi %while3A_27, %while3A_29 : i32
    %while3A_31 = arith.constant 1 : i32
    %while3A_32 = arith.divsi %while3A_29, %while3A_31 : i32
    %while3A_33 = arith.muli %while3A_32, %while3A_31 : i32
    %while3A_34 = arith.addi %while3A_27, %while3A_33 : i32
    %while3A_35 = arith.constant 1 : i32
    %while3A_36 = scf.for %while3A_41 = %while3A_27 to %while3A_34 step %while3A_35 iter_args(%while3A_42 = %while3A_28) -> (i32)  : i32 {
      %mul3A_43 = arith.constant 16 : i32
      %mul3A_44 = arith.muli %while3A_41, %mul3A_43 : i32
      %get3A = arith.index_cast %mul3A_44 : i32 to index
      %get3A_45 = tpu.vector_load %arg7[%get3A] {strides = array<i32>} : memref<16464xi32, #tpu.memory_space<vmem>>, vector<16xi32>,
      %sub3A = vector.broadcast %mul3A_2 : i32 to vector<16xi32>
      %sub3A_46 = arith.subi %get3A_45, %sub3A : vector<16xi32>
      %max3A = arith.constant 0 : i32
      %max3A_47 = vector.broadcast %max3A : i32 to vector<16xi32>
      %max3A_48 = arith.maxsi %sub3A_46, %max3A_47 : vector<16xi32>
      %min3A_49 = arith.constant 3124 : i32
      %min3A_50 = vector.broadcast %min3A_49 : i32 to vector<16xi32>
      %min3A_51 = arith.minsi %max3A_48, %min3A_50 : vector<16xi32>
      %mul3A_52 = arith.constant 16 : i32
      %mul3A_53 = arith.muli %while3A_41, %mul3A_52 : i32
      %get3A_54 = arith.index_cast %mul3A_53 : i32 to index
      %get3A_55 = tpu.vector_load %arg8[%get3A_54] {strides = array<i32>} : memref<16464xi32, #tpu.memory_space<vmem>>, vector<16xi32>,
      %mul3A_56 = arith.constant 16 : i32
      %mul3A_57 = arith.muli %while3A_41, %mul3A_56 : i32
      %add3A_58 = vector.broadcast %mul3A_57 : i32 to vector<16xi32>
      %add3A_59 = arith.addi %iota3A, %add3A_58 : vector<16xi32>
      %lt3A = vector.broadcast %scan3A_10 : i32 to vector<16xi32>
      %lt3A_60 = arith.cmpi slt, %add3A_59, %lt3A : vector<16xi32>
      %gather3A = tpu.vector_load_idx %arg9[%min3A_51] : memref<3141xi32, #tpu.memory_space<vmem>>[vector<16xi32>], vector<16xi32>,
      %eq3A = arith.cmpi eq, %gather3A, %get3A_55 : vector<16xi32>
      %and3A = arith.andi %lt3A_60, %eq3A : vector<16xi1>
      %swap3A = arith.index_cast %while3A_42 : i32 to index
      %swap3A_61 = tpu.vector_load %arg7[%swap3A] masked %and3A {strides = array<i32>} : memref<16464xi32, #tpu.memory_space<vmem>>, vector<16xi32>, vector<16xi1>
      tpu.vector_store %arg7[%swap3A], %get3A_45 masked %and3A {strides = array<i32>} : memref<16464xi32, #tpu.memory_space<vmem>>, vector<16xi32>, vector<16xi1>
      %swap3A_62 = arith.index_cast %while3A_42 : i32 to index
      %swap3A_63 = tpu.vector_load %arg8[%swap3A_62] masked %and3A {strides = array<i32>} : memref<16464xi32, #tpu.memory_space<vmem>>, vector<16xi32>, vector<16xi1>
      tpu.vector_store %arg8[%swap3A_62], %get3A_55 masked %and3A {strides = array<i32>} : memref<16464xi32, #tpu.memory_space<vmem>>, vector<16xi32>, vector<16xi1>
      %convert_element_type3A_64 = arith.extui %and3A : vector<16xi1> to vector<16xi32>
      %reduce_sum3A = arith.constant true
      %reduce_sum3A_65 = vector.broadcast %reduce_sum3A : i1 to vector<16xi1>
      %reduce_sum3A_66 = tpu.scan <sum>, %convert_element_type3A_64 masked %reduce_sum3A_65 : vector<16xi32>, vector<16xi1> -> vector<16xi32>
      %reduce_sum3A_67 = vector.extract %reduce_sum3A_66[15] : i32 from vector<16xi32>
      %add3A_68 = arith.addi %while3A_42, %reduce_sum3A_67 : i32
      scf.yield %add3A_68 : i32
    }
    %while3A_37 = arith.constant 1 : i32
    %while3A_38 = scf.for %while3A_41 = %while3A_34 to %while3A_30 step %while3A_37 iter_args(%while3A_42 = %while3A_36) -> (i32)  : i32 {
      %mul3A_43 = arith.constant 16 : i32
      %mul3A_44 = arith.muli %while3A_41, %mul3A_43 : i32
      %get3A = arith.index_cast %mul3A_44 : i32 to index
      %get3A_45 = tpu.vector_load %arg7[%get3A] {strides = array<i32>} : memref<16464xi32, #tpu.memory_space<vmem>>, vector<16xi32>,
      %sub3A = vector.broadcast %mul3A_2 : i32 to vector<16xi32>
      %sub3A_46 = arith.subi %get3A_45, %sub3A : vector<16xi32>
      %max3A = arith.constant 0 : i32
      %max3A_47 = vector.broadcast %max3A : i32 to vector<16xi32>
      %max3A_48 = arith.maxsi %sub3A_46, %max3A_47 : vector<16xi32>
      %min3A_49 = arith.constant 3124 : i32
      %min3A_50 = vector.broadcast %min3A_49 : i32 to vector<16xi32>
      %min3A_51 = arith.minsi %max3A_48, %min3A_50 : vector<16xi32>
      %mul3A_52 = arith.constant 16 : i32
      %mul3A_53 = arith.muli %while3A_41, %mul3A_52 : i32
      %get3A_54 = arith.index_cast %mul3A_53 : i32 to index
      %get3A_55 = tpu.vector_load %arg8[%get3A_54] {strides = array<i32>} : memref<16464xi32, #tpu.memory_space<vmem>>, vector<16xi32>,
      %mul3A_56 = arith.constant 16 : i32
      %mul3A_57 = arith.muli %while3A_41, %mul3A_56 : i32
      %add3A_58 = vector.broadcast %mul3A_57 : i32 to vector<16xi32>
      %add3A_59 = arith.addi %iota3A, %add3A_58 : vector<16xi32>
      %lt3A = vector.broadcast %scan3A_10 : i32 to vector<16xi32>
      %lt3A_60 = arith.cmpi slt, %add3A_59, %lt3A : vector<16xi32>
      %gather3A = tpu.vector_load_idx %arg9[%min3A_51] : memref<3141xi32, #tpu.memory_space<vmem>>[vector<16xi32>], vector<16xi32>,
      %eq3A = arith.cmpi eq, %gather3A, %get3A_55 : vector<16xi32>
      %and3A = arith.andi %lt3A_60, %eq3A : vector<16xi1>
      %swap3A = arith.index_cast %while3A_42 : i32 to index
      %swap3A_61 = tpu.vector_load %arg7[%swap3A] masked %and3A {strides = array<i32>} : memref<16464xi32, #tpu.memory_space<vmem>>, vector<16xi32>, vector<16xi1>
      tpu.vector_store %arg7[%swap3A], %get3A_45 masked %and3A {strides = array<i32>} : memref<16464xi32, #tpu.memory_space<vmem>>, vector<16xi32>, vector<16xi1>
      %swap3A_62 = arith.index_cast %while3A_42 : i32 to index
      %swap3A_63 = tpu.vector_load %arg8[%swap3A_62] masked %and3A {strides = array<i32>} : memref<16464xi32, #tpu.memory_space<vmem>>, vector<16xi32>, vector<16xi1>
      tpu.vector_store %arg8[%swap3A_62], %get3A_55 masked %and3A {strides = array<i32>} : memref<16464xi32, #tpu.memory_space<vmem>>, vector<16xi32>, vector<16xi1>
      %convert_element_type3A_64 = arith.extui %and3A : vector<16xi1> to vector<16xi32>
      %reduce_sum3A = arith.constant true
      %reduce_sum3A_65 = vector.broadcast %reduce_sum3A : i1 to vector<16xi1>
      %reduce_sum3A_66 = tpu.scan <sum>, %convert_element_type3A_64 masked %reduce_sum3A_65 : vector<16xi32>, vector<16xi1> -> vector<16xi32>
      %reduce_sum3A_67 = vector.extract %reduce_sum3A_66[15] : i32 from vector<16xi32>
      %add3A_68 = arith.addi %while3A_42, %reduce_sum3A_67 : i32
      scf.yield %add3A_68 : i32
    }
    %gt3A = arith.constant 0 : i32
    %gt3A_39 = arith.cmpi sgt, %while3A_38, %gt3A : i32
    %convert_element_type3A = arith.extui %gt3A_39 : i1 to i32
    %cond3A = arith.constant 0 : i32
    %cond3A_40 = arith.cmpi ne, %convert_element_type3A, %cond3A : i32
    scf.if %cond3A_40 {
      %sub3A = arith.constant 1 : i32
      %sub3A_41 = arith.subi %while3A_38, %sub3A : i32
      %get3A = arith.index_cast %sub3A_41 : i32 to index
      %get3A_42 = tpu.vector_load %arg7[%get3A] {strides = array<i32>} : memref<16464xi32, #tpu.memory_space<vmem>>, vector<16xi32>,
      %sub3A_43 = arith.constant 1 : i32
      %sub3A_44 = arith.subi %while3A_38, %sub3A_43 : i32
      %get3A_45 = arith.index_cast %sub3A_44 : i32 to index
      %get3A_46 = tpu.vector_load %arg8[%get3A_45] {strides = array<i32>} : memref<16464xi32, #tpu.memory_space<vmem>>, vector<16xi32>,
      %eq3A = arith.constant 0 : i32
      %eq3A_47 = vector.broadcast %eq3A : i32 to vector<16xi32>
      %eq3A_48 = arith.cmpi eq, %iota3A, %eq3A_47 : vector<16xi32>
      %jit3A = arith.constant 0 : i32
      %broadcast_in_dim3A = vector.broadcast %jit3A : i32 to vector<16xi32>
      %select_n3A = arith.select %eq3A_48, %get3A_42, %broadcast_in_dim3A : vector<16xi1>, vector<16xi32>
      %reduce_sum3A = arith.constant true
      %reduce_sum3A_49 = vector.broadcast %reduce_sum3A : i1 to vector<16xi1>
      %reduce_sum3A_50 = tpu.scan <sum>, %select_n3A masked %reduce_sum3A_49 : vector<16xi32>, vector<16xi1> -> vector<16xi32>
      %reduce_sum3A_51 = vector.extract %reduce_sum3A_50[15] : i32 from vector<16xi32>
      %eq3A_52 = arith.constant 0 : i32
      %eq3A_53 = vector.broadcast %eq3A_52 : i32 to vector<16xi32>
      %eq3A_54 = arith.cmpi eq, %iota3A, %eq3A_53 : vector<16xi32>
      %jit3A_55 = arith.constant 0 : i32
      %broadcast_in_dim3A_56 = vector.broadcast %jit3A_55 : i32 to vector<16xi32>
      %select_n3A_57 = arith.select %eq3A_54, %get3A_46, %broadcast_in_dim3A_56 : vector<16xi1>, vector<16xi32>
      %reduce_sum3A_58 = arith.constant true
      %reduce_sum3A_59 = vector.broadcast %reduce_sum3A_58 : i1 to vector<16xi1>
      %reduce_sum3A_60 = tpu.scan <sum>, %select_n3A_57 masked %reduce_sum3A_59 : vector<16xi32>, vector<16xi1> -> vector<16xi32>
      %reduce_sum3A_61 = vector.extract %reduce_sum3A_60[15] : i32 from vector<16xi32>
      %broadcast_in_dim3A_62 = vector.broadcast %reduce_sum3A_51 : i32 to vector<16xi32>
      %add3A_63 = arith.constant 0 : i32
      %add3A_64 = arith.addi %while3A_38, %add3A_63 : i32
      %swap3A = arith.index_cast %add3A_64 : i32 to index
      %swap3A_65 = tpu.vector_load %arg7[%swap3A] {strides = array<i32>} : memref<16464xi32, #tpu.memory_space<vmem>>, vector<16xi32>,
      tpu.vector_store %arg7[%swap3A], %broadcast_in_dim3A_62 {strides = array<i32>} : memref<16464xi32, #tpu.memory_space<vmem>>, vector<16xi32>,
      %broadcast_in_dim3A_66 = vector.broadcast %reduce_sum3A_61 : i32 to vector<16xi32>
      %add3A_67 = arith.constant 0 : i32
      %add3A_68 = arith.addi %while3A_38, %add3A_67 : i32
      %swap3A_69 = arith.index_cast %add3A_68 : i32 to index
      %swap3A_70 = tpu.vector_load %arg8[%swap3A_69] {strides = array<i32>} : memref<16464xi32, #tpu.memory_space<vmem>>, vector<16xi32>,
      tpu.vector_store %arg8[%swap3A_69], %broadcast_in_dim3A_66 {strides = array<i32>} : memref<16464xi32, #tpu.memory_space<vmem>>, vector<16xi32>,
      %broadcast_in_dim3A_71 = vector.broadcast %reduce_sum3A_51 : i32 to vector<16xi32>
      %add3A_72 = arith.constant 16 : i32
      %add3A_73 = arith.addi %while3A_38, %add3A_72 : i32
      %swap3A_74 = arith.index_cast %add3A_73 : i32 to index
      %swap3A_75 = tpu.vector_load %arg7[%swap3A_74] {strides = array<i32>} : memref<16464xi32, #tpu.memory_space<vmem>>, vector<16xi32>,
      tpu.vector_store %arg7[%swap3A_74], %broadcast_in_dim3A_71 {strides = array<i32>} : memref<16464xi32, #tpu.memory_space<vmem>>, vector<16xi32>,
      %broadcast_in_dim3A_76 = vector.broadcast %reduce_sum3A_61 : i32 to vector<16xi32>
      %add3A_77 = arith.constant 16 : i32
      %add3A_78 = arith.addi %while3A_38, %add3A_77 : i32
      %swap3A_79 = arith.index_cast %add3A_78 : i32 to index
      %swap3A_80 = tpu.vector_load %arg8[%swap3A_79] {strides = array<i32>} : memref<16464xi32, #tpu.memory_space<vmem>>, vector<16xi32>,
      tpu.vector_store %arg8[%swap3A_79], %broadcast_in_dim3A_76 {strides = array<i32>} : memref<16464xi32, #tpu.memory_space<vmem>>, vector<16xi32>,
      %broadcast_in_dim3A_81 = vector.broadcast %reduce_sum3A_51 : i32 to vector<16xi32>
      %add3A_82 = arith.constant 32 : i32
      %add3A_83 = arith.addi %while3A_38, %add3A_82 : i32
      %swap3A_84 = arith.index_cast %add3A_83 : i32 to index
      %swap3A_85 = tpu.vector_load %arg7[%swap3A_84] {strides = array<i32>} : memref<16464xi32, #tpu.memory_space<vmem>>, vector<16xi32>,
      tpu.vector_store %arg7[%swap3A_84], %broadcast_in_dim3A_81 {strides = array<i32>} : memref<16464xi32, #tpu.memory_space<vmem>>, vector<16xi32>,
      %broadcast_in_dim3A_86 = vector.broadcast %reduce_sum3A_61 : i32 to vector<16xi32>
      %add3A_87 = arith.constant 32 : i32
      %add3A_88 = arith.addi %while3A_38, %add3A_87 : i32
      %swap3A_89 = arith.index_cast %add3A_88 : i32 to index
      %swap3A_90 = tpu.vector_load %arg8[%swap3A_89] {strides = array<i32>} : memref<16464xi32, #tpu.memory_space<vmem>>, vector<16xi32>,
      tpu.vector_store %arg8[%swap3A_89], %broadcast_in_dim3A_86 {strides = array<i32>} : memref<16464xi32, #tpu.memory_space<vmem>>, vector<16xi32>,
      %broadcast_in_dim3A_91 = vector.broadcast %reduce_sum3A_51 : i32 to vector<16xi32>
      %add3A_92 = arith.constant 48 : i32
      %add3A_93 = arith.addi %while3A_38, %add3A_92 : i32
      %swap3A_94 = arith.index_cast %add3A_93 : i32 to index
      %swap3A_95 = tpu.vector_load %arg7[%swap3A_94] {strides = array<i32>} : memref<16464xi32, #tpu.memory_space<vmem>>, vector<16xi32>,
      tpu.vector_store %arg7[%swap3A_94], %broadcast_in_dim3A_91 {strides = array<i32>} : memref<16464xi32, #tpu.memory_space<vmem>>, vector<16xi32>,
      %broadcast_in_dim3A_96 = vector.broadcast %reduce_sum3A_61 : i32 to vector<16xi32>
      %add3A_97 = arith.constant 48 : i32
      %add3A_98 = arith.addi %while3A_38, %add3A_97 : i32
      %swap3A_99 = arith.index_cast %add3A_98 : i32 to index
      %swap3A_100 = tpu.vector_load %arg8[%swap3A_99] {strides = array<i32>} : memref<16464xi32, #tpu.memory_space<vmem>>, vector<16xi32>,
      tpu.vector_store %arg8[%swap3A_99], %broadcast_in_dim3A_96 {strides = array<i32>} : memref<16464xi32, #tpu.memory_space<vmem>>, vector<16xi32>,
      %add3A_101 = arith.constant 63 : i32
      %add3A_102 = arith.addi %while3A_38, %add3A_101 : i32
      %div3A_103 = arith.constant 64 : i32
      %div3A_104 = arith.divsi %add3A_102, %div3A_103 : i32
      %get3A_105 = arith.constant 0 : index
      %get3A_106 = tpu.vector_load %arg7[%get3A_105] {strides = array<i32>} : memref<16464xi32, #tpu.memory_space<vmem>>, vector<16xi32>,
      %swap3A_107 = arith.constant 0 : index
      %swap3A_108 = tpu.vector_load %arg10[%swap3A_107] {strides = array<i32>} : memref<64xi32, #tpu.memory_space<vmem>>, vector<16xi32>,
      tpu.vector_store %arg10[%swap3A_107], %get3A_106 {strides = array<i32>} : memref<64xi32, #tpu.memory_space<vmem>>, vector<16xi32>,
      %get3A_109 = arith.constant 0 : index
      %get3A_110 = tpu.vector_load %arg8[%get3A_109] {strides = array<i32>} : memref<16464xi32, #tpu.memory_space<vmem>>, vector<16xi32>,
      %swap3A_111 = arith.constant 0 : index
      %swap3A_112 = tpu.vector_load %arg11[%swap3A_111] {strides = array<i32>} : memref<64xi32, #tpu.memory_space<vmem>>, vector<16xi32>,
      tpu.vector_store %arg11[%swap3A_111], %get3A_110 {strides = array<i32>} : memref<64xi32, #tpu.memory_space<vmem>>, vector<16xi32>,
      %get3A_113 = arith.constant 16 : index
      %get3A_114 = tpu.vector_load %arg7[%get3A_113] {strides = array<i32>} : memref<16464xi32, #tpu.memory_space<vmem>>, vector<16xi32>,
      %swap3A_115 = arith.constant 16 : index
      %swap3A_116 = tpu.vector_load %arg10[%swap3A_115] {strides = array<i32>} : memref<64xi32, #tpu.memory_space<vmem>>, vector<16xi32>,
      tpu.vector_store %arg10[%swap3A_115], %get3A_114 {strides = array<i32>} : memref<64xi32, #tpu.memory_space<vmem>>, vector<16xi32>,
      %get3A_117 = arith.constant 16 : index
      %get3A_118 = tpu.vector_load %arg8[%get3A_117] {strides = array<i32>} : memref<16464xi32, #tpu.memory_space<vmem>>, vector<16xi32>,
      %swap3A_119 = arith.constant 16 : index
      %swap3A_120 = tpu.vector_load %arg11[%swap3A_119] {strides = array<i32>} : memref<64xi32, #tpu.memory_space<vmem>>, vector<16xi32>,
      tpu.vector_store %arg11[%swap3A_119], %get3A_118 {strides = array<i32>} : memref<64xi32, #tpu.memory_space<vmem>>, vector<16xi32>,
      %get3A_121 = arith.constant 32 : index
      %get3A_122 = tpu.vector_load %arg7[%get3A_121] {strides = array<i32>} : memref<16464xi32, #tpu.memory_space<vmem>>, vector<16xi32>,
      %swap3A_123 = arith.constant 32 : index
      %swap3A_124 = tpu.vector_load %arg10[%swap3A_123] {strides = array<i32>} : memref<64xi32, #tpu.memory_space<vmem>>, vector<16xi32>,
      tpu.vector_store %arg10[%swap3A_123], %get3A_122 {strides = array<i32>} : memref<64xi32, #tpu.memory_space<vmem>>, vector<16xi32>,
      %get3A_125 = arith.constant 32 : index
      %get3A_126 = tpu.vector_load %arg8[%get3A_125] {strides = array<i32>} : memref<16464xi32, #tpu.memory_space<vmem>>, vector<16xi32>,
      %swap3A_127 = arith.constant 32 : index
      %swap3A_128 = tpu.vector_load %arg11[%swap3A_127] {strides = array<i32>} : memref<64xi32, #tpu.memory_space<vmem>>, vector<16xi32>,
      tpu.vector_store %arg11[%swap3A_127], %get3A_126 {strides = array<i32>} : memref<64xi32, #tpu.memory_space<vmem>>, vector<16xi32>,
      %get3A_129 = arith.constant 48 : index
      %get3A_130 = tpu.vector_load %arg7[%get3A_129] {strides = array<i32>} : memref<16464xi32, #tpu.memory_space<vmem>>, vector<16xi32>,
      %swap3A_131 = arith.constant 48 : index
      %swap3A_132 = tpu.vector_load %arg10[%swap3A_131] {strides = array<i32>} : memref<64xi32, #tpu.memory_space<vmem>>, vector<16xi32>,
      tpu.vector_store %arg10[%swap3A_131], %get3A_130 {strides = array<i32>} : memref<64xi32, #tpu.memory_space<vmem>>, vector<16xi32>,
      %get3A_133 = arith.constant 48 : index
      %get3A_134 = tpu.vector_load %arg8[%get3A_133] {strides = array<i32>} : memref<16464xi32, #tpu.memory_space<vmem>>, vector<16xi32>,
      %swap3A_135 = arith.constant 48 : index
      %swap3A_136 = tpu.vector_load %arg11[%swap3A_135] {strides = array<i32>} : memref<64xi32, #tpu.memory_space<vmem>>, vector<16xi32>,
      tpu.vector_store %arg11[%swap3A_135], %get3A_134 {strides = array<i32>} : memref<64xi32, #tpu.memory_space<vmem>>, vector<16xi32>,
      %dma_start3A = arith.constant 0 : i32
      %dma_start3A_137 = arith.constant 0 : i32
      %dma_start3A_138 = tpu.memref_slice %arg2[%dma_start3A, %dma_start3A_137] : memref<100000x128xf32, #tpu.memory_space<hbm>> -> memref<100000x128xf32, #tpu.memory_space<hbm>>
      tpu.enqueue_indirect_dma source(%dma_start3A_138 : memref<100000x128xf32, #tpu.memory_space<hbm>>) target(%arg12 : memref<64x128xf32, #tpu.memory_space<vmem>>) offsets(%arg10 : memref<64xi32, #tpu.memory_space<vmem>>) semaphore(%arg14 : memref<!tpu.dma_semaphore, #tpu.memory_space<semaphore_mem>>)
      %dma_start3A_139 = arith.constant 0 : i32
      %dma_start3A_140 = arith.constant 0 : i32
      %dma_start3A_141 = tpu.memref_slice %arg4[%dma_start3A_139, %dma_start3A_140] : memref<16384x128xf32, #tpu.memory_space<hbm>> -> memref<16384x128xf32, #tpu.memory_space<hbm>>
      tpu.enqueue_indirect_dma source(%dma_start3A_141 : memref<16384x128xf32, #tpu.memory_space<hbm>>) target(%arg13 : memref<64x128xf32, #tpu.memory_space<vmem>>) offsets(%arg11 : memref<64xi32, #tpu.memory_space<vmem>>) semaphore(%arg15 : memref<!tpu.dma_semaphore, #tpu.memory_space<semaphore_mem>>)
      %ge3A = arith.constant 2 : i32
      %ge3A_142 = arith.cmpi sge, %div3A_104, %ge3A : i32
      %convert_element_type3A_143 = arith.extui %ge3A_142 : i1 to i32
      %cond3A_144 = arith.constant 0 : i32
      %cond3A_145 = arith.cmpi ne, %convert_element_type3A_143, %cond3A_144 : i32
      scf.if %cond3A_145 {
        %get3A_171 = arith.constant 64 : index
        %get3A_172 = tpu.vector_load %arg7[%get3A_171] {strides = array<i32>} : memref<16464xi32, #tpu.memory_space<vmem>>, vector<16xi32>,
        %swap3A_173 = arith.constant 0 : index
        %swap3A_174 = tpu.vector_load %arg17[%swap3A_173] {strides = array<i32>} : memref<64xi32, #tpu.memory_space<vmem>>, vector<16xi32>,
        tpu.vector_store %arg17[%swap3A_173], %get3A_172 {strides = array<i32>} : memref<64xi32, #tpu.memory_space<vmem>>, vector<16xi32>,
        %get3A_175 = arith.constant 64 : index
        %get3A_176 = tpu.vector_load %arg8[%get3A_175] {strides = array<i32>} : memref<16464xi32, #tpu.memory_space<vmem>>, vector<16xi32>,
        %swap3A_177 = arith.constant 0 : index
        %swap3A_178 = tpu.vector_load %arg18[%swap3A_177] {strides = array<i32>} : memref<64xi32, #tpu.memory_space<vmem>>, vector<16xi32>,
        tpu.vector_store %arg18[%swap3A_177], %get3A_176 {strides = array<i32>} : memref<64xi32, #tpu.memory_space<vmem>>, vector<16xi32>,
        %get3A_179 = arith.constant 80 : index
        %get3A_180 = tpu.vector_load %arg7[%get3A_179] {strides = array<i32>} : memref<16464xi32, #tpu.memory_space<vmem>>, vector<16xi32>,
        %swap3A_181 = arith.constant 16 : index
        %swap3A_182 = tpu.vector_load %arg17[%swap3A_181] {strides = array<i32>} : memref<64xi32, #tpu.memory_space<vmem>>, vector<16xi32>,
        tpu.vector_store %arg17[%swap3A_181], %get3A_180 {strides = array<i32>} : memref<64xi32, #tpu.memory_space<vmem>>, vector<16xi32>,
        %get3A_183 = arith.constant 80 : index
        %get3A_184 = tpu.vector_load %arg8[%get3A_183] {strides = array<i32>} : memref<16464xi32, #tpu.memory_space<vmem>>, vector<16xi32>,
        %swap3A_185 = arith.constant 16 : index
        %swap3A_186 = tpu.vector_load %arg18[%swap3A_185] {strides = array<i32>} : memref<64xi32, #tpu.memory_space<vmem>>, vector<16xi32>,
        tpu.vector_store %arg18[%swap3A_185], %get3A_184 {strides = array<i32>} : memref<64xi32, #tpu.memory_space<vmem>>, vector<16xi32>,
        %get3A_187 = arith.constant 96 : index
        %get3A_188 = tpu.vector_load %arg7[%get3A_187] {strides = array<i32>} : memref<16464xi32, #tpu.memory_space<vmem>>, vector<16xi32>,
        %swap3A_189 = arith.constant 32 : index
        %swap3A_190 = tpu.vector_load %arg17[%swap3A_189] {strides = array<i32>} : memref<64xi32, #tpu.memory_space<vmem>>, vector<16xi32>,
        tpu.vector_store %arg17[%swap3A_189], %get3A_188 {strides = array<i32>} : memref<64xi32, #tpu.memory_space<vmem>>, vector<16xi32>,
        %get3A_191 = arith.constant 96 : index
        %get3A_192 = tpu.vector_load %arg8[%get3A_191] {strides = array<i32>} : memref<16464xi32, #tpu.memory_space<vmem>>, vector<16xi32>,
        %swap3A_193 = arith.constant 32 : index
        %swap3A_194 = tpu.vector_load %arg18[%swap3A_193] {strides = array<i32>} : memref<64xi32, #tpu.memory_space<vmem>>, vector<16xi32>,
        tpu.vector_store %arg18[%swap3A_193], %get3A_192 {strides = array<i32>} : memref<64xi32, #tpu.memory_space<vmem>>, vector<16xi32>,
        %get3A_195 = arith.constant 112 : index
        %get3A_196 = tpu.vector_load %arg7[%get3A_195] {strides = array<i32>} : memref<16464xi32, #tpu.memory_space<vmem>>, vector<16xi32>,
        %swap3A_197 = arith.constant 48 : index
        %swap3A_198 = tpu.vector_load %arg17[%swap3A_197] {strides = array<i32>} : memref<64xi32, #tpu.memory_space<vmem>>, vector<16xi32>,
        tpu.vector_store %arg17[%swap3A_197], %get3A_196 {strides = array<i32>} : memref<64xi32, #tpu.memory_space<vmem>>, vector<16xi32>,
        %get3A_199 = arith.constant 112 : index
        %get3A_200 = tpu.vector_load %arg8[%get3A_199] {strides = array<i32>} : memref<16464xi32, #tpu.memory_space<vmem>>, vector<16xi32>,
        %swap3A_201 = arith.constant 48 : index
        %swap3A_202 = tpu.vector_load %arg18[%swap3A_201] {strides = array<i32>} : memref<64xi32, #tpu.memory_space<vmem>>, vector<16xi32>,
        tpu.vector_store %arg18[%swap3A_201], %get3A_200 {strides = array<i32>} : memref<64xi32, #tpu.memory_space<vmem>>, vector<16xi32>,
        %dma_start3A_203 = arith.constant 0 : i32
        %dma_start3A_204 = arith.constant 0 : i32
        %dma_start3A_205 = tpu.memref_slice %arg2[%dma_start3A_203, %dma_start3A_204] : memref<100000x128xf32, #tpu.memory_space<hbm>> -> memref<100000x128xf32, #tpu.memory_space<hbm>>
        tpu.enqueue_indirect_dma source(%dma_start3A_205 : memref<100000x128xf32, #tpu.memory_space<hbm>>) target(%arg19 : memref<64x128xf32, #tpu.memory_space<vmem>>) offsets(%arg17 : memref<64xi32, #tpu.memory_space<vmem>>) semaphore(%arg21 : memref<!tpu.dma_semaphore, #tpu.memory_space<semaphore_mem>>)
        %dma_start3A_206 = arith.constant 0 : i32
        %dma_start3A_207 = arith.constant 0 : i32
        %dma_start3A_208 = tpu.memref_slice %arg4[%dma_start3A_206, %dma_start3A_207] : memref<16384x128xf32, #tpu.memory_space<hbm>> -> memref<16384x128xf32, #tpu.memory_space<hbm>>
        tpu.enqueue_indirect_dma source(%dma_start3A_208 : memref<16384x128xf32, #tpu.memory_space<hbm>>) target(%arg20 : memref<64x128xf32, #tpu.memory_space<vmem>>) offsets(%arg18 : memref<64xi32, #tpu.memory_space<vmem>>) semaphore(%arg22 : memref<!tpu.dma_semaphore, #tpu.memory_space<semaphore_mem>>)
      } else {
      }
      %while3A_146 = arith.constant 0 : i32
      %while3A_147 = arith.constant 0 : i32
      %while3A_148 = arith.subi %div3A_104, %while3A_147 : i32
      %while3A_149 = arith.addi %while3A_147, %while3A_148 : i32
      %while3A_150 = arith.constant 1 : i32
      %while3A_151 = arith.divsi %while3A_148, %while3A_150 : i32
      %while3A_152 = arith.muli %while3A_151, %while3A_150 : i32
      %while3A_153 = arith.addi %while3A_147, %while3A_152 : i32
      %while3A_154 = arith.constant 1 : i32
      scf.for %while3A_171 = %while3A_147 to %while3A_153 step %while3A_154  : i32 {
        %jit3A_172 = arith.constant 3 : i32
        %eq3A_173 = arith.constant 0 : i32
        %eq3A_174 = arith.cmpi eq, %jit3A_172, %eq3A_173 : i32
        %jit3A_175 = arith.constant 1 : i32
        %select_n3A_176 = arith.select %eq3A_174, %jit3A_175, %jit3A_172 : i32
        %rem3A = arith.remsi %while3A_171, %select_n3A_176 : i32
        %ne3A = arith.constant 0 : i32
        %ne3A_177 = arith.cmpi ne, %rem3A, %ne3A : i32
        %lt3A = arith.constant 0 : i32
        %lt3A_178 = arith.cmpi slt, %rem3A, %lt3A : i32
        %lt3A_179 = arith.constant 0 : i32
        %lt3A_180 = arith.cmpi slt, %select_n3A_176, %lt3A_179 : i32
        %ne3A_181 = arith.xori %lt3A_178, %lt3A_180 : i1
        %and3A = arith.andi %ne3A_181, %ne3A_177 : i1
        %add3A_182 = arith.addi %rem3A, %select_n3A_176 : i32
        %select_n3A_183 = arith.select %and3A, %add3A_182, %rem3A : i32
        %eq3A_184 = arith.constant 0 : i32
        %eq3A_185 = arith.cmpi eq, %select_n3A_183, %eq3A_184 : i32
        %convert_element_type3A_186 = arith.extui %eq3A_185 : i1 to i32
        %cond3A_187 = arith.constant 0 : i32
        %cond3A_188 = arith.cmpi ne, %convert_element_type3A_186, %cond3A_187 : i32
        scf.if %cond3A_188 {
          %add3A_231 = arith.constant 2 : i32
          %add3A_232 = arith.addi %while3A_171, %add3A_231 : i32
          %lt3A_233 = arith.cmpi slt, %add3A_232, %div3A_104 : i32
          %convert_element_type3A_234 = arith.extui %lt3A_233 : i1 to i32
          %cond3A_235 = arith.constant 0 : i32
          %cond3A_236 = arith.cmpi ne, %convert_element_type3A_234, %cond3A_235 : i32
          scf.if %cond3A_236 {
            %ge3A_251 = arith.constant 1 : i32
            %ge3A_252 = arith.cmpi sge, %while3A_171, %ge3A_251 : i32
            %convert_element_type3A_253 = arith.extui %ge3A_252 : i1 to i32
            %cond3A_254 = arith.constant 0 : i32
            %cond3A_255 = arith.cmpi ne, %convert_element_type3A_253, %cond3A_254 : i32
            scf.if %cond3A_255 {
              %dma_wait3A_328 = arith.constant 0 : i32
              %dma_wait3A_329 = arith.constant 0 : i32
              %dma_wait3A_330 = tpu.memref_slice %arg2[%dma_wait3A_328, %dma_wait3A_329] : memref<100000x128xf32, #tpu.memory_space<hbm>> -> memref<100000x128xf32, #tpu.memory_space<hbm>>
              tpu.wait_indirect_dma semaphore(%arg30 : memref<!tpu.dma_semaphore, #tpu.memory_space<semaphore_mem>>) src(%arg26 : memref<64x128xf32, #tpu.memory_space<vmem>>) dst(%dma_wait3A_330 : memref<100000x128xf32, #tpu.memory_space<hbm>>)
            } else {
            }
            %add3A_256 = arith.constant 2 : i32
            %add3A_257 = arith.addi %while3A_171, %add3A_256 : i32
            %mul3A_258 = arith.constant 64 : i32
            %mul3A_259 = arith.muli %add3A_257, %mul3A_258 : i32
            %add3A_260 = arith.constant 0 : i32
            %add3A_261 = arith.addi %mul3A_259, %add3A_260 : i32
            %get3A_262 = arith.index_cast %add3A_261 : i32 to index
            %get3A_263 = tpu.vector_load %arg7[%get3A_262] {strides = array<i32>} : memref<16464xi32, #tpu.memory_space<vmem>>, vector<16xi32>,
            %swap3A_264 = arith.constant 0 : index
            %swap3A_265 = tpu.vector_load %arg24[%swap3A_264] {strides = array<i32>} : memref<64xi32, #tpu.memory_space<vmem>>, vector<16xi32>,
            tpu.vector_store %arg24[%swap3A_264], %get3A_263 {strides = array<i32>} : memref<64xi32, #tpu.memory_space<vmem>>, vector<16xi32>,
            %mul3A_266 = arith.constant 64 : i32
            %mul3A_267 = arith.muli %add3A_257, %mul3A_266 : i32
            %add3A_268 = arith.constant 0 : i32
            %add3A_269 = arith.addi %mul3A_267, %add3A_268 : i32
            %get3A_270 = arith.index_cast %add3A_269 : i32 to index
            %get3A_271 = tpu.vector_load %arg8[%get3A_270] {strides = array<i32>} : memref<16464xi32, #tpu.memory_space<vmem>>, vector<16xi32>,
            %swap3A_272 = arith.constant 0 : index
            %swap3A_273 = tpu.vector_load %arg25[%swap3A_272] {strides = array<i32>} : memref<64xi32, #tpu.memory_space<vmem>>, vector<16xi32>,
            tpu.vector_store %arg25[%swap3A_272], %get3A_271 {strides = array<i32>} : memref<64xi32, #tpu.memory_space<vmem>>, vector<16xi32>,
            %mul3A_274 = arith.constant 64 : i32
            %mul3A_275 = arith.muli %add3A_257, %mul3A_274 : i32
            %add3A_276 = arith.constant 16 : i32
            %add3A_277 = arith.addi %mul3A_275, %add3A_276 : i32
            %get3A_278 = arith.index_cast %add3A_277 : i32 to index
            %get3A_279 = tpu.vector_load %arg7[%get3A_278] {strides = array<i32>} : memref<16464xi32, #tpu.memory_space<vmem>>, vector<16xi32>,
            %swap3A_280 = arith.constant 16 : index
            %swap3A_281 = tpu.vector_load %arg24[%swap3A_280] {strides = array<i32>} : memref<64xi32, #tpu.memory_space<vmem>>, vector<16xi32>,
            tpu.vector_store %arg24[%swap3A_280], %get3A_279 {strides = array<i32>} : memref<64xi32, #tpu.memory_space<vmem>>, vector<16xi32>,
            %mul3A_282 = arith.constant 64 : i32
            %mul3A_283 = arith.muli %add3A_257, %mul3A_282 : i32
            %add3A_284 = arith.constant 16 : i32
            %add3A_285 = arith.addi %mul3A_283, %add3A_284 : i32
            %get3A_286 = arith.index_cast %add3A_285 : i32 to index
            %get3A_287 = tpu.vector_load %arg8[%get3A_286] {strides = array<i32>} : memref<16464xi32, #tpu.memory_space<vmem>>, vector<16xi32>,
            %swap3A_288 = arith.constant 16 : index
            %swap3A_289 = tpu.vector_load %arg25[%swap3A_288] {strides = array<i32>} : memref<64xi32, #tpu.memory_space<vmem>>, vector<16xi32>,
            tpu.vector_store %arg25[%swap3A_288], %get3A_287 {strides = array<i32>} : memref<64xi32, #tpu.memory_space<vmem>>, vector<16xi32>,
            %mul3A_290 = arith.constant 64 : i32
            %mul3A_291 = arith.muli %add3A_257, %mul3A_290 : i32
            %add3A_292 = arith.constant 32 : i32
            %add3A_293 = arith.addi %mul3A_291, %add3A_292 : i32
            %get3A_294 = arith.index_cast %add3A_293 : i32 to index
            %get3A_295 = tpu.vector_load %arg7[%get3A_294] {strides = array<i32>} : memref<16464xi32, #tpu.memory_space<vmem>>, vector<16xi32>,
            %swap3A_296 = arith.constant 32 : index
            %swap3A_297 = tpu.vector_load %arg24[%swap3A_296] {strides = array<i32>} : memref<64xi32, #tpu.memory_space<vmem>>, vector<16xi32>,
            tpu.vector_store %arg24[%swap3A_296], %get3A_295 {strides = array<i32>} : memref<64xi32, #tpu.memory_space<vmem>>, vector<16xi32>,
            %mul3A_298 = arith.constant 64 : i32
            %mul3A_299 = arith.muli %add3A_257, %mul3A_298 : i32
            %add3A_300 = arith.constant 32 : i32
            %add3A_301 = arith.addi %mul3A_299, %add3A_300 : i32
            %get3A_302 = arith.index_cast %add3A_301 : i32 to index
            %get3A_303 = tpu.vector_load %arg8[%get3A_302] {strides = array<i32>} : memref<16464xi32, #tpu.memory_space<vmem>>, vector<16xi32>,
            %swap3A_304 = arith.constant 32 : index
            %swap3A_305 = tpu.vector_load %arg25[%swap3A_304] {strides = array<i32>} : memref<64xi32, #tpu.memory_space<vmem>>, vector<16xi32>,
            tpu.vector_store %arg25[%swap3A_304], %get3A_303 {strides = array<i32>} : memref<64xi32, #tpu.memory_space<vmem>>, vector<16xi32>,
            %mul3A_306 = arith.constant 64 : i32
            %mul3A_307 = arith.muli %add3A_257, %mul3A_306 : i32
            %add3A_308 = arith.constant 48 : i32
            %add3A_309 = arith.addi %mul3A_307, %add3A_308 : i32
            %get3A_310 = arith.index_cast %add3A_309 : i32 to index
            %get3A_311 = tpu.vector_load %arg7[%get3A_310] {strides = array<i32>} : memref<16464xi32, #tpu.memory_space<vmem>>, vector<16xi32>,
            %swap3A_312 = arith.constant 48 : index
            %swap3A_313 = tpu.vector_load %arg24[%swap3A_312] {strides = array<i32>} : memref<64xi32, #tpu.memory_space<vmem>>, vector<16xi32>,
            tpu.vector_store %arg24[%swap3A_312], %get3A_311 {strides = array<i32>} : memref<64xi32, #tpu.memory_space<vmem>>, vector<16xi32>,
            %mul3A_314 = arith.constant 64 : i32
            %mul3A_315 = arith.muli %add3A_257, %mul3A_314 : i32
            %add3A_316 = arith.constant 48 : i32
            %add3A_317 = arith.addi %mul3A_315, %add3A_316 : i32
            %get3A_318 = arith.index_cast %add3A_317 : i32 to index
            %get3A_319 = tpu.vector_load %arg8[%get3A_318] {strides = array<i32>} : memref<16464xi32, #tpu.memory_space<vmem>>, vector<16xi32>,
            %swap3A_320 = arith.constant 48 : index
            %swap3A_321 = tpu.vector_load %arg25[%swap3A_320] {strides = array<i32>} : memref<64xi32, #tpu.memory_space<vmem>>, vector<16xi32>,
            tpu.vector_store %arg25[%swap3A_320], %get3A_319 {strides = array<i32>} : memref<64xi32, #tpu.memory_space<vmem>>, vector<16xi32>,
            %dma_start3A_322 = arith.constant 0 : i32
            %dma_start3A_323 = arith.constant 0 : i32
            %dma_start3A_324 = tpu.memref_slice %arg2[%dma_start3A_322, %dma_start3A_323] : memref<100000x128xf32, #tpu.memory_space<hbm>> -> memref<100000x128xf32, #tpu.memory_space<hbm>>
            tpu.enqueue_indirect_dma source(%dma_start3A_324 : memref<100000x128xf32, #tpu.memory_space<hbm>>) target(%arg26 : memref<64x128xf32, #tpu.memory_space<vmem>>) offsets(%arg24 : memref<64xi32, #tpu.memory_space<vmem>>) semaphore(%arg28 : memref<!tpu.dma_semaphore, #tpu.memory_space<semaphore_mem>>)
            %dma_start3A_325 = arith.constant 0 : i32
            %dma_start3A_326 = arith.constant 0 : i32
            %dma_start3A_327 = tpu.memref_slice %arg4[%dma_start3A_325, %dma_start3A_326] : memref<16384x128xf32, #tpu.memory_space<hbm>> -> memref<16384x128xf32, #tpu.memory_space<hbm>>
            tpu.enqueue_indirect_dma source(%dma_start3A_327 : memref<16384x128xf32, #tpu.memory_space<hbm>>) target(%arg27 : memref<64x128xf32, #tpu.memory_space<vmem>>) offsets(%arg25 : memref<64xi32, #tpu.memory_space<vmem>>) semaphore(%arg29 : memref<!tpu.dma_semaphore, #tpu.memory_space<semaphore_mem>>)
          } else {
          }
          %dma_wait3A = arith.constant 0 : i32
          %dma_wait3A_237 = arith.constant 0 : i32
          %dma_wait3A_238 = tpu.memref_slice %arg2[%dma_wait3A, %dma_wait3A_237] : memref<100000x128xf32, #tpu.memory_space<hbm>> -> memref<100000x128xf32, #tpu.memory_space<hbm>>
          tpu.wait_indirect_dma semaphore(%arg14 : memref<!tpu.dma_semaphore, #tpu.memory_space<semaphore_mem>>) src(%dma_wait3A_238 : memref<100000x128xf32, #tpu.memory_space<hbm>>) dst(%arg12 : memref<64x128xf32, #tpu.memory_space<vmem>>)
          %dma_wait3A_239 = arith.constant 0 : i32
          %dma_wait3A_240 = arith.constant 0 : i32
          %dma_wait3A_241 = tpu.memref_slice %arg4[%dma_wait3A_239, %dma_wait3A_240] : memref<16384x128xf32, #tpu.memory_space<hbm>> -> memref<16384x128xf32, #tpu.memory_space<hbm>>
          tpu.wait_indirect_dma semaphore(%arg15 : memref<!tpu.dma_semaphore, #tpu.memory_space<semaphore_mem>>) src(%dma_wait3A_241 : memref<16384x128xf32, #tpu.memory_space<hbm>>) dst(%arg13 : memref<64x128xf32, #tpu.memory_space<vmem>>)
          %scan3A_242 = arith.constant 0 : i32
          %scan3A_243 = arith.constant 0 : i32
          %scan3A_244 = arith.constant 16 : i32
          %scan3A_245 = arith.addi %scan3A_243, %scan3A_244 : i32
          %scan3A_246 = arith.constant 1 : i32
          scf.for %scan3A_251 = %scan3A_243 to %scan3A_245 step %scan3A_246  : i32 {
            %mul3A_252 = arith.constant 4 : i32
            %mul3A_253 = arith.muli %scan3A_251, %mul3A_252 : i32
            %add3A_254 = arith.constant 0 : i32
            %add3A_255 = arith.addi %mul3A_253, %add3A_254 : i32
            %get3A_256 = arith.index_cast %add3A_255 : i32 to index
            %get3A_257 = arith.constant 0 : index
            %get3A_258 = tpu.vector_load %arg12[%get3A_256, %get3A_257] {strides = array<i32>} : memref<64x128xf32, #tpu.memory_space<vmem>>, vector<16xf32>,
            %mul3A_259 = arith.constant 2.000000e-01 : f32
            %mul3A_260 = vector.broadcast %mul3A_259 : f32 to vector<16xf32>
            %mul3A_261 = arith.mulf %mul3A_260, %get3A_258 : vector<16xf32>
            %get3A_262 = arith.index_cast %add3A_255 : i32 to index
            %get3A_263 = arith.constant 0 : index
            %get3A_264 = tpu.vector_load %arg13[%get3A_262, %get3A_263] {strides = array<i32>} : memref<64x128xf32, #tpu.memory_space<vmem>>, vector<16xf32>,
            %mul3A_265 = arith.constant 8.000000e-01 : f32
            %mul3A_266 = vector.broadcast %mul3A_265 : f32 to vector<16xf32>
            %mul3A_267 = arith.mulf %mul3A_266, %get3A_264 : vector<16xf32>
            %add3A_268 = arith.addf %mul3A_261, %mul3A_267 : vector<16xf32>
            %swap3A_269 = arith.index_cast %add3A_255 : i32 to index
            %swap3A_270 = arith.constant 0 : index
            %swap3A_271 = tpu.vector_load %arg12[%swap3A_269, %swap3A_270] {strides = array<i32>} : memref<64x128xf32, #tpu.memory_space<vmem>>, vector<16xf32>,
            tpu.vector_store %arg12[%swap3A_269, %swap3A_270], %add3A_268 {strides = array<i32>} : memref<64x128xf32, #tpu.memory_space<vmem>>, vector<16xf32>,
            %get3A_272 = arith.index_cast %add3A_255 : i32 to index
            %get3A_273 = arith.constant 16 : index
            %get3A_274 = tpu.vector_load %arg12[%get3A_272, %get3A_273] {strides = array<i32>} : memref<64x128xf32, #tpu.memory_space<vmem>>, vector<16xf32>,
            %mul3A_275 = arith.constant 2.000000e-01 : f32
            %mul3A_276 = vector.broadcast %mul3A_275 : f32 to vector<16xf32>
            %mul3A_277 = arith.mulf %mul3A_276, %get3A_274 : vector<16xf32>
            %get3A_278 = arith.index_cast %add3A_255 : i32 to index
            %get3A_279 = arith.constant 16 : index
            %get3A_280 = tpu.vector_load %arg13[%get3A_278, %get3A_279] {strides = array<i32>} : memref<64x128xf32, #tpu.memory_space<vmem>>, vector<16xf32>,
            %mul3A_281 = arith.constant 8.000000e-01 : f32
            %mul3A_282 = vector.broadcast %mul3A_281 : f32 to vector<16xf32>
            %mul3A_283 = arith.mulf %mul3A_282, %get3A_280 : vector<16xf32>
            %add3A_284 = arith.addf %mul3A_277, %mul3A_283 : vector<16xf32>
            %swap3A_285 = arith.index_cast %add3A_255 : i32 to index
            %swap3A_286 = arith.constant 16 : index
            %swap3A_287 = tpu.vector_load %arg12[%swap3A_285, %swap3A_286] {strides = array<i32>} : memref<64x128xf32, #tpu.memory_space<vmem>>, vector<16xf32>,
            tpu.vector_store %arg12[%swap3A_285, %swap3A_286], %add3A_284 {strides = array<i32>} : memref<64x128xf32, #tpu.memory_space<vmem>>, vector<16xf32>,
            %get3A_288 = arith.index_cast %add3A_255 : i32 to index
            %get3A_289 = arith.constant 32 : index
            %get3A_290 = tpu.vector_load %arg12[%get3A_288, %get3A_289] {strides = array<i32>} : memref<64x128xf32, #tpu.memory_space<vmem>>, vector<16xf32>,
            %mul3A_291 = arith.constant 2.000000e-01 : f32
            %mul3A_292 = vector.broadcast %mul3A_291 : f32 to vector<16xf32>
            %mul3A_293 = arith.mulf %mul3A_292, %get3A_290 : vector<16xf32>
            %get3A_294 = arith.index_cast %add3A_255 : i32 to index
            %get3A_295 = arith.constant 32 : index
            %get3A_296 = tpu.vector_load %arg13[%get3A_294, %get3A_295] {strides = array<i32>} : memref<64x128xf32, #tpu.memory_space<vmem>>, vector<16xf32>,
            %mul3A_297 = arith.constant 8.000000e-01 : f32
            %mul3A_298 = vector.broadcast %mul3A_297 : f32 to vector<16xf32>
            %mul3A_299 = arith.mulf %mul3A_298, %get3A_296 : vector<16xf32>
            %add3A_300 = arith.addf %mul3A_293, %mul3A_299 : vector<16xf32>
            %swap3A_301 = arith.index_cast %add3A_255 : i32 to index
            %swap3A_302 = arith.constant 32 : index
            %swap3A_303 = tpu.vector_load %arg12[%swap3A_301, %swap3A_302] {strides = array<i32>} : memref<64x128xf32, #tpu.memory_space<vmem>>, vector<16xf32>,
            tpu.vector_store %arg12[%swap3A_301, %swap3A_302], %add3A_300 {strides = array<i32>} : memref<64x128xf32, #tpu.memory_space<vmem>>, vector<16xf32>,
            %get3A_304 = arith.index_cast %add3A_255 : i32 to index
            %get3A_305 = arith.constant 48 : index
            %get3A_306 = tpu.vector_load %arg12[%get3A_304, %get3A_305] {strides = array<i32>} : memref<64x128xf32, #tpu.memory_space<vmem>>, vector<16xf32>,
            %mul3A_307 = arith.constant 2.000000e-01 : f32
            %mul3A_308 = vector.broadcast %mul3A_307 : f32 to vector<16xf32>
            %mul3A_309 = arith.mulf %mul3A_308, %get3A_306 : vector<16xf32>
            %get3A_310 = arith.index_cast %add3A_255 : i32 to index
            %get3A_311 = arith.constant 48 : index
            %get3A_312 = tpu.vector_load %arg13[%get3A_310, %get3A_311] {strides = array<i32>} : memref<64x128xf32, #tpu.memory_space<vmem>>, vector<16xf32>,
            %mul3A_313 = arith.constant 8.000000e-01 : f32
            %mul3A_314 = vector.broadcast %mul3A_313 : f32 to vector<16xf32>
            %mul3A_315 = arith.mulf %mul3A_314, %get3A_312 : vector<16xf32>
            %add3A_316 = arith.addf %mul3A_309, %mul3A_315 : vector<16xf32>
            %swap3A_317 = arith.index_cast %add3A_255 : i32 to index
            %swap3A_318 = arith.constant 48 : index
            %swap3A_319 = tpu.vector_load %arg12[%swap3A_317, %swap3A_318] {strides = array<i32>} : memref<64x128xf32, #tpu.memory_space<vmem>>, vector<16xf32>,
            tpu.vector_store %arg12[%swap3A_317, %swap3A_318], %add3A_316 {strides = array<i32>} : memref<64x128xf32, #tpu.memory_space<vmem>>, vector<16xf32>,
            %get3A_320 = arith.index_cast %add3A_255 : i32 to index
            %get3A_321 = arith.constant 64 : index
            %get3A_322 = tpu.vector_load %arg12[%get3A_320, %get3A_321] {strides = array<i32>} : memref<64x128xf32, #tpu.memory_space<vmem>>, vector<16xf32>,
            %mul3A_323 = arith.constant 2.000000e-01 : f32
            %mul3A_324 = vector.broadcast %mul3A_323 : f32 to vector<16xf32>
            %mul3A_325 = arith.mulf %mul3A_324, %get3A_322 : vector<16xf32>
            %get3A_326 = arith.index_cast %add3A_255 : i32 to index
            %get3A_327 = arith.constant 64 : index
            %get3A_328 = tpu.vector_load %arg13[%get3A_326, %get3A_327] {strides = array<i32>} : memref<64x128xf32, #tpu.memory_space<vmem>>, vector<16xf32>,
            %mul3A_329 = arith.constant 8.000000e-01 : f32
            %mul3A_330 = vector.broadcast %mul3A_329 : f32 to vector<16xf32>
            %mul3A_331 = arith.mulf %mul3A_330, %get3A_328 : vector<16xf32>
            %add3A_332 = arith.addf %mul3A_325, %mul3A_331 : vector<16xf32>
            %swap3A_333 = arith.index_cast %add3A_255 : i32 to index
            %swap3A_334 = arith.constant 64 : index
            %swap3A_335 = tpu.vector_load %arg12[%swap3A_333, %swap3A_334] {strides = array<i32>} : memref<64x128xf32, #tpu.memory_space<vmem>>, vector<16xf32>,
            tpu.vector_store %arg12[%swap3A_333, %swap3A_334], %add3A_332 {strides = array<i32>} : memref<64x128xf32, #tpu.memory_space<vmem>>, vector<16xf32>,
            %get3A_336 = arith.index_cast %add3A_255 : i32 to index
            %get3A_337 = arith.constant 80 : index
            %get3A_338 = tpu.vector_load %arg12[%get3A_336, %get3A_337] {strides = array<i32>} : memref<64x128xf32, #tpu.memory_space<vmem>>, vector<16xf32>,
            %mul3A_339 = arith.constant 2.000000e-01 : f32
            %mul3A_340 = vector.broadcast %mul3A_339 : f32 to vector<16xf32>
            %mul3A_341 = arith.mulf %mul3A_340, %get3A_338 : vector<16xf32>
            %get3A_342 = arith.index_cast %add3A_255 : i32 to index
            %get3A_343 = arith.constant 80 : index
            %get3A_344 = tpu.vector_load %arg13[%get3A_342, %get3A_343] {strides = array<i32>} : memref<64x128xf32, #tpu.memory_space<vmem>>, vector<16xf32>,
            %mul3A_345 = arith.constant 8.000000e-01 : f32
            %mul3A_346 = vector.broadcast %mul3A_345 : f32 to vector<16xf32>
            %mul3A_347 = arith.mulf %mul3A_346, %get3A_344 : vector<16xf32>
            %add3A_348 = arith.addf %mul3A_341, %mul3A_347 : vector<16xf32>
            %swap3A_349 = arith.index_cast %add3A_255 : i32 to index
            %swap3A_350 = arith.constant 80 : index
            %swap3A_351 = tpu.vector_load %arg12[%swap3A_349, %swap3A_350] {strides = array<i32>} : memref<64x128xf32, #tpu.memory_space<vmem>>, vector<16xf32>,
            tpu.vector_store %arg12[%swap3A_349, %swap3A_350], %add3A_348 {strides = array<i32>} : memref<64x128xf32, #tpu.memory_space<vmem>>, vector<16xf32>,
            %get3A_352 = arith.index_cast %add3A_255 : i32 to index
            %get3A_353 = arith.constant 96 : index
            %get3A_354 = tpu.vector_load %arg12[%get3A_352, %get3A_353] {strides = array<i32>} : memref<64x128xf32, #tpu.memory_space<vmem>>, vector<16xf32>,
            %mul3A_355 = arith.constant 2.000000e-01 : f32
            %mul3A_356 = vector.broadcast %mul3A_355 : f32 to vector<16xf32>
            %mul3A_357 = arith.mulf %mul3A_356, %get3A_354 : vector<16xf32>
            %get3A_358 = arith.index_cast %add3A_255 : i32 to index
            %get3A_359 = arith.constant 96 : index
            %get3A_360 = tpu.vector_load %arg13[%get3A_358, %get3A_359] {strides = array<i32>} : memref<64x128xf32, #tpu.memory_space<vmem>>, vector<16xf32>,
            %mul3A_361 = arith.constant 8.000000e-01 : f32
            %mul3A_362 = vector.broadcast %mul3A_361 : f32 to vector<16xf32>
            %mul3A_363 = arith.mulf %mul3A_362, %get3A_360 : vector<16xf32>
            %add3A_364 = arith.addf %mul3A_357, %mul3A_363 : vector<16xf32>
            %swap3A_365 = arith.index_cast %add3A_255 : i32 to index
            %swap3A_366 = arith.constant 96 : index
            %swap3A_367 = tpu.vector_load %arg12[%swap3A_365, %swap3A_366] {strides = array<i32>} : memref<64x128xf32, #tpu.memory_space<vmem>>, vector<16xf32>,
            tpu.vector_store %arg12[%swap3A_365, %swap3A_366], %add3A_364 {strides = array<i32>} : memref<64x128xf32, #tpu.memory_space<vmem>>, vector<16xf32>,
            %get3A_368 = arith.index_cast %add3A_255 : i32 to index
            %get3A_369 = arith.constant 112 : index
            %get3A_370 = tpu.vector_load %arg12[%get3A_368, %get3A_369] {strides = array<i32>} : memref<64x128xf32, #tpu.memory_space<vmem>>, vector<16xf32>,
            %mul3A_371 = arith.constant 2.000000e-01 : f32
            %mul3A_372 = vector.broadcast %mul3A_371 : f32 to vector<16xf32>
            %mul3A_373 = arith.mulf %mul3A_372, %get3A_370 : vector<16xf32>
            %get3A_374 = arith.index_cast %add3A_255 : i32 to index
            %get3A_375 = arith.constant 112 : index
            %get3A_376 = tpu.vector_load %arg13[%get3A_374, %get3A_375] {strides = array<i32>} : memref<64x128xf32, #tpu.memory_space<vmem>>, vector<16xf32>,
            %mul3A_377 = arith.constant 8.000000e-01 : f32
            %mul3A_378 = vector.broadcast %mul3A_377 : f32 to vector<16xf32>
            %mul3A_379 = arith.mulf %mul3A_378, %get3A_376 : vector<16xf32>
            %add3A_380 = arith.addf %mul3A_373, %mul3A_379 : vector<16xf32>
            %swap3A_381 = arith.index_cast %add3A_255 : i32 to index
            %swap3A_382 = arith.constant 112 : index
            %swap3A_383 = tpu.vector_load %arg12[%swap3A_381, %swap3A_382] {strides = array<i32>} : memref<64x128xf32, #tpu.memory_space<vmem>>, vector<16xf32>,
            tpu.vector_store %arg12[%swap3A_381, %swap3A_382], %add3A_380 {strides = array<i32>} : memref<64x128xf32, #tpu.memory_space<vmem>>, vector<16xf32>,
            %mul3A_384 = arith.constant 4 : i32
            %mul3A_385 = arith.muli %scan3A_251, %mul3A_384 : i32
            %add3A_386 = arith.constant 1 : i32
            %add3A_387 = arith.addi %mul3A_385, %add3A_386 : i32
            %get3A_388 = arith.index_cast %add3A_387 : i32 to index
            %get3A_389 = arith.constant 0 : index
            %get3A_390 = tpu.vector_load %arg12[%get3A_388, %get3A_389] {strides = array<i32>} : memref<64x128xf32, #tpu.memory_space<vmem>>, vector<16xf32>,
            %mul3A_391 = arith.constant 2.000000e-01 : f32
            %mul3A_392 = vector.broadcast %mul3A_391 : f32 to vector<16xf32>
            %mul3A_393 = arith.mulf %mul3A_392, %get3A_390 : vector<16xf32>
            %get3A_394 = arith.index_cast %add3A_387 : i32 to index
            %get3A_395 = arith.constant 0 : index
            %get3A_396 = tpu.vector_load %arg13[%get3A_394, %get3A_395] {strides = array<i32>} : memref<64x128xf32, #tpu.memory_space<vmem>>, vector<16xf32>,
            %mul3A_397 = arith.constant 8.000000e-01 : f32
            %mul3A_398 = vector.broadcast %mul3A_397 : f32 to vector<16xf32>
            %mul3A_399 = arith.mulf %mul3A_398, %get3A_396 : vector<16xf32>
            %add3A_400 = arith.addf %mul3A_393, %mul3A_399 : vector<16xf32>
            %swap3A_401 = arith.index_cast %add3A_387 : i32 to index
            %swap3A_402 = arith.constant 0 : index
            %swap3A_403 = tpu.vector_load %arg12[%swap3A_401, %swap3A_402] {strides = array<i32>} : memref<64x128xf32, #tpu.memory_space<vmem>>, vector<16xf32>,
            tpu.vector_store %arg12[%swap3A_401, %swap3A_402], %add3A_400 {strides = array<i32>} : memref<64x128xf32, #tpu.memory_space<vmem>>, vector<16xf32>,
            %get3A_404 = arith.index_cast %add3A_387 : i32 to index
            %get3A_405 = arith.constant 16 : index
            %get3A_406 = tpu.vector_load %arg12[%get3A_404, %get3A_405] {strides = array<i32>} : memref<64x128xf32, #tpu.memory_space<vmem>>, vector<16xf32>,
            %mul3A_407 = arith.constant 2.000000e-01 : f32
            %mul3A_408 = vector.broadcast %mul3A_407 : f32 to vector<16xf32>
            %mul3A_409 = arith.mulf %mul3A_408, %get3A_406 : vector<16xf32>
            %get3A_410 = arith.index_cast %add3A_387 : i32 to index
            %get3A_411 = arith.constant 16 : index
            %get3A_412 = tpu.vector_load %arg13[%get3A_410, %get3A_411] {strides = array<i32>} : memref<64x128xf32, #tpu.memory_space<vmem>>, vector<16xf32>,
            %mul3A_413 = arith.constant 8.000000e-01 : f32
            %mul3A_414 = vector.broadcast %mul3A_413 : f32 to vector<16xf32>
            %mul3A_415 = arith.mulf %mul3A_414, %get3A_412 : vector<16xf32>
            %add3A_416 = arith.addf %mul3A_409, %mul3A_415 : vector<16xf32>
            %swap3A_417 = arith.index_cast %add3A_387 : i32 to index
            %swap3A_418 = arith.constant 16 : index
            %swap3A_419 = tpu.vector_load %arg12[%swap3A_417, %swap3A_418] {strides = array<i32>} : memref<64x128xf32, #tpu.memory_space<vmem>>, vector<16xf32>,
            tpu.vector_store %arg12[%swap3A_417, %swap3A_418], %add3A_416 {strides = array<i32>} : memref<64x128xf32, #tpu.memory_space<vmem>>, vector<16xf32>,
            %get3A_420 = arith.index_cast %add3A_387 : i32 to index
            %get3A_421 = arith.constant 32 : index
            %get3A_422 = tpu.vector_load %arg12[%get3A_420, %get3A_421] {strides = array<i32>} : memref<64x128xf32, #tpu.memory_space<vmem>>, vector<16xf32>,
            %mul3A_423 = arith.constant 2.000000e-01 : f32
            %mul3A_424 = vector.broadcast %mul3A_423 : f32 to vector<16xf32>
            %mul3A_425 = arith.mulf %mul3A_424, %get3A_422 : vector<16xf32>
            %get3A_426 = arith.index_cast %add3A_387 : i32 to index
            %get3A_427 = arith.constant 32 : index
            %get3A_428 = tpu.vector_load %arg13[%get3A_426, %get3A_427] {strides = array<i32>} : memref<64x128xf32, #tpu.memory_space<vmem>>, vector<16xf32>,
            %mul3A_429 = arith.constant 8.000000e-01 : f32
            %mul3A_430 = vector.broadcast %mul3A_429 : f32 to vector<16xf32>
            %mul3A_431 = arith.mulf %mul3A_430, %get3A_428 : vector<16xf32>
            %add3A_432 = arith.addf %mul3A_425, %mul3A_431 : vector<16xf32>
            %swap3A_433 = arith.index_cast %add3A_387 : i32 to index
            %swap3A_434 = arith.constant 32 : index
            %swap3A_435 = tpu.vector_load %arg12[%swap3A_433, %swap3A_434] {strides = array<i32>} : memref<64x128xf32, #tpu.memory_space<vmem>>, vector<16xf32>,
            tpu.vector_store %arg12[%swap3A_433, %swap3A_434], %add3A_432 {strides = array<i32>} : memref<64x128xf32, #tpu.memory_space<vmem>>, vector<16xf32>,
            %get3A_436 = arith.index_cast %add3A_387 : i32 to index
            %get3A_437 = arith.constant 48 : index
            %get3A_438 = tpu.vector_load %arg12[%get3A_436, %get3A_437] {strides = array<i32>} : memref<64x128xf32, #tpu.memory_space<vmem>>, vector<16xf32>,
            %mul3A_439 = arith.constant 2.000000e-01 : f32
            %mul3A_440 = vector.broadcast %mul3A_439 : f32 to vector<16xf32>
            %mul3A_441 = arith.mulf %mul3A_440, %get3A_438 : vector<16xf32>
            %get3A_442 = arith.index_cast %add3A_387 : i32 to index
            %get3A_443 = arith.constant 48 : index
            %get3A_444 = tpu.vector_load %arg13[%get3A_442, %get3A_443] {strides = array<i32>} : memref<64x128xf32, #tpu.memory_space<vmem>>, vector<16xf32>,
            %mul3A_445 = arith.constant 8.000000e-01 : f32
            %mul3A_446 = vector.broadcast %mul3A_445 : f32 to vector<16xf32>
            %mul3A_447 = arith.mulf %mul3A_446, %get3A_444 : vector<16xf32>
            %add3A_448 = arith.addf %mul3A_441, %mul3A_447 : vector<16xf32>
            %swap3A_449 = arith.index_cast %add3A_387 : i32 to index
            %swap3A_450 = arith.constant 48 : index
            %swap3A_451 = tpu.vector_load %arg12[%swap3A_449, %swap3A_450] {strides = array<i32>} : memref<64x128xf32, #tpu.memory_space<vmem>>, vector<16xf32>,
            tpu.vector_store %arg12[%swap3A_449, %swap3A_450], %add3A_448 {strides = array<i32>} : memref<64x128xf32, #tpu.memory_space<vmem>>, vector<16xf32>,
            %get3A_452 = arith.index_cast %add3A_387 : i32 to index
            %get3A_453 = arith.constant 64 : index
            %get3A_454 = tpu.vector_load %arg12[%get3A_452, %get3A_453] {strides = array<i32>} : memref<64x128xf32, #tpu.memory_space<vmem>>, vector<16xf32>,
            %mul3A_455 = arith.constant 2.000000e-01 : f32
            %mul3A_456 = vector.broadcast %mul3A_455 : f32 to vector<16xf32>
            %mul3A_457 = arith.mulf %mul3A_456, %get3A_454 : vector<16xf32>
            %get3A_458 = arith.index_cast %add3A_387 : i32 to index
            %get3A_459 = arith.constant 64 : index
            %get3A_460 = tpu.vector_load %arg13[%get3A_458, %get3A_459] {strides = array<i32>} : memref<64x128xf32, #tpu.memory_space<vmem>>, vector<16xf32>,
            %mul3A_461 = arith.constant 8.000000e-01 : f32
            %mul3A_462 = vector.broadcast %mul3A_461 : f32 to vector<16xf32>
            %mul3A_463 = arith.mulf %mul3A_462, %get3A_460 : vector<16xf32>
            %add3A_464 = arith.addf %mul3A_457, %mul3A_463 : vector<16xf32>
            %swap3A_465 = arith.index_cast %add3A_387 : i32 to index
            %swap3A_466 = arith.constant 64 : index
            %swap3A_467 = tpu.vector_load %arg12[%swap3A_465, %swap3A_466] {strides = array<i32>} : memref<64x128xf32, #tpu.memory_space<vmem>>, vector<16xf32>,
            tpu.vector_store %arg12[%swap3A_465, %swap3A_466], %add3A_464 {strides = array<i32>} : memref<64x128xf32, #tpu.memory_space<vmem>>, vector<16xf32>,
            %get3A_468 = arith.index_cast %add3A_387 : i32 to index
            %get3A_469 = arith.constant 80 : index
            %get3A_470 = tpu.vector_load %arg12[%get3A_468, %get3A_469] {strides = array<i32>} : memref<64x128xf32, #tpu.memory_space<vmem>>, vector<16xf32>,
            %mul3A_471 = arith.constant 2.000000e-01 : f32
            %mul3A_472 = vector.broadcast %mul3A_471 : f32 to vector<16xf32>
            %mul3A_473 = arith.mulf %mul3A_472, %get3A_470 : vector<16xf32>
            %get3A_474 = arith.index_cast %add3A_387 : i32 to index
            %get3A_475 = arith.constant 80 : index
            %get3A_476 = tpu.vector_load %arg13[%get3A_474, %get3A_475] {strides = array<i32>} : memref<64x128xf32, #tpu.memory_space<vmem>>, vector<16xf32>,
            %mul3A_477 = arith.constant 8.000000e-01 : f32
            %mul3A_478 = vector.broadcast %mul3A_477 : f32 to vector<16xf32>
            %mul3A_479 = arith.mulf %mul3A_478, %get3A_476 : vector<16xf32>
            %add3A_480 = arith.addf %mul3A_473, %mul3A_479 : vector<16xf32>
            %swap3A_481 = arith.index_cast %add3A_387 : i32 to index
            %swap3A_482 = arith.constant 80 : index
            %swap3A_483 = tpu.vector_load %arg12[%swap3A_481, %swap3A_482] {strides = array<i32>} : memref<64x128xf32, #tpu.memory_space<vmem>>, vector<16xf32>,
            tpu.vector_store %arg12[%swap3A_481, %swap3A_482], %add3A_480 {strides = array<i32>} : memref<64x128xf32, #tpu.memory_space<vmem>>, vector<16xf32>,
            %get3A_484 = arith.index_cast %add3A_387 : i32 to index
            %get3A_485 = arith.constant 96 : index
            %get3A_486 = tpu.vector_load %arg12[%get3A_484, %get3A_485] {strides = array<i32>} : memref<64x128xf32, #tpu.memory_space<vmem>>, vector<16xf32>,
            %mul3A_487 = arith.constant 2.000000e-01 : f32
            %mul3A_488 = vector.broadcast %mul3A_487 : f32 to vector<16xf32>
            %mul3A_489 = arith.mulf %mul3A_488, %get3A_486 : vector<16xf32>
            %get3A_490 = arith.index_cast %add3A_387 : i32 to index
            %get3A_491 = arith.constant 96 : index
            %get3A_492 = tpu.vector_load %arg13[%get3A_490, %get3A_491] {strides = array<i32>} : memref<64x128xf32, #tpu.memory_space<vmem>>, vector<16xf32>,
            %mul3A_493 = arith.constant 8.000000e-01 : f32
            %mul3A_494 = vector.broadcast %mul3A_493 : f32 to vector<16xf32>
            %mul3A_495 = arith.mulf %mul3A_494, %get3A_492 : vector<16xf32>
            %add3A_496 = arith.addf %mul3A_489, %mul3A_495 : vector<16xf32>
            %swap3A_497 = arith.index_cast %add3A_387 : i32 to index
            %swap3A_498 = arith.constant 96 : index
            %swap3A_499 = tpu.vector_load %arg12[%swap3A_497, %swap3A_498] {strides = array<i32>} : memref<64x128xf32, #tpu.memory_space<vmem>>, vector<16xf32>,
            tpu.vector_store %arg12[%swap3A_497, %swap3A_498], %add3A_496 {strides = array<i32>} : memref<64x128xf32, #tpu.memory_space<vmem>>, vector<16xf32>,
            %get3A_500 = arith.index_cast %add3A_387 : i32 to index
            %get3A_501 = arith.constant 112 : index
            %get3A_502 = tpu.vector_load %arg12[%get3A_500, %get3A_501] {strides = array<i32>} : memref<64x128xf32, #tpu.memory_space<vmem>>, vector<16xf32>,
            %mul3A_503 = arith.constant 2.000000e-01 : f32
            %mul3A_504 = vector.broadcast %mul3A_503 : f32 to vector<16xf32>
            %mul3A_505 = arith.mulf %mul3A_504, %get3A_502 : vector<16xf32>
            %get3A_506 = arith.index_cast %add3A_387 : i32 to index
            %get3A_507 = arith.constant 112 : index
            %get3A_508 = tpu.vector_load %arg13[%get3A_506, %get3A_507] {strides = array<i32>} : memref<64x128xf32, #tpu.memory_space<vmem>>, vector<16xf32>,
            %mul3A_509 = arith.constant 8.000000e-01 : f32
            %mul3A_510 = vector.broadcast %mul3A_509 : f32 to vector<16xf32>
            %mul3A_511 = arith.mulf %mul3A_510, %get3A_508 : vector<16xf32>
            %add3A_512 = arith.addf %mul3A_505, %mul3A_511 : vector<16xf32>
            %swap3A_513 = arith.index_cast %add3A_387 : i32 to index
            %swap3A_514 = arith.constant 112 : index
            %swap3A_515 = tpu.vector_load %arg12[%swap3A_513, %swap3A_514] {strides = array<i32>} : memref<64x128xf32, #tpu.memory_space<vmem>>, vector<16xf32>,
            tpu.vector_store %arg12[%swap3A_513, %swap3A_514], %add3A_512 {strides = array<i32>} : memref<64x128xf32, #tpu.memory_space<vmem>>, vector<16xf32>,
            %mul3A_516 = arith.constant 4 : i32
            %mul3A_517 = arith.muli %scan3A_251, %mul3A_516 : i32
            %add3A_518 = arith.constant 2 : i32
            %add3A_519 = arith.addi %mul3A_517, %add3A_518 : i32
            %get3A_520 = arith.index_cast %add3A_519 : i32 to index
            %get3A_521 = arith.constant 0 : index
            %get3A_522 = tpu.vector_load %arg12[%get3A_520, %get3A_521] {strides = array<i32>} : memref<64x128xf32, #tpu.memory_space<vmem>>, vector<16xf32>,
            %mul3A_523 = arith.constant 2.000000e-01 : f32
            %mul3A_524 = vector.broadcast %mul3A_523 : f32 to vector<16xf32>
            %mul3A_525 = arith.mulf %mul3A_524, %get3A_522 : vector<16xf32>
            %get3A_526 = arith.index_cast %add3A_519 : i32 to index
            %get3A_527 = arith.constant 0 : index
            %get3A_528 = tpu.vector_load %arg13[%get3A_526, %get3A_527] {strides = array<i32>} : memref<64x128xf32, #tpu.memory_space<vmem>>, vector<16xf32>,
            %mul3A_529 = arith.constant 8.000000e-01 : f32
            %mul3A_530 = vector.broadcast %mul3A_529 : f32 to vector<16xf32>
            %mul3A_531 = arith.mulf %mul3A_530, %get3A_528 : vector<16xf32>
            %add3A_532 = arith.addf %mul3A_525, %mul3A_531 : vector<16xf32>
            %swap3A_533 = arith.index_cast %add3A_519 : i32 to index
            %swap3A_534 = arith.constant 0 : index
            %swap3A_535 = tpu.vector_load %arg12[%swap3A_533, %swap3A_534] {strides = array<i32>} : memref<64x128xf32, #tpu.memory_space<vmem>>, vector<16xf32>,
            tpu.vector_store %arg12[%swap3A_533, %swap3A_534], %add3A_532 {strides = array<i32>} : memref<64x128xf32, #tpu.memory_space<vmem>>, vector<16xf32>,
            %get3A_536 = arith.index_cast %add3A_519 : i32 to index
            %get3A_537 = arith.constant 16 : index
            %get3A_538 = tpu.vector_load %arg12[%get3A_536, %get3A_537] {strides = array<i32>} : memref<64x128xf32, #tpu.memory_space<vmem>>, vector<16xf32>,
            %mul3A_539 = arith.constant 2.000000e-01 : f32
            %mul3A_540 = vector.broadcast %mul3A_539 : f32 to vector<16xf32>
            %mul3A_541 = arith.mulf %mul3A_540, %get3A_538 : vector<16xf32>
            %get3A_542 = arith.index_cast %add3A_519 : i32 to index
            %get3A_543 = arith.constant 16 : index
            %get3A_544 = tpu.vector_load %arg13[%get3A_542, %get3A_543] {strides = array<i32>} : memref<64x128xf32, #tpu.memory_space<vmem>>, vector<16xf32>,
            %mul3A_545 = arith.constant 8.000000e-01 : f32
            %mul3A_546 = vector.broadcast %mul3A_545 : f32 to vector<16xf32>
            %mul3A_547 = arith.mulf %mul3A_546, %get3A_544 : vector<16xf32>
            %add3A_548 = arith.addf %mul3A_541, %mul3A_547 : vector<16xf32>
            %swap3A_549 = arith.index_cast %add3A_519 : i32 to index
            %swap3A_550 = arith.constant 16 : index
            %swap3A_551 = tpu.vector_load %arg12[%swap3A_549, %swap3A_550] {strides = array<i32>} : memref<64x128xf32, #tpu.memory_space<vmem>>, vector<16xf32>,
            tpu.vector_store %arg12[%swap3A_549, %swap3A_550], %add3A_548 {strides = array<i32>} : memref<64x128xf32, #tpu.memory_space<vmem>>, vector<16xf32>,
            %get3A_552 = arith.index_cast %add3A_519 : i32 to index
            %get3A_553 = arith.constant 32 : index
            %get3A_554 = tpu.vector_load %arg12[%get3A_552, %get3A_553] {strides = array<i32>} : memref<64x128xf32, #tpu.memory_space<vmem>>, vector<16xf32>,
            %mul3A_555 = arith.constant 2.000000e-01 : f32
            %mul3A_556 = vector.broadcast %mul3A_555 : f32 to vector<16xf32>
            %mul3A_557 = arith.mulf %mul3A_556, %get3A_554 : vector<16xf32>
            %get3A_558 = arith.index_cast %add3A_519 : i32 to index
            %get3A_559 = arith.constant 32 : index
            %get3A_560 = tpu.vector_load %arg13[%get3A_558, %get3A_559] {strides = array<i32>} : memref<64x128xf32, #tpu.memory_space<vmem>>, vector<16xf32>,
            %mul3A_561 = arith.constant 8.000000e-01 : f32
            %mul3A_562 = vector.broadcast %mul3A_561 : f32 to vector<16xf32>
            %mul3A_563 = arith.mulf %mul3A_562, %get3A_560 : vector<16xf32>
            %add3A_564 = arith.addf %mul3A_557, %mul3A_563 : vector<16xf32>
            %swap3A_565 = arith.index_cast %add3A_519 : i32 to index
            %swap3A_566 = arith.constant 32 : index
            %swap3A_567 = tpu.vector_load %arg12[%swap3A_565, %swap3A_566] {strides = array<i32>} : memref<64x128xf32, #tpu.memory_space<vmem>>, vector<16xf32>,
            tpu.vector_store %arg12[%swap3A_565, %swap3A_566], %add3A_564 {strides = array<i32>} : memref<64x128xf32, #tpu.memory_space<vmem>>, vector<16xf32>,
            %get3A_568 = arith.index_cast %add3A_519 : i32 to index
            %get3A_569 = arith.constant 48 : index
            %get3A_570 = tpu.vector_load %arg12[%get3A_568, %get3A_569] {strides = array<i32>} : memref<64x128xf32, #tpu.memory_space<vmem>>, vector<16xf32>,
            %mul3A_571 = arith.constant 2.000000e-01 : f32
            %mul3A_572 = vector.broadcast %mul3A_571 : f32 to vector<16xf32>
            %mul3A_573 = arith.mulf %mul3A_572, %get3A_570 : vector<16xf32>
            %get3A_574 = arith.index_cast %add3A_519 : i32 to index
            %get3A_575 = arith.constant 48 : index
            %get3A_576 = tpu.vector_load %arg13[%get3A_574, %get3A_575] {strides = array<i32>} : memref<64x128xf32, #tpu.memory_space<vmem>>, vector<16xf32>,
            %mul3A_577 = arith.constant 8.000000e-01 : f32
            %mul3A_578 = vector.broadcast %mul3A_577 : f32 to vector<16xf32>
            %mul3A_579 = arith.mulf %mul3A_578, %get3A_576 : vector<16xf32>
            %add3A_580 = arith.addf %mul3A_573, %mul3A_579 : vector<16xf32>
            %swap3A_581 = arith.index_cast %add3A_519 : i32 to index
            %swap3A_582 = arith.constant 48 : index
            %swap3A_583 = tpu.vector_load %arg12[%swap3A_581, %swap3A_582] {strides = array<i32>} : memref<64x128xf32, #tpu.memory_space<vmem>>, vector<16xf32>,
            tpu.vector_store %arg12[%swap3A_581, %swap3A_582], %add3A_580 {strides = array<i32>} : memref<64x128xf32, #tpu.memory_space<vmem>>, vector<16xf32>,
            %get3A_584 = arith.index_cast %add3A_519 : i32 to index
            %get3A_585 = arith.constant 64 : index
            %get3A_586 = tpu.vector_load %arg12[%get3A_584, %get3A_585] {strides = array<i32>} : memref<64x128xf32, #tpu.memory_space<vmem>>, vector<16xf32>,
            %mul3A_587 = arith.constant 2.000000e-01 : f32
            %mul3A_588 = vector.broadcast %mul3A_587 : f32 to vector<16xf32>
            %mul3A_589 = arith.mulf %mul3A_588, %get3A_586 : vector<16xf32>
            %get3A_590 = arith.index_cast %add3A_519 : i32 to index
            %get3A_591 = arith.constant 64 : index
            %get3A_592 = tpu.vector_load %arg13[%get3A_590, %get3A_591] {strides = array<i32>} : memref<64x128xf32, #tpu.memory_space<vmem>>, vector<16xf32>,
            %mul3A_593 = arith.constant 8.000000e-01 : f32
            %mul3A_594 = vector.broadcast %mul3A_593 : f32 to vector<16xf32>
            %mul3A_595 = arith.mulf %mul3A_594, %get3A_592 : vector<16xf32>
            %add3A_596 = arith.addf %mul3A_589, %mul3A_595 : vector<16xf32>
            %swap3A_597 = arith.index_cast %add3A_519 : i32 to index
            %swap3A_598 = arith.constant 64 : index
            %swap3A_599 = tpu.vector_load %arg12[%swap3A_597, %swap3A_598] {strides = array<i32>} : memref<64x128xf32, #tpu.memory_space<vmem>>, vector<16xf32>,
            tpu.vector_store %arg12[%swap3A_597, %swap3A_598], %add3A_596 {strides = array<i32>} : memref<64x128xf32, #tpu.memory_space<vmem>>, vector<16xf32>,
            %get3A_600 = arith.index_cast %add3A_519 : i32 to index
            %get3A_601 = arith.constant 80 : index
            %get3A_602 = tpu.vector_load %arg12[%get3A_600, %get3A_601] {strides = array<i32>} : memref<64x128xf32, #tpu.memory_space<vmem>>, vector<16xf32>,
            %mul3A_603 = arith.constant 2.000000e-01 : f32
            %mul3A_604 = vector.broadcast %mul3A_603 : f32 to vector<16xf32>
            %mul3A_605 = arith.mulf %mul3A_604, %get3A_602 : vector<16xf32>
            %get3A_606 = arith.index_cast %add3A_519 : i32 to index
            %get3A_607 = arith.constant 80 : index
            %get3A_608 = tpu.vector_load %arg13[%get3A_606, %get3A_607] {strides = array<i32>} : memref<64x128xf32, #tpu.memory_space<vmem>>, vector<16xf32>,
            %mul3A_609 = arith.constant 8.000000e-01 : f32
            %mul3A_610 = vector.broadcast %mul3A_609 : f32 to vector<16xf32>
            %mul3A_611 = arith.mulf %mul3A_610, %get3A_608 : vector<16xf32>
            %add3A_612 = arith.addf %mul3A_605, %mul3A_611 : vector<16xf32>
            %swap3A_613 = arith.index_cast %add3A_519 : i32 to index
            %swap3A_614 = arith.constant 80 : index
            %swap3A_615 = tpu.vector_load %arg12[%swap3A_613, %swap3A_614] {strides = array<i32>} : memref<64x128xf32, #tpu.memory_space<vmem>>, vector<16xf32>,
            tpu.vector_store %arg12[%swap3A_613, %swap3A_614], %add3A_612 {strides = array<i32>} : memref<64x128xf32, #tpu.memory_space<vmem>>, vector<16xf32>,
            %get3A_616 = arith.index_cast %add3A_519 : i32 to index
            %get3A_617 = arith.constant 96 : index
            %get3A_618 = tpu.vector_load %arg12[%get3A_616, %get3A_617] {strides = array<i32>} : memref<64x128xf32, #tpu.memory_space<vmem>>, vector<16xf32>,
            %mul3A_619 = arith.constant 2.000000e-01 : f32
            %mul3A_620 = vector.broadcast %mul3A_619 : f32 to vector<16xf32>
            %mul3A_621 = arith.mulf %mul3A_620, %get3A_618 : vector<16xf32>
            %get3A_622 = arith.index_cast %add3A_519 : i32 to index
            %get3A_623 = arith.constant 96 : index
            %get3A_624 = tpu.vector_load %arg13[%get3A_622, %get3A_623] {strides = array<i32>} : memref<64x128xf32, #tpu.memory_space<vmem>>, vector<16xf32>,
            %mul3A_625 = arith.constant 8.000000e-01 : f32
            %mul3A_626 = vector.broadcast %mul3A_625 : f32 to vector<16xf32>
            %mul3A_627 = arith.mulf %mul3A_626, %get3A_624 : vector<16xf32>
            %add3A_628 = arith.addf %mul3A_621, %mul3A_627 : vector<16xf32>
            %swap3A_629 = arith.index_cast %add3A_519 : i32 to index
            %swap3A_630 = arith.constant 96 : index
            %swap3A_631 = tpu.vector_load %arg12[%swap3A_629, %swap3A_630] {strides = array<i32>} : memref<64x128xf32, #tpu.memory_space<vmem>>, vector<16xf32>,
            tpu.vector_store %arg12[%swap3A_629, %swap3A_630], %add3A_628 {strides = array<i32>} : memref<64x128xf32, #tpu.memory_space<vmem>>, vector<16xf32>,
            %get3A_632 = arith.index_cast %add3A_519 : i32 to index
            %get3A_633 = arith.constant 112 : index
            %get3A_634 = tpu.vector_load %arg12[%get3A_632, %get3A_633] {strides = array<i32>} : memref<64x128xf32, #tpu.memory_space<vmem>>, vector<16xf32>,
            %mul3A_635 = arith.constant 2.000000e-01 : f32
            %mul3A_636 = vector.broadcast %mul3A_635 : f32 to vector<16xf32>
            %mul3A_637 = arith.mulf %mul3A_636, %get3A_634 : vector<16xf32>
            %get3A_638 = arith.index_cast %add3A_519 : i32 to index
            %get3A_639 = arith.constant 112 : index
            %get3A_640 = tpu.vector_load %arg13[%get3A_638, %get3A_639] {strides = array<i32>} : memref<64x128xf32, #tpu.memory_space<vmem>>, vector<16xf32>,
            %mul3A_641 = arith.constant 8.000000e-01 : f32
            %mul3A_642 = vector.broadcast %mul3A_641 : f32 to vector<16xf32>
            %mul3A_643 = arith.mulf %mul3A_642, %get3A_640 : vector<16xf32>
            %add3A_644 = arith.addf %mul3A_637, %mul3A_643 : vector<16xf32>
            %swap3A_645 = arith.index_cast %add3A_519 : i32 to index
            %swap3A_646 = arith.constant 112 : index
            %swap3A_647 = tpu.vector_load %arg12[%swap3A_645, %swap3A_646] {strides = array<i32>} : memref<64x128xf32, #tpu.memory_space<vmem>>, vector<16xf32>,
            tpu.vector_store %arg12[%swap3A_645, %swap3A_646], %add3A_644 {strides = array<i32>} : memref<64x128xf32, #tpu.memory_space<vmem>>, vector<16xf32>,
            %mul3A_648 = arith.constant 4 : i32
            %mul3A_649 = arith.muli %scan3A_251, %mul3A_648 : i32
            %add3A_650 = arith.constant 3 : i32
            %add3A_651 = arith.addi %mul3A_649, %add3A_650 : i32
            %get3A_652 = arith.index_cast %add3A_651 : i32 to index
            %get3A_653 = arith.constant 0 : index
            %get3A_654 = tpu.vector_load %arg12[%get3A_652, %get3A_653] {strides = array<i32>} : memref<64x128xf32, #tpu.memory_space<vmem>>, vector<16xf32>,
            %mul3A_655 = arith.constant 2.000000e-01 : f32
            %mul3A_656 = vector.broadcast %mul3A_655 : f32 to vector<16xf32>
            %mul3A_657 = arith.mulf %mul3A_656, %get3A_654 : vector<16xf32>
            %get3A_658 = arith.index_cast %add3A_651 : i32 to index
            %get3A_659 = arith.constant 0 : index
            %get3A_660 = tpu.vector_load %arg13[%get3A_658, %get3A_659] {strides = array<i32>} : memref<64x128xf32, #tpu.memory_space<vmem>>, vector<16xf32>,
            %mul3A_661 = arith.constant 8.000000e-01 : f32
            %mul3A_662 = vector.broadcast %mul3A_661 : f32 to vector<16xf32>
            %mul3A_663 = arith.mulf %mul3A_662, %get3A_660 : vector<16xf32>
            %add3A_664 = arith.addf %mul3A_657, %mul3A_663 : vector<16xf32>
            %swap3A_665 = arith.index_cast %add3A_651 : i32 to index
            %swap3A_666 = arith.constant 0 : index
            %swap3A_667 = tpu.vector_load %arg12[%swap3A_665, %swap3A_666] {strides = array<i32>} : memref<64x128xf32, #tpu.memory_space<vmem>>, vector<16xf32>,
            tpu.vector_store %arg12[%swap3A_665, %swap3A_666], %add3A_664 {strides = array<i32>} : memref<64x128xf32, #tpu.memory_space<vmem>>, vector<16xf32>,
            %get3A_668 = arith.index_cast %add3A_651 : i32 to index
            %get3A_669 = arith.constant 16 : index
            %get3A_670 = tpu.vector_load %arg12[%get3A_668, %get3A_669] {strides = array<i32>} : memref<64x128xf32, #tpu.memory_space<vmem>>, vector<16xf32>,
            %mul3A_671 = arith.constant 2.000000e-01 : f32
            %mul3A_672 = vector.broadcast %mul3A_671 : f32 to vector<16xf32>
            %mul3A_673 = arith.mulf %mul3A_672, %get3A_670 : vector<16xf32>
            %get3A_674 = arith.index_cast %add3A_651 : i32 to index
            %get3A_675 = arith.constant 16 : index
            %get3A_676 = tpu.vector_load %arg13[%get3A_674, %get3A_675] {strides = array<i32>} : memref<64x128xf32, #tpu.memory_space<vmem>>, vector<16xf32>,
            %mul3A_677 = arith.constant 8.000000e-01 : f32
            %mul3A_678 = vector.broadcast %mul3A_677 : f32 to vector<16xf32>
            %mul3A_679 = arith.mulf %mul3A_678, %get3A_676 : vector<16xf32>
            %add3A_680 = arith.addf %mul3A_673, %mul3A_679 : vector<16xf32>
            %swap3A_681 = arith.index_cast %add3A_651 : i32 to index
            %swap3A_682 = arith.constant 16 : index
            %swap3A_683 = tpu.vector_load %arg12[%swap3A_681, %swap3A_682] {strides = array<i32>} : memref<64x128xf32, #tpu.memory_space<vmem>>, vector<16xf32>,
            tpu.vector_store %arg12[%swap3A_681, %swap3A_682], %add3A_680 {strides = array<i32>} : memref<64x128xf32, #tpu.memory_space<vmem>>, vector<16xf32>,
            %get3A_684 = arith.index_cast %add3A_651 : i32 to index
            %get3A_685 = arith.constant 32 : index
            %get3A_686 = tpu.vector_load %arg12[%get3A_684, %get3A_685] {strides = array<i32>} : memref<64x128xf32, #tpu.memory_space<vmem>>, vector<16xf32>,
            %mul3A_687 = arith.constant 2.000000e-01 : f32
            %mul3A_688 = vector.broadcast %mul3A_687 : f32 to vector<16xf32>
            %mul3A_689 = arith.mulf %mul3A_688, %get3A_686 : vector<16xf32>
            %get3A_690 = arith.index_cast %add3A_651 : i32 to index
            %get3A_691 = arith.constant 32 : index
            %get3A_692 = tpu.vector_load %arg13[%get3A_690, %get3A_691] {strides = array<i32>} : memref<64x128xf32, #tpu.memory_space<vmem>>, vector<16xf32>,
            %mul3A_693 = arith.constant 8.000000e-01 : f32
            %mul3A_694 = vector.broadcast %mul3A_693 : f32 to vector<16xf32>
            %mul3A_695 = arith.mulf %mul3A_694, %get3A_692 : vector<16xf32>
            %add3A_696 = arith.addf %mul3A_689, %mul3A_695 : vector<16xf32>
            %swap3A_697 = arith.index_cast %add3A_651 : i32 to index
            %swap3A_698 = arith.constant 32 : index
            %swap3A_699 = tpu.vector_load %arg12[%swap3A_697, %swap3A_698] {strides = array<i32>} : memref<64x128xf32, #tpu.memory_space<vmem>>, vector<16xf32>,
            tpu.vector_store %arg12[%swap3A_697, %swap3A_698], %add3A_696 {strides = array<i32>} : memref<64x128xf32, #tpu.memory_space<vmem>>, vector<16xf32>,
            %get3A_700 = arith.index_cast %add3A_651 : i32 to index
            %get3A_701 = arith.constant 48 : index
            %get3A_702 = tpu.vector_load %arg12[%get3A_700, %get3A_701] {strides = array<i32>} : memref<64x128xf32, #tpu.memory_space<vmem>>, vector<16xf32>,
            %mul3A_703 = arith.constant 2.000000e-01 : f32
            %mul3A_704 = vector.broadcast %mul3A_703 : f32 to vector<16xf32>
            %mul3A_705 = arith.mulf %mul3A_704, %get3A_702 : vector<16xf32>
            %get3A_706 = arith.index_cast %add3A_651 : i32 to index
            %get3A_707 = arith.constant 48 : index
            %get3A_708 = tpu.vector_load %arg13[%get3A_706, %get3A_707] {strides = array<i32>} : memref<64x128xf32, #tpu.memory_space<vmem>>, vector<16xf32>,
            %mul3A_709 = arith.constant 8.000000e-01 : f32
            %mul3A_710 = vector.broadcast %mul3A_709 : f32 to vector<16xf32>
            %mul3A_711 = arith.mulf %mul3A_710, %get3A_708 : vector<16xf32>
            %add3A_712 = arith.addf %mul3A_705, %mul3A_711 : vector<16xf32>
            %swap3A_713 = arith.index_cast %add3A_651 : i32 to index
            %swap3A_714 = arith.constant 48 : index
            %swap3A_715 = tpu.vector_load %arg12[%swap3A_713, %swap3A_714] {strides = array<i32>} : memref<64x128xf32, #tpu.memory_space<vmem>>, vector<16xf32>,
            tpu.vector_store %arg12[%swap3A_713, %swap3A_714], %add3A_712 {strides = array<i32>} : memref<64x128xf32, #tpu.memory_space<vmem>>, vector<16xf32>,
            %get3A_716 = arith.index_cast %add3A_651 : i32 to index
            %get3A_717 = arith.constant 64 : index
            %get3A_718 = tpu.vector_load %arg12[%get3A_716, %get3A_717] {strides = array<i32>} : memref<64x128xf32, #tpu.memory_space<vmem>>, vector<16xf32>,
            %mul3A_719 = arith.constant 2.000000e-01 : f32
            %mul3A_720 = vector.broadcast %mul3A_719 : f32 to vector<16xf32>
            %mul3A_721 = arith.mulf %mul3A_720, %get3A_718 : vector<16xf32>
            %get3A_722 = arith.index_cast %add3A_651 : i32 to index
            %get3A_723 = arith.constant 64 : index
            %get3A_724 = tpu.vector_load %arg13[%get3A_722, %get3A_723] {strides = array<i32>} : memref<64x128xf32, #tpu.memory_space<vmem>>, vector<16xf32>,
            %mul3A_725 = arith.constant 8.000000e-01 : f32
            %mul3A_726 = vector.broadcast %mul3A_725 : f32 to vector<16xf32>
            %mul3A_727 = arith.mulf %mul3A_726, %get3A_724 : vector<16xf32>
            %add3A_728 = arith.addf %mul3A_721, %mul3A_727 : vector<16xf32>
            %swap3A_729 = arith.index_cast %add3A_651 : i32 to index
            %swap3A_730 = arith.constant 64 : index
            %swap3A_731 = tpu.vector_load %arg12[%swap3A_729, %swap3A_730] {strides = array<i32>} : memref<64x128xf32, #tpu.memory_space<vmem>>, vector<16xf32>,
            tpu.vector_store %arg12[%swap3A_729, %swap3A_730], %add3A_728 {strides = array<i32>} : memref<64x128xf32, #tpu.memory_space<vmem>>, vector<16xf32>,
            %get3A_732 = arith.index_cast %add3A_651 : i32 to index
            %get3A_733 = arith.constant 80 : index
            %get3A_734 = tpu.vector_load %arg12[%get3A_732, %get3A_733] {strides = array<i32>} : memref<64x128xf32, #tpu.memory_space<vmem>>, vector<16xf32>,
            %mul3A_735 = arith.constant 2.000000e-01 : f32
            %mul3A_736 = vector.broadcast %mul3A_735 : f32 to vector<16xf32>
            %mul3A_737 = arith.mulf %mul3A_736, %get3A_734 : vector<16xf32>
            %get3A_738 = arith.index_cast %add3A_651 : i32 to index
            %get3A_739 = arith.constant 80 : index
            %get3A_740 = tpu.vector_load %arg13[%get3A_738, %get3A_739] {strides = array<i32>} : memref<64x128xf32, #tpu.memory_space<vmem>>, vector<16xf32>,
            %mul3A_741 = arith.constant 8.000000e-01 : f32
            %mul3A_742 = vector.broadcast %mul3A_741 : f32 to vector<16xf32>
            %mul3A_743 = arith.mulf %mul3A_742, %get3A_740 : vector<16xf32>
            %add3A_744 = arith.addf %mul3A_737, %mul3A_743 : vector<16xf32>
            %swap3A_745 = arith.index_cast %add3A_651 : i32 to index
            %swap3A_746 = arith.constant 80 : index
            %swap3A_747 = tpu.vector_load %arg12[%swap3A_745, %swap3A_746] {strides = array<i32>} : memref<64x128xf32, #tpu.memory_space<vmem>>, vector<16xf32>,
            tpu.vector_store %arg12[%swap3A_745, %swap3A_746], %add3A_744 {strides = array<i32>} : memref<64x128xf32, #tpu.memory_space<vmem>>, vector<16xf32>,
            %get3A_748 = arith.index_cast %add3A_651 : i32 to index
            %get3A_749 = arith.constant 96 : index
            %get3A_750 = tpu.vector_load %arg12[%get3A_748, %get3A_749] {strides = array<i32>} : memref<64x128xf32, #tpu.memory_space<vmem>>, vector<16xf32>,
            %mul3A_751 = arith.constant 2.000000e-01 : f32
            %mul3A_752 = vector.broadcast %mul3A_751 : f32 to vector<16xf32>
            %mul3A_753 = arith.mulf %mul3A_752, %get3A_750 : vector<16xf32>
            %get3A_754 = arith.index_cast %add3A_651 : i32 to index
            %get3A_755 = arith.constant 96 : index
            %get3A_756 = tpu.vector_load %arg13[%get3A_754, %get3A_755] {strides = array<i32>} : memref<64x128xf32, #tpu.memory_space<vmem>>, vector<16xf32>,
            %mul3A_757 = arith.constant 8.000000e-01 : f32
            %mul3A_758 = vector.broadcast %mul3A_757 : f32 to vector<16xf32>
            %mul3A_759 = arith.mulf %mul3A_758, %get3A_756 : vector<16xf32>
            %add3A_760 = arith.addf %mul3A_753, %mul3A_759 : vector<16xf32>
            %swap3A_761 = arith.index_cast %add3A_651 : i32 to index
            %swap3A_762 = arith.constant 96 : index
            %swap3A_763 = tpu.vector_load %arg12[%swap3A_761, %swap3A_762] {strides = array<i32>} : memref<64x128xf32, #tpu.memory_space<vmem>>, vector<16xf32>,
            tpu.vector_store %arg12[%swap3A_761, %swap3A_762], %add3A_760 {strides = array<i32>} : memref<64x128xf32, #tpu.memory_space<vmem>>, vector<16xf32>,
            %get3A_764 = arith.index_cast %add3A_651 : i32 to index
            %get3A_765 = arith.constant 112 : index
            %get3A_766 = tpu.vector_load %arg12[%get3A_764, %get3A_765] {strides = array<i32>} : memref<64x128xf32, #tpu.memory_space<vmem>>, vector<16xf32>,
            %mul3A_767 = arith.constant 2.000000e-01 : f32
            %mul3A_768 = vector.broadcast %mul3A_767 : f32 to vector<16xf32>
            %mul3A_769 = arith.mulf %mul3A_768, %get3A_766 : vector<16xf32>
            %get3A_770 = arith.index_cast %add3A_651 : i32 to index
            %get3A_771 = arith.constant 112 : index
            %get3A_772 = tpu.vector_load %arg13[%get3A_770, %get3A_771] {strides = array<i32>} : memref<64x128xf32, #tpu.memory_space<vmem>>, vector<16xf32>,
            %mul3A_773 = arith.constant 8.000000e-01 : f32
            %mul3A_774 = vector.broadcast %mul3A_773 : f32 to vector<16xf32>
            %mul3A_775 = arith.mulf %mul3A_774, %get3A_772 : vector<16xf32>
            %add3A_776 = arith.addf %mul3A_769, %mul3A_775 : vector<16xf32>
            %swap3A_777 = arith.index_cast %add3A_651 : i32 to index
            %swap3A_778 = arith.constant 112 : index
            %swap3A_779 = tpu.vector_load %arg12[%swap3A_777, %swap3A_778] {strides = array<i32>} : memref<64x128xf32, #tpu.memory_space<vmem>>, vector<16xf32>,
            tpu.vector_store %arg12[%swap3A_777, %swap3A_778], %add3A_776 {strides = array<i32>} : memref<64x128xf32, #tpu.memory_space<vmem>>, vector<16xf32>,
          }
          %scan3A_247 = arith.constant 16 : i32
          %dma_start3A_248 = arith.constant 0 : i32
          %dma_start3A_249 = arith.constant 0 : i32
          %dma_start3A_250 = tpu.memref_slice %arg2[%dma_start3A_248, %dma_start3A_249] : memref<100000x128xf32, #tpu.memory_space<hbm>> -> memref<100000x128xf32, #tpu.memory_space<hbm>>
          tpu.enqueue_indirect_dma source(%arg12 : memref<64x128xf32, #tpu.memory_space<vmem>>) target(%dma_start3A_250 : memref<100000x128xf32, #tpu.memory_space<hbm>>) offsets(%arg10 : memref<64xi32, #tpu.memory_space<vmem>>) semaphore(%arg16 : memref<!tpu.dma_semaphore, #tpu.memory_space<semaphore_mem>>)
        } else {
        }
        %jit3A_189 = arith.constant 3 : i32
        %eq3A_190 = arith.constant 0 : i32
        %eq3A_191 = arith.cmpi eq, %jit3A_189, %eq3A_190 : i32
        %jit3A_192 = arith.constant 1 : i32
        %select_n3A_193 = arith.select %eq3A_191, %jit3A_192, %jit3A_189 : i32
        %rem3A_194 = arith.remsi %while3A_171, %select_n3A_193 : i32
        %ne3A_195 = arith.constant 0 : i32
        %ne3A_196 = arith.cmpi ne, %rem3A_194, %ne3A_195 : i32
        %lt3A_197 = arith.constant 0 : i32
        %lt3A_198 = arith.cmpi slt, %rem3A_194, %lt3A_197 : i32
        %lt3A_199 = arith.constant 0 : i32
        %lt3A_200 = arith.cmpi slt, %select_n3A_193, %lt3A_199 : i32
        %ne3A_201 = arith.xori %lt3A_198, %lt3A_200 : i1
        %and3A_202 = arith.andi %ne3A_201, %ne3A_196 : i1
        %add3A_203 = arith.addi %rem3A_194, %select_n3A_193 : i32
        %select_n3A_204 = arith.select %and3A_202, %add3A_203, %rem3A_194 : i32
        %eq3A_205 = arith.constant 1 : i32
        %eq3A_206 = arith.cmpi eq, %select_n3A_204, %eq3A_205 : i32
        %convert_element_type3A_207 = arith.extui %eq3A_206 : i1 to i32
        %cond3A_208 = arith.constant 0 : i32
        %cond3A_209 = arith.cmpi ne, %convert_element_type3A_207, %cond3A_208 : i32
        scf.if %cond3A_209 {
          %add3A_231 = arith.constant 2 : i32
          %add3A_232 = arith.addi %while3A_171, %add3A_231 : i32
          %lt3A_233 = arith.cmpi slt, %add3A_232, %div3A_104 : i32
          %convert_element_type3A_234 = arith.extui %lt3A_233 : i1 to i32
          %cond3A_235 = arith.constant 0 : i32
          %cond3A_236 = arith.cmpi ne, %convert_element_type3A_234, %cond3A_235 : i32
          scf.if %cond3A_236 {
            %ge3A_251 = arith.constant 1 : i32
            %ge3A_252 = arith.cmpi sge, %while3A_171, %ge3A_251 : i32
            %convert_element_type3A_253 = arith.extui %ge3A_252 : i1 to i32
            %cond3A_254 = arith.constant 0 : i32
            %cond3A_255 = arith.cmpi ne, %convert_element_type3A_253, %cond3A_254 : i32
            scf.if %cond3A_255 {
              %dma_wait3A_328 = arith.constant 0 : i32
              %dma_wait3A_329 = arith.constant 0 : i32
              %dma_wait3A_330 = tpu.memref_slice %arg2[%dma_wait3A_328, %dma_wait3A_329] : memref<100000x128xf32, #tpu.memory_space<hbm>> -> memref<100000x128xf32, #tpu.memory_space<hbm>>
              tpu.wait_indirect_dma semaphore(%arg16 : memref<!tpu.dma_semaphore, #tpu.memory_space<semaphore_mem>>) src(%arg12 : memref<64x128xf32, #tpu.memory_space<vmem>>) dst(%dma_wait3A_330 : memref<100000x128xf32, #tpu.memory_space<hbm>>)
            } else {
            }
            %add3A_256 = arith.constant 2 : i32
            %add3A_257 = arith.addi %while3A_171, %add3A_256 : i32
            %mul3A_258 = arith.constant 64 : i32
            %mul3A_259 = arith.muli %add3A_257, %mul3A_258 : i32
            %add3A_260 = arith.constant 0 : i32
            %add3A_261 = arith.addi %mul3A_259, %add3A_260 : i32
            %get3A_262 = arith.index_cast %add3A_261 : i32 to index
            %get3A_263 = tpu.vector_load %arg7[%get3A_262] {strides = array<i32>} : memref<16464xi32, #tpu.memory_space<vmem>>, vector<16xi32>,
            %swap3A_264 = arith.constant 0 : index
            %swap3A_265 = tpu.vector_load %arg10[%swap3A_264] {strides = array<i32>} : memref<64xi32, #tpu.memory_space<vmem>>, vector<16xi32>,
            tpu.vector_store %arg10[%swap3A_264], %get3A_263 {strides = array<i32>} : memref<64xi32, #tpu.memory_space<vmem>>, vector<16xi32>,
            %mul3A_266 = arith.constant 64 : i32
            %mul3A_267 = arith.muli %add3A_257, %mul3A_266 : i32
            %add3A_268 = arith.constant 0 : i32
            %add3A_269 = arith.addi %mul3A_267, %add3A_268 : i32
            %get3A_270 = arith.index_cast %add3A_269 : i32 to index
            %get3A_271 = tpu.vector_load %arg8[%get3A_270] {strides = array<i32>} : memref<16464xi32, #tpu.memory_space<vmem>>, vector<16xi32>,
            %swap3A_272 = arith.constant 0 : index
            %swap3A_273 = tpu.vector_load %arg11[%swap3A_272] {strides = array<i32>} : memref<64xi32, #tpu.memory_space<vmem>>, vector<16xi32>,
            tpu.vector_store %arg11[%swap3A_272], %get3A_271 {strides = array<i32>} : memref<64xi32, #tpu.memory_space<vmem>>, vector<16xi32>,
            %mul3A_274 = arith.constant 64 : i32
            %mul3A_275 = arith.muli %add3A_257, %mul3A_274 : i32
            %add3A_276 = arith.constant 16 : i32
            %add3A_277 = arith.addi %mul3A_275, %add3A_276 : i32
            %get3A_278 = arith.index_cast %add3A_277 : i32 to index
            %get3A_279 = tpu.vector_load %arg7[%get3A_278] {strides = array<i32>} : memref<16464xi32, #tpu.memory_space<vmem>>, vector<16xi32>,
            %swap3A_280 = arith.constant 16 : index
            %swap3A_281 = tpu.vector_load %arg10[%swap3A_280] {strides = array<i32>} : memref<64xi32, #tpu.memory_space<vmem>>, vector<16xi32>,
            tpu.vector_store %arg10[%swap3A_280], %get3A_279 {strides = array<i32>} : memref<64xi32, #tpu.memory_space<vmem>>, vector<16xi32>,
            %mul3A_282 = arith.constant 64 : i32
            %mul3A_283 = arith.muli %add3A_257, %mul3A_282 : i32
            %add3A_284 = arith.constant 16 : i32
            %add3A_285 = arith.addi %mul3A_283, %add3A_284 : i32
            %get3A_286 = arith.index_cast %add3A_285 : i32 to index
            %get3A_287 = tpu.vector_load %arg8[%get3A_286] {strides = array<i32>} : memref<16464xi32, #tpu.memory_space<vmem>>, vector<16xi32>,
            %swap3A_288 = arith.constant 16 : index
            %swap3A_289 = tpu.vector_load %arg11[%swap3A_288] {strides = array<i32>} : memref<64xi32, #tpu.memory_space<vmem>>, vector<16xi32>,
            tpu.vector_store %arg11[%swap3A_288], %get3A_287 {strides = array<i32>} : memref<64xi32, #tpu.memory_space<vmem>>, vector<16xi32>,
            %mul3A_290 = arith.constant 64 : i32
            %mul3A_291 = arith.muli %add3A_257, %mul3A_290 : i32
            %add3A_292 = arith.constant 32 : i32
            %add3A_293 = arith.addi %mul3A_291, %add3A_292 : i32
            %get3A_294 = arith.index_cast %add3A_293 : i32 to index
            %get3A_295 = tpu.vector_load %arg7[%get3A_294] {strides = array<i32>} : memref<16464xi32, #tpu.memory_space<vmem>>, vector<16xi32>,
            %swap3A_296 = arith.constant 32 : index
            %swap3A_297 = tpu.vector_load %arg10[%swap3A_296] {strides = array<i32>} : memref<64xi32, #tpu.memory_space<vmem>>, vector<16xi32>,
            tpu.vector_store %arg10[%swap3A_296], %get3A_295 {strides = array<i32>} : memref<64xi32, #tpu.memory_space<vmem>>, vector<16xi32>,
            %mul3A_298 = arith.constant 64 : i32
            %mul3A_299 = arith.muli %add3A_257, %mul3A_298 : i32
            %add3A_300 = arith.constant 32 : i32
            %add3A_301 = arith.addi %mul3A_299, %add3A_300 : i32
            %get3A_302 = arith.index_cast %add3A_301 : i32 to index
            %get3A_303 = tpu.vector_load %arg8[%get3A_302] {strides = array<i32>} : memref<16464xi32, #tpu.memory_space<vmem>>, vector<16xi32>,
            %swap3A_304 = arith.constant 32 : index
            %swap3A_305 = tpu.vector_load %arg11[%swap3A_304] {strides = array<i32>} : memref<64xi32, #tpu.memory_space<vmem>>, vector<16xi32>,
            tpu.vector_store %arg11[%swap3A_304], %get3A_303 {strides = array<i32>} : memref<64xi32, #tpu.memory_space<vmem>>, vector<16xi32>,
            %mul3A_306 = arith.constant 64 : i32
            %mul3A_307 = arith.muli %add3A_257, %mul3A_306 : i32
            %add3A_308 = arith.constant 48 : i32
            %add3A_309 = arith.addi %mul3A_307, %add3A_308 : i32
            %get3A_310 = arith.index_cast %add3A_309 : i32 to index
            %get3A_311 = tpu.vector_load %arg7[%get3A_310] {strides = array<i32>} : memref<16464xi32, #tpu.memory_space<vmem>>, vector<16xi32>,
            %swap3A_312 = arith.constant 48 : index
            %swap3A_313 = tpu.vector_load %arg10[%swap3A_312] {strides = array<i32>} : memref<64xi32, #tpu.memory_space<vmem>>, vector<16xi32>,
            tpu.vector_store %arg10[%swap3A_312], %get3A_311 {strides = array<i32>} : memref<64xi32, #tpu.memory_space<vmem>>, vector<16xi32>,
            %mul3A_314 = arith.constant 64 : i32
            %mul3A_315 = arith.muli %add3A_257, %mul3A_314 : i32
            %add3A_316 = arith.constant 48 : i32
            %add3A_317 = arith.addi %mul3A_315, %add3A_316 : i32
            %get3A_318 = arith.index_cast %add3A_317 : i32 to index
            %get3A_319 = tpu.vector_load %arg8[%get3A_318] {strides = array<i32>} : memref<16464xi32, #tpu.memory_space<vmem>>, vector<16xi32>,
            %swap3A_320 = arith.constant 48 : index
            %swap3A_321 = tpu.vector_load %arg11[%swap3A_320] {strides = array<i32>} : memref<64xi32, #tpu.memory_space<vmem>>, vector<16xi32>,
            tpu.vector_store %arg11[%swap3A_320], %get3A_319 {strides = array<i32>} : memref<64xi32, #tpu.memory_space<vmem>>, vector<16xi32>,
            %dma_start3A_322 = arith.constant 0 : i32
            %dma_start3A_323 = arith.constant 0 : i32
            %dma_start3A_324 = tpu.memref_slice %arg2[%dma_start3A_322, %dma_start3A_323] : memref<100000x128xf32, #tpu.memory_space<hbm>> -> memref<100000x128xf32, #tpu.memory_space<hbm>>
            tpu.enqueue_indirect_dma source(%dma_start3A_324 : memref<100000x128xf32, #tpu.memory_space<hbm>>) target(%arg12 : memref<64x128xf32, #tpu.memory_space<vmem>>) offsets(%arg10 : memref<64xi32, #tpu.memory_space<vmem>>) semaphore(%arg14 : memref<!tpu.dma_semaphore, #tpu.memory_space<semaphore_mem>>)
            %dma_start3A_325 = arith.constant 0 : i32
            %dma_start3A_326 = arith.constant 0 : i32
            %dma_start3A_327 = tpu.memref_slice %arg4[%dma_start3A_325, %dma_start3A_326] : memref<16384x128xf32, #tpu.memory_space<hbm>> -> memref<16384x128xf32, #tpu.memory_space<hbm>>
            tpu.enqueue_indirect_dma source(%dma_start3A_327 : memref<16384x128xf32, #tpu.memory_space<hbm>>) target(%arg13 : memref<64x128xf32, #tpu.memory_space<vmem>>) offsets(%arg11 : memref<64xi32, #tpu.memory_space<vmem>>) semaphore(%arg15 : memref<!tpu.dma_semaphore, #tpu.memory_space<semaphore_mem>>)
          } else {
          }
          %dma_wait3A = arith.constant 0 : i32
          %dma_wait3A_237 = arith.constant 0 : i32
          %dma_wait3A_238 = tpu.memref_slice %arg2[%dma_wait3A, %dma_wait3A_237] : memref<100000x128xf32, #tpu.memory_space<hbm>> -> memref<100000x128xf32, #tpu.memory_space<hbm>>
          tpu.wait_indirect_dma semaphore(%arg21 : memref<!tpu.dma_semaphore, #tpu.memory_space<semaphore_mem>>) src(%dma_wait3A_238 : memref<100000x128xf32, #tpu.memory_space<hbm>>) dst(%arg19 : memref<64x128xf32, #tpu.memory_space<vmem>>)
          %dma_wait3A_239 = arith.constant 0 : i32
          %dma_wait3A_240 = arith.constant 0 : i32
          %dma_wait3A_241 = tpu.memref_slice %arg4[%dma_wait3A_239, %dma_wait3A_240] : memref<16384x128xf32, #tpu.memory_space<hbm>> -> memref<16384x128xf32, #tpu.memory_space<hbm>>
          tpu.wait_indirect_dma semaphore(%arg22 : memref<!tpu.dma_semaphore, #tpu.memory_space<semaphore_mem>>) src(%dma_wait3A_241 : memref<16384x128xf32, #tpu.memory_space<hbm>>) dst(%arg20 : memref<64x128xf32, #tpu.memory_space<vmem>>)
          %scan3A_242 = arith.constant 0 : i32
          %scan3A_243 = arith.constant 0 : i32
          %scan3A_244 = arith.constant 16 : i32
          %scan3A_245 = arith.addi %scan3A_243, %scan3A_244 : i32
          %scan3A_246 = arith.constant 1 : i32
          scf.for %scan3A_251 = %scan3A_243 to %scan3A_245 step %scan3A_246  : i32 {
            %mul3A_252 = arith.constant 4 : i32
            %mul3A_253 = arith.muli %scan3A_251, %mul3A_252 : i32
            %add3A_254 = arith.constant 0 : i32
            %add3A_255 = arith.addi %mul3A_253, %add3A_254 : i32
            %get3A_256 = arith.index_cast %add3A_255 : i32 to index
            %get3A_257 = arith.constant 0 : index
            %get3A_258 = tpu.vector_load %arg19[%get3A_256, %get3A_257] {strides = array<i32>} : memref<64x128xf32, #tpu.memory_space<vmem>>, vector<16xf32>,
            %mul3A_259 = arith.constant 2.000000e-01 : f32
            %mul3A_260 = vector.broadcast %mul3A_259 : f32 to vector<16xf32>
            %mul3A_261 = arith.mulf %mul3A_260, %get3A_258 : vector<16xf32>
            %get3A_262 = arith.index_cast %add3A_255 : i32 to index
            %get3A_263 = arith.constant 0 : index
            %get3A_264 = tpu.vector_load %arg20[%get3A_262, %get3A_263] {strides = array<i32>} : memref<64x128xf32, #tpu.memory_space<vmem>>, vector<16xf32>,
            %mul3A_265 = arith.constant 8.000000e-01 : f32
            %mul3A_266 = vector.broadcast %mul3A_265 : f32 to vector<16xf32>
            %mul3A_267 = arith.mulf %mul3A_266, %get3A_264 : vector<16xf32>
            %add3A_268 = arith.addf %mul3A_261, %mul3A_267 : vector<16xf32>
            %swap3A_269 = arith.index_cast %add3A_255 : i32 to index
            %swap3A_270 = arith.constant 0 : index
            %swap3A_271 = tpu.vector_load %arg19[%swap3A_269, %swap3A_270] {strides = array<i32>} : memref<64x128xf32, #tpu.memory_space<vmem>>, vector<16xf32>,
            tpu.vector_store %arg19[%swap3A_269, %swap3A_270], %add3A_268 {strides = array<i32>} : memref<64x128xf32, #tpu.memory_space<vmem>>, vector<16xf32>,
            %get3A_272 = arith.index_cast %add3A_255 : i32 to index
            %get3A_273 = arith.constant 16 : index
            %get3A_274 = tpu.vector_load %arg19[%get3A_272, %get3A_273] {strides = array<i32>} : memref<64x128xf32, #tpu.memory_space<vmem>>, vector<16xf32>,
            %mul3A_275 = arith.constant 2.000000e-01 : f32
            %mul3A_276 = vector.broadcast %mul3A_275 : f32 to vector<16xf32>
            %mul3A_277 = arith.mulf %mul3A_276, %get3A_274 : vector<16xf32>
            %get3A_278 = arith.index_cast %add3A_255 : i32 to index
            %get3A_279 = arith.constant 16 : index
            %get3A_280 = tpu.vector_load %arg20[%get3A_278, %get3A_279] {strides = array<i32>} : memref<64x128xf32, #tpu.memory_space<vmem>>, vector<16xf32>,
            %mul3A_281 = arith.constant 8.000000e-01 : f32
            %mul3A_282 = vector.broadcast %mul3A_281 : f32 to vector<16xf32>
            %mul3A_283 = arith.mulf %mul3A_282, %get3A_280 : vector<16xf32>
            %add3A_284 = arith.addf %mul3A_277, %mul3A_283 : vector<16xf32>
            %swap3A_285 = arith.index_cast %add3A_255 : i32 to index
            %swap3A_286 = arith.constant 16 : index
            %swap3A_287 = tpu.vector_load %arg19[%swap3A_285, %swap3A_286] {strides = array<i32>} : memref<64x128xf32, #tpu.memory_space<vmem>>, vector<16xf32>,
            tpu.vector_store %arg19[%swap3A_285, %swap3A_286], %add3A_284 {strides = array<i32>} : memref<64x128xf32, #tpu.memory_space<vmem>>, vector<16xf32>,
            %get3A_288 = arith.index_cast %add3A_255 : i32 to index
            %get3A_289 = arith.constant 32 : index
            %get3A_290 = tpu.vector_load %arg19[%get3A_288, %get3A_289] {strides = array<i32>} : memref<64x128xf32, #tpu.memory_space<vmem>>, vector<16xf32>,
            %mul3A_291 = arith.constant 2.000000e-01 : f32
            %mul3A_292 = vector.broadcast %mul3A_291 : f32 to vector<16xf32>
            %mul3A_293 = arith.mulf %mul3A_292, %get3A_290 : vector<16xf32>
            %get3A_294 = arith.index_cast %add3A_255 : i32 to index
            %get3A_295 = arith.constant 32 : index
            %get3A_296 = tpu.vector_load %arg20[%get3A_294, %get3A_295] {strides = array<i32>} : memref<64x128xf32, #tpu.memory_space<vmem>>, vector<16xf32>,
            %mul3A_297 = arith.constant 8.000000e-01 : f32
            %mul3A_298 = vector.broadcast %mul3A_297 : f32 to vector<16xf32>
            %mul3A_299 = arith.mulf %mul3A_298, %get3A_296 : vector<16xf32>
            %add3A_300 = arith.addf %mul3A_293, %mul3A_299 : vector<16xf32>
            %swap3A_301 = arith.index_cast %add3A_255 : i32 to index
            %swap3A_302 = arith.constant 32 : index
            %swap3A_303 = tpu.vector_load %arg19[%swap3A_301, %swap3A_302] {strides = array<i32>} : memref<64x128xf32, #tpu.memory_space<vmem>>, vector<16xf32>,
            tpu.vector_store %arg19[%swap3A_301, %swap3A_302], %add3A_300 {strides = array<i32>} : memref<64x128xf32, #tpu.memory_space<vmem>>, vector<16xf32>,
            %get3A_304 = arith.index_cast %add3A_255 : i32 to index
            %get3A_305 = arith.constant 48 : index
            %get3A_306 = tpu.vector_load %arg19[%get3A_304, %get3A_305] {strides = array<i32>} : memref<64x128xf32, #tpu.memory_space<vmem>>, vector<16xf32>,
            %mul3A_307 = arith.constant 2.000000e-01 : f32
            %mul3A_308 = vector.broadcast %mul3A_307 : f32 to vector<16xf32>
            %mul3A_309 = arith.mulf %mul3A_308, %get3A_306 : vector<16xf32>
            %get3A_310 = arith.index_cast %add3A_255 : i32 to index
            %get3A_311 = arith.constant 48 : index
            %get3A_312 = tpu.vector_load %arg20[%get3A_310, %get3A_311] {strides = array<i32>} : memref<64x128xf32, #tpu.memory_space<vmem>>, vector<16xf32>,
            %mul3A_313 = arith.constant 8.000000e-01 : f32
            %mul3A_314 = vector.broadcast %mul3A_313 : f32 to vector<16xf32>
            %mul3A_315 = arith.mulf %mul3A_314, %get3A_312 : vector<16xf32>
            %add3A_316 = arith.addf %mul3A_309, %mul3A_315 : vector<16xf32>
            %swap3A_317 = arith.index_cast %add3A_255 : i32 to index
            %swap3A_318 = arith.constant 48 : index
            %swap3A_319 = tpu.vector_load %arg19[%swap3A_317, %swap3A_318] {strides = array<i32>} : memref<64x128xf32, #tpu.memory_space<vmem>>, vector<16xf32>,
            tpu.vector_store %arg19[%swap3A_317, %swap3A_318], %add3A_316 {strides = array<i32>} : memref<64x128xf32, #tpu.memory_space<vmem>>, vector<16xf32>,
            %get3A_320 = arith.index_cast %add3A_255 : i32 to index
            %get3A_321 = arith.constant 64 : index
            %get3A_322 = tpu.vector_load %arg19[%get3A_320, %get3A_321] {strides = array<i32>} : memref<64x128xf32, #tpu.memory_space<vmem>>, vector<16xf32>,
            %mul3A_323 = arith.constant 2.000000e-01 : f32
            %mul3A_324 = vector.broadcast %mul3A_323 : f32 to vector<16xf32>
            %mul3A_325 = arith.mulf %mul3A_324, %get3A_322 : vector<16xf32>
            %get3A_326 = arith.index_cast %add3A_255 : i32 to index
            %get3A_327 = arith.constant 64 : index
            %get3A_328 = tpu.vector_load %arg20[%get3A_326, %get3A_327] {strides = array<i32>} : memref<64x128xf32, #tpu.memory_space<vmem>>, vector<16xf32>,
            %mul3A_329 = arith.constant 8.000000e-01 : f32
            %mul3A_330 = vector.broadcast %mul3A_329 : f32 to vector<16xf32>
            %mul3A_331 = arith.mulf %mul3A_330, %get3A_328 : vector<16xf32>
            %add3A_332 = arith.addf %mul3A_325, %mul3A_331 : vector<16xf32>
            %swap3A_333 = arith.index_cast %add3A_255 : i32 to index
            %swap3A_334 = arith.constant 64 : index
            %swap3A_335 = tpu.vector_load %arg19[%swap3A_333, %swap3A_334] {strides = array<i32>} : memref<64x128xf32, #tpu.memory_space<vmem>>, vector<16xf32>,
            tpu.vector_store %arg19[%swap3A_333, %swap3A_334], %add3A_332 {strides = array<i32>} : memref<64x128xf32, #tpu.memory_space<vmem>>, vector<16xf32>,
            %get3A_336 = arith.index_cast %add3A_255 : i32 to index
            %get3A_337 = arith.constant 80 : index
            %get3A_338 = tpu.vector_load %arg19[%get3A_336, %get3A_337] {strides = array<i32>} : memref<64x128xf32, #tpu.memory_space<vmem>>, vector<16xf32>,
            %mul3A_339 = arith.constant 2.000000e-01 : f32
            %mul3A_340 = vector.broadcast %mul3A_339 : f32 to vector<16xf32>
            %mul3A_341 = arith.mulf %mul3A_340, %get3A_338 : vector<16xf32>
            %get3A_342 = arith.index_cast %add3A_255 : i32 to index
            %get3A_343 = arith.constant 80 : index
            %get3A_344 = tpu.vector_load %arg20[%get3A_342, %get3A_343] {strides = array<i32>} : memref<64x128xf32, #tpu.memory_space<vmem>>, vector<16xf32>,
            %mul3A_345 = arith.constant 8.000000e-01 : f32
            %mul3A_346 = vector.broadcast %mul3A_345 : f32 to vector<16xf32>
            %mul3A_347 = arith.mulf %mul3A_346, %get3A_344 : vector<16xf32>
            %add3A_348 = arith.addf %mul3A_341, %mul3A_347 : vector<16xf32>
            %swap3A_349 = arith.index_cast %add3A_255 : i32 to index
            %swap3A_350 = arith.constant 80 : index
            %swap3A_351 = tpu.vector_load %arg19[%swap3A_349, %swap3A_350] {strides = array<i32>} : memref<64x128xf32, #tpu.memory_space<vmem>>, vector<16xf32>,
            tpu.vector_store %arg19[%swap3A_349, %swap3A_350], %add3A_348 {strides = array<i32>} : memref<64x128xf32, #tpu.memory_space<vmem>>, vector<16xf32>,
            %get3A_352 = arith.index_cast %add3A_255 : i32 to index
            %get3A_353 = arith.constant 96 : index
            %get3A_354 = tpu.vector_load %arg19[%get3A_352, %get3A_353] {strides = array<i32>} : memref<64x128xf32, #tpu.memory_space<vmem>>, vector<16xf32>,
            %mul3A_355 = arith.constant 2.000000e-01 : f32
            %mul3A_356 = vector.broadcast %mul3A_355 : f32 to vector<16xf32>
            %mul3A_357 = arith.mulf %mul3A_356, %get3A_354 : vector<16xf32>
            %get3A_358 = arith.index_cast %add3A_255 : i32 to index
            %get3A_359 = arith.constant 96 : index
            %get3A_360 = tpu.vector_load %arg20[%get3A_358, %get3A_359] {strides = array<i32>} : memref<64x128xf32, #tpu.memory_space<vmem>>, vector<16xf32>,
            %mul3A_361 = arith.constant 8.000000e-01 : f32
            %mul3A_362 = vector.broadcast %mul3A_361 : f32 to vector<16xf32>
            %mul3A_363 = arith.mulf %mul3A_362, %get3A_360 : vector<16xf32>
            %add3A_364 = arith.addf %mul3A_357, %mul3A_363 : vector<16xf32>
            %swap3A_365 = arith.index_cast %add3A_255 : i32 to index
            %swap3A_366 = arith.constant 96 : index
            %swap3A_367 = tpu.vector_load %arg19[%swap3A_365, %swap3A_366] {strides = array<i32>} : memref<64x128xf32, #tpu.memory_space<vmem>>, vector<16xf32>,
            tpu.vector_store %arg19[%swap3A_365, %swap3A_366], %add3A_364 {strides = array<i32>} : memref<64x128xf32, #tpu.memory_space<vmem>>, vector<16xf32>,
            %get3A_368 = arith.index_cast %add3A_255 : i32 to index
            %get3A_369 = arith.constant 112 : index
            %get3A_370 = tpu.vector_load %arg19[%get3A_368, %get3A_369] {strides = array<i32>} : memref<64x128xf32, #tpu.memory_space<vmem>>, vector<16xf32>,
            %mul3A_371 = arith.constant 2.000000e-01 : f32
            %mul3A_372 = vector.broadcast %mul3A_371 : f32 to vector<16xf32>
            %mul3A_373 = arith.mulf %mul3A_372, %get3A_370 : vector<16xf32>
            %get3A_374 = arith.index_cast %add3A_255 : i32 to index
            %get3A_375 = arith.constant 112 : index
            %get3A_376 = tpu.vector_load %arg20[%get3A_374, %get3A_375] {strides = array<i32>} : memref<64x128xf32, #tpu.memory_space<vmem>>, vector<16xf32>,
            %mul3A_377 = arith.constant 8.000000e-01 : f32
            %mul3A_378 = vector.broadcast %mul3A_377 : f32 to vector<16xf32>
            %mul3A_379 = arith.mulf %mul3A_378, %get3A_376 : vector<16xf32>
            %add3A_380 = arith.addf %mul3A_373, %mul3A_379 : vector<16xf32>
            %swap3A_381 = arith.index_cast %add3A_255 : i32 to index
            %swap3A_382 = arith.constant 112 : index
            %swap3A_383 = tpu.vector_load %arg19[%swap3A_381, %swap3A_382] {strides = array<i32>} : memref<64x128xf32, #tpu.memory_space<vmem>>, vector<16xf32>,
            tpu.vector_store %arg19[%swap3A_381, %swap3A_382], %add3A_380 {strides = array<i32>} : memref<64x128xf32, #tpu.memory_space<vmem>>, vector<16xf32>,
            %mul3A_384 = arith.constant 4 : i32
            %mul3A_385 = arith.muli %scan3A_251, %mul3A_384 : i32
            %add3A_386 = arith.constant 1 : i32
            %add3A_387 = arith.addi %mul3A_385, %add3A_386 : i32
            %get3A_388 = arith.index_cast %add3A_387 : i32 to index
            %get3A_389 = arith.constant 0 : index
            %get3A_390 = tpu.vector_load %arg19[%get3A_388, %get3A_389] {strides = array<i32>} : memref<64x128xf32, #tpu.memory_space<vmem>>, vector<16xf32>,
            %mul3A_391 = arith.constant 2.000000e-01 : f32
            %mul3A_392 = vector.broadcast %mul3A_391 : f32 to vector<16xf32>
            %mul3A_393 = arith.mulf %mul3A_392, %get3A_390 : vector<16xf32>
            %get3A_394 = arith.index_cast %add3A_387 : i32 to index
            %get3A_395 = arith.constant 0 : index
            %get3A_396 = tpu.vector_load %arg20[%get3A_394, %get3A_395] {strides = array<i32>} : memref<64x128xf32, #tpu.memory_space<vmem>>, vector<16xf32>,
            %mul3A_397 = arith.constant 8.000000e-01 : f32
            %mul3A_398 = vector.broadcast %mul3A_397 : f32 to vector<16xf32>
            %mul3A_399 = arith.mulf %mul3A_398, %get3A_396 : vector<16xf32>
            %add3A_400 = arith.addf %mul3A_393, %mul3A_399 : vector<16xf32>
            %swap3A_401 = arith.index_cast %add3A_387 : i32 to index
            %swap3A_402 = arith.constant 0 : index
            %swap3A_403 = tpu.vector_load %arg19[%swap3A_401, %swap3A_402] {strides = array<i32>} : memref<64x128xf32, #tpu.memory_space<vmem>>, vector<16xf32>,
            tpu.vector_store %arg19[%swap3A_401, %swap3A_402], %add3A_400 {strides = array<i32>} : memref<64x128xf32, #tpu.memory_space<vmem>>, vector<16xf32>,
            %get3A_404 = arith.index_cast %add3A_387 : i32 to index
            %get3A_405 = arith.constant 16 : index
            %get3A_406 = tpu.vector_load %arg19[%get3A_404, %get3A_405] {strides = array<i32>} : memref<64x128xf32, #tpu.memory_space<vmem>>, vector<16xf32>,
            %mul3A_407 = arith.constant 2.000000e-01 : f32
            %mul3A_408 = vector.broadcast %mul3A_407 : f32 to vector<16xf32>
            %mul3A_409 = arith.mulf %mul3A_408, %get3A_406 : vector<16xf32>
            %get3A_410 = arith.index_cast %add3A_387 : i32 to index
            %get3A_411 = arith.constant 16 : index
            %get3A_412 = tpu.vector_load %arg20[%get3A_410, %get3A_411] {strides = array<i32>} : memref<64x128xf32, #tpu.memory_space<vmem>>, vector<16xf32>,
            %mul3A_413 = arith.constant 8.000000e-01 : f32
            %mul3A_414 = vector.broadcast %mul3A_413 : f32 to vector<16xf32>
            %mul3A_415 = arith.mulf %mul3A_414, %get3A_412 : vector<16xf32>
            %add3A_416 = arith.addf %mul3A_409, %mul3A_415 : vector<16xf32>
            %swap3A_417 = arith.index_cast %add3A_387 : i32 to index
            %swap3A_418 = arith.constant 16 : index
            %swap3A_419 = tpu.vector_load %arg19[%swap3A_417, %swap3A_418] {strides = array<i32>} : memref<64x128xf32, #tpu.memory_space<vmem>>, vector<16xf32>,
            tpu.vector_store %arg19[%swap3A_417, %swap3A_418], %add3A_416 {strides = array<i32>} : memref<64x128xf32, #tpu.memory_space<vmem>>, vector<16xf32>,
            %get3A_420 = arith.index_cast %add3A_387 : i32 to index
            %get3A_421 = arith.constant 32 : index
            %get3A_422 = tpu.vector_load %arg19[%get3A_420, %get3A_421] {strides = array<i32>} : memref<64x128xf32, #tpu.memory_space<vmem>>, vector<16xf32>,
            %mul3A_423 = arith.constant 2.000000e-01 : f32
            %mul3A_424 = vector.broadcast %mul3A_423 : f32 to vector<16xf32>
            %mul3A_425 = arith.mulf %mul3A_424, %get3A_422 : vector<16xf32>
            %get3A_426 = arith.index_cast %add3A_387 : i32 to index
            %get3A_427 = arith.constant 32 : index
            %get3A_428 = tpu.vector_load %arg20[%get3A_426, %get3A_427] {strides = array<i32>} : memref<64x128xf32, #tpu.memory_space<vmem>>, vector<16xf32>,
            %mul3A_429 = arith.constant 8.000000e-01 : f32
            %mul3A_430 = vector.broadcast %mul3A_429 : f32 to vector<16xf32>
            %mul3A_431 = arith.mulf %mul3A_430, %get3A_428 : vector<16xf32>
            %add3A_432 = arith.addf %mul3A_425, %mul3A_431 : vector<16xf32>
            %swap3A_433 = arith.index_cast %add3A_387 : i32 to index
            %swap3A_434 = arith.constant 32 : index
            %swap3A_435 = tpu.vector_load %arg19[%swap3A_433, %swap3A_434] {strides = array<i32>} : memref<64x128xf32, #tpu.memory_space<vmem>>, vector<16xf32>,
            tpu.vector_store %arg19[%swap3A_433, %swap3A_434], %add3A_432 {strides = array<i32>} : memref<64x128xf32, #tpu.memory_space<vmem>>, vector<16xf32>,
            %get3A_436 = arith.index_cast %add3A_387 : i32 to index
            %get3A_437 = arith.constant 48 : index
            %get3A_438 = tpu.vector_load %arg19[%get3A_436, %get3A_437] {strides = array<i32>} : memref<64x128xf32, #tpu.memory_space<vmem>>, vector<16xf32>,
            %mul3A_439 = arith.constant 2.000000e-01 : f32
            %mul3A_440 = vector.broadcast %mul3A_439 : f32 to vector<16xf32>
            %mul3A_441 = arith.mulf %mul3A_440, %get3A_438 : vector<16xf32>
            %get3A_442 = arith.index_cast %add3A_387 : i32 to index
            %get3A_443 = arith.constant 48 : index
            %get3A_444 = tpu.vector_load %arg20[%get3A_442, %get3A_443] {strides = array<i32>} : memref<64x128xf32, #tpu.memory_space<vmem>>, vector<16xf32>,
            %mul3A_445 = arith.constant 8.000000e-01 : f32
            %mul3A_446 = vector.broadcast %mul3A_445 : f32 to vector<16xf32>
            %mul3A_447 = arith.mulf %mul3A_446, %get3A_444 : vector<16xf32>
            %add3A_448 = arith.addf %mul3A_441, %mul3A_447 : vector<16xf32>
            %swap3A_449 = arith.index_cast %add3A_387 : i32 to index
            %swap3A_450 = arith.constant 48 : index
            %swap3A_451 = tpu.vector_load %arg19[%swap3A_449, %swap3A_450] {strides = array<i32>} : memref<64x128xf32, #tpu.memory_space<vmem>>, vector<16xf32>,
            tpu.vector_store %arg19[%swap3A_449, %swap3A_450], %add3A_448 {strides = array<i32>} : memref<64x128xf32, #tpu.memory_space<vmem>>, vector<16xf32>,
            %get3A_452 = arith.index_cast %add3A_387 : i32 to index
            %get3A_453 = arith.constant 64 : index
            %get3A_454 = tpu.vector_load %arg19[%get3A_452, %get3A_453] {strides = array<i32>} : memref<64x128xf32, #tpu.memory_space<vmem>>, vector<16xf32>,
            %mul3A_455 = arith.constant 2.000000e-01 : f32
            %mul3A_456 = vector.broadcast %mul3A_455 : f32 to vector<16xf32>
            %mul3A_457 = arith.mulf %mul3A_456, %get3A_454 : vector<16xf32>
            %get3A_458 = arith.index_cast %add3A_387 : i32 to index
            %get3A_459 = arith.constant 64 : index
            %get3A_460 = tpu.vector_load %arg20[%get3A_458, %get3A_459] {strides = array<i32>} : memref<64x128xf32, #tpu.memory_space<vmem>>, vector<16xf32>,
            %mul3A_461 = arith.constant 8.000000e-01 : f32
            %mul3A_462 = vector.broadcast %mul3A_461 : f32 to vector<16xf32>
            %mul3A_463 = arith.mulf %mul3A_462, %get3A_460 : vector<16xf32>
            %add3A_464 = arith.addf %mul3A_457, %mul3A_463 : vector<16xf32>
            %swap3A_465 = arith.index_cast %add3A_387 : i32 to index
            %swap3A_466 = arith.constant 64 : index
            %swap3A_467 = tpu.vector_load %arg19[%swap3A_465, %swap3A_466] {strides = array<i32>} : memref<64x128xf32, #tpu.memory_space<vmem>>, vector<16xf32>,
            tpu.vector_store %arg19[%swap3A_465, %swap3A_466], %add3A_464 {strides = array<i32>} : memref<64x128xf32, #tpu.memory_space<vmem>>, vector<16xf32>,
            %get3A_468 = arith.index_cast %add3A_387 : i32 to index
            %get3A_469 = arith.constant 80 : index
            %get3A_470 = tpu.vector_load %arg19[%get3A_468, %get3A_469] {strides = array<i32>} : memref<64x128xf32, #tpu.memory_space<vmem>>, vector<16xf32>,
            %mul3A_471 = arith.constant 2.000000e-01 : f32
            %mul3A_472 = vector.broadcast %mul3A_471 : f32 to vector<16xf32>
            %mul3A_473 = arith.mulf %mul3A_472, %get3A_470 : vector<16xf32>
            %get3A_474 = arith.index_cast %add3A_387 : i32 to index
            %get3A_475 = arith.constant 80 : index
            %get3A_476 = tpu.vector_load %arg20[%get3A_474, %get3A_475] {strides = array<i32>} : memref<64x128xf32, #tpu.memory_space<vmem>>, vector<16xf32>,
            %mul3A_477 = arith.constant 8.000000e-01 : f32
            %mul3A_478 = vector.broadcast %mul3A_477 : f32 to vector<16xf32>
            %mul3A_479 = arith.mulf %mul3A_478, %get3A_476 : vector<16xf32>
            %add3A_480 = arith.addf %mul3A_473, %mul3A_479 : vector<16xf32>
            %swap3A_481 = arith.index_cast %add3A_387 : i32 to index
            %swap3A_482 = arith.constant 80 : index
            %swap3A_483 = tpu.vector_load %arg19[%swap3A_481, %swap3A_482] {strides = array<i32>} : memref<64x128xf32, #tpu.memory_space<vmem>>, vector<16xf32>,
            tpu.vector_store %arg19[%swap3A_481, %swap3A_482], %add3A_480 {strides = array<i32>} : memref<64x128xf32, #tpu.memory_space<vmem>>, vector<16xf32>,
            %get3A_484 = arith.index_cast %add3A_387 : i32 to index
            %get3A_485 = arith.constant 96 : index
            %get3A_486 = tpu.vector_load %arg19[%get3A_484, %get3A_485] {strides = array<i32>} : memref<64x128xf32, #tpu.memory_space<vmem>>, vector<16xf32>,
            %mul3A_487 = arith.constant 2.000000e-01 : f32
            %mul3A_488 = vector.broadcast %mul3A_487 : f32 to vector<16xf32>
            %mul3A_489 = arith.mulf %mul3A_488, %get3A_486 : vector<16xf32>
            %get3A_490 = arith.index_cast %add3A_387 : i32 to index
            %get3A_491 = arith.constant 96 : index
            %get3A_492 = tpu.vector_load %arg20[%get3A_490, %get3A_491] {strides = array<i32>} : memref<64x128xf32, #tpu.memory_space<vmem>>, vector<16xf32>,
            %mul3A_493 = arith.constant 8.000000e-01 : f32
            %mul3A_494 = vector.broadcast %mul3A_493 : f32 to vector<16xf32>
            %mul3A_495 = arith.mulf %mul3A_494, %get3A_492 : vector<16xf32>
            %add3A_496 = arith.addf %mul3A_489, %mul3A_495 : vector<16xf32>
            %swap3A_497 = arith.index_cast %add3A_387 : i32 to index
            %swap3A_498 = arith.constant 96 : index
            %swap3A_499 = tpu.vector_load %arg19[%swap3A_497, %swap3A_498] {strides = array<i32>} : memref<64x128xf32, #tpu.memory_space<vmem>>, vector<16xf32>,
            tpu.vector_store %arg19[%swap3A_497, %swap3A_498], %add3A_496 {strides = array<i32>} : memref<64x128xf32, #tpu.memory_space<vmem>>, vector<16xf32>,
            %get3A_500 = arith.index_cast %add3A_387 : i32 to index
            %get3A_501 = arith.constant 112 : index
            %get3A_502 = tpu.vector_load %arg19[%get3A_500, %get3A_501] {strides = array<i32>} : memref<64x128xf32, #tpu.memory_space<vmem>>, vector<16xf32>,
            %mul3A_503 = arith.constant 2.000000e-01 : f32
            %mul3A_504 = vector.broadcast %mul3A_503 : f32 to vector<16xf32>
            %mul3A_505 = arith.mulf %mul3A_504, %get3A_502 : vector<16xf32>
            %get3A_506 = arith.index_cast %add3A_387 : i32 to index
            %get3A_507 = arith.constant 112 : index
            %get3A_508 = tpu.vector_load %arg20[%get3A_506, %get3A_507] {strides = array<i32>} : memref<64x128xf32, #tpu.memory_space<vmem>>, vector<16xf32>,
            %mul3A_509 = arith.constant 8.000000e-01 : f32
            %mul3A_510 = vector.broadcast %mul3A_509 : f32 to vector<16xf32>
            %mul3A_511 = arith.mulf %mul3A_510, %get3A_508 : vector<16xf32>
            %add3A_512 = arith.addf %mul3A_505, %mul3A_511 : vector<16xf32>
            %swap3A_513 = arith.index_cast %add3A_387 : i32 to index
            %swap3A_514 = arith.constant 112 : index
            %swap3A_515 = tpu.vector_load %arg19[%swap3A_513, %swap3A_514] {strides = array<i32>} : memref<64x128xf32, #tpu.memory_space<vmem>>, vector<16xf32>,
            tpu.vector_store %arg19[%swap3A_513, %swap3A_514], %add3A_512 {strides = array<i32>} : memref<64x128xf32, #tpu.memory_space<vmem>>, vector<16xf32>,
            %mul3A_516 = arith.constant 4 : i32
            %mul3A_517 = arith.muli %scan3A_251, %mul3A_516 : i32
            %add3A_518 = arith.constant 2 : i32
            %add3A_519 = arith.addi %mul3A_517, %add3A_518 : i32
            %get3A_520 = arith.index_cast %add3A_519 : i32 to index
            %get3A_521 = arith.constant 0 : index
            %get3A_522 = tpu.vector_load %arg19[%get3A_520, %get3A_521] {strides = array<i32>} : memref<64x128xf32, #tpu.memory_space<vmem>>, vector<16xf32>,
            %mul3A_523 = arith.constant 2.000000e-01 : f32
            %mul3A_524 = vector.broadcast %mul3A_523 : f32 to vector<16xf32>
            %mul3A_525 = arith.mulf %mul3A_524, %get3A_522 : vector<16xf32>
            %get3A_526 = arith.index_cast %add3A_519 : i32 to index
            %get3A_527 = arith.constant 0 : index
            %get3A_528 = tpu.vector_load %arg20[%get3A_526, %get3A_527] {strides = array<i32>} : memref<64x128xf32, #tpu.memory_space<vmem>>, vector<16xf32>,
            %mul3A_529 = arith.constant 8.000000e-01 : f32
            %mul3A_530 = vector.broadcast %mul3A_529 : f32 to vector<16xf32>
            %mul3A_531 = arith.mulf %mul3A_530, %get3A_528 : vector<16xf32>
            %add3A_532 = arith.addf %mul3A_525, %mul3A_531 : vector<16xf32>
            %swap3A_533 = arith.index_cast %add3A_519 : i32 to index
            %swap3A_534 = arith.constant 0 : index
            %swap3A_535 = tpu.vector_load %arg19[%swap3A_533, %swap3A_534] {strides = array<i32>} : memref<64x128xf32, #tpu.memory_space<vmem>>, vector<16xf32>,
            tpu.vector_store %arg19[%swap3A_533, %swap3A_534], %add3A_532 {strides = array<i32>} : memref<64x128xf32, #tpu.memory_space<vmem>>, vector<16xf32>,
            %get3A_536 = arith.index_cast %add3A_519 : i32 to index
            %get3A_537 = arith.constant 16 : index
            %get3A_538 = tpu.vector_load %arg19[%get3A_536, %get3A_537] {strides = array<i32>} : memref<64x128xf32, #tpu.memory_space<vmem>>, vector<16xf32>,
            %mul3A_539 = arith.constant 2.000000e-01 : f32
            %mul3A_540 = vector.broadcast %mul3A_539 : f32 to vector<16xf32>
            %mul3A_541 = arith.mulf %mul3A_540, %get3A_538 : vector<16xf32>
            %get3A_542 = arith.index_cast %add3A_519 : i32 to index
            %get3A_543 = arith.constant 16 : index
            %get3A_544 = tpu.vector_load %arg20[%get3A_542, %get3A_543] {strides = array<i32>} : memref<64x128xf32, #tpu.memory_space<vmem>>, vector<16xf32>,
            %mul3A_545 = arith.constant 8.000000e-01 : f32
            %mul3A_546 = vector.broadcast %mul3A_545 : f32 to vector<16xf32>
            %mul3A_547 = arith.mulf %mul3A_546, %get3A_544 : vector<16xf32>
            %add3A_548 = arith.addf %mul3A_541, %mul3A_547 : vector<16xf32>
            %swap3A_549 = arith.index_cast %add3A_519 : i32 to index
            %swap3A_550 = arith.constant 16 : index
            %swap3A_551 = tpu.vector_load %arg19[%swap3A_549, %swap3A_550] {strides = array<i32>} : memref<64x128xf32, #tpu.memory_space<vmem>>, vector<16xf32>,
            tpu.vector_store %arg19[%swap3A_549, %swap3A_550], %add3A_548 {strides = array<i32>} : memref<64x128xf32, #tpu.memory_space<vmem>>, vector<16xf32>,
            %get3A_552 = arith.index_cast %add3A_519 : i32 to index
            %get3A_553 = arith.constant 32 : index
            %get3A_554 = tpu.vector_load %arg19[%get3A_552, %get3A_553] {strides = array<i32>} : memref<64x128xf32, #tpu.memory_space<vmem>>, vector<16xf32>,
            %mul3A_555 = arith.constant 2.000000e-01 : f32
            %mul3A_556 = vector.broadcast %mul3A_555 : f32 to vector<16xf32>
            %mul3A_557 = arith.mulf %mul3A_556, %get3A_554 : vector<16xf32>
            %get3A_558 = arith.index_cast %add3A_519 : i32 to index
            %get3A_559 = arith.constant 32 : index
            %get3A_560 = tpu.vector_load %arg20[%get3A_558, %get3A_559] {strides = array<i32>} : memref<64x128xf32, #tpu.memory_space<vmem>>, vector<16xf32>,
            %mul3A_561 = arith.constant 8.000000e-01 : f32
            %mul3A_562 = vector.broadcast %mul3A_561 : f32 to vector<16xf32>
            %mul3A_563 = arith.mulf %mul3A_562, %get3A_560 : vector<16xf32>
            %add3A_564 = arith.addf %mul3A_557, %mul3A_563 : vector<16xf32>
            %swap3A_565 = arith.index_cast %add3A_519 : i32 to index
            %swap3A_566 = arith.constant 32 : index
            %swap3A_567 = tpu.vector_load %arg19[%swap3A_565, %swap3A_566] {strides = array<i32>} : memref<64x128xf32, #tpu.memory_space<vmem>>, vector<16xf32>,
            tpu.vector_store %arg19[%swap3A_565, %swap3A_566], %add3A_564 {strides = array<i32>} : memref<64x128xf32, #tpu.memory_space<vmem>>, vector<16xf32>,
            %get3A_568 = arith.index_cast %add3A_519 : i32 to index
            %get3A_569 = arith.constant 48 : index
            %get3A_570 = tpu.vector_load %arg19[%get3A_568, %get3A_569] {strides = array<i32>} : memref<64x128xf32, #tpu.memory_space<vmem>>, vector<16xf32>,
            %mul3A_571 = arith.constant 2.000000e-01 : f32
            %mul3A_572 = vector.broadcast %mul3A_571 : f32 to vector<16xf32>
            %mul3A_573 = arith.mulf %mul3A_572, %get3A_570 : vector<16xf32>
            %get3A_574 = arith.index_cast %add3A_519 : i32 to index
            %get3A_575 = arith.constant 48 : index
            %get3A_576 = tpu.vector_load %arg20[%get3A_574, %get3A_575] {strides = array<i32>} : memref<64x128xf32, #tpu.memory_space<vmem>>, vector<16xf32>,
            %mul3A_577 = arith.constant 8.000000e-01 : f32
            %mul3A_578 = vector.broadcast %mul3A_577 : f32 to vector<16xf32>
            %mul3A_579 = arith.mulf %mul3A_578, %get3A_576 : vector<16xf32>
            %add3A_580 = arith.addf %mul3A_573, %mul3A_579 : vector<16xf32>
            %swap3A_581 = arith.index_cast %add3A_519 : i32 to index
            %swap3A_582 = arith.constant 48 : index
            %swap3A_583 = tpu.vector_load %arg19[%swap3A_581, %swap3A_582] {strides = array<i32>} : memref<64x128xf32, #tpu.memory_space<vmem>>, vector<16xf32>,
            tpu.vector_store %arg19[%swap3A_581, %swap3A_582], %add3A_580 {strides = array<i32>} : memref<64x128xf32, #tpu.memory_space<vmem>>, vector<16xf32>,
            %get3A_584 = arith.index_cast %add3A_519 : i32 to index
            %get3A_585 = arith.constant 64 : index
            %get3A_586 = tpu.vector_load %arg19[%get3A_584, %get3A_585] {strides = array<i32>} : memref<64x128xf32, #tpu.memory_space<vmem>>, vector<16xf32>,
            %mul3A_587 = arith.constant 2.000000e-01 : f32
            %mul3A_588 = vector.broadcast %mul3A_587 : f32 to vector<16xf32>
            %mul3A_589 = arith.mulf %mul3A_588, %get3A_586 : vector<16xf32>
            %get3A_590 = arith.index_cast %add3A_519 : i32 to index
            %get3A_591 = arith.constant 64 : index
            %get3A_592 = tpu.vector_load %arg20[%get3A_590, %get3A_591] {strides = array<i32>} : memref<64x128xf32, #tpu.memory_space<vmem>>, vector<16xf32>,
            %mul3A_593 = arith.constant 8.000000e-01 : f32
            %mul3A_594 = vector.broadcast %mul3A_593 : f32 to vector<16xf32>
            %mul3A_595 = arith.mulf %mul3A_594, %get3A_592 : vector<16xf32>
            %add3A_596 = arith.addf %mul3A_589, %mul3A_595 : vector<16xf32>
            %swap3A_597 = arith.index_cast %add3A_519 : i32 to index
            %swap3A_598 = arith.constant 64 : index
            %swap3A_599 = tpu.vector_load %arg19[%swap3A_597, %swap3A_598] {strides = array<i32>} : memref<64x128xf32, #tpu.memory_space<vmem>>, vector<16xf32>,
            tpu.vector_store %arg19[%swap3A_597, %swap3A_598], %add3A_596 {strides = array<i32>} : memref<64x128xf32, #tpu.memory_space<vmem>>, vector<16xf32>,
            %get3A_600 = arith.index_cast %add3A_519 : i32 to index
            %get3A_601 = arith.constant 80 : index
            %get3A_602 = tpu.vector_load %arg19[%get3A_600, %get3A_601] {strides = array<i32>} : memref<64x128xf32, #tpu.memory_space<vmem>>, vector<16xf32>,
            %mul3A_603 = arith.constant 2.000000e-01 : f32
            %mul3A_604 = vector.broadcast %mul3A_603 : f32 to vector<16xf32>
            %mul3A_605 = arith.mulf %mul3A_604, %get3A_602 : vector<16xf32>
            %get3A_606 = arith.index_cast %add3A_519 : i32 to index
            %get3A_607 = arith.constant 80 : index
            %get3A_608 = tpu.vector_load %arg20[%get3A_606, %get3A_607] {strides = array<i32>} : memref<64x128xf32, #tpu.memory_space<vmem>>, vector<16xf32>,
            %mul3A_609 = arith.constant 8.000000e-01 : f32
            %mul3A_610 = vector.broadcast %mul3A_609 : f32 to vector<16xf32>
            %mul3A_611 = arith.mulf %mul3A_610, %get3A_608 : vector<16xf32>
            %add3A_612 = arith.addf %mul3A_605, %mul3A_611 : vector<16xf32>
            %swap3A_613 = arith.index_cast %add3A_519 : i32 to index
            %swap3A_614 = arith.constant 80 : index
            %swap3A_615 = tpu.vector_load %arg19[%swap3A_613, %swap3A_614] {strides = array<i32>} : memref<64x128xf32, #tpu.memory_space<vmem>>, vector<16xf32>,
            tpu.vector_store %arg19[%swap3A_613, %swap3A_614], %add3A_612 {strides = array<i32>} : memref<64x128xf32, #tpu.memory_space<vmem>>, vector<16xf32>,
            %get3A_616 = arith.index_cast %add3A_519 : i32 to index
            %get3A_617 = arith.constant 96 : index
            %get3A_618 = tpu.vector_load %arg19[%get3A_616, %get3A_617] {strides = array<i32>} : memref<64x128xf32, #tpu.memory_space<vmem>>, vector<16xf32>,
            %mul3A_619 = arith.constant 2.000000e-01 : f32
            %mul3A_620 = vector.broadcast %mul3A_619 : f32 to vector<16xf32>
            %mul3A_621 = arith.mulf %mul3A_620, %get3A_618 : vector<16xf32>
            %get3A_622 = arith.index_cast %add3A_519 : i32 to index
            %get3A_623 = arith.constant 96 : index
            %get3A_624 = tpu.vector_load %arg20[%get3A_622, %get3A_623] {strides = array<i32>} : memref<64x128xf32, #tpu.memory_space<vmem>>, vector<16xf32>,
            %mul3A_625 = arith.constant 8.000000e-01 : f32
            %mul3A_626 = vector.broadcast %mul3A_625 : f32 to vector<16xf32>
            %mul3A_627 = arith.mulf %mul3A_626, %get3A_624 : vector<16xf32>
            %add3A_628 = arith.addf %mul3A_621, %mul3A_627 : vector<16xf32>
            %swap3A_629 = arith.index_cast %add3A_519 : i32 to index
            %swap3A_630 = arith.constant 96 : index
            %swap3A_631 = tpu.vector_load %arg19[%swap3A_629, %swap3A_630] {strides = array<i32>} : memref<64x128xf32, #tpu.memory_space<vmem>>, vector<16xf32>,
            tpu.vector_store %arg19[%swap3A_629, %swap3A_630], %add3A_628 {strides = array<i32>} : memref<64x128xf32, #tpu.memory_space<vmem>>, vector<16xf32>,
            %get3A_632 = arith.index_cast %add3A_519 : i32 to index
            %get3A_633 = arith.constant 112 : index
            %get3A_634 = tpu.vector_load %arg19[%get3A_632, %get3A_633] {strides = array<i32>} : memref<64x128xf32, #tpu.memory_space<vmem>>, vector<16xf32>,
            %mul3A_635 = arith.constant 2.000000e-01 : f32
            %mul3A_636 = vector.broadcast %mul3A_635 : f32 to vector<16xf32>
            %mul3A_637 = arith.mulf %mul3A_636, %get3A_634 : vector<16xf32>
            %get3A_638 = arith.index_cast %add3A_519 : i32 to index
            %get3A_639 = arith.constant 112 : index
            %get3A_640 = tpu.vector_load %arg20[%get3A_638, %get3A_639] {strides = array<i32>} : memref<64x128xf32, #tpu.memory_space<vmem>>, vector<16xf32>,
            %mul3A_641 = arith.constant 8.000000e-01 : f32
            %mul3A_642 = vector.broadcast %mul3A_641 : f32 to vector<16xf32>
            %mul3A_643 = arith.mulf %mul3A_642, %get3A_640 : vector<16xf32>
            %add3A_644 = arith.addf %mul3A_637, %mul3A_643 : vector<16xf32>
            %swap3A_645 = arith.index_cast %add3A_519 : i32 to index
            %swap3A_646 = arith.constant 112 : index
            %swap3A_647 = tpu.vector_load %arg19[%swap3A_645, %swap3A_646] {strides = array<i32>} : memref<64x128xf32, #tpu.memory_space<vmem>>, vector<16xf32>,
            tpu.vector_store %arg19[%swap3A_645, %swap3A_646], %add3A_644 {strides = array<i32>} : memref<64x128xf32, #tpu.memory_space<vmem>>, vector<16xf32>,
            %mul3A_648 = arith.constant 4 : i32
            %mul3A_649 = arith.muli %scan3A_251, %mul3A_648 : i32
            %add3A_650 = arith.constant 3 : i32
            %add3A_651 = arith.addi %mul3A_649, %add3A_650 : i32
            %get3A_652 = arith.index_cast %add3A_651 : i32 to index
            %get3A_653 = arith.constant 0 : index
            %get3A_654 = tpu.vector_load %arg19[%get3A_652, %get3A_653] {strides = array<i32>} : memref<64x128xf32, #tpu.memory_space<vmem>>, vector<16xf32>,
            %mul3A_655 = arith.constant 2.000000e-01 : f32
            %mul3A_656 = vector.broadcast %mul3A_655 : f32 to vector<16xf32>
            %mul3A_657 = arith.mulf %mul3A_656, %get3A_654 : vector<16xf32>
            %get3A_658 = arith.index_cast %add3A_651 : i32 to index
            %get3A_659 = arith.constant 0 : index
            %get3A_660 = tpu.vector_load %arg20[%get3A_658, %get3A_659] {strides = array<i32>} : memref<64x128xf32, #tpu.memory_space<vmem>>, vector<16xf32>,
            %mul3A_661 = arith.constant 8.000000e-01 : f32
            %mul3A_662 = vector.broadcast %mul3A_661 : f32 to vector<16xf32>
            %mul3A_663 = arith.mulf %mul3A_662, %get3A_660 : vector<16xf32>
            %add3A_664 = arith.addf %mul3A_657, %mul3A_663 : vector<16xf32>
            %swap3A_665 = arith.index_cast %add3A_651 : i32 to index
            %swap3A_666 = arith.constant 0 : index
            %swap3A_667 = tpu.vector_load %arg19[%swap3A_665, %swap3A_666] {strides = array<i32>} : memref<64x128xf32, #tpu.memory_space<vmem>>, vector<16xf32>,
            tpu.vector_store %arg19[%swap3A_665, %swap3A_666], %add3A_664 {strides = array<i32>} : memref<64x128xf32, #tpu.memory_space<vmem>>, vector<16xf32>,
            %get3A_668 = arith.index_cast %add3A_651 : i32 to index
            %get3A_669 = arith.constant 16 : index
            %get3A_670 = tpu.vector_load %arg19[%get3A_668, %get3A_669] {strides = array<i32>} : memref<64x128xf32, #tpu.memory_space<vmem>>, vector<16xf32>,
            %mul3A_671 = arith.constant 2.000000e-01 : f32
            %mul3A_672 = vector.broadcast %mul3A_671 : f32 to vector<16xf32>
            %mul3A_673 = arith.mulf %mul3A_672, %get3A_670 : vector<16xf32>
            %get3A_674 = arith.index_cast %add3A_651 : i32 to index
            %get3A_675 = arith.constant 16 : index
            %get3A_676 = tpu.vector_load %arg20[%get3A_674, %get3A_675] {strides = array<i32>} : memref<64x128xf32, #tpu.memory_space<vmem>>, vector<16xf32>,
            %mul3A_677 = arith.constant 8.000000e-01 : f32
            %mul3A_678 = vector.broadcast %mul3A_677 : f32 to vector<16xf32>
            %mul3A_679 = arith.mulf %mul3A_678, %get3A_676 : vector<16xf32>
            %add3A_680 = arith.addf %mul3A_673, %mul3A_679 : vector<16xf32>
            %swap3A_681 = arith.index_cast %add3A_651 : i32 to index
            %swap3A_682 = arith.constant 16 : index
            %swap3A_683 = tpu.vector_load %arg19[%swap3A_681, %swap3A_682] {strides = array<i32>} : memref<64x128xf32, #tpu.memory_space<vmem>>, vector<16xf32>,
            tpu.vector_store %arg19[%swap3A_681, %swap3A_682], %add3A_680 {strides = array<i32>} : memref<64x128xf32, #tpu.memory_space<vmem>>, vector<16xf32>,
            %get3A_684 = arith.index_cast %add3A_651 : i32 to index
            %get3A_685 = arith.constant 32 : index
            %get3A_686 = tpu.vector_load %arg19[%get3A_684, %get3A_685] {strides = array<i32>} : memref<64x128xf32, #tpu.memory_space<vmem>>, vector<16xf32>,
            %mul3A_687 = arith.constant 2.000000e-01 : f32
            %mul3A_688 = vector.broadcast %mul3A_687 : f32 to vector<16xf32>
            %mul3A_689 = arith.mulf %mul3A_688, %get3A_686 : vector<16xf32>
            %get3A_690 = arith.index_cast %add3A_651 : i32 to index
            %get3A_691 = arith.constant 32 : index
            %get3A_692 = tpu.vector_load %arg20[%get3A_690, %get3A_691] {strides = array<i32>} : memref<64x128xf32, #tpu.memory_space<vmem>>, vector<16xf32>,
            %mul3A_693 = arith.constant 8.000000e-01 : f32
            %mul3A_694 = vector.broadcast %mul3A_693 : f32 to vector<16xf32>
            %mul3A_695 = arith.mulf %mul3A_694, %get3A_692 : vector<16xf32>
            %add3A_696 = arith.addf %mul3A_689, %mul3A_695 : vector<16xf32>
            %swap3A_697 = arith.index_cast %add3A_651 : i32 to index
            %swap3A_698 = arith.constant 32 : index
            %swap3A_699 = tpu.vector_load %arg19[%swap3A_697, %swap3A_698] {strides = array<i32>} : memref<64x128xf32, #tpu.memory_space<vmem>>, vector<16xf32>,
            tpu.vector_store %arg19[%swap3A_697, %swap3A_698], %add3A_696 {strides = array<i32>} : memref<64x128xf32, #tpu.memory_space<vmem>>, vector<16xf32>,
            %get3A_700 = arith.index_cast %add3A_651 : i32 to index
            %get3A_701 = arith.constant 48 : index
            %get3A_702 = tpu.vector_load %arg19[%get3A_700, %get3A_701] {strides = array<i32>} : memref<64x128xf32, #tpu.memory_space<vmem>>, vector<16xf32>,
            %mul3A_703 = arith.constant 2.000000e-01 : f32
            %mul3A_704 = vector.broadcast %mul3A_703 : f32 to vector<16xf32>
            %mul3A_705 = arith.mulf %mul3A_704, %get3A_702 : vector<16xf32>
            %get3A_706 = arith.index_cast %add3A_651 : i32 to index
            %get3A_707 = arith.constant 48 : index
            %get3A_708 = tpu.vector_load %arg20[%get3A_706, %get3A_707] {strides = array<i32>} : memref<64x128xf32, #tpu.memory_space<vmem>>, vector<16xf32>,
            %mul3A_709 = arith.constant 8.000000e-01 : f32
            %mul3A_710 = vector.broadcast %mul3A_709 : f32 to vector<16xf32>
            %mul3A_711 = arith.mulf %mul3A_710, %get3A_708 : vector<16xf32>
            %add3A_712 = arith.addf %mul3A_705, %mul3A_711 : vector<16xf32>
            %swap3A_713 = arith.index_cast %add3A_651 : i32 to index
            %swap3A_714 = arith.constant 48 : index
            %swap3A_715 = tpu.vector_load %arg19[%swap3A_713, %swap3A_714] {strides = array<i32>} : memref<64x128xf32, #tpu.memory_space<vmem>>, vector<16xf32>,
            tpu.vector_store %arg19[%swap3A_713, %swap3A_714], %add3A_712 {strides = array<i32>} : memref<64x128xf32, #tpu.memory_space<vmem>>, vector<16xf32>,
            %get3A_716 = arith.index_cast %add3A_651 : i32 to index
            %get3A_717 = arith.constant 64 : index
            %get3A_718 = tpu.vector_load %arg19[%get3A_716, %get3A_717] {strides = array<i32>} : memref<64x128xf32, #tpu.memory_space<vmem>>, vector<16xf32>,
            %mul3A_719 = arith.constant 2.000000e-01 : f32
            %mul3A_720 = vector.broadcast %mul3A_719 : f32 to vector<16xf32>
            %mul3A_721 = arith.mulf %mul3A_720, %get3A_718 : vector<16xf32>
            %get3A_722 = arith.index_cast %add3A_651 : i32 to index
            %get3A_723 = arith.constant 64 : index
            %get3A_724 = tpu.vector_load %arg20[%get3A_722, %get3A_723] {strides = array<i32>} : memref<64x128xf32, #tpu.memory_space<vmem>>, vector<16xf32>,
            %mul3A_725 = arith.constant 8.000000e-01 : f32
            %mul3A_726 = vector.broadcast %mul3A_725 : f32 to vector<16xf32>
            %mul3A_727 = arith.mulf %mul3A_726, %get3A_724 : vector<16xf32>
            %add3A_728 = arith.addf %mul3A_721, %mul3A_727 : vector<16xf32>
            %swap3A_729 = arith.index_cast %add3A_651 : i32 to index
            %swap3A_730 = arith.constant 64 : index
            %swap3A_731 = tpu.vector_load %arg19[%swap3A_729, %swap3A_730] {strides = array<i32>} : memref<64x128xf32, #tpu.memory_space<vmem>>, vector<16xf32>,
            tpu.vector_store %arg19[%swap3A_729, %swap3A_730], %add3A_728 {strides = array<i32>} : memref<64x128xf32, #tpu.memory_space<vmem>>, vector<16xf32>,
            %get3A_732 = arith.index_cast %add3A_651 : i32 to index
            %get3A_733 = arith.constant 80 : index
            %get3A_734 = tpu.vector_load %arg19[%get3A_732, %get3A_733] {strides = array<i32>} : memref<64x128xf32, #tpu.memory_space<vmem>>, vector<16xf32>,
            %mul3A_735 = arith.constant 2.000000e-01 : f32
            %mul3A_736 = vector.broadcast %mul3A_735 : f32 to vector<16xf32>
            %mul3A_737 = arith.mulf %mul3A_736, %get3A_734 : vector<16xf32>
            %get3A_738 = arith.index_cast %add3A_651 : i32 to index
            %get3A_739 = arith.constant 80 : index
            %get3A_740 = tpu.vector_load %arg20[%get3A_738, %get3A_739] {strides = array<i32>} : memref<64x128xf32, #tpu.memory_space<vmem>>, vector<16xf32>,
            %mul3A_741 = arith.constant 8.000000e-01 : f32
            %mul3A_742 = vector.broadcast %mul3A_741 : f32 to vector<16xf32>
            %mul3A_743 = arith.mulf %mul3A_742, %get3A_740 : vector<16xf32>
            %add3A_744 = arith.addf %mul3A_737, %mul3A_743 : vector<16xf32>
            %swap3A_745 = arith.index_cast %add3A_651 : i32 to index
            %swap3A_746 = arith.constant 80 : index
            %swap3A_747 = tpu.vector_load %arg19[%swap3A_745, %swap3A_746] {strides = array<i32>} : memref<64x128xf32, #tpu.memory_space<vmem>>, vector<16xf32>,
            tpu.vector_store %arg19[%swap3A_745, %swap3A_746], %add3A_744 {strides = array<i32>} : memref<64x128xf32, #tpu.memory_space<vmem>>, vector<16xf32>,
            %get3A_748 = arith.index_cast %add3A_651 : i32 to index
            %get3A_749 = arith.constant 96 : index
            %get3A_750 = tpu.vector_load %arg19[%get3A_748, %get3A_749] {strides = array<i32>} : memref<64x128xf32, #tpu.memory_space<vmem>>, vector<16xf32>,
            %mul3A_751 = arith.constant 2.000000e-01 : f32
            %mul3A_752 = vector.broadcast %mul3A_751 : f32 to vector<16xf32>
            %mul3A_753 = arith.mulf %mul3A_752, %get3A_750 : vector<16xf32>
            %get3A_754 = arith.index_cast %add3A_651 : i32 to index
            %get3A_755 = arith.constant 96 : index
            %get3A_756 = tpu.vector_load %arg20[%get3A_754, %get3A_755] {strides = array<i32>} : memref<64x128xf32, #tpu.memory_space<vmem>>, vector<16xf32>,
            %mul3A_757 = arith.constant 8.000000e-01 : f32
            %mul3A_758 = vector.broadcast %mul3A_757 : f32 to vector<16xf32>
            %mul3A_759 = arith.mulf %mul3A_758, %get3A_756 : vector<16xf32>
            %add3A_760 = arith.addf %mul3A_753, %mul3A_759 : vector<16xf32>
            %swap3A_761 = arith.index_cast %add3A_651 : i32 to index
            %swap3A_762 = arith.constant 96 : index
            %swap3A_763 = tpu.vector_load %arg19[%swap3A_761, %swap3A_762] {strides = array<i32>} : memref<64x128xf32, #tpu.memory_space<vmem>>, vector<16xf32>,
            tpu.vector_store %arg19[%swap3A_761, %swap3A_762], %add3A_760 {strides = array<i32>} : memref<64x128xf32, #tpu.memory_space<vmem>>, vector<16xf32>,
            %get3A_764 = arith.index_cast %add3A_651 : i32 to index
            %get3A_765 = arith.constant 112 : index
            %get3A_766 = tpu.vector_load %arg19[%get3A_764, %get3A_765] {strides = array<i32>} : memref<64x128xf32, #tpu.memory_space<vmem>>, vector<16xf32>,
            %mul3A_767 = arith.constant 2.000000e-01 : f32
            %mul3A_768 = vector.broadcast %mul3A_767 : f32 to vector<16xf32>
            %mul3A_769 = arith.mulf %mul3A_768, %get3A_766 : vector<16xf32>
            %get3A_770 = arith.index_cast %add3A_651 : i32 to index
            %get3A_771 = arith.constant 112 : index
            %get3A_772 = tpu.vector_load %arg20[%get3A_770, %get3A_771] {strides = array<i32>} : memref<64x128xf32, #tpu.memory_space<vmem>>, vector<16xf32>,
            %mul3A_773 = arith.constant 8.000000e-01 : f32
            %mul3A_774 = vector.broadcast %mul3A_773 : f32 to vector<16xf32>
            %mul3A_775 = arith.mulf %mul3A_774, %get3A_772 : vector<16xf32>
            %add3A_776 = arith.addf %mul3A_769, %mul3A_775 : vector<16xf32>
            %swap3A_777 = arith.index_cast %add3A_651 : i32 to index
            %swap3A_778 = arith.constant 112 : index
            %swap3A_779 = tpu.vector_load %arg19[%swap3A_777, %swap3A_778] {strides = array<i32>} : memref<64x128xf32, #tpu.memory_space<vmem>>, vector<16xf32>,
            tpu.vector_store %arg19[%swap3A_777, %swap3A_778], %add3A_776 {strides = array<i32>} : memref<64x128xf32, #tpu.memory_space<vmem>>, vector<16xf32>,
          }
          %scan3A_247 = arith.constant 16 : i32
          %dma_start3A_248 = arith.constant 0 : i32
          %dma_start3A_249 = arith.constant 0 : i32
          %dma_start3A_250 = tpu.memref_slice %arg2[%dma_start3A_248, %dma_start3A_249] : memref<100000x128xf32, #tpu.memory_space<hbm>> -> memref<100000x128xf32, #tpu.memory_space<hbm>>
          tpu.enqueue_indirect_dma source(%arg19 : memref<64x128xf32, #tpu.memory_space<vmem>>) target(%dma_start3A_250 : memref<100000x128xf32, #tpu.memory_space<hbm>>) offsets(%arg17 : memref<64xi32, #tpu.memory_space<vmem>>) semaphore(%arg23 : memref<!tpu.dma_semaphore, #tpu.memory_space<semaphore_mem>>)
        } else {
        }
        %jit3A_210 = arith.constant 3 : i32
        %eq3A_211 = arith.constant 0 : i32
        %eq3A_212 = arith.cmpi eq, %jit3A_210, %eq3A_211 : i32
        %jit3A_213 = arith.constant 1 : i32
        %select_n3A_214 = arith.select %eq3A_212, %jit3A_213, %jit3A_210 : i32
        %rem3A_215 = arith.remsi %while3A_171, %select_n3A_214 : i32
        %ne3A_216 = arith.constant 0 : i32
        %ne3A_217 = arith.cmpi ne, %rem3A_215, %ne3A_216 : i32
        %lt3A_218 = arith.constant 0 : i32
        %lt3A_219 = arith.cmpi slt, %rem3A_215, %lt3A_218 : i32
        %lt3A_220 = arith.constant 0 : i32
        %lt3A_221 = arith.cmpi slt, %select_n3A_214, %lt3A_220 : i32
        %ne3A_222 = arith.xori %lt3A_219, %lt3A_221 : i1
        %and3A_223 = arith.andi %ne3A_222, %ne3A_217 : i1
        %add3A_224 = arith.addi %rem3A_215, %select_n3A_214 : i32
        %select_n3A_225 = arith.select %and3A_223, %add3A_224, %rem3A_215 : i32
        %eq3A_226 = arith.constant 2 : i32
        %eq3A_227 = arith.cmpi eq, %select_n3A_225, %eq3A_226 : i32
        %convert_element_type3A_228 = arith.extui %eq3A_227 : i1 to i32
        %cond3A_229 = arith.constant 0 : i32
        %cond3A_230 = arith.cmpi ne, %convert_element_type3A_228, %cond3A_229 : i32
        scf.if %cond3A_230 {
          %add3A_231 = arith.constant 2 : i32
          %add3A_232 = arith.addi %while3A_171, %add3A_231 : i32
          %lt3A_233 = arith.cmpi slt, %add3A_232, %div3A_104 : i32
          %convert_element_type3A_234 = arith.extui %lt3A_233 : i1 to i32
          %cond3A_235 = arith.constant 0 : i32
          %cond3A_236 = arith.cmpi ne, %convert_element_type3A_234, %cond3A_235 : i32
          scf.if %cond3A_236 {
            %ge3A_251 = arith.constant 1 : i32
            %ge3A_252 = arith.cmpi sge, %while3A_171, %ge3A_251 : i32
            %convert_element_type3A_253 = arith.extui %ge3A_252 : i1 to i32
            %cond3A_254 = arith.constant 0 : i32
            %cond3A_255 = arith.cmpi ne, %convert_element_type3A_253, %cond3A_254 : i32
            scf.if %cond3A_255 {
              %dma_wait3A_328 = arith.constant 0 : i32
              %dma_wait3A_329 = arith.constant 0 : i32
              %dma_wait3A_330 = tpu.memref_slice %arg2[%dma_wait3A_328, %dma_wait3A_329] : memref<100000x128xf32, #tpu.memory_space<hbm>> -> memref<100000x128xf32, #tpu.memory_space<hbm>>
              tpu.wait_indirect_dma semaphore(%arg23 : memref<!tpu.dma_semaphore, #tpu.memory_space<semaphore_mem>>) src(%arg19 : memref<64x128xf32, #tpu.memory_space<vmem>>) dst(%dma_wait3A_330 : memref<100000x128xf32, #tpu.memory_space<hbm>>)
            } else {
            }
            %add3A_256 = arith.constant 2 : i32
            %add3A_257 = arith.addi %while3A_171, %add3A_256 : i32
            %mul3A_258 = arith.constant 64 : i32
            %mul3A_259 = arith.muli %add3A_257, %mul3A_258 : i32
            %add3A_260 = arith.constant 0 : i32
            %add3A_261 = arith.addi %mul3A_259, %add3A_260 : i32
            %get3A_262 = arith.index_cast %add3A_261 : i32 to index
            %get3A_263 = tpu.vector_load %arg7[%get3A_262] {strides = array<i32>} : memref<16464xi32, #tpu.memory_space<vmem>>, vector<16xi32>,
            %swap3A_264 = arith.constant 0 : index
            %swap3A_265 = tpu.vector_load %arg17[%swap3A_264] {strides = array<i32>} : memref<64xi32, #tpu.memory_space<vmem>>, vector<16xi32>,
            tpu.vector_store %arg17[%swap3A_264], %get3A_263 {strides = array<i32>} : memref<64xi32, #tpu.memory_space<vmem>>, vector<16xi32>,
            %mul3A_266 = arith.constant 64 : i32
            %mul3A_267 = arith.muli %add3A_257, %mul3A_266 : i32
            %add3A_268 = arith.constant 0 : i32
            %add3A_269 = arith.addi %mul3A_267, %add3A_268 : i32
            %get3A_270 = arith.index_cast %add3A_269 : i32 to index
            %get3A_271 = tpu.vector_load %arg8[%get3A_270] {strides = array<i32>} : memref<16464xi32, #tpu.memory_space<vmem>>, vector<16xi32>,
            %swap3A_272 = arith.constant 0 : index
            %swap3A_273 = tpu.vector_load %arg18[%swap3A_272] {strides = array<i32>} : memref<64xi32, #tpu.memory_space<vmem>>, vector<16xi32>,
            tpu.vector_store %arg18[%swap3A_272], %get3A_271 {strides = array<i32>} : memref<64xi32, #tpu.memory_space<vmem>>, vector<16xi32>,
            %mul3A_274 = arith.constant 64 : i32
            %mul3A_275 = arith.muli %add3A_257, %mul3A_274 : i32
            %add3A_276 = arith.constant 16 : i32
            %add3A_277 = arith.addi %mul3A_275, %add3A_276 : i32
            %get3A_278 = arith.index_cast %add3A_277 : i32 to index
            %get3A_279 = tpu.vector_load %arg7[%get3A_278] {strides = array<i32>} : memref<16464xi32, #tpu.memory_space<vmem>>, vector<16xi32>,
            %swap3A_280 = arith.constant 16 : index
            %swap3A_281 = tpu.vector_load %arg17[%swap3A_280] {strides = array<i32>} : memref<64xi32, #tpu.memory_space<vmem>>, vector<16xi32>,
            tpu.vector_store %arg17[%swap3A_280], %get3A_279 {strides = array<i32>} : memref<64xi32, #tpu.memory_space<vmem>>, vector<16xi32>,
            %mul3A_282 = arith.constant 64 : i32
            %mul3A_283 = arith.muli %add3A_257, %mul3A_282 : i32
            %add3A_284 = arith.constant 16 : i32
            %add3A_285 = arith.addi %mul3A_283, %add3A_284 : i32
            %get3A_286 = arith.index_cast %add3A_285 : i32 to index
            %get3A_287 = tpu.vector_load %arg8[%get3A_286] {strides = array<i32>} : memref<16464xi32, #tpu.memory_space<vmem>>, vector<16xi32>,
            %swap3A_288 = arith.constant 16 : index
            %swap3A_289 = tpu.vector_load %arg18[%swap3A_288] {strides = array<i32>} : memref<64xi32, #tpu.memory_space<vmem>>, vector<16xi32>,
            tpu.vector_store %arg18[%swap3A_288], %get3A_287 {strides = array<i32>} : memref<64xi32, #tpu.memory_space<vmem>>, vector<16xi32>,
            %mul3A_290 = arith.constant 64 : i32
            %mul3A_291 = arith.muli %add3A_257, %mul3A_290 : i32
            %add3A_292 = arith.constant 32 : i32
            %add3A_293 = arith.addi %mul3A_291, %add3A_292 : i32
            %get3A_294 = arith.index_cast %add3A_293 : i32 to index
            %get3A_295 = tpu.vector_load %arg7[%get3A_294] {strides = array<i32>} : memref<16464xi32, #tpu.memory_space<vmem>>, vector<16xi32>,
            %swap3A_296 = arith.constant 32 : index
            %swap3A_297 = tpu.vector_load %arg17[%swap3A_296] {strides = array<i32>} : memref<64xi32, #tpu.memory_space<vmem>>, vector<16xi32>,
            tpu.vector_store %arg17[%swap3A_296], %get3A_295 {strides = array<i32>} : memref<64xi32, #tpu.memory_space<vmem>>, vector<16xi32>,
            %mul3A_298 = arith.constant 64 : i32
            %mul3A_299 = arith.muli %add3A_257, %mul3A_298 : i32
            %add3A_300 = arith.constant 32 : i32
            %add3A_301 = arith.addi %mul3A_299, %add3A_300 : i32
            %get3A_302 = arith.index_cast %add3A_301 : i32 to index
            %get3A_303 = tpu.vector_load %arg8[%get3A_302] {strides = array<i32>} : memref<16464xi32, #tpu.memory_space<vmem>>, vector<16xi32>,
            %swap3A_304 = arith.constant 32 : index
            %swap3A_305 = tpu.vector_load %arg18[%swap3A_304] {strides = array<i32>} : memref<64xi32, #tpu.memory_space<vmem>>, vector<16xi32>,
            tpu.vector_store %arg18[%swap3A_304], %get3A_303 {strides = array<i32>} : memref<64xi32, #tpu.memory_space<vmem>>, vector<16xi32>,
            %mul3A_306 = arith.constant 64 : i32
            %mul3A_307 = arith.muli %add3A_257, %mul3A_306 : i32
            %add3A_308 = arith.constant 48 : i32
            %add3A_309 = arith.addi %mul3A_307, %add3A_308 : i32
            %get3A_310 = arith.index_cast %add3A_309 : i32 to index
            %get3A_311 = tpu.vector_load %arg7[%get3A_310] {strides = array<i32>} : memref<16464xi32, #tpu.memory_space<vmem>>, vector<16xi32>,
            %swap3A_312 = arith.constant 48 : index
            %swap3A_313 = tpu.vector_load %arg17[%swap3A_312] {strides = array<i32>} : memref<64xi32, #tpu.memory_space<vmem>>, vector<16xi32>,
            tpu.vector_store %arg17[%swap3A_312], %get3A_311 {strides = array<i32>} : memref<64xi32, #tpu.memory_space<vmem>>, vector<16xi32>,
            %mul3A_314 = arith.constant 64 : i32
            %mul3A_315 = arith.muli %add3A_257, %mul3A_314 : i32
            %add3A_316 = arith.constant 48 : i32
            %add3A_317 = arith.addi %mul3A_315, %add3A_316 : i32
            %get3A_318 = arith.index_cast %add3A_317 : i32 to index
            %get3A_319 = tpu.vector_load %arg8[%get3A_318] {strides = array<i32>} : memref<16464xi32, #tpu.memory_space<vmem>>, vector<16xi32>,
            %swap3A_320 = arith.constant 48 : index
            %swap3A_321 = tpu.vector_load %arg18[%swap3A_320] {strides = array<i32>} : memref<64xi32, #tpu.memory_space<vmem>>, vector<16xi32>,
            tpu.vector_store %arg18[%swap3A_320], %get3A_319 {strides = array<i32>} : memref<64xi32, #tpu.memory_space<vmem>>, vector<16xi32>,
            %dma_start3A_322 = arith.constant 0 : i32
            %dma_start3A_323 = arith.constant 0 : i32
            %dma_start3A_324 = tpu.memref_slice %arg2[%dma_start3A_322, %dma_start3A_323] : memref<100000x128xf32, #tpu.memory_space<hbm>> -> memref<100000x128xf32, #tpu.memory_space<hbm>>
            tpu.enqueue_indirect_dma source(%dma_start3A_324 : memref<100000x128xf32, #tpu.memory_space<hbm>>) target(%arg19 : memref<64x128xf32, #tpu.memory_space<vmem>>) offsets(%arg17 : memref<64xi32, #tpu.memory_space<vmem>>) semaphore(%arg21 : memref<!tpu.dma_semaphore, #tpu.memory_space<semaphore_mem>>)
            %dma_start3A_325 = arith.constant 0 : i32
            %dma_start3A_326 = arith.constant 0 : i32
            %dma_start3A_327 = tpu.memref_slice %arg4[%dma_start3A_325, %dma_start3A_326] : memref<16384x128xf32, #tpu.memory_space<hbm>> -> memref<16384x128xf32, #tpu.memory_space<hbm>>
            tpu.enqueue_indirect_dma source(%dma_start3A_327 : memref<16384x128xf32, #tpu.memory_space<hbm>>) target(%arg20 : memref<64x128xf32, #tpu.memory_space<vmem>>) offsets(%arg18 : memref<64xi32, #tpu.memory_space<vmem>>) semaphore(%arg22 : memref<!tpu.dma_semaphore, #tpu.memory_space<semaphore_mem>>)
          } else {
          }
          %dma_wait3A = arith.constant 0 : i32
          %dma_wait3A_237 = arith.constant 0 : i32
          %dma_wait3A_238 = tpu.memref_slice %arg2[%dma_wait3A, %dma_wait3A_237] : memref<100000x128xf32, #tpu.memory_space<hbm>> -> memref<100000x128xf32, #tpu.memory_space<hbm>>
          tpu.wait_indirect_dma semaphore(%arg28 : memref<!tpu.dma_semaphore, #tpu.memory_space<semaphore_mem>>) src(%dma_wait3A_238 : memref<100000x128xf32, #tpu.memory_space<hbm>>) dst(%arg26 : memref<64x128xf32, #tpu.memory_space<vmem>>)
          %dma_wait3A_239 = arith.constant 0 : i32
          %dma_wait3A_240 = arith.constant 0 : i32
          %dma_wait3A_241 = tpu.memref_slice %arg4[%dma_wait3A_239, %dma_wait3A_240] : memref<16384x128xf32, #tpu.memory_space<hbm>> -> memref<16384x128xf32, #tpu.memory_space<hbm>>
          tpu.wait_indirect_dma semaphore(%arg29 : memref<!tpu.dma_semaphore, #tpu.memory_space<semaphore_mem>>) src(%dma_wait3A_241 : memref<16384x128xf32, #tpu.memory_space<hbm>>) dst(%arg27 : memref<64x128xf32, #tpu.memory_space<vmem>>)
          %scan3A_242 = arith.constant 0 : i32
          %scan3A_243 = arith.constant 0 : i32
          %scan3A_244 = arith.constant 16 : i32
          %scan3A_245 = arith.addi %scan3A_243, %scan3A_244 : i32
          %scan3A_246 = arith.constant 1 : i32
          scf.for %scan3A_251 = %scan3A_243 to %scan3A_245 step %scan3A_246  : i32 {
            %mul3A_252 = arith.constant 4 : i32
            %mul3A_253 = arith.muli %scan3A_251, %mul3A_252 : i32
            %add3A_254 = arith.constant 0 : i32
            %add3A_255 = arith.addi %mul3A_253, %add3A_254 : i32
            %get3A_256 = arith.index_cast %add3A_255 : i32 to index
            %get3A_257 = arith.constant 0 : index
            %get3A_258 = tpu.vector_load %arg26[%get3A_256, %get3A_257] {strides = array<i32>} : memref<64x128xf32, #tpu.memory_space<vmem>>, vector<16xf32>,
            %mul3A_259 = arith.constant 2.000000e-01 : f32
            %mul3A_260 = vector.broadcast %mul3A_259 : f32 to vector<16xf32>
            %mul3A_261 = arith.mulf %mul3A_260, %get3A_258 : vector<16xf32>
            %get3A_262 = arith.index_cast %add3A_255 : i32 to index
            %get3A_263 = arith.constant 0 : index
            %get3A_264 = tpu.vector_load %arg27[%get3A_262, %get3A_263] {strides = array<i32>} : memref<64x128xf32, #tpu.memory_space<vmem>>, vector<16xf32>,
            %mul3A_265 = arith.constant 8.000000e-01 : f32
            %mul3A_266 = vector.broadcast %mul3A_265 : f32 to vector<16xf32>
            %mul3A_267 = arith.mulf %mul3A_266, %get3A_264 : vector<16xf32>
            %add3A_268 = arith.addf %mul3A_261, %mul3A_267 : vector<16xf32>
            %swap3A_269 = arith.index_cast %add3A_255 : i32 to index
            %swap3A_270 = arith.constant 0 : index
            %swap3A_271 = tpu.vector_load %arg26[%swap3A_269, %swap3A_270] {strides = array<i32>} : memref<64x128xf32, #tpu.memory_space<vmem>>, vector<16xf32>,
            tpu.vector_store %arg26[%swap3A_269, %swap3A_270], %add3A_268 {strides = array<i32>} : memref<64x128xf32, #tpu.memory_space<vmem>>, vector<16xf32>,
            %get3A_272 = arith.index_cast %add3A_255 : i32 to index
            %get3A_273 = arith.constant 16 : index
            %get3A_274 = tpu.vector_load %arg26[%get3A_272, %get3A_273] {strides = array<i32>} : memref<64x128xf32, #tpu.memory_space<vmem>>, vector<16xf32>,
            %mul3A_275 = arith.constant 2.000000e-01 : f32
            %mul3A_276 = vector.broadcast %mul3A_275 : f32 to vector<16xf32>
            %mul3A_277 = arith.mulf %mul3A_276, %get3A_274 : vector<16xf32>
            %get3A_278 = arith.index_cast %add3A_255 : i32 to index
            %get3A_279 = arith.constant 16 : index
            %get3A_280 = tpu.vector_load %arg27[%get3A_278, %get3A_279] {strides = array<i32>} : memref<64x128xf32, #tpu.memory_space<vmem>>, vector<16xf32>,
            %mul3A_281 = arith.constant 8.000000e-01 : f32
            %mul3A_282 = vector.broadcast %mul3A_281 : f32 to vector<16xf32>
            %mul3A_283 = arith.mulf %mul3A_282, %get3A_280 : vector<16xf32>
            %add3A_284 = arith.addf %mul3A_277, %mul3A_283 : vector<16xf32>
            %swap3A_285 = arith.index_cast %add3A_255 : i32 to index
            %swap3A_286 = arith.constant 16 : index
            %swap3A_287 = tpu.vector_load %arg26[%swap3A_285, %swap3A_286] {strides = array<i32>} : memref<64x128xf32, #tpu.memory_space<vmem>>, vector<16xf32>,
            tpu.vector_store %arg26[%swap3A_285, %swap3A_286], %add3A_284 {strides = array<i32>} : memref<64x128xf32, #tpu.memory_space<vmem>>, vector<16xf32>,
            %get3A_288 = arith.index_cast %add3A_255 : i32 to index
            %get3A_289 = arith.constant 32 : index
            %get3A_290 = tpu.vector_load %arg26[%get3A_288, %get3A_289] {strides = array<i32>} : memref<64x128xf32, #tpu.memory_space<vmem>>, vector<16xf32>,
            %mul3A_291 = arith.constant 2.000000e-01 : f32
            %mul3A_292 = vector.broadcast %mul3A_291 : f32 to vector<16xf32>
            %mul3A_293 = arith.mulf %mul3A_292, %get3A_290 : vector<16xf32>
            %get3A_294 = arith.index_cast %add3A_255 : i32 to index
            %get3A_295 = arith.constant 32 : index
            %get3A_296 = tpu.vector_load %arg27[%get3A_294, %get3A_295] {strides = array<i32>} : memref<64x128xf32, #tpu.memory_space<vmem>>, vector<16xf32>,
            %mul3A_297 = arith.constant 8.000000e-01 : f32
            %mul3A_298 = vector.broadcast %mul3A_297 : f32 to vector<16xf32>
            %mul3A_299 = arith.mulf %mul3A_298, %get3A_296 : vector<16xf32>
            %add3A_300 = arith.addf %mul3A_293, %mul3A_299 : vector<16xf32>
            %swap3A_301 = arith.index_cast %add3A_255 : i32 to index
            %swap3A_302 = arith.constant 32 : index
            %swap3A_303 = tpu.vector_load %arg26[%swap3A_301, %swap3A_302] {strides = array<i32>} : memref<64x128xf32, #tpu.memory_space<vmem>>, vector<16xf32>,
            tpu.vector_store %arg26[%swap3A_301, %swap3A_302], %add3A_300 {strides = array<i32>} : memref<64x128xf32, #tpu.memory_space<vmem>>, vector<16xf32>,
            %get3A_304 = arith.index_cast %add3A_255 : i32 to index
            %get3A_305 = arith.constant 48 : index
            %get3A_306 = tpu.vector_load %arg26[%get3A_304, %get3A_305] {strides = array<i32>} : memref<64x128xf32, #tpu.memory_space<vmem>>, vector<16xf32>,
            %mul3A_307 = arith.constant 2.000000e-01 : f32
            %mul3A_308 = vector.broadcast %mul3A_307 : f32 to vector<16xf32>
            %mul3A_309 = arith.mulf %mul3A_308, %get3A_306 : vector<16xf32>
            %get3A_310 = arith.index_cast %add3A_255 : i32 to index
            %get3A_311 = arith.constant 48 : index
            %get3A_312 = tpu.vector_load %arg27[%get3A_310, %get3A_311] {strides = array<i32>} : memref<64x128xf32, #tpu.memory_space<vmem>>, vector<16xf32>,
            %mul3A_313 = arith.constant 8.000000e-01 : f32
            %mul3A_314 = vector.broadcast %mul3A_313 : f32 to vector<16xf32>
            %mul3A_315 = arith.mulf %mul3A_314, %get3A_312 : vector<16xf32>
            %add3A_316 = arith.addf %mul3A_309, %mul3A_315 : vector<16xf32>
            %swap3A_317 = arith.index_cast %add3A_255 : i32 to index
            %swap3A_318 = arith.constant 48 : index
            %swap3A_319 = tpu.vector_load %arg26[%swap3A_317, %swap3A_318] {strides = array<i32>} : memref<64x128xf32, #tpu.memory_space<vmem>>, vector<16xf32>,
            tpu.vector_store %arg26[%swap3A_317, %swap3A_318], %add3A_316 {strides = array<i32>} : memref<64x128xf32, #tpu.memory_space<vmem>>, vector<16xf32>,
            %get3A_320 = arith.index_cast %add3A_255 : i32 to index
            %get3A_321 = arith.constant 64 : index
            %get3A_322 = tpu.vector_load %arg26[%get3A_320, %get3A_321] {strides = array<i32>} : memref<64x128xf32, #tpu.memory_space<vmem>>, vector<16xf32>,
            %mul3A_323 = arith.constant 2.000000e-01 : f32
            %mul3A_324 = vector.broadcast %mul3A_323 : f32 to vector<16xf32>
            %mul3A_325 = arith.mulf %mul3A_324, %get3A_322 : vector<16xf32>
            %get3A_326 = arith.index_cast %add3A_255 : i32 to index
            %get3A_327 = arith.constant 64 : index
            %get3A_328 = tpu.vector_load %arg27[%get3A_326, %get3A_327] {strides = array<i32>} : memref<64x128xf32, #tpu.memory_space<vmem>>, vector<16xf32>,
            %mul3A_329 = arith.constant 8.000000e-01 : f32
            %mul3A_330 = vector.broadcast %mul3A_329 : f32 to vector<16xf32>
            %mul3A_331 = arith.mulf %mul3A_330, %get3A_328 : vector<16xf32>
            %add3A_332 = arith.addf %mul3A_325, %mul3A_331 : vector<16xf32>
            %swap3A_333 = arith.index_cast %add3A_255 : i32 to index
            %swap3A_334 = arith.constant 64 : index
            %swap3A_335 = tpu.vector_load %arg26[%swap3A_333, %swap3A_334] {strides = array<i32>} : memref<64x128xf32, #tpu.memory_space<vmem>>, vector<16xf32>,
            tpu.vector_store %arg26[%swap3A_333, %swap3A_334], %add3A_332 {strides = array<i32>} : memref<64x128xf32, #tpu.memory_space<vmem>>, vector<16xf32>,
            %get3A_336 = arith.index_cast %add3A_255 : i32 to index
            %get3A_337 = arith.constant 80 : index
            %get3A_338 = tpu.vector_load %arg26[%get3A_336, %get3A_337] {strides = array<i32>} : memref<64x128xf32, #tpu.memory_space<vmem>>, vector<16xf32>,
            %mul3A_339 = arith.constant 2.000000e-01 : f32
            %mul3A_340 = vector.broadcast %mul3A_339 : f32 to vector<16xf32>
            %mul3A_341 = arith.mulf %mul3A_340, %get3A_338 : vector<16xf32>
            %get3A_342 = arith.index_cast %add3A_255 : i32 to index
            %get3A_343 = arith.constant 80 : index
            %get3A_344 = tpu.vector_load %arg27[%get3A_342, %get3A_343] {strides = array<i32>} : memref<64x128xf32, #tpu.memory_space<vmem>>, vector<16xf32>,
            %mul3A_345 = arith.constant 8.000000e-01 : f32
            %mul3A_346 = vector.broadcast %mul3A_345 : f32 to vector<16xf32>
            %mul3A_347 = arith.mulf %mul3A_346, %get3A_344 : vector<16xf32>
            %add3A_348 = arith.addf %mul3A_341, %mul3A_347 : vector<16xf32>
            %swap3A_349 = arith.index_cast %add3A_255 : i32 to index
            %swap3A_350 = arith.constant 80 : index
            %swap3A_351 = tpu.vector_load %arg26[%swap3A_349, %swap3A_350] {strides = array<i32>} : memref<64x128xf32, #tpu.memory_space<vmem>>, vector<16xf32>,
            tpu.vector_store %arg26[%swap3A_349, %swap3A_350], %add3A_348 {strides = array<i32>} : memref<64x128xf32, #tpu.memory_space<vmem>>, vector<16xf32>,
            %get3A_352 = arith.index_cast %add3A_255 : i32 to index
            %get3A_353 = arith.constant 96 : index
            %get3A_354 = tpu.vector_load %arg26[%get3A_352, %get3A_353] {strides = array<i32>} : memref<64x128xf32, #tpu.memory_space<vmem>>, vector<16xf32>,
            %mul3A_355 = arith.constant 2.000000e-01 : f32
            %mul3A_356 = vector.broadcast %mul3A_355 : f32 to vector<16xf32>
            %mul3A_357 = arith.mulf %mul3A_356, %get3A_354 : vector<16xf32>
            %get3A_358 = arith.index_cast %add3A_255 : i32 to index
            %get3A_359 = arith.constant 96 : index
            %get3A_360 = tpu.vector_load %arg27[%get3A_358, %get3A_359] {strides = array<i32>} : memref<64x128xf32, #tpu.memory_space<vmem>>, vector<16xf32>,
            %mul3A_361 = arith.constant 8.000000e-01 : f32
            %mul3A_362 = vector.broadcast %mul3A_361 : f32 to vector<16xf32>
            %mul3A_363 = arith.mulf %mul3A_362, %get3A_360 : vector<16xf32>
            %add3A_364 = arith.addf %mul3A_357, %mul3A_363 : vector<16xf32>
            %swap3A_365 = arith.index_cast %add3A_255 : i32 to index
            %swap3A_366 = arith.constant 96 : index
            %swap3A_367 = tpu.vector_load %arg26[%swap3A_365, %swap3A_366] {strides = array<i32>} : memref<64x128xf32, #tpu.memory_space<vmem>>, vector<16xf32>,
            tpu.vector_store %arg26[%swap3A_365, %swap3A_366], %add3A_364 {strides = array<i32>} : memref<64x128xf32, #tpu.memory_space<vmem>>, vector<16xf32>,
            %get3A_368 = arith.index_cast %add3A_255 : i32 to index
            %get3A_369 = arith.constant 112 : index
            %get3A_370 = tpu.vector_load %arg26[%get3A_368, %get3A_369] {strides = array<i32>} : memref<64x128xf32, #tpu.memory_space<vmem>>, vector<16xf32>,
            %mul3A_371 = arith.constant 2.000000e-01 : f32
            %mul3A_372 = vector.broadcast %mul3A_371 : f32 to vector<16xf32>
            %mul3A_373 = arith.mulf %mul3A_372, %get3A_370 : vector<16xf32>
            %get3A_374 = arith.index_cast %add3A_255 : i32 to index
            %get3A_375 = arith.constant 112 : index
            %get3A_376 = tpu.vector_load %arg27[%get3A_374, %get3A_375] {strides = array<i32>} : memref<64x128xf32, #tpu.memory_space<vmem>>, vector<16xf32>,
            %mul3A_377 = arith.constant 8.000000e-01 : f32
            %mul3A_378 = vector.broadcast %mul3A_377 : f32 to vector<16xf32>
            %mul3A_379 = arith.mulf %mul3A_378, %get3A_376 : vector<16xf32>
            %add3A_380 = arith.addf %mul3A_373, %mul3A_379 : vector<16xf32>
            %swap3A_381 = arith.index_cast %add3A_255 : i32 to index
            %swap3A_382 = arith.constant 112 : index
            %swap3A_383 = tpu.vector_load %arg26[%swap3A_381, %swap3A_382] {strides = array<i32>} : memref<64x128xf32, #tpu.memory_space<vmem>>, vector<16xf32>,
            tpu.vector_store %arg26[%swap3A_381, %swap3A_382], %add3A_380 {strides = array<i32>} : memref<64x128xf32, #tpu.memory_space<vmem>>, vector<16xf32>,
            %mul3A_384 = arith.constant 4 : i32
            %mul3A_385 = arith.muli %scan3A_251, %mul3A_384 : i32
            %add3A_386 = arith.constant 1 : i32
            %add3A_387 = arith.addi %mul3A_385, %add3A_386 : i32
            %get3A_388 = arith.index_cast %add3A_387 : i32 to index
            %get3A_389 = arith.constant 0 : index
            %get3A_390 = tpu.vector_load %arg26[%get3A_388, %get3A_389] {strides = array<i32>} : memref<64x128xf32, #tpu.memory_space<vmem>>, vector<16xf32>,
            %mul3A_391 = arith.constant 2.000000e-01 : f32
            %mul3A_392 = vector.broadcast %mul3A_391 : f32 to vector<16xf32>
            %mul3A_393 = arith.mulf %mul3A_392, %get3A_390 : vector<16xf32>
            %get3A_394 = arith.index_cast %add3A_387 : i32 to index
            %get3A_395 = arith.constant 0 : index
            %get3A_396 = tpu.vector_load %arg27[%get3A_394, %get3A_395] {strides = array<i32>} : memref<64x128xf32, #tpu.memory_space<vmem>>, vector<16xf32>,
            %mul3A_397 = arith.constant 8.000000e-01 : f32
            %mul3A_398 = vector.broadcast %mul3A_397 : f32 to vector<16xf32>
            %mul3A_399 = arith.mulf %mul3A_398, %get3A_396 : vector<16xf32>
            %add3A_400 = arith.addf %mul3A_393, %mul3A_399 : vector<16xf32>
            %swap3A_401 = arith.index_cast %add3A_387 : i32 to index
            %swap3A_402 = arith.constant 0 : index
            %swap3A_403 = tpu.vector_load %arg26[%swap3A_401, %swap3A_402] {strides = array<i32>} : memref<64x128xf32, #tpu.memory_space<vmem>>, vector<16xf32>,
            tpu.vector_store %arg26[%swap3A_401, %swap3A_402], %add3A_400 {strides = array<i32>} : memref<64x128xf32, #tpu.memory_space<vmem>>, vector<16xf32>,
            %get3A_404 = arith.index_cast %add3A_387 : i32 to index
            %get3A_405 = arith.constant 16 : index
            %get3A_406 = tpu.vector_load %arg26[%get3A_404, %get3A_405] {strides = array<i32>} : memref<64x128xf32, #tpu.memory_space<vmem>>, vector<16xf32>,
            %mul3A_407 = arith.constant 2.000000e-01 : f32
            %mul3A_408 = vector.broadcast %mul3A_407 : f32 to vector<16xf32>
            %mul3A_409 = arith.mulf %mul3A_408, %get3A_406 : vector<16xf32>
            %get3A_410 = arith.index_cast %add3A_387 : i32 to index
            %get3A_411 = arith.constant 16 : index
            %get3A_412 = tpu.vector_load %arg27[%get3A_410, %get3A_411] {strides = array<i32>} : memref<64x128xf32, #tpu.memory_space<vmem>>, vector<16xf32>,
            %mul3A_413 = arith.constant 8.000000e-01 : f32
            %mul3A_414 = vector.broadcast %mul3A_413 : f32 to vector<16xf32>
            %mul3A_415 = arith.mulf %mul3A_414, %get3A_412 : vector<16xf32>
            %add3A_416 = arith.addf %mul3A_409, %mul3A_415 : vector<16xf32>
            %swap3A_417 = arith.index_cast %add3A_387 : i32 to index
            %swap3A_418 = arith.constant 16 : index
            %swap3A_419 = tpu.vector_load %arg26[%swap3A_417, %swap3A_418] {strides = array<i32>} : memref<64x128xf32, #tpu.memory_space<vmem>>, vector<16xf32>,
            tpu.vector_store %arg26[%swap3A_417, %swap3A_418], %add3A_416 {strides = array<i32>} : memref<64x128xf32, #tpu.memory_space<vmem>>, vector<16xf32>,
            %get3A_420 = arith.index_cast %add3A_387 : i32 to index
            %get3A_421 = arith.constant 32 : index
            %get3A_422 = tpu.vector_load %arg26[%get3A_420, %get3A_421] {strides = array<i32>} : memref<64x128xf32, #tpu.memory_space<vmem>>, vector<16xf32>,
            %mul3A_423 = arith.constant 2.000000e-01 : f32
            %mul3A_424 = vector.broadcast %mul3A_423 : f32 to vector<16xf32>
            %mul3A_425 = arith.mulf %mul3A_424, %get3A_422 : vector<16xf32>
            %get3A_426 = arith.index_cast %add3A_387 : i32 to index
            %get3A_427 = arith.constant 32 : index
            %get3A_428 = tpu.vector_load %arg27[%get3A_426, %get3A_427] {strides = array<i32>} : memref<64x128xf32, #tpu.memory_space<vmem>>, vector<16xf32>,
            %mul3A_429 = arith.constant 8.000000e-01 : f32
            %mul3A_430 = vector.broadcast %mul3A_429 : f32 to vector<16xf32>
            %mul3A_431 = arith.mulf %mul3A_430, %get3A_428 : vector<16xf32>
            %add3A_432 = arith.addf %mul3A_425, %mul3A_431 : vector<16xf32>
            %swap3A_433 = arith.index_cast %add3A_387 : i32 to index
            %swap3A_434 = arith.constant 32 : index
            %swap3A_435 = tpu.vector_load %arg26[%swap3A_433, %swap3A_434] {strides = array<i32>} : memref<64x128xf32, #tpu.memory_space<vmem>>, vector<16xf32>,
            tpu.vector_store %arg26[%swap3A_433, %swap3A_434], %add3A_432 {strides = array<i32>} : memref<64x128xf32, #tpu.memory_space<vmem>>, vector<16xf32>,
            %get3A_436 = arith.index_cast %add3A_387 : i32 to index
            %get3A_437 = arith.constant 48 : index
            %get3A_438 = tpu.vector_load %arg26[%get3A_436, %get3A_437] {strides = array<i32>} : memref<64x128xf32, #tpu.memory_space<vmem>>, vector<16xf32>,
            %mul3A_439 = arith.constant 2.000000e-01 : f32
            %mul3A_440 = vector.broadcast %mul3A_439 : f32 to vector<16xf32>
            %mul3A_441 = arith.mulf %mul3A_440, %get3A_438 : vector<16xf32>
            %get3A_442 = arith.index_cast %add3A_387 : i32 to index
            %get3A_443 = arith.constant 48 : index
            %get3A_444 = tpu.vector_load %arg27[%get3A_442, %get3A_443] {strides = array<i32>} : memref<64x128xf32, #tpu.memory_space<vmem>>, vector<16xf32>,
            %mul3A_445 = arith.constant 8.000000e-01 : f32
            %mul3A_446 = vector.broadcast %mul3A_445 : f32 to vector<16xf32>
            %mul3A_447 = arith.mulf %mul3A_446, %get3A_444 : vector<16xf32>
            %add3A_448 = arith.addf %mul3A_441, %mul3A_447 : vector<16xf32>
            %swap3A_449 = arith.index_cast %add3A_387 : i32 to index
            %swap3A_450 = arith.constant 48 : index
            %swap3A_451 = tpu.vector_load %arg26[%swap3A_449, %swap3A_450] {strides = array<i32>} : memref<64x128xf32, #tpu.memory_space<vmem>>, vector<16xf32>,
            tpu.vector_store %arg26[%swap3A_449, %swap3A_450], %add3A_448 {strides = array<i32>} : memref<64x128xf32, #tpu.memory_space<vmem>>, vector<16xf32>,
            %get3A_452 = arith.index_cast %add3A_387 : i32 to index
            %get3A_453 = arith.constant 64 : index
            %get3A_454 = tpu.vector_load %arg26[%get3A_452, %get3A_453] {strides = array<i32>} : memref<64x128xf32, #tpu.memory_space<vmem>>, vector<16xf32>,
            %mul3A_455 = arith.constant 2.000000e-01 : f32
            %mul3A_456 = vector.broadcast %mul3A_455 : f32 to vector<16xf32>
            %mul3A_457 = arith.mulf %mul3A_456, %get3A_454 : vector<16xf32>
            %get3A_458 = arith.index_cast %add3A_387 : i32 to index
            %get3A_459 = arith.constant 64 : index
            %get3A_460 = tpu.vector_load %arg27[%get3A_458, %get3A_459] {strides = array<i32>} : memref<64x128xf32, #tpu.memory_space<vmem>>, vector<16xf32>,
            %mul3A_461 = arith.constant 8.000000e-01 : f32
            %mul3A_462 = vector.broadcast %mul3A_461 : f32 to vector<16xf32>
            %mul3A_463 = arith.mulf %mul3A_462, %get3A_460 : vector<16xf32>
            %add3A_464 = arith.addf %mul3A_457, %mul3A_463 : vector<16xf32>
            %swap3A_465 = arith.index_cast %add3A_387 : i32 to index
            %swap3A_466 = arith.constant 64 : index
            %swap3A_467 = tpu.vector_load %arg26[%swap3A_465, %swap3A_466] {strides = array<i32>} : memref<64x128xf32, #tpu.memory_space<vmem>>, vector<16xf32>,
            tpu.vector_store %arg26[%swap3A_465, %swap3A_466], %add3A_464 {strides = array<i32>} : memref<64x128xf32, #tpu.memory_space<vmem>>, vector<16xf32>,
            %get3A_468 = arith.index_cast %add3A_387 : i32 to index
            %get3A_469 = arith.constant 80 : index
            %get3A_470 = tpu.vector_load %arg26[%get3A_468, %get3A_469] {strides = array<i32>} : memref<64x128xf32, #tpu.memory_space<vmem>>, vector<16xf32>,
            %mul3A_471 = arith.constant 2.000000e-01 : f32
            %mul3A_472 = vector.broadcast %mul3A_471 : f32 to vector<16xf32>
            %mul3A_473 = arith.mulf %mul3A_472, %get3A_470 : vector<16xf32>
            %get3A_474 = arith.index_cast %add3A_387 : i32 to index
            %get3A_475 = arith.constant 80 : index
            %get3A_476 = tpu.vector_load %arg27[%get3A_474, %get3A_475] {strides = array<i32>} : memref<64x128xf32, #tpu.memory_space<vmem>>, vector<16xf32>,
            %mul3A_477 = arith.constant 8.000000e-01 : f32
            %mul3A_478 = vector.broadcast %mul3A_477 : f32 to vector<16xf32>
            %mul3A_479 = arith.mulf %mul3A_478, %get3A_476 : vector<16xf32>
            %add3A_480 = arith.addf %mul3A_473, %mul3A_479 : vector<16xf32>
            %swap3A_481 = arith.index_cast %add3A_387 : i32 to index
            %swap3A_482 = arith.constant 80 : index
            %swap3A_483 = tpu.vector_load %arg26[%swap3A_481, %swap3A_482] {strides = array<i32>} : memref<64x128xf32, #tpu.memory_space<vmem>>, vector<16xf32>,
            tpu.vector_store %arg26[%swap3A_481, %swap3A_482], %add3A_480 {strides = array<i32>} : memref<64x128xf32, #tpu.memory_space<vmem>>, vector<16xf32>,
            %get3A_484 = arith.index_cast %add3A_387 : i32 to index
            %get3A_485 = arith.constant 96 : index
            %get3A_486 = tpu.vector_load %arg26[%get3A_484, %get3A_485] {strides = array<i32>} : memref<64x128xf32, #tpu.memory_space<vmem>>, vector<16xf32>,
            %mul3A_487 = arith.constant 2.000000e-01 : f32
            %mul3A_488 = vector.broadcast %mul3A_487 : f32 to vector<16xf32>
            %mul3A_489 = arith.mulf %mul3A_488, %get3A_486 : vector<16xf32>
            %get3A_490 = arith.index_cast %add3A_387 : i32 to index
            %get3A_491 = arith.constant 96 : index
            %get3A_492 = tpu.vector_load %arg27[%get3A_490, %get3A_491] {strides = array<i32>} : memref<64x128xf32, #tpu.memory_space<vmem>>, vector<16xf32>,
            %mul3A_493 = arith.constant 8.000000e-01 : f32
            %mul3A_494 = vector.broadcast %mul3A_493 : f32 to vector<16xf32>
            %mul3A_495 = arith.mulf %mul3A_494, %get3A_492 : vector<16xf32>
            %add3A_496 = arith.addf %mul3A_489, %mul3A_495 : vector<16xf32>
            %swap3A_497 = arith.index_cast %add3A_387 : i32 to index
            %swap3A_498 = arith.constant 96 : index
            %swap3A_499 = tpu.vector_load %arg26[%swap3A_497, %swap3A_498] {strides = array<i32>} : memref<64x128xf32, #tpu.memory_space<vmem>>, vector<16xf32>,
            tpu.vector_store %arg26[%swap3A_497, %swap3A_498], %add3A_496 {strides = array<i32>} : memref<64x128xf32, #tpu.memory_space<vmem>>, vector<16xf32>,
            %get3A_500 = arith.index_cast %add3A_387 : i32 to index
            %get3A_501 = arith.constant 112 : index
            %get3A_502 = tpu.vector_load %arg26[%get3A_500, %get3A_501] {strides = array<i32>} : memref<64x128xf32, #tpu.memory_space<vmem>>, vector<16xf32>,
            %mul3A_503 = arith.constant 2.000000e-01 : f32
            %mul3A_504 = vector.broadcast %mul3A_503 : f32 to vector<16xf32>
            %mul3A_505 = arith.mulf %mul3A_504, %get3A_502 : vector<16xf32>
            %get3A_506 = arith.index_cast %add3A_387 : i32 to index
            %get3A_507 = arith.constant 112 : index
            %get3A_508 = tpu.vector_load %arg27[%get3A_506, %get3A_507] {strides = array<i32>} : memref<64x128xf32, #tpu.memory_space<vmem>>, vector<16xf32>,
            %mul3A_509 = arith.constant 8.000000e-01 : f32
            %mul3A_510 = vector.broadcast %mul3A_509 : f32 to vector<16xf32>
            %mul3A_511 = arith.mulf %mul3A_510, %get3A_508 : vector<16xf32>
            %add3A_512 = arith.addf %mul3A_505, %mul3A_511 : vector<16xf32>
            %swap3A_513 = arith.index_cast %add3A_387 : i32 to index
            %swap3A_514 = arith.constant 112 : index
            %swap3A_515 = tpu.vector_load %arg26[%swap3A_513, %swap3A_514] {strides = array<i32>} : memref<64x128xf32, #tpu.memory_space<vmem>>, vector<16xf32>,
            tpu.vector_store %arg26[%swap3A_513, %swap3A_514], %add3A_512 {strides = array<i32>} : memref<64x128xf32, #tpu.memory_space<vmem>>, vector<16xf32>,
            %mul3A_516 = arith.constant 4 : i32
            %mul3A_517 = arith.muli %scan3A_251, %mul3A_516 : i32
            %add3A_518 = arith.constant 2 : i32
            %add3A_519 = arith.addi %mul3A_517, %add3A_518 : i32
            %get3A_520 = arith.index_cast %add3A_519 : i32 to index
            %get3A_521 = arith.constant 0 : index
            %get3A_522 = tpu.vector_load %arg26[%get3A_520, %get3A_521] {strides = array<i32>} : memref<64x128xf32, #tpu.memory_space<vmem>>, vector<16xf32>,
            %mul3A_523 = arith.constant 2.000000e-01 : f32
            %mul3A_524 = vector.broadcast %mul3A_523 : f32 to vector<16xf32>
            %mul3A_525 = arith.mulf %mul3A_524, %get3A_522 : vector<16xf32>
            %get3A_526 = arith.index_cast %add3A_519 : i32 to index
            %get3A_527 = arith.constant 0 : index
            %get3A_528 = tpu.vector_load %arg27[%get3A_526, %get3A_527] {strides = array<i32>} : memref<64x128xf32, #tpu.memory_space<vmem>>, vector<16xf32>,
            %mul3A_529 = arith.constant 8.000000e-01 : f32
            %mul3A_530 = vector.broadcast %mul3A_529 : f32 to vector<16xf32>
            %mul3A_531 = arith.mulf %mul3A_530, %get3A_528 : vector<16xf32>
            %add3A_532 = arith.addf %mul3A_525, %mul3A_531 : vector<16xf32>
            %swap3A_533 = arith.index_cast %add3A_519 : i32 to index
            %swap3A_534 = arith.constant 0 : index
            %swap3A_535 = tpu.vector_load %arg26[%swap3A_533, %swap3A_534] {strides = array<i32>} : memref<64x128xf32, #tpu.memory_space<vmem>>, vector<16xf32>,
            tpu.vector_store %arg26[%swap3A_533, %swap3A_534], %add3A_532 {strides = array<i32>} : memref<64x128xf32, #tpu.memory_space<vmem>>, vector<16xf32>,
            %get3A_536 = arith.index_cast %add3A_519 : i32 to index
            %get3A_537 = arith.constant 16 : index
            %get3A_538 = tpu.vector_load %arg26[%get3A_536, %get3A_537] {strides = array<i32>} : memref<64x128xf32, #tpu.memory_space<vmem>>, vector<16xf32>,
            %mul3A_539 = arith.constant 2.000000e-01 : f32
            %mul3A_540 = vector.broadcast %mul3A_539 : f32 to vector<16xf32>
            %mul3A_541 = arith.mulf %mul3A_540, %get3A_538 : vector<16xf32>
            %get3A_542 = arith.index_cast %add3A_519 : i32 to index
            %get3A_543 = arith.constant 16 : index
            %get3A_544 = tpu.vector_load %arg27[%get3A_542, %get3A_543] {strides = array<i32>} : memref<64x128xf32, #tpu.memory_space<vmem>>, vector<16xf32>,
            %mul3A_545 = arith.constant 8.000000e-01 : f32
            %mul3A_546 = vector.broadcast %mul3A_545 : f32 to vector<16xf32>
            %mul3A_547 = arith.mulf %mul3A_546, %get3A_544 : vector<16xf32>
            %add3A_548 = arith.addf %mul3A_541, %mul3A_547 : vector<16xf32>
            %swap3A_549 = arith.index_cast %add3A_519 : i32 to index
            %swap3A_550 = arith.constant 16 : index
            %swap3A_551 = tpu.vector_load %arg26[%swap3A_549, %swap3A_550] {strides = array<i32>} : memref<64x128xf32, #tpu.memory_space<vmem>>, vector<16xf32>,
            tpu.vector_store %arg26[%swap3A_549, %swap3A_550], %add3A_548 {strides = array<i32>} : memref<64x128xf32, #tpu.memory_space<vmem>>, vector<16xf32>,
            %get3A_552 = arith.index_cast %add3A_519 : i32 to index
            %get3A_553 = arith.constant 32 : index
            %get3A_554 = tpu.vector_load %arg26[%get3A_552, %get3A_553] {strides = array<i32>} : memref<64x128xf32, #tpu.memory_space<vmem>>, vector<16xf32>,
            %mul3A_555 = arith.constant 2.000000e-01 : f32
            %mul3A_556 = vector.broadcast %mul3A_555 : f32 to vector<16xf32>
            %mul3A_557 = arith.mulf %mul3A_556, %get3A_554 : vector<16xf32>
            %get3A_558 = arith.index_cast %add3A_519 : i32 to index
            %get3A_559 = arith.constant 32 : index
            %get3A_560 = tpu.vector_load %arg27[%get3A_558, %get3A_559] {strides = array<i32>} : memref<64x128xf32, #tpu.memory_space<vmem>>, vector<16xf32>,
            %mul3A_561 = arith.constant 8.000000e-01 : f32
            %mul3A_562 = vector.broadcast %mul3A_561 : f32 to vector<16xf32>
            %mul3A_563 = arith.mulf %mul3A_562, %get3A_560 : vector<16xf32>
            %add3A_564 = arith.addf %mul3A_557, %mul3A_563 : vector<16xf32>
            %swap3A_565 = arith.index_cast %add3A_519 : i32 to index
            %swap3A_566 = arith.constant 32 : index
            %swap3A_567 = tpu.vector_load %arg26[%swap3A_565, %swap3A_566] {strides = array<i32>} : memref<64x128xf32, #tpu.memory_space<vmem>>, vector<16xf32>,
            tpu.vector_store %arg26[%swap3A_565, %swap3A_566], %add3A_564 {strides = array<i32>} : memref<64x128xf32, #tpu.memory_space<vmem>>, vector<16xf32>,
            %get3A_568 = arith.index_cast %add3A_519 : i32 to index
            %get3A_569 = arith.constant 48 : index
            %get3A_570 = tpu.vector_load %arg26[%get3A_568, %get3A_569] {strides = array<i32>} : memref<64x128xf32, #tpu.memory_space<vmem>>, vector<16xf32>,
            %mul3A_571 = arith.constant 2.000000e-01 : f32
            %mul3A_572 = vector.broadcast %mul3A_571 : f32 to vector<16xf32>
            %mul3A_573 = arith.mulf %mul3A_572, %get3A_570 : vector<16xf32>
            %get3A_574 = arith.index_cast %add3A_519 : i32 to index
            %get3A_575 = arith.constant 48 : index
            %get3A_576 = tpu.vector_load %arg27[%get3A_574, %get3A_575] {strides = array<i32>} : memref<64x128xf32, #tpu.memory_space<vmem>>, vector<16xf32>,
            %mul3A_577 = arith.constant 8.000000e-01 : f32
            %mul3A_578 = vector.broadcast %mul3A_577 : f32 to vector<16xf32>
            %mul3A_579 = arith.mulf %mul3A_578, %get3A_576 : vector<16xf32>
            %add3A_580 = arith.addf %mul3A_573, %mul3A_579 : vector<16xf32>
            %swap3A_581 = arith.index_cast %add3A_519 : i32 to index
            %swap3A_582 = arith.constant 48 : index
            %swap3A_583 = tpu.vector_load %arg26[%swap3A_581, %swap3A_582] {strides = array<i32>} : memref<64x128xf32, #tpu.memory_space<vmem>>, vector<16xf32>,
            tpu.vector_store %arg26[%swap3A_581, %swap3A_582], %add3A_580 {strides = array<i32>} : memref<64x128xf32, #tpu.memory_space<vmem>>, vector<16xf32>,
            %get3A_584 = arith.index_cast %add3A_519 : i32 to index
            %get3A_585 = arith.constant 64 : index
            %get3A_586 = tpu.vector_load %arg26[%get3A_584, %get3A_585] {strides = array<i32>} : memref<64x128xf32, #tpu.memory_space<vmem>>, vector<16xf32>,
            %mul3A_587 = arith.constant 2.000000e-01 : f32
            %mul3A_588 = vector.broadcast %mul3A_587 : f32 to vector<16xf32>
            %mul3A_589 = arith.mulf %mul3A_588, %get3A_586 : vector<16xf32>
            %get3A_590 = arith.index_cast %add3A_519 : i32 to index
            %get3A_591 = arith.constant 64 : index
            %get3A_592 = tpu.vector_load %arg27[%get3A_590, %get3A_591] {strides = array<i32>} : memref<64x128xf32, #tpu.memory_space<vmem>>, vector<16xf32>,
            %mul3A_593 = arith.constant 8.000000e-01 : f32
            %mul3A_594 = vector.broadcast %mul3A_593 : f32 to vector<16xf32>
            %mul3A_595 = arith.mulf %mul3A_594, %get3A_592 : vector<16xf32>
            %add3A_596 = arith.addf %mul3A_589, %mul3A_595 : vector<16xf32>
            %swap3A_597 = arith.index_cast %add3A_519 : i32 to index
            %swap3A_598 = arith.constant 64 : index
            %swap3A_599 = tpu.vector_load %arg26[%swap3A_597, %swap3A_598] {strides = array<i32>} : memref<64x128xf32, #tpu.memory_space<vmem>>, vector<16xf32>,
            tpu.vector_store %arg26[%swap3A_597, %swap3A_598], %add3A_596 {strides = array<i32>} : memref<64x128xf32, #tpu.memory_space<vmem>>, vector<16xf32>,
            %get3A_600 = arith.index_cast %add3A_519 : i32 to index
            %get3A_601 = arith.constant 80 : index
            %get3A_602 = tpu.vector_load %arg26[%get3A_600, %get3A_601] {strides = array<i32>} : memref<64x128xf32, #tpu.memory_space<vmem>>, vector<16xf32>,
            %mul3A_603 = arith.constant 2.000000e-01 : f32
            %mul3A_604 = vector.broadcast %mul3A_603 : f32 to vector<16xf32>
            %mul3A_605 = arith.mulf %mul3A_604, %get3A_602 : vector<16xf32>
            %get3A_606 = arith.index_cast %add3A_519 : i32 to index
            %get3A_607 = arith.constant 80 : index
            %get3A_608 = tpu.vector_load %arg27[%get3A_606, %get3A_607] {strides = array<i32>} : memref<64x128xf32, #tpu.memory_space<vmem>>, vector<16xf32>,
            %mul3A_609 = arith.constant 8.000000e-01 : f32
            %mul3A_610 = vector.broadcast %mul3A_609 : f32 to vector<16xf32>
            %mul3A_611 = arith.mulf %mul3A_610, %get3A_608 : vector<16xf32>
            %add3A_612 = arith.addf %mul3A_605, %mul3A_611 : vector<16xf32>
            %swap3A_613 = arith.index_cast %add3A_519 : i32 to index
            %swap3A_614 = arith.constant 80 : index
            %swap3A_615 = tpu.vector_load %arg26[%swap3A_613, %swap3A_614] {strides = array<i32>} : memref<64x128xf32, #tpu.memory_space<vmem>>, vector<16xf32>,
            tpu.vector_store %arg26[%swap3A_613, %swap3A_614], %add3A_612 {strides = array<i32>} : memref<64x128xf32, #tpu.memory_space<vmem>>, vector<16xf32>,
            %get3A_616 = arith.index_cast %add3A_519 : i32 to index
            %get3A_617 = arith.constant 96 : index
            %get3A_618 = tpu.vector_load %arg26[%get3A_616, %get3A_617] {strides = array<i32>} : memref<64x128xf32, #tpu.memory_space<vmem>>, vector<16xf32>,
            %mul3A_619 = arith.constant 2.000000e-01 : f32
            %mul3A_620 = vector.broadcast %mul3A_619 : f32 to vector<16xf32>
            %mul3A_621 = arith.mulf %mul3A_620, %get3A_618 : vector<16xf32>
            %get3A_622 = arith.index_cast %add3A_519 : i32 to index
            %get3A_623 = arith.constant 96 : index
            %get3A_624 = tpu.vector_load %arg27[%get3A_622, %get3A_623] {strides = array<i32>} : memref<64x128xf32, #tpu.memory_space<vmem>>, vector<16xf32>,
            %mul3A_625 = arith.constant 8.000000e-01 : f32
            %mul3A_626 = vector.broadcast %mul3A_625 : f32 to vector<16xf32>
            %mul3A_627 = arith.mulf %mul3A_626, %get3A_624 : vector<16xf32>
            %add3A_628 = arith.addf %mul3A_621, %mul3A_627 : vector<16xf32>
            %swap3A_629 = arith.index_cast %add3A_519 : i32 to index
            %swap3A_630 = arith.constant 96 : index
            %swap3A_631 = tpu.vector_load %arg26[%swap3A_629, %swap3A_630] {strides = array<i32>} : memref<64x128xf32, #tpu.memory_space<vmem>>, vector<16xf32>,
            tpu.vector_store %arg26[%swap3A_629, %swap3A_630], %add3A_628 {strides = array<i32>} : memref<64x128xf32, #tpu.memory_space<vmem>>, vector<16xf32>,
            %get3A_632 = arith.index_cast %add3A_519 : i32 to index
            %get3A_633 = arith.constant 112 : index
            %get3A_634 = tpu.vector_load %arg26[%get3A_632, %get3A_633] {strides = array<i32>} : memref<64x128xf32, #tpu.memory_space<vmem>>, vector<16xf32>,
            %mul3A_635 = arith.constant 2.000000e-01 : f32
            %mul3A_636 = vector.broadcast %mul3A_635 : f32 to vector<16xf32>
            %mul3A_637 = arith.mulf %mul3A_636, %get3A_634 : vector<16xf32>
            %get3A_638 = arith.index_cast %add3A_519 : i32 to index
            %get3A_639 = arith.constant 112 : index
            %get3A_640 = tpu.vector_load %arg27[%get3A_638, %get3A_639] {strides = array<i32>} : memref<64x128xf32, #tpu.memory_space<vmem>>, vector<16xf32>,
            %mul3A_641 = arith.constant 8.000000e-01 : f32
            %mul3A_642 = vector.broadcast %mul3A_641 : f32 to vector<16xf32>
            %mul3A_643 = arith.mulf %mul3A_642, %get3A_640 : vector<16xf32>
            %add3A_644 = arith.addf %mul3A_637, %mul3A_643 : vector<16xf32>
            %swap3A_645 = arith.index_cast %add3A_519 : i32 to index
            %swap3A_646 = arith.constant 112 : index
            %swap3A_647 = tpu.vector_load %arg26[%swap3A_645, %swap3A_646] {strides = array<i32>} : memref<64x128xf32, #tpu.memory_space<vmem>>, vector<16xf32>,
            tpu.vector_store %arg26[%swap3A_645, %swap3A_646], %add3A_644 {strides = array<i32>} : memref<64x128xf32, #tpu.memory_space<vmem>>, vector<16xf32>,
            %mul3A_648 = arith.constant 4 : i32
            %mul3A_649 = arith.muli %scan3A_251, %mul3A_648 : i32
            %add3A_650 = arith.constant 3 : i32
            %add3A_651 = arith.addi %mul3A_649, %add3A_650 : i32
            %get3A_652 = arith.index_cast %add3A_651 : i32 to index
            %get3A_653 = arith.constant 0 : index
            %get3A_654 = tpu.vector_load %arg26[%get3A_652, %get3A_653] {strides = array<i32>} : memref<64x128xf32, #tpu.memory_space<vmem>>, vector<16xf32>,
            %mul3A_655 = arith.constant 2.000000e-01 : f32
            %mul3A_656 = vector.broadcast %mul3A_655 : f32 to vector<16xf32>
            %mul3A_657 = arith.mulf %mul3A_656, %get3A_654 : vector<16xf32>
            %get3A_658 = arith.index_cast %add3A_651 : i32 to index
            %get3A_659 = arith.constant 0 : index
            %get3A_660 = tpu.vector_load %arg27[%get3A_658, %get3A_659] {strides = array<i32>} : memref<64x128xf32, #tpu.memory_space<vmem>>, vector<16xf32>,
            %mul3A_661 = arith.constant 8.000000e-01 : f32
            %mul3A_662 = vector.broadcast %mul3A_661 : f32 to vector<16xf32>
            %mul3A_663 = arith.mulf %mul3A_662, %get3A_660 : vector<16xf32>
            %add3A_664 = arith.addf %mul3A_657, %mul3A_663 : vector<16xf32>
            %swap3A_665 = arith.index_cast %add3A_651 : i32 to index
            %swap3A_666 = arith.constant 0 : index
            %swap3A_667 = tpu.vector_load %arg26[%swap3A_665, %swap3A_666] {strides = array<i32>} : memref<64x128xf32, #tpu.memory_space<vmem>>, vector<16xf32>,
            tpu.vector_store %arg26[%swap3A_665, %swap3A_666], %add3A_664 {strides = array<i32>} : memref<64x128xf32, #tpu.memory_space<vmem>>, vector<16xf32>,
            %get3A_668 = arith.index_cast %add3A_651 : i32 to index
            %get3A_669 = arith.constant 16 : index
            %get3A_670 = tpu.vector_load %arg26[%get3A_668, %get3A_669] {strides = array<i32>} : memref<64x128xf32, #tpu.memory_space<vmem>>, vector<16xf32>,
            %mul3A_671 = arith.constant 2.000000e-01 : f32
            %mul3A_672 = vector.broadcast %mul3A_671 : f32 to vector<16xf32>
            %mul3A_673 = arith.mulf %mul3A_672, %get3A_670 : vector<16xf32>
            %get3A_674 = arith.index_cast %add3A_651 : i32 to index
            %get3A_675 = arith.constant 16 : index
            %get3A_676 = tpu.vector_load %arg27[%get3A_674, %get3A_675] {strides = array<i32>} : memref<64x128xf32, #tpu.memory_space<vmem>>, vector<16xf32>,
            %mul3A_677 = arith.constant 8.000000e-01 : f32
            %mul3A_678 = vector.broadcast %mul3A_677 : f32 to vector<16xf32>
            %mul3A_679 = arith.mulf %mul3A_678, %get3A_676 : vector<16xf32>
            %add3A_680 = arith.addf %mul3A_673, %mul3A_679 : vector<16xf32>
            %swap3A_681 = arith.index_cast %add3A_651 : i32 to index
            %swap3A_682 = arith.constant 16 : index
            %swap3A_683 = tpu.vector_load %arg26[%swap3A_681, %swap3A_682] {strides = array<i32>} : memref<64x128xf32, #tpu.memory_space<vmem>>, vector<16xf32>,
            tpu.vector_store %arg26[%swap3A_681, %swap3A_682], %add3A_680 {strides = array<i32>} : memref<64x128xf32, #tpu.memory_space<vmem>>, vector<16xf32>,
            %get3A_684 = arith.index_cast %add3A_651 : i32 to index
            %get3A_685 = arith.constant 32 : index
            %get3A_686 = tpu.vector_load %arg26[%get3A_684, %get3A_685] {strides = array<i32>} : memref<64x128xf32, #tpu.memory_space<vmem>>, vector<16xf32>,
            %mul3A_687 = arith.constant 2.000000e-01 : f32
            %mul3A_688 = vector.broadcast %mul3A_687 : f32 to vector<16xf32>
            %mul3A_689 = arith.mulf %mul3A_688, %get3A_686 : vector<16xf32>
            %get3A_690 = arith.index_cast %add3A_651 : i32 to index
            %get3A_691 = arith.constant 32 : index
            %get3A_692 = tpu.vector_load %arg27[%get3A_690, %get3A_691] {strides = array<i32>} : memref<64x128xf32, #tpu.memory_space<vmem>>, vector<16xf32>,
            %mul3A_693 = arith.constant 8.000000e-01 : f32
            %mul3A_694 = vector.broadcast %mul3A_693 : f32 to vector<16xf32>
            %mul3A_695 = arith.mulf %mul3A_694, %get3A_692 : vector<16xf32>
            %add3A_696 = arith.addf %mul3A_689, %mul3A_695 : vector<16xf32>
            %swap3A_697 = arith.index_cast %add3A_651 : i32 to index
            %swap3A_698 = arith.constant 32 : index
            %swap3A_699 = tpu.vector_load %arg26[%swap3A_697, %swap3A_698] {strides = array<i32>} : memref<64x128xf32, #tpu.memory_space<vmem>>, vector<16xf32>,
            tpu.vector_store %arg26[%swap3A_697, %swap3A_698], %add3A_696 {strides = array<i32>} : memref<64x128xf32, #tpu.memory_space<vmem>>, vector<16xf32>,
            %get3A_700 = arith.index_cast %add3A_651 : i32 to index
            %get3A_701 = arith.constant 48 : index
            %get3A_702 = tpu.vector_load %arg26[%get3A_700, %get3A_701] {strides = array<i32>} : memref<64x128xf32, #tpu.memory_space<vmem>>, vector<16xf32>,
            %mul3A_703 = arith.constant 2.000000e-01 : f32
            %mul3A_704 = vector.broadcast %mul3A_703 : f32 to vector<16xf32>
            %mul3A_705 = arith.mulf %mul3A_704, %get3A_702 : vector<16xf32>
            %get3A_706 = arith.index_cast %add3A_651 : i32 to index
            %get3A_707 = arith.constant 48 : index
            %get3A_708 = tpu.vector_load %arg27[%get3A_706, %get3A_707] {strides = array<i32>} : memref<64x128xf32, #tpu.memory_space<vmem>>, vector<16xf32>,
            %mul3A_709 = arith.constant 8.000000e-01 : f32
            %mul3A_710 = vector.broadcast %mul3A_709 : f32 to vector<16xf32>
            %mul3A_711 = arith.mulf %mul3A_710, %get3A_708 : vector<16xf32>
            %add3A_712 = arith.addf %mul3A_705, %mul3A_711 : vector<16xf32>
            %swap3A_713 = arith.index_cast %add3A_651 : i32 to index
            %swap3A_714 = arith.constant 48 : index
            %swap3A_715 = tpu.vector_load %arg26[%swap3A_713, %swap3A_714] {strides = array<i32>} : memref<64x128xf32, #tpu.memory_space<vmem>>, vector<16xf32>,
            tpu.vector_store %arg26[%swap3A_713, %swap3A_714], %add3A_712 {strides = array<i32>} : memref<64x128xf32, #tpu.memory_space<vmem>>, vector<16xf32>,
            %get3A_716 = arith.index_cast %add3A_651 : i32 to index
            %get3A_717 = arith.constant 64 : index
            %get3A_718 = tpu.vector_load %arg26[%get3A_716, %get3A_717] {strides = array<i32>} : memref<64x128xf32, #tpu.memory_space<vmem>>, vector<16xf32>,
            %mul3A_719 = arith.constant 2.000000e-01 : f32
            %mul3A_720 = vector.broadcast %mul3A_719 : f32 to vector<16xf32>
            %mul3A_721 = arith.mulf %mul3A_720, %get3A_718 : vector<16xf32>
            %get3A_722 = arith.index_cast %add3A_651 : i32 to index
            %get3A_723 = arith.constant 64 : index
            %get3A_724 = tpu.vector_load %arg27[%get3A_722, %get3A_723] {strides = array<i32>} : memref<64x128xf32, #tpu.memory_space<vmem>>, vector<16xf32>,
            %mul3A_725 = arith.constant 8.000000e-01 : f32
            %mul3A_726 = vector.broadcast %mul3A_725 : f32 to vector<16xf32>
            %mul3A_727 = arith.mulf %mul3A_726, %get3A_724 : vector<16xf32>
            %add3A_728 = arith.addf %mul3A_721, %mul3A_727 : vector<16xf32>
            %swap3A_729 = arith.index_cast %add3A_651 : i32 to index
            %swap3A_730 = arith.constant 64 : index
            %swap3A_731 = tpu.vector_load %arg26[%swap3A_729, %swap3A_730] {strides = array<i32>} : memref<64x128xf32, #tpu.memory_space<vmem>>, vector<16xf32>,
            tpu.vector_store %arg26[%swap3A_729, %swap3A_730], %add3A_728 {strides = array<i32>} : memref<64x128xf32, #tpu.memory_space<vmem>>, vector<16xf32>,
            %get3A_732 = arith.index_cast %add3A_651 : i32 to index
            %get3A_733 = arith.constant 80 : index
            %get3A_734 = tpu.vector_load %arg26[%get3A_732, %get3A_733] {strides = array<i32>} : memref<64x128xf32, #tpu.memory_space<vmem>>, vector<16xf32>,
            %mul3A_735 = arith.constant 2.000000e-01 : f32
            %mul3A_736 = vector.broadcast %mul3A_735 : f32 to vector<16xf32>
            %mul3A_737 = arith.mulf %mul3A_736, %get3A_734 : vector<16xf32>
            %get3A_738 = arith.index_cast %add3A_651 : i32 to index
            %get3A_739 = arith.constant 80 : index
            %get3A_740 = tpu.vector_load %arg27[%get3A_738, %get3A_739] {strides = array<i32>} : memref<64x128xf32, #tpu.memory_space<vmem>>, vector<16xf32>,
            %mul3A_741 = arith.constant 8.000000e-01 : f32
            %mul3A_742 = vector.broadcast %mul3A_741 : f32 to vector<16xf32>
            %mul3A_743 = arith.mulf %mul3A_742, %get3A_740 : vector<16xf32>
            %add3A_744 = arith.addf %mul3A_737, %mul3A_743 : vector<16xf32>
            %swap3A_745 = arith.index_cast %add3A_651 : i32 to index
            %swap3A_746 = arith.constant 80 : index
            %swap3A_747 = tpu.vector_load %arg26[%swap3A_745, %swap3A_746] {strides = array<i32>} : memref<64x128xf32, #tpu.memory_space<vmem>>, vector<16xf32>,
            tpu.vector_store %arg26[%swap3A_745, %swap3A_746], %add3A_744 {strides = array<i32>} : memref<64x128xf32, #tpu.memory_space<vmem>>, vector<16xf32>,
            %get3A_748 = arith.index_cast %add3A_651 : i32 to index
            %get3A_749 = arith.constant 96 : index
            %get3A_750 = tpu.vector_load %arg26[%get3A_748, %get3A_749] {strides = array<i32>} : memref<64x128xf32, #tpu.memory_space<vmem>>, vector<16xf32>,
            %mul3A_751 = arith.constant 2.000000e-01 : f32
            %mul3A_752 = vector.broadcast %mul3A_751 : f32 to vector<16xf32>
            %mul3A_753 = arith.mulf %mul3A_752, %get3A_750 : vector<16xf32>
            %get3A_754 = arith.index_cast %add3A_651 : i32 to index
            %get3A_755 = arith.constant 96 : index
            %get3A_756 = tpu.vector_load %arg27[%get3A_754, %get3A_755] {strides = array<i32>} : memref<64x128xf32, #tpu.memory_space<vmem>>, vector<16xf32>,
            %mul3A_757 = arith.constant 8.000000e-01 : f32
            %mul3A_758 = vector.broadcast %mul3A_757 : f32 to vector<16xf32>
            %mul3A_759 = arith.mulf %mul3A_758, %get3A_756 : vector<16xf32>
            %add3A_760 = arith.addf %mul3A_753, %mul3A_759 : vector<16xf32>
            %swap3A_761 = arith.index_cast %add3A_651 : i32 to index
            %swap3A_762 = arith.constant 96 : index
            %swap3A_763 = tpu.vector_load %arg26[%swap3A_761, %swap3A_762] {strides = array<i32>} : memref<64x128xf32, #tpu.memory_space<vmem>>, vector<16xf32>,
            tpu.vector_store %arg26[%swap3A_761, %swap3A_762], %add3A_760 {strides = array<i32>} : memref<64x128xf32, #tpu.memory_space<vmem>>, vector<16xf32>,
            %get3A_764 = arith.index_cast %add3A_651 : i32 to index
            %get3A_765 = arith.constant 112 : index
            %get3A_766 = tpu.vector_load %arg26[%get3A_764, %get3A_765] {strides = array<i32>} : memref<64x128xf32, #tpu.memory_space<vmem>>, vector<16xf32>,
            %mul3A_767 = arith.constant 2.000000e-01 : f32
            %mul3A_768 = vector.broadcast %mul3A_767 : f32 to vector<16xf32>
            %mul3A_769 = arith.mulf %mul3A_768, %get3A_766 : vector<16xf32>
            %get3A_770 = arith.index_cast %add3A_651 : i32 to index
            %get3A_771 = arith.constant 112 : index
            %get3A_772 = tpu.vector_load %arg27[%get3A_770, %get3A_771] {strides = array<i32>} : memref<64x128xf32, #tpu.memory_space<vmem>>, vector<16xf32>,
            %mul3A_773 = arith.constant 8.000000e-01 : f32
            %mul3A_774 = vector.broadcast %mul3A_773 : f32 to vector<16xf32>
            %mul3A_775 = arith.mulf %mul3A_774, %get3A_772 : vector<16xf32>
            %add3A_776 = arith.addf %mul3A_769, %mul3A_775 : vector<16xf32>
            %swap3A_777 = arith.index_cast %add3A_651 : i32 to index
            %swap3A_778 = arith.constant 112 : index
            %swap3A_779 = tpu.vector_load %arg26[%swap3A_777, %swap3A_778] {strides = array<i32>} : memref<64x128xf32, #tpu.memory_space<vmem>>, vector<16xf32>,
            tpu.vector_store %arg26[%swap3A_777, %swap3A_778], %add3A_776 {strides = array<i32>} : memref<64x128xf32, #tpu.memory_space<vmem>>, vector<16xf32>,
          }
          %scan3A_247 = arith.constant 16 : i32
          %dma_start3A_248 = arith.constant 0 : i32
          %dma_start3A_249 = arith.constant 0 : i32
          %dma_start3A_250 = tpu.memref_slice %arg2[%dma_start3A_248, %dma_start3A_249] : memref<100000x128xf32, #tpu.memory_space<hbm>> -> memref<100000x128xf32, #tpu.memory_space<hbm>>
          tpu.enqueue_indirect_dma source(%arg26 : memref<64x128xf32, #tpu.memory_space<vmem>>) target(%dma_start3A_250 : memref<100000x128xf32, #tpu.memory_space<hbm>>) offsets(%arg24 : memref<64xi32, #tpu.memory_space<vmem>>) semaphore(%arg30 : memref<!tpu.dma_semaphore, #tpu.memory_space<semaphore_mem>>)
        } else {
        }
      }
      %while3A_155 = arith.constant 1 : i32
      scf.for %while3A_171 = %while3A_153 to %while3A_149 step %while3A_155  : i32 {
        %jit3A_172 = arith.constant 3 : i32
        %eq3A_173 = arith.constant 0 : i32
        %eq3A_174 = arith.cmpi eq, %jit3A_172, %eq3A_173 : i32
        %jit3A_175 = arith.constant 1 : i32
        %select_n3A_176 = arith.select %eq3A_174, %jit3A_175, %jit3A_172 : i32
        %rem3A = arith.remsi %while3A_171, %select_n3A_176 : i32
        %ne3A = arith.constant 0 : i32
        %ne3A_177 = arith.cmpi ne, %rem3A, %ne3A : i32
        %lt3A = arith.constant 0 : i32
        %lt3A_178 = arith.cmpi slt, %rem3A, %lt3A : i32
        %lt3A_179 = arith.constant 0 : i32
        %lt3A_180 = arith.cmpi slt, %select_n3A_176, %lt3A_179 : i32
        %ne3A_181 = arith.xori %lt3A_178, %lt3A_180 : i1
        %and3A = arith.andi %ne3A_181, %ne3A_177 : i1
        %add3A_182 = arith.addi %rem3A, %select_n3A_176 : i32
        %select_n3A_183 = arith.select %and3A, %add3A_182, %rem3A : i32
        %eq3A_184 = arith.constant 0 : i32
        %eq3A_185 = arith.cmpi eq, %select_n3A_183, %eq3A_184 : i32
        %convert_element_type3A_186 = arith.extui %eq3A_185 : i1 to i32
        %cond3A_187 = arith.constant 0 : i32
        %cond3A_188 = arith.cmpi ne, %convert_element_type3A_186, %cond3A_187 : i32
        scf.if %cond3A_188 {
          %add3A_231 = arith.constant 2 : i32
          %add3A_232 = arith.addi %while3A_171, %add3A_231 : i32
          %lt3A_233 = arith.cmpi slt, %add3A_232, %div3A_104 : i32
          %convert_element_type3A_234 = arith.extui %lt3A_233 : i1 to i32
          %cond3A_235 = arith.constant 0 : i32
          %cond3A_236 = arith.cmpi ne, %convert_element_type3A_234, %cond3A_235 : i32
          scf.if %cond3A_236 {
            %ge3A_251 = arith.constant 1 : i32
            %ge3A_252 = arith.cmpi sge, %while3A_171, %ge3A_251 : i32
            %convert_element_type3A_253 = arith.extui %ge3A_252 : i1 to i32
            %cond3A_254 = arith.constant 0 : i32
            %cond3A_255 = arith.cmpi ne, %convert_element_type3A_253, %cond3A_254 : i32
            scf.if %cond3A_255 {
              %dma_wait3A_328 = arith.constant 0 : i32
              %dma_wait3A_329 = arith.constant 0 : i32
              %dma_wait3A_330 = tpu.memref_slice %arg2[%dma_wait3A_328, %dma_wait3A_329] : memref<100000x128xf32, #tpu.memory_space<hbm>> -> memref<100000x128xf32, #tpu.memory_space<hbm>>
              tpu.wait_indirect_dma semaphore(%arg30 : memref<!tpu.dma_semaphore, #tpu.memory_space<semaphore_mem>>) src(%arg26 : memref<64x128xf32, #tpu.memory_space<vmem>>) dst(%dma_wait3A_330 : memref<100000x128xf32, #tpu.memory_space<hbm>>)
            } else {
            }
            %add3A_256 = arith.constant 2 : i32
            %add3A_257 = arith.addi %while3A_171, %add3A_256 : i32
            %mul3A_258 = arith.constant 64 : i32
            %mul3A_259 = arith.muli %add3A_257, %mul3A_258 : i32
            %add3A_260 = arith.constant 0 : i32
            %add3A_261 = arith.addi %mul3A_259, %add3A_260 : i32
            %get3A_262 = arith.index_cast %add3A_261 : i32 to index
            %get3A_263 = tpu.vector_load %arg7[%get3A_262] {strides = array<i32>} : memref<16464xi32, #tpu.memory_space<vmem>>, vector<16xi32>,
            %swap3A_264 = arith.constant 0 : index
            %swap3A_265 = tpu.vector_load %arg24[%swap3A_264] {strides = array<i32>} : memref<64xi32, #tpu.memory_space<vmem>>, vector<16xi32>,
            tpu.vector_store %arg24[%swap3A_264], %get3A_263 {strides = array<i32>} : memref<64xi32, #tpu.memory_space<vmem>>, vector<16xi32>,
            %mul3A_266 = arith.constant 64 : i32
            %mul3A_267 = arith.muli %add3A_257, %mul3A_266 : i32
            %add3A_268 = arith.constant 0 : i32
            %add3A_269 = arith.addi %mul3A_267, %add3A_268 : i32
            %get3A_270 = arith.index_cast %add3A_269 : i32 to index
            %get3A_271 = tpu.vector_load %arg8[%get3A_270] {strides = array<i32>} : memref<16464xi32, #tpu.memory_space<vmem>>, vector<16xi32>,
            %swap3A_272 = arith.constant 0 : index
            %swap3A_273 = tpu.vector_load %arg25[%swap3A_272] {strides = array<i32>} : memref<64xi32, #tpu.memory_space<vmem>>, vector<16xi32>,
            tpu.vector_store %arg25[%swap3A_272], %get3A_271 {strides = array<i32>} : memref<64xi32, #tpu.memory_space<vmem>>, vector<16xi32>,
            %mul3A_274 = arith.constant 64 : i32
            %mul3A_275 = arith.muli %add3A_257, %mul3A_274 : i32
            %add3A_276 = arith.constant 16 : i32
            %add3A_277 = arith.addi %mul3A_275, %add3A_276 : i32
            %get3A_278 = arith.index_cast %add3A_277 : i32 to index
            %get3A_279 = tpu.vector_load %arg7[%get3A_278] {strides = array<i32>} : memref<16464xi32, #tpu.memory_space<vmem>>, vector<16xi32>,
            %swap3A_280 = arith.constant 16 : index
            %swap3A_281 = tpu.vector_load %arg24[%swap3A_280] {strides = array<i32>} : memref<64xi32, #tpu.memory_space<vmem>>, vector<16xi32>,
            tpu.vector_store %arg24[%swap3A_280], %get3A_279 {strides = array<i32>} : memref<64xi32, #tpu.memory_space<vmem>>, vector<16xi32>,
            %mul3A_282 = arith.constant 64 : i32
            %mul3A_283 = arith.muli %add3A_257, %mul3A_282 : i32
            %add3A_284 = arith.constant 16 : i32
            %add3A_285 = arith.addi %mul3A_283, %add3A_284 : i32
            %get3A_286 = arith.index_cast %add3A_285 : i32 to index
            %get3A_287 = tpu.vector_load %arg8[%get3A_286] {strides = array<i32>} : memref<16464xi32, #tpu.memory_space<vmem>>, vector<16xi32>,
            %swap3A_288 = arith.constant 16 : index
            %swap3A_289 = tpu.vector_load %arg25[%swap3A_288] {strides = array<i32>} : memref<64xi32, #tpu.memory_space<vmem>>, vector<16xi32>,
            tpu.vector_store %arg25[%swap3A_288], %get3A_287 {strides = array<i32>} : memref<64xi32, #tpu.memory_space<vmem>>, vector<16xi32>,
            %mul3A_290 = arith.constant 64 : i32
            %mul3A_291 = arith.muli %add3A_257, %mul3A_290 : i32
            %add3A_292 = arith.constant 32 : i32
            %add3A_293 = arith.addi %mul3A_291, %add3A_292 : i32
            %get3A_294 = arith.index_cast %add3A_293 : i32 to index
            %get3A_295 = tpu.vector_load %arg7[%get3A_294] {strides = array<i32>} : memref<16464xi32, #tpu.memory_space<vmem>>, vector<16xi32>,
            %swap3A_296 = arith.constant 32 : index
            %swap3A_297 = tpu.vector_load %arg24[%swap3A_296] {strides = array<i32>} : memref<64xi32, #tpu.memory_space<vmem>>, vector<16xi32>,
            tpu.vector_store %arg24[%swap3A_296], %get3A_295 {strides = array<i32>} : memref<64xi32, #tpu.memory_space<vmem>>, vector<16xi32>,
            %mul3A_298 = arith.constant 64 : i32
            %mul3A_299 = arith.muli %add3A_257, %mul3A_298 : i32
            %add3A_300 = arith.constant 32 : i32
            %add3A_301 = arith.addi %mul3A_299, %add3A_300 : i32
            %get3A_302 = arith.index_cast %add3A_301 : i32 to index
            %get3A_303 = tpu.vector_load %arg8[%get3A_302] {strides = array<i32>} : memref<16464xi32, #tpu.memory_space<vmem>>, vector<16xi32>,
            %swap3A_304 = arith.constant 32 : index
            %swap3A_305 = tpu.vector_load %arg25[%swap3A_304] {strides = array<i32>} : memref<64xi32, #tpu.memory_space<vmem>>, vector<16xi32>,
            tpu.vector_store %arg25[%swap3A_304], %get3A_303 {strides = array<i32>} : memref<64xi32, #tpu.memory_space<vmem>>, vector<16xi32>,
            %mul3A_306 = arith.constant 64 : i32
            %mul3A_307 = arith.muli %add3A_257, %mul3A_306 : i32
            %add3A_308 = arith.constant 48 : i32
            %add3A_309 = arith.addi %mul3A_307, %add3A_308 : i32
            %get3A_310 = arith.index_cast %add3A_309 : i32 to index
            %get3A_311 = tpu.vector_load %arg7[%get3A_310] {strides = array<i32>} : memref<16464xi32, #tpu.memory_space<vmem>>, vector<16xi32>,
            %swap3A_312 = arith.constant 48 : index
            %swap3A_313 = tpu.vector_load %arg24[%swap3A_312] {strides = array<i32>} : memref<64xi32, #tpu.memory_space<vmem>>, vector<16xi32>,
            tpu.vector_store %arg24[%swap3A_312], %get3A_311 {strides = array<i32>} : memref<64xi32, #tpu.memory_space<vmem>>, vector<16xi32>,
            %mul3A_314 = arith.constant 64 : i32
            %mul3A_315 = arith.muli %add3A_257, %mul3A_314 : i32
            %add3A_316 = arith.constant 48 : i32
            %add3A_317 = arith.addi %mul3A_315, %add3A_316 : i32
            %get3A_318 = arith.index_cast %add3A_317 : i32 to index
            %get3A_319 = tpu.vector_load %arg8[%get3A_318] {strides = array<i32>} : memref<16464xi32, #tpu.memory_space<vmem>>, vector<16xi32>,
            %swap3A_320 = arith.constant 48 : index
            %swap3A_321 = tpu.vector_load %arg25[%swap3A_320] {strides = array<i32>} : memref<64xi32, #tpu.memory_space<vmem>>, vector<16xi32>,
            tpu.vector_store %arg25[%swap3A_320], %get3A_319 {strides = array<i32>} : memref<64xi32, #tpu.memory_space<vmem>>, vector<16xi32>,
            %dma_start3A_322 = arith.constant 0 : i32
            %dma_start3A_323 = arith.constant 0 : i32
            %dma_start3A_324 = tpu.memref_slice %arg2[%dma_start3A_322, %dma_start3A_323] : memref<100000x128xf32, #tpu.memory_space<hbm>> -> memref<100000x128xf32, #tpu.memory_space<hbm>>
            tpu.enqueue_indirect_dma source(%dma_start3A_324 : memref<100000x128xf32, #tpu.memory_space<hbm>>) target(%arg26 : memref<64x128xf32, #tpu.memory_space<vmem>>) offsets(%arg24 : memref<64xi32, #tpu.memory_space<vmem>>) semaphore(%arg28 : memref<!tpu.dma_semaphore, #tpu.memory_space<semaphore_mem>>)
            %dma_start3A_325 = arith.constant 0 : i32
            %dma_start3A_326 = arith.constant 0 : i32
            %dma_start3A_327 = tpu.memref_slice %arg4[%dma_start3A_325, %dma_start3A_326] : memref<16384x128xf32, #tpu.memory_space<hbm>> -> memref<16384x128xf32, #tpu.memory_space<hbm>>
            tpu.enqueue_indirect_dma source(%dma_start3A_327 : memref<16384x128xf32, #tpu.memory_space<hbm>>) target(%arg27 : memref<64x128xf32, #tpu.memory_space<vmem>>) offsets(%arg25 : memref<64xi32, #tpu.memory_space<vmem>>) semaphore(%arg29 : memref<!tpu.dma_semaphore, #tpu.memory_space<semaphore_mem>>)
          } else {
          }
          %dma_wait3A = arith.constant 0 : i32
          %dma_wait3A_237 = arith.constant 0 : i32
          %dma_wait3A_238 = tpu.memref_slice %arg2[%dma_wait3A, %dma_wait3A_237] : memref<100000x128xf32, #tpu.memory_space<hbm>> -> memref<100000x128xf32, #tpu.memory_space<hbm>>
          tpu.wait_indirect_dma semaphore(%arg14 : memref<!tpu.dma_semaphore, #tpu.memory_space<semaphore_mem>>) src(%dma_wait3A_238 : memref<100000x128xf32, #tpu.memory_space<hbm>>) dst(%arg12 : memref<64x128xf32, #tpu.memory_space<vmem>>)
          %dma_wait3A_239 = arith.constant 0 : i32
          %dma_wait3A_240 = arith.constant 0 : i32
          %dma_wait3A_241 = tpu.memref_slice %arg4[%dma_wait3A_239, %dma_wait3A_240] : memref<16384x128xf32, #tpu.memory_space<hbm>> -> memref<16384x128xf32, #tpu.memory_space<hbm>>
          tpu.wait_indirect_dma semaphore(%arg15 : memref<!tpu.dma_semaphore, #tpu.memory_space<semaphore_mem>>) src(%dma_wait3A_241 : memref<16384x128xf32, #tpu.memory_space<hbm>>) dst(%arg13 : memref<64x128xf32, #tpu.memory_space<vmem>>)
          %scan3A_242 = arith.constant 0 : i32
          %scan3A_243 = arith.constant 0 : i32
          %scan3A_244 = arith.constant 16 : i32
          %scan3A_245 = arith.addi %scan3A_243, %scan3A_244 : i32
          %scan3A_246 = arith.constant 1 : i32
          scf.for %scan3A_251 = %scan3A_243 to %scan3A_245 step %scan3A_246  : i32 {
            %mul3A_252 = arith.constant 4 : i32
            %mul3A_253 = arith.muli %scan3A_251, %mul3A_252 : i32
            %add3A_254 = arith.constant 0 : i32
            %add3A_255 = arith.addi %mul3A_253, %add3A_254 : i32
            %get3A_256 = arith.index_cast %add3A_255 : i32 to index
            %get3A_257 = arith.constant 0 : index
            %get3A_258 = tpu.vector_load %arg12[%get3A_256, %get3A_257] {strides = array<i32>} : memref<64x128xf32, #tpu.memory_space<vmem>>, vector<16xf32>,
            %mul3A_259 = arith.constant 2.000000e-01 : f32
            %mul3A_260 = vector.broadcast %mul3A_259 : f32 to vector<16xf32>
            %mul3A_261 = arith.mulf %mul3A_260, %get3A_258 : vector<16xf32>
            %get3A_262 = arith.index_cast %add3A_255 : i32 to index
            %get3A_263 = arith.constant 0 : index
            %get3A_264 = tpu.vector_load %arg13[%get3A_262, %get3A_263] {strides = array<i32>} : memref<64x128xf32, #tpu.memory_space<vmem>>, vector<16xf32>,
            %mul3A_265 = arith.constant 8.000000e-01 : f32
            %mul3A_266 = vector.broadcast %mul3A_265 : f32 to vector<16xf32>
            %mul3A_267 = arith.mulf %mul3A_266, %get3A_264 : vector<16xf32>
            %add3A_268 = arith.addf %mul3A_261, %mul3A_267 : vector<16xf32>
            %swap3A_269 = arith.index_cast %add3A_255 : i32 to index
            %swap3A_270 = arith.constant 0 : index
            %swap3A_271 = tpu.vector_load %arg12[%swap3A_269, %swap3A_270] {strides = array<i32>} : memref<64x128xf32, #tpu.memory_space<vmem>>, vector<16xf32>,
            tpu.vector_store %arg12[%swap3A_269, %swap3A_270], %add3A_268 {strides = array<i32>} : memref<64x128xf32, #tpu.memory_space<vmem>>, vector<16xf32>,
            %get3A_272 = arith.index_cast %add3A_255 : i32 to index
            %get3A_273 = arith.constant 16 : index
            %get3A_274 = tpu.vector_load %arg12[%get3A_272, %get3A_273] {strides = array<i32>} : memref<64x128xf32, #tpu.memory_space<vmem>>, vector<16xf32>,
            %mul3A_275 = arith.constant 2.000000e-01 : f32
            %mul3A_276 = vector.broadcast %mul3A_275 : f32 to vector<16xf32>
            %mul3A_277 = arith.mulf %mul3A_276, %get3A_274 : vector<16xf32>
            %get3A_278 = arith.index_cast %add3A_255 : i32 to index
            %get3A_279 = arith.constant 16 : index
            %get3A_280 = tpu.vector_load %arg13[%get3A_278, %get3A_279] {strides = array<i32>} : memref<64x128xf32, #tpu.memory_space<vmem>>, vector<16xf32>,
            %mul3A_281 = arith.constant 8.000000e-01 : f32
            %mul3A_282 = vector.broadcast %mul3A_281 : f32 to vector<16xf32>
            %mul3A_283 = arith.mulf %mul3A_282, %get3A_280 : vector<16xf32>
            %add3A_284 = arith.addf %mul3A_277, %mul3A_283 : vector<16xf32>
            %swap3A_285 = arith.index_cast %add3A_255 : i32 to index
            %swap3A_286 = arith.constant 16 : index
            %swap3A_287 = tpu.vector_load %arg12[%swap3A_285, %swap3A_286] {strides = array<i32>} : memref<64x128xf32, #tpu.memory_space<vmem>>, vector<16xf32>,
            tpu.vector_store %arg12[%swap3A_285, %swap3A_286], %add3A_284 {strides = array<i32>} : memref<64x128xf32, #tpu.memory_space<vmem>>, vector<16xf32>,
            %get3A_288 = arith.index_cast %add3A_255 : i32 to index
            %get3A_289 = arith.constant 32 : index
            %get3A_290 = tpu.vector_load %arg12[%get3A_288, %get3A_289] {strides = array<i32>} : memref<64x128xf32, #tpu.memory_space<vmem>>, vector<16xf32>,
            %mul3A_291 = arith.constant 2.000000e-01 : f32
            %mul3A_292 = vector.broadcast %mul3A_291 : f32 to vector<16xf32>
            %mul3A_293 = arith.mulf %mul3A_292, %get3A_290 : vector<16xf32>
            %get3A_294 = arith.index_cast %add3A_255 : i32 to index
            %get3A_295 = arith.constant 32 : index
            %get3A_296 = tpu.vector_load %arg13[%get3A_294, %get3A_295] {strides = array<i32>} : memref<64x128xf32, #tpu.memory_space<vmem>>, vector<16xf32>,
            %mul3A_297 = arith.constant 8.000000e-01 : f32
            %mul3A_298 = vector.broadcast %mul3A_297 : f32 to vector<16xf32>
            %mul3A_299 = arith.mulf %mul3A_298, %get3A_296 : vector<16xf32>
            %add3A_300 = arith.addf %mul3A_293, %mul3A_299 : vector<16xf32>
            %swap3A_301 = arith.index_cast %add3A_255 : i32 to index
            %swap3A_302 = arith.constant 32 : index
            %swap3A_303 = tpu.vector_load %arg12[%swap3A_301, %swap3A_302] {strides = array<i32>} : memref<64x128xf32, #tpu.memory_space<vmem>>, vector<16xf32>,
            tpu.vector_store %arg12[%swap3A_301, %swap3A_302], %add3A_300 {strides = array<i32>} : memref<64x128xf32, #tpu.memory_space<vmem>>, vector<16xf32>,
            %get3A_304 = arith.index_cast %add3A_255 : i32 to index
            %get3A_305 = arith.constant 48 : index
            %get3A_306 = tpu.vector_load %arg12[%get3A_304, %get3A_305] {strides = array<i32>} : memref<64x128xf32, #tpu.memory_space<vmem>>, vector<16xf32>,
            %mul3A_307 = arith.constant 2.000000e-01 : f32
            %mul3A_308 = vector.broadcast %mul3A_307 : f32 to vector<16xf32>
            %mul3A_309 = arith.mulf %mul3A_308, %get3A_306 : vector<16xf32>
            %get3A_310 = arith.index_cast %add3A_255 : i32 to index
            %get3A_311 = arith.constant 48 : index
            %get3A_312 = tpu.vector_load %arg13[%get3A_310, %get3A_311] {strides = array<i32>} : memref<64x128xf32, #tpu.memory_space<vmem>>, vector<16xf32>,
            %mul3A_313 = arith.constant 8.000000e-01 : f32
            %mul3A_314 = vector.broadcast %mul3A_313 : f32 to vector<16xf32>
            %mul3A_315 = arith.mulf %mul3A_314, %get3A_312 : vector<16xf32>
            %add3A_316 = arith.addf %mul3A_309, %mul3A_315 : vector<16xf32>
            %swap3A_317 = arith.index_cast %add3A_255 : i32 to index
            %swap3A_318 = arith.constant 48 : index
            %swap3A_319 = tpu.vector_load %arg12[%swap3A_317, %swap3A_318] {strides = array<i32>} : memref<64x128xf32, #tpu.memory_space<vmem>>, vector<16xf32>,
            tpu.vector_store %arg12[%swap3A_317, %swap3A_318], %add3A_316 {strides = array<i32>} : memref<64x128xf32, #tpu.memory_space<vmem>>, vector<16xf32>,
            %get3A_320 = arith.index_cast %add3A_255 : i32 to index
            %get3A_321 = arith.constant 64 : index
            %get3A_322 = tpu.vector_load %arg12[%get3A_320, %get3A_321] {strides = array<i32>} : memref<64x128xf32, #tpu.memory_space<vmem>>, vector<16xf32>,
            %mul3A_323 = arith.constant 2.000000e-01 : f32
            %mul3A_324 = vector.broadcast %mul3A_323 : f32 to vector<16xf32>
            %mul3A_325 = arith.mulf %mul3A_324, %get3A_322 : vector<16xf32>
            %get3A_326 = arith.index_cast %add3A_255 : i32 to index
            %get3A_327 = arith.constant 64 : index
            %get3A_328 = tpu.vector_load %arg13[%get3A_326, %get3A_327] {strides = array<i32>} : memref<64x128xf32, #tpu.memory_space<vmem>>, vector<16xf32>,
            %mul3A_329 = arith.constant 8.000000e-01 : f32
            %mul3A_330 = vector.broadcast %mul3A_329 : f32 to vector<16xf32>
            %mul3A_331 = arith.mulf %mul3A_330, %get3A_328 : vector<16xf32>
            %add3A_332 = arith.addf %mul3A_325, %mul3A_331 : vector<16xf32>
            %swap3A_333 = arith.index_cast %add3A_255 : i32 to index
            %swap3A_334 = arith.constant 64 : index
            %swap3A_335 = tpu.vector_load %arg12[%swap3A_333, %swap3A_334] {strides = array<i32>} : memref<64x128xf32, #tpu.memory_space<vmem>>, vector<16xf32>,
            tpu.vector_store %arg12[%swap3A_333, %swap3A_334], %add3A_332 {strides = array<i32>} : memref<64x128xf32, #tpu.memory_space<vmem>>, vector<16xf32>,
            %get3A_336 = arith.index_cast %add3A_255 : i32 to index
            %get3A_337 = arith.constant 80 : index
            %get3A_338 = tpu.vector_load %arg12[%get3A_336, %get3A_337] {strides = array<i32>} : memref<64x128xf32, #tpu.memory_space<vmem>>, vector<16xf32>,
            %mul3A_339 = arith.constant 2.000000e-01 : f32
            %mul3A_340 = vector.broadcast %mul3A_339 : f32 to vector<16xf32>
            %mul3A_341 = arith.mulf %mul3A_340, %get3A_338 : vector<16xf32>
            %get3A_342 = arith.index_cast %add3A_255 : i32 to index
            %get3A_343 = arith.constant 80 : index
            %get3A_344 = tpu.vector_load %arg13[%get3A_342, %get3A_343] {strides = array<i32>} : memref<64x128xf32, #tpu.memory_space<vmem>>, vector<16xf32>,
            %mul3A_345 = arith.constant 8.000000e-01 : f32
            %mul3A_346 = vector.broadcast %mul3A_345 : f32 to vector<16xf32>
            %mul3A_347 = arith.mulf %mul3A_346, %get3A_344 : vector<16xf32>
            %add3A_348 = arith.addf %mul3A_341, %mul3A_347 : vector<16xf32>
            %swap3A_349 = arith.index_cast %add3A_255 : i32 to index
            %swap3A_350 = arith.constant 80 : index
            %swap3A_351 = tpu.vector_load %arg12[%swap3A_349, %swap3A_350] {strides = array<i32>} : memref<64x128xf32, #tpu.memory_space<vmem>>, vector<16xf32>,
            tpu.vector_store %arg12[%swap3A_349, %swap3A_350], %add3A_348 {strides = array<i32>} : memref<64x128xf32, #tpu.memory_space<vmem>>, vector<16xf32>,
            %get3A_352 = arith.index_cast %add3A_255 : i32 to index
            %get3A_353 = arith.constant 96 : index
            %get3A_354 = tpu.vector_load %arg12[%get3A_352, %get3A_353] {strides = array<i32>} : memref<64x128xf32, #tpu.memory_space<vmem>>, vector<16xf32>,
            %mul3A_355 = arith.constant 2.000000e-01 : f32
            %mul3A_356 = vector.broadcast %mul3A_355 : f32 to vector<16xf32>
            %mul3A_357 = arith.mulf %mul3A_356, %get3A_354 : vector<16xf32>
            %get3A_358 = arith.index_cast %add3A_255 : i32 to index
            %get3A_359 = arith.constant 96 : index
            %get3A_360 = tpu.vector_load %arg13[%get3A_358, %get3A_359] {strides = array<i32>} : memref<64x128xf32, #tpu.memory_space<vmem>>, vector<16xf32>,
            %mul3A_361 = arith.constant 8.000000e-01 : f32
            %mul3A_362 = vector.broadcast %mul3A_361 : f32 to vector<16xf32>
            %mul3A_363 = arith.mulf %mul3A_362, %get3A_360 : vector<16xf32>
            %add3A_364 = arith.addf %mul3A_357, %mul3A_363 : vector<16xf32>
            %swap3A_365 = arith.index_cast %add3A_255 : i32 to index
            %swap3A_366 = arith.constant 96 : index
            %swap3A_367 = tpu.vector_load %arg12[%swap3A_365, %swap3A_366] {strides = array<i32>} : memref<64x128xf32, #tpu.memory_space<vmem>>, vector<16xf32>,
            tpu.vector_store %arg12[%swap3A_365, %swap3A_366], %add3A_364 {strides = array<i32>} : memref<64x128xf32, #tpu.memory_space<vmem>>, vector<16xf32>,
            %get3A_368 = arith.index_cast %add3A_255 : i32 to index
            %get3A_369 = arith.constant 112 : index
            %get3A_370 = tpu.vector_load %arg12[%get3A_368, %get3A_369] {strides = array<i32>} : memref<64x128xf32, #tpu.memory_space<vmem>>, vector<16xf32>,
            %mul3A_371 = arith.constant 2.000000e-01 : f32
            %mul3A_372 = vector.broadcast %mul3A_371 : f32 to vector<16xf32>
            %mul3A_373 = arith.mulf %mul3A_372, %get3A_370 : vector<16xf32>
            %get3A_374 = arith.index_cast %add3A_255 : i32 to index
            %get3A_375 = arith.constant 112 : index
            %get3A_376 = tpu.vector_load %arg13[%get3A_374, %get3A_375] {strides = array<i32>} : memref<64x128xf32, #tpu.memory_space<vmem>>, vector<16xf32>,
            %mul3A_377 = arith.constant 8.000000e-01 : f32
            %mul3A_378 = vector.broadcast %mul3A_377 : f32 to vector<16xf32>
            %mul3A_379 = arith.mulf %mul3A_378, %get3A_376 : vector<16xf32>
            %add3A_380 = arith.addf %mul3A_373, %mul3A_379 : vector<16xf32>
            %swap3A_381 = arith.index_cast %add3A_255 : i32 to index
            %swap3A_382 = arith.constant 112 : index
            %swap3A_383 = tpu.vector_load %arg12[%swap3A_381, %swap3A_382] {strides = array<i32>} : memref<64x128xf32, #tpu.memory_space<vmem>>, vector<16xf32>,
            tpu.vector_store %arg12[%swap3A_381, %swap3A_382], %add3A_380 {strides = array<i32>} : memref<64x128xf32, #tpu.memory_space<vmem>>, vector<16xf32>,
            %mul3A_384 = arith.constant 4 : i32
            %mul3A_385 = arith.muli %scan3A_251, %mul3A_384 : i32
            %add3A_386 = arith.constant 1 : i32
            %add3A_387 = arith.addi %mul3A_385, %add3A_386 : i32
            %get3A_388 = arith.index_cast %add3A_387 : i32 to index
            %get3A_389 = arith.constant 0 : index
            %get3A_390 = tpu.vector_load %arg12[%get3A_388, %get3A_389] {strides = array<i32>} : memref<64x128xf32, #tpu.memory_space<vmem>>, vector<16xf32>,
            %mul3A_391 = arith.constant 2.000000e-01 : f32
            %mul3A_392 = vector.broadcast %mul3A_391 : f32 to vector<16xf32>
            %mul3A_393 = arith.mulf %mul3A_392, %get3A_390 : vector<16xf32>
            %get3A_394 = arith.index_cast %add3A_387 : i32 to index
            %get3A_395 = arith.constant 0 : index
            %get3A_396 = tpu.vector_load %arg13[%get3A_394, %get3A_395] {strides = array<i32>} : memref<64x128xf32, #tpu.memory_space<vmem>>, vector<16xf32>,
            %mul3A_397 = arith.constant 8.000000e-01 : f32
            %mul3A_398 = vector.broadcast %mul3A_397 : f32 to vector<16xf32>
            %mul3A_399 = arith.mulf %mul3A_398, %get3A_396 : vector<16xf32>
            %add3A_400 = arith.addf %mul3A_393, %mul3A_399 : vector<16xf32>
            %swap3A_401 = arith.index_cast %add3A_387 : i32 to index
            %swap3A_402 = arith.constant 0 : index
            %swap3A_403 = tpu.vector_load %arg12[%swap3A_401, %swap3A_402] {strides = array<i32>} : memref<64x128xf32, #tpu.memory_space<vmem>>, vector<16xf32>,
            tpu.vector_store %arg12[%swap3A_401, %swap3A_402], %add3A_400 {strides = array<i32>} : memref<64x128xf32, #tpu.memory_space<vmem>>, vector<16xf32>,
            %get3A_404 = arith.index_cast %add3A_387 : i32 to index
            %get3A_405 = arith.constant 16 : index
            %get3A_406 = tpu.vector_load %arg12[%get3A_404, %get3A_405] {strides = array<i32>} : memref<64x128xf32, #tpu.memory_space<vmem>>, vector<16xf32>,
            %mul3A_407 = arith.constant 2.000000e-01 : f32
            %mul3A_408 = vector.broadcast %mul3A_407 : f32 to vector<16xf32>
            %mul3A_409 = arith.mulf %mul3A_408, %get3A_406 : vector<16xf32>
            %get3A_410 = arith.index_cast %add3A_387 : i32 to index
            %get3A_411 = arith.constant 16 : index
            %get3A_412 = tpu.vector_load %arg13[%get3A_410, %get3A_411] {strides = array<i32>} : memref<64x128xf32, #tpu.memory_space<vmem>>, vector<16xf32>,
            %mul3A_413 = arith.constant 8.000000e-01 : f32
            %mul3A_414 = vector.broadcast %mul3A_413 : f32 to vector<16xf32>
            %mul3A_415 = arith.mulf %mul3A_414, %get3A_412 : vector<16xf32>
            %add3A_416 = arith.addf %mul3A_409, %mul3A_415 : vector<16xf32>
            %swap3A_417 = arith.index_cast %add3A_387 : i32 to index
            %swap3A_418 = arith.constant 16 : index
            %swap3A_419 = tpu.vector_load %arg12[%swap3A_417, %swap3A_418] {strides = array<i32>} : memref<64x128xf32, #tpu.memory_space<vmem>>, vector<16xf32>,
            tpu.vector_store %arg12[%swap3A_417, %swap3A_418], %add3A_416 {strides = array<i32>} : memref<64x128xf32, #tpu.memory_space<vmem>>, vector<16xf32>,
            %get3A_420 = arith.index_cast %add3A_387 : i32 to index
            %get3A_421 = arith.constant 32 : index
            %get3A_422 = tpu.vector_load %arg12[%get3A_420, %get3A_421] {strides = array<i32>} : memref<64x128xf32, #tpu.memory_space<vmem>>, vector<16xf32>,
            %mul3A_423 = arith.constant 2.000000e-01 : f32
            %mul3A_424 = vector.broadcast %mul3A_423 : f32 to vector<16xf32>
            %mul3A_425 = arith.mulf %mul3A_424, %get3A_422 : vector<16xf32>
            %get3A_426 = arith.index_cast %add3A_387 : i32 to index
            %get3A_427 = arith.constant 32 : index
            %get3A_428 = tpu.vector_load %arg13[%get3A_426, %get3A_427] {strides = array<i32>} : memref<64x128xf32, #tpu.memory_space<vmem>>, vector<16xf32>,
            %mul3A_429 = arith.constant 8.000000e-01 : f32
            %mul3A_430 = vector.broadcast %mul3A_429 : f32 to vector<16xf32>
            %mul3A_431 = arith.mulf %mul3A_430, %get3A_428 : vector<16xf32>
            %add3A_432 = arith.addf %mul3A_425, %mul3A_431 : vector<16xf32>
            %swap3A_433 = arith.index_cast %add3A_387 : i32 to index
            %swap3A_434 = arith.constant 32 : index
            %swap3A_435 = tpu.vector_load %arg12[%swap3A_433, %swap3A_434] {strides = array<i32>} : memref<64x128xf32, #tpu.memory_space<vmem>>, vector<16xf32>,
            tpu.vector_store %arg12[%swap3A_433, %swap3A_434], %add3A_432 {strides = array<i32>} : memref<64x128xf32, #tpu.memory_space<vmem>>, vector<16xf32>,
            %get3A_436 = arith.index_cast %add3A_387 : i32 to index
            %get3A_437 = arith.constant 48 : index
            %get3A_438 = tpu.vector_load %arg12[%get3A_436, %get3A_437] {strides = array<i32>} : memref<64x128xf32, #tpu.memory_space<vmem>>, vector<16xf32>,
            %mul3A_439 = arith.constant 2.000000e-01 : f32
            %mul3A_440 = vector.broadcast %mul3A_439 : f32 to vector<16xf32>
            %mul3A_441 = arith.mulf %mul3A_440, %get3A_438 : vector<16xf32>
            %get3A_442 = arith.index_cast %add3A_387 : i32 to index
            %get3A_443 = arith.constant 48 : index
            %get3A_444 = tpu.vector_load %arg13[%get3A_442, %get3A_443] {strides = array<i32>} : memref<64x128xf32, #tpu.memory_space<vmem>>, vector<16xf32>,
            %mul3A_445 = arith.constant 8.000000e-01 : f32
            %mul3A_446 = vector.broadcast %mul3A_445 : f32 to vector<16xf32>
            %mul3A_447 = arith.mulf %mul3A_446, %get3A_444 : vector<16xf32>
            %add3A_448 = arith.addf %mul3A_441, %mul3A_447 : vector<16xf32>
            %swap3A_449 = arith.index_cast %add3A_387 : i32 to index
            %swap3A_450 = arith.constant 48 : index
            %swap3A_451 = tpu.vector_load %arg12[%swap3A_449, %swap3A_450] {strides = array<i32>} : memref<64x128xf32, #tpu.memory_space<vmem>>, vector<16xf32>,
            tpu.vector_store %arg12[%swap3A_449, %swap3A_450], %add3A_448 {strides = array<i32>} : memref<64x128xf32, #tpu.memory_space<vmem>>, vector<16xf32>,
            %get3A_452 = arith.index_cast %add3A_387 : i32 to index
            %get3A_453 = arith.constant 64 : index
            %get3A_454 = tpu.vector_load %arg12[%get3A_452, %get3A_453] {strides = array<i32>} : memref<64x128xf32, #tpu.memory_space<vmem>>, vector<16xf32>,
            %mul3A_455 = arith.constant 2.000000e-01 : f32
            %mul3A_456 = vector.broadcast %mul3A_455 : f32 to vector<16xf32>
            %mul3A_457 = arith.mulf %mul3A_456, %get3A_454 : vector<16xf32>
            %get3A_458 = arith.index_cast %add3A_387 : i32 to index
            %get3A_459 = arith.constant 64 : index
            %get3A_460 = tpu.vector_load %arg13[%get3A_458, %get3A_459] {strides = array<i32>} : memref<64x128xf32, #tpu.memory_space<vmem>>, vector<16xf32>,
            %mul3A_461 = arith.constant 8.000000e-01 : f32
            %mul3A_462 = vector.broadcast %mul3A_461 : f32 to vector<16xf32>
            %mul3A_463 = arith.mulf %mul3A_462, %get3A_460 : vector<16xf32>
            %add3A_464 = arith.addf %mul3A_457, %mul3A_463 : vector<16xf32>
            %swap3A_465 = arith.index_cast %add3A_387 : i32 to index
            %swap3A_466 = arith.constant 64 : index
            %swap3A_467 = tpu.vector_load %arg12[%swap3A_465, %swap3A_466] {strides = array<i32>} : memref<64x128xf32, #tpu.memory_space<vmem>>, vector<16xf32>,
            tpu.vector_store %arg12[%swap3A_465, %swap3A_466], %add3A_464 {strides = array<i32>} : memref<64x128xf32, #tpu.memory_space<vmem>>, vector<16xf32>,
            %get3A_468 = arith.index_cast %add3A_387 : i32 to index
            %get3A_469 = arith.constant 80 : index
            %get3A_470 = tpu.vector_load %arg12[%get3A_468, %get3A_469] {strides = array<i32>} : memref<64x128xf32, #tpu.memory_space<vmem>>, vector<16xf32>,
            %mul3A_471 = arith.constant 2.000000e-01 : f32
            %mul3A_472 = vector.broadcast %mul3A_471 : f32 to vector<16xf32>
            %mul3A_473 = arith.mulf %mul3A_472, %get3A_470 : vector<16xf32>
            %get3A_474 = arith.index_cast %add3A_387 : i32 to index
            %get3A_475 = arith.constant 80 : index
            %get3A_476 = tpu.vector_load %arg13[%get3A_474, %get3A_475] {strides = array<i32>} : memref<64x128xf32, #tpu.memory_space<vmem>>, vector<16xf32>,
            %mul3A_477 = arith.constant 8.000000e-01 : f32
            %mul3A_478 = vector.broadcast %mul3A_477 : f32 to vector<16xf32>
            %mul3A_479 = arith.mulf %mul3A_478, %get3A_476 : vector<16xf32>
            %add3A_480 = arith.addf %mul3A_473, %mul3A_479 : vector<16xf32>
            %swap3A_481 = arith.index_cast %add3A_387 : i32 to index
            %swap3A_482 = arith.constant 80 : index
            %swap3A_483 = tpu.vector_load %arg12[%swap3A_481, %swap3A_482] {strides = array<i32>} : memref<64x128xf32, #tpu.memory_space<vmem>>, vector<16xf32>,
            tpu.vector_store %arg12[%swap3A_481, %swap3A_482], %add3A_480 {strides = array<i32>} : memref<64x128xf32, #tpu.memory_space<vmem>>, vector<16xf32>,
            %get3A_484 = arith.index_cast %add3A_387 : i32 to index
            %get3A_485 = arith.constant 96 : index
            %get3A_486 = tpu.vector_load %arg12[%get3A_484, %get3A_485] {strides = array<i32>} : memref<64x128xf32, #tpu.memory_space<vmem>>, vector<16xf32>,
            %mul3A_487 = arith.constant 2.000000e-01 : f32
            %mul3A_488 = vector.broadcast %mul3A_487 : f32 to vector<16xf32>
            %mul3A_489 = arith.mulf %mul3A_488, %get3A_486 : vector<16xf32>
            %get3A_490 = arith.index_cast %add3A_387 : i32 to index
            %get3A_491 = arith.constant 96 : index
            %get3A_492 = tpu.vector_load %arg13[%get3A_490, %get3A_491] {strides = array<i32>} : memref<64x128xf32, #tpu.memory_space<vmem>>, vector<16xf32>,
            %mul3A_493 = arith.constant 8.000000e-01 : f32
            %mul3A_494 = vector.broadcast %mul3A_493 : f32 to vector<16xf32>
            %mul3A_495 = arith.mulf %mul3A_494, %get3A_492 : vector<16xf32>
            %add3A_496 = arith.addf %mul3A_489, %mul3A_495 : vector<16xf32>
            %swap3A_497 = arith.index_cast %add3A_387 : i32 to index
            %swap3A_498 = arith.constant 96 : index
            %swap3A_499 = tpu.vector_load %arg12[%swap3A_497, %swap3A_498] {strides = array<i32>} : memref<64x128xf32, #tpu.memory_space<vmem>>, vector<16xf32>,
            tpu.vector_store %arg12[%swap3A_497, %swap3A_498], %add3A_496 {strides = array<i32>} : memref<64x128xf32, #tpu.memory_space<vmem>>, vector<16xf32>,
            %get3A_500 = arith.index_cast %add3A_387 : i32 to index
            %get3A_501 = arith.constant 112 : index
            %get3A_502 = tpu.vector_load %arg12[%get3A_500, %get3A_501] {strides = array<i32>} : memref<64x128xf32, #tpu.memory_space<vmem>>, vector<16xf32>,
            %mul3A_503 = arith.constant 2.000000e-01 : f32
            %mul3A_504 = vector.broadcast %mul3A_503 : f32 to vector<16xf32>
            %mul3A_505 = arith.mulf %mul3A_504, %get3A_502 : vector<16xf32>
            %get3A_506 = arith.index_cast %add3A_387 : i32 to index
            %get3A_507 = arith.constant 112 : index
            %get3A_508 = tpu.vector_load %arg13[%get3A_506, %get3A_507] {strides = array<i32>} : memref<64x128xf32, #tpu.memory_space<vmem>>, vector<16xf32>,
            %mul3A_509 = arith.constant 8.000000e-01 : f32
            %mul3A_510 = vector.broadcast %mul3A_509 : f32 to vector<16xf32>
            %mul3A_511 = arith.mulf %mul3A_510, %get3A_508 : vector<16xf32>
            %add3A_512 = arith.addf %mul3A_505, %mul3A_511 : vector<16xf32>
            %swap3A_513 = arith.index_cast %add3A_387 : i32 to index
            %swap3A_514 = arith.constant 112 : index
            %swap3A_515 = tpu.vector_load %arg12[%swap3A_513, %swap3A_514] {strides = array<i32>} : memref<64x128xf32, #tpu.memory_space<vmem>>, vector<16xf32>,
            tpu.vector_store %arg12[%swap3A_513, %swap3A_514], %add3A_512 {strides = array<i32>} : memref<64x128xf32, #tpu.memory_space<vmem>>, vector<16xf32>,
            %mul3A_516 = arith.constant 4 : i32
            %mul3A_517 = arith.muli %scan3A_251, %mul3A_516 : i32
            %add3A_518 = arith.constant 2 : i32
            %add3A_519 = arith.addi %mul3A_517, %add3A_518 : i32
            %get3A_520 = arith.index_cast %add3A_519 : i32 to index
            %get3A_521 = arith.constant 0 : index
            %get3A_522 = tpu.vector_load %arg12[%get3A_520, %get3A_521] {strides = array<i32>} : memref<64x128xf32, #tpu.memory_space<vmem>>, vector<16xf32>,
            %mul3A_523 = arith.constant 2.000000e-01 : f32
            %mul3A_524 = vector.broadcast %mul3A_523 : f32 to vector<16xf32>
            %mul3A_525 = arith.mulf %mul3A_524, %get3A_522 : vector<16xf32>
            %get3A_526 = arith.index_cast %add3A_519 : i32 to index
            %get3A_527 = arith.constant 0 : index
            %get3A_528 = tpu.vector_load %arg13[%get3A_526, %get3A_527] {strides = array<i32>} : memref<64x128xf32, #tpu.memory_space<vmem>>, vector<16xf32>,
            %mul3A_529 = arith.constant 8.000000e-01 : f32
            %mul3A_530 = vector.broadcast %mul3A_529 : f32 to vector<16xf32>
            %mul3A_531 = arith.mulf %mul3A_530, %get3A_528 : vector<16xf32>
            %add3A_532 = arith.addf %mul3A_525, %mul3A_531 : vector<16xf32>
            %swap3A_533 = arith.index_cast %add3A_519 : i32 to index
            %swap3A_534 = arith.constant 0 : index
            %swap3A_535 = tpu.vector_load %arg12[%swap3A_533, %swap3A_534] {strides = array<i32>} : memref<64x128xf32, #tpu.memory_space<vmem>>, vector<16xf32>,
            tpu.vector_store %arg12[%swap3A_533, %swap3A_534], %add3A_532 {strides = array<i32>} : memref<64x128xf32, #tpu.memory_space<vmem>>, vector<16xf32>,
            %get3A_536 = arith.index_cast %add3A_519 : i32 to index
            %get3A_537 = arith.constant 16 : index
            %get3A_538 = tpu.vector_load %arg12[%get3A_536, %get3A_537] {strides = array<i32>} : memref<64x128xf32, #tpu.memory_space<vmem>>, vector<16xf32>,
            %mul3A_539 = arith.constant 2.000000e-01 : f32
            %mul3A_540 = vector.broadcast %mul3A_539 : f32 to vector<16xf32>
            %mul3A_541 = arith.mulf %mul3A_540, %get3A_538 : vector<16xf32>
            %get3A_542 = arith.index_cast %add3A_519 : i32 to index
            %get3A_543 = arith.constant 16 : index
            %get3A_544 = tpu.vector_load %arg13[%get3A_542, %get3A_543] {strides = array<i32>} : memref<64x128xf32, #tpu.memory_space<vmem>>, vector<16xf32>,
            %mul3A_545 = arith.constant 8.000000e-01 : f32
            %mul3A_546 = vector.broadcast %mul3A_545 : f32 to vector<16xf32>
            %mul3A_547 = arith.mulf %mul3A_546, %get3A_544 : vector<16xf32>
            %add3A_548 = arith.addf %mul3A_541, %mul3A_547 : vector<16xf32>
            %swap3A_549 = arith.index_cast %add3A_519 : i32 to index
            %swap3A_550 = arith.constant 16 : index
            %swap3A_551 = tpu.vector_load %arg12[%swap3A_549, %swap3A_550] {strides = array<i32>} : memref<64x128xf32, #tpu.memory_space<vmem>>, vector<16xf32>,
            tpu.vector_store %arg12[%swap3A_549, %swap3A_550], %add3A_548 {strides = array<i32>} : memref<64x128xf32, #tpu.memory_space<vmem>>, vector<16xf32>,
            %get3A_552 = arith.index_cast %add3A_519 : i32 to index
            %get3A_553 = arith.constant 32 : index
            %get3A_554 = tpu.vector_load %arg12[%get3A_552, %get3A_553] {strides = array<i32>} : memref<64x128xf32, #tpu.memory_space<vmem>>, vector<16xf32>,
            %mul3A_555 = arith.constant 2.000000e-01 : f32
            %mul3A_556 = vector.broadcast %mul3A_555 : f32 to vector<16xf32>
            %mul3A_557 = arith.mulf %mul3A_556, %get3A_554 : vector<16xf32>
            %get3A_558 = arith.index_cast %add3A_519 : i32 to index
            %get3A_559 = arith.constant 32 : index
            %get3A_560 = tpu.vector_load %arg13[%get3A_558, %get3A_559] {strides = array<i32>} : memref<64x128xf32, #tpu.memory_space<vmem>>, vector<16xf32>,
            %mul3A_561 = arith.constant 8.000000e-01 : f32
            %mul3A_562 = vector.broadcast %mul3A_561 : f32 to vector<16xf32>
            %mul3A_563 = arith.mulf %mul3A_562, %get3A_560 : vector<16xf32>
            %add3A_564 = arith.addf %mul3A_557, %mul3A_563 : vector<16xf32>
            %swap3A_565 = arith.index_cast %add3A_519 : i32 to index
            %swap3A_566 = arith.constant 32 : index
            %swap3A_567 = tpu.vector_load %arg12[%swap3A_565, %swap3A_566] {strides = array<i32>} : memref<64x128xf32, #tpu.memory_space<vmem>>, vector<16xf32>,
            tpu.vector_store %arg12[%swap3A_565, %swap3A_566], %add3A_564 {strides = array<i32>} : memref<64x128xf32, #tpu.memory_space<vmem>>, vector<16xf32>,
            %get3A_568 = arith.index_cast %add3A_519 : i32 to index
            %get3A_569 = arith.constant 48 : index
            %get3A_570 = tpu.vector_load %arg12[%get3A_568, %get3A_569] {strides = array<i32>} : memref<64x128xf32, #tpu.memory_space<vmem>>, vector<16xf32>,
            %mul3A_571 = arith.constant 2.000000e-01 : f32
            %mul3A_572 = vector.broadcast %mul3A_571 : f32 to vector<16xf32>
            %mul3A_573 = arith.mulf %mul3A_572, %get3A_570 : vector<16xf32>
            %get3A_574 = arith.index_cast %add3A_519 : i32 to index
            %get3A_575 = arith.constant 48 : index
            %get3A_576 = tpu.vector_load %arg13[%get3A_574, %get3A_575] {strides = array<i32>} : memref<64x128xf32, #tpu.memory_space<vmem>>, vector<16xf32>,
            %mul3A_577 = arith.constant 8.000000e-01 : f32
            %mul3A_578 = vector.broadcast %mul3A_577 : f32 to vector<16xf32>
            %mul3A_579 = arith.mulf %mul3A_578, %get3A_576 : vector<16xf32>
            %add3A_580 = arith.addf %mul3A_573, %mul3A_579 : vector<16xf32>
            %swap3A_581 = arith.index_cast %add3A_519 : i32 to index
            %swap3A_582 = arith.constant 48 : index
            %swap3A_583 = tpu.vector_load %arg12[%swap3A_581, %swap3A_582] {strides = array<i32>} : memref<64x128xf32, #tpu.memory_space<vmem>>, vector<16xf32>,
            tpu.vector_store %arg12[%swap3A_581, %swap3A_582], %add3A_580 {strides = array<i32>} : memref<64x128xf32, #tpu.memory_space<vmem>>, vector<16xf32>,
            %get3A_584 = arith.index_cast %add3A_519 : i32 to index
            %get3A_585 = arith.constant 64 : index
            %get3A_586 = tpu.vector_load %arg12[%get3A_584, %get3A_585] {strides = array<i32>} : memref<64x128xf32, #tpu.memory_space<vmem>>, vector<16xf32>,
            %mul3A_587 = arith.constant 2.000000e-01 : f32
            %mul3A_588 = vector.broadcast %mul3A_587 : f32 to vector<16xf32>
            %mul3A_589 = arith.mulf %mul3A_588, %get3A_586 : vector<16xf32>
            %get3A_590 = arith.index_cast %add3A_519 : i32 to index
            %get3A_591 = arith.constant 64 : index
            %get3A_592 = tpu.vector_load %arg13[%get3A_590, %get3A_591] {strides = array<i32>} : memref<64x128xf32, #tpu.memory_space<vmem>>, vector<16xf32>,
            %mul3A_593 = arith.constant 8.000000e-01 : f32
            %mul3A_594 = vector.broadcast %mul3A_593 : f32 to vector<16xf32>
            %mul3A_595 = arith.mulf %mul3A_594, %get3A_592 : vector<16xf32>
            %add3A_596 = arith.addf %mul3A_589, %mul3A_595 : vector<16xf32>
            %swap3A_597 = arith.index_cast %add3A_519 : i32 to index
            %swap3A_598 = arith.constant 64 : index
            %swap3A_599 = tpu.vector_load %arg12[%swap3A_597, %swap3A_598] {strides = array<i32>} : memref<64x128xf32, #tpu.memory_space<vmem>>, vector<16xf32>,
            tpu.vector_store %arg12[%swap3A_597, %swap3A_598], %add3A_596 {strides = array<i32>} : memref<64x128xf32, #tpu.memory_space<vmem>>, vector<16xf32>,
            %get3A_600 = arith.index_cast %add3A_519 : i32 to index
            %get3A_601 = arith.constant 80 : index
            %get3A_602 = tpu.vector_load %arg12[%get3A_600, %get3A_601] {strides = array<i32>} : memref<64x128xf32, #tpu.memory_space<vmem>>, vector<16xf32>,
            %mul3A_603 = arith.constant 2.000000e-01 : f32
            %mul3A_604 = vector.broadcast %mul3A_603 : f32 to vector<16xf32>
            %mul3A_605 = arith.mulf %mul3A_604, %get3A_602 : vector<16xf32>
            %get3A_606 = arith.index_cast %add3A_519 : i32 to index
            %get3A_607 = arith.constant 80 : index
            %get3A_608 = tpu.vector_load %arg13[%get3A_606, %get3A_607] {strides = array<i32>} : memref<64x128xf32, #tpu.memory_space<vmem>>, vector<16xf32>,
            %mul3A_609 = arith.constant 8.000000e-01 : f32
            %mul3A_610 = vector.broadcast %mul3A_609 : f32 to vector<16xf32>
            %mul3A_611 = arith.mulf %mul3A_610, %get3A_608 : vector<16xf32>
            %add3A_612 = arith.addf %mul3A_605, %mul3A_611 : vector<16xf32>
            %swap3A_613 = arith.index_cast %add3A_519 : i32 to index
            %swap3A_614 = arith.constant 80 : index
            %swap3A_615 = tpu.vector_load %arg12[%swap3A_613, %swap3A_614] {strides = array<i32>} : memref<64x128xf32, #tpu.memory_space<vmem>>, vector<16xf32>,
            tpu.vector_store %arg12[%swap3A_613, %swap3A_614], %add3A_612 {strides = array<i32>} : memref<64x128xf32, #tpu.memory_space<vmem>>, vector<16xf32>,
            %get3A_616 = arith.index_cast %add3A_519 : i32 to index
            %get3A_617 = arith.constant 96 : index
            %get3A_618 = tpu.vector_load %arg12[%get3A_616, %get3A_617] {strides = array<i32>} : memref<64x128xf32, #tpu.memory_space<vmem>>, vector<16xf32>,
            %mul3A_619 = arith.constant 2.000000e-01 : f32
            %mul3A_620 = vector.broadcast %mul3A_619 : f32 to vector<16xf32>
            %mul3A_621 = arith.mulf %mul3A_620, %get3A_618 : vector<16xf32>
            %get3A_622 = arith.index_cast %add3A_519 : i32 to index
            %get3A_623 = arith.constant 96 : index
            %get3A_624 = tpu.vector_load %arg13[%get3A_622, %get3A_623] {strides = array<i32>} : memref<64x128xf32, #tpu.memory_space<vmem>>, vector<16xf32>,
            %mul3A_625 = arith.constant 8.000000e-01 : f32
            %mul3A_626 = vector.broadcast %mul3A_625 : f32 to vector<16xf32>
            %mul3A_627 = arith.mulf %mul3A_626, %get3A_624 : vector<16xf32>
            %add3A_628 = arith.addf %mul3A_621, %mul3A_627 : vector<16xf32>
            %swap3A_629 = arith.index_cast %add3A_519 : i32 to index
            %swap3A_630 = arith.constant 96 : index
            %swap3A_631 = tpu.vector_load %arg12[%swap3A_629, %swap3A_630] {strides = array<i32>} : memref<64x128xf32, #tpu.memory_space<vmem>>, vector<16xf32>,
            tpu.vector_store %arg12[%swap3A_629, %swap3A_630], %add3A_628 {strides = array<i32>} : memref<64x128xf32, #tpu.memory_space<vmem>>, vector<16xf32>,
            %get3A_632 = arith.index_cast %add3A_519 : i32 to index
            %get3A_633 = arith.constant 112 : index
            %get3A_634 = tpu.vector_load %arg12[%get3A_632, %get3A_633] {strides = array<i32>} : memref<64x128xf32, #tpu.memory_space<vmem>>, vector<16xf32>,
            %mul3A_635 = arith.constant 2.000000e-01 : f32
            %mul3A_636 = vector.broadcast %mul3A_635 : f32 to vector<16xf32>
            %mul3A_637 = arith.mulf %mul3A_636, %get3A_634 : vector<16xf32>
            %get3A_638 = arith.index_cast %add3A_519 : i32 to index
            %get3A_639 = arith.constant 112 : index
            %get3A_640 = tpu.vector_load %arg13[%get3A_638, %get3A_639] {strides = array<i32>} : memref<64x128xf32, #tpu.memory_space<vmem>>, vector<16xf32>,
            %mul3A_641 = arith.constant 8.000000e-01 : f32
            %mul3A_642 = vector.broadcast %mul3A_641 : f32 to vector<16xf32>
            %mul3A_643 = arith.mulf %mul3A_642, %get3A_640 : vector<16xf32>
            %add3A_644 = arith.addf %mul3A_637, %mul3A_643 : vector<16xf32>
            %swap3A_645 = arith.index_cast %add3A_519 : i32 to index
            %swap3A_646 = arith.constant 112 : index
            %swap3A_647 = tpu.vector_load %arg12[%swap3A_645, %swap3A_646] {strides = array<i32>} : memref<64x128xf32, #tpu.memory_space<vmem>>, vector<16xf32>,
            tpu.vector_store %arg12[%swap3A_645, %swap3A_646], %add3A_644 {strides = array<i32>} : memref<64x128xf32, #tpu.memory_space<vmem>>, vector<16xf32>,
            %mul3A_648 = arith.constant 4 : i32
            %mul3A_649 = arith.muli %scan3A_251, %mul3A_648 : i32
            %add3A_650 = arith.constant 3 : i32
            %add3A_651 = arith.addi %mul3A_649, %add3A_650 : i32
            %get3A_652 = arith.index_cast %add3A_651 : i32 to index
            %get3A_653 = arith.constant 0 : index
            %get3A_654 = tpu.vector_load %arg12[%get3A_652, %get3A_653] {strides = array<i32>} : memref<64x128xf32, #tpu.memory_space<vmem>>, vector<16xf32>,
            %mul3A_655 = arith.constant 2.000000e-01 : f32
            %mul3A_656 = vector.broadcast %mul3A_655 : f32 to vector<16xf32>
            %mul3A_657 = arith.mulf %mul3A_656, %get3A_654 : vector<16xf32>
            %get3A_658 = arith.index_cast %add3A_651 : i32 to index
            %get3A_659 = arith.constant 0 : index
            %get3A_660 = tpu.vector_load %arg13[%get3A_658, %get3A_659] {strides = array<i32>} : memref<64x128xf32, #tpu.memory_space<vmem>>, vector<16xf32>,
            %mul3A_661 = arith.constant 8.000000e-01 : f32
            %mul3A_662 = vector.broadcast %mul3A_661 : f32 to vector<16xf32>
            %mul3A_663 = arith.mulf %mul3A_662, %get3A_660 : vector<16xf32>
            %add3A_664 = arith.addf %mul3A_657, %mul3A_663 : vector<16xf32>
            %swap3A_665 = arith.index_cast %add3A_651 : i32 to index
            %swap3A_666 = arith.constant 0 : index
            %swap3A_667 = tpu.vector_load %arg12[%swap3A_665, %swap3A_666] {strides = array<i32>} : memref<64x128xf32, #tpu.memory_space<vmem>>, vector<16xf32>,
            tpu.vector_store %arg12[%swap3A_665, %swap3A_666], %add3A_664 {strides = array<i32>} : memref<64x128xf32, #tpu.memory_space<vmem>>, vector<16xf32>,
            %get3A_668 = arith.index_cast %add3A_651 : i32 to index
            %get3A_669 = arith.constant 16 : index
            %get3A_670 = tpu.vector_load %arg12[%get3A_668, %get3A_669] {strides = array<i32>} : memref<64x128xf32, #tpu.memory_space<vmem>>, vector<16xf32>,
            %mul3A_671 = arith.constant 2.000000e-01 : f32
            %mul3A_672 = vector.broadcast %mul3A_671 : f32 to vector<16xf32>
            %mul3A_673 = arith.mulf %mul3A_672, %get3A_670 : vector<16xf32>
            %get3A_674 = arith.index_cast %add3A_651 : i32 to index
            %get3A_675 = arith.constant 16 : index
            %get3A_676 = tpu.vector_load %arg13[%get3A_674, %get3A_675] {strides = array<i32>} : memref<64x128xf32, #tpu.memory_space<vmem>>, vector<16xf32>,
            %mul3A_677 = arith.constant 8.000000e-01 : f32
            %mul3A_678 = vector.broadcast %mul3A_677 : f32 to vector<16xf32>
            %mul3A_679 = arith.mulf %mul3A_678, %get3A_676 : vector<16xf32>
            %add3A_680 = arith.addf %mul3A_673, %mul3A_679 : vector<16xf32>
            %swap3A_681 = arith.index_cast %add3A_651 : i32 to index
            %swap3A_682 = arith.constant 16 : index
            %swap3A_683 = tpu.vector_load %arg12[%swap3A_681, %swap3A_682] {strides = array<i32>} : memref<64x128xf32, #tpu.memory_space<vmem>>, vector<16xf32>,
            tpu.vector_store %arg12[%swap3A_681, %swap3A_682], %add3A_680 {strides = array<i32>} : memref<64x128xf32, #tpu.memory_space<vmem>>, vector<16xf32>,
            %get3A_684 = arith.index_cast %add3A_651 : i32 to index
            %get3A_685 = arith.constant 32 : index
            %get3A_686 = tpu.vector_load %arg12[%get3A_684, %get3A_685] {strides = array<i32>} : memref<64x128xf32, #tpu.memory_space<vmem>>, vector<16xf32>,
            %mul3A_687 = arith.constant 2.000000e-01 : f32
            %mul3A_688 = vector.broadcast %mul3A_687 : f32 to vector<16xf32>
            %mul3A_689 = arith.mulf %mul3A_688, %get3A_686 : vector<16xf32>
            %get3A_690 = arith.index_cast %add3A_651 : i32 to index
            %get3A_691 = arith.constant 32 : index
            %get3A_692 = tpu.vector_load %arg13[%get3A_690, %get3A_691] {strides = array<i32>} : memref<64x128xf32, #tpu.memory_space<vmem>>, vector<16xf32>,
            %mul3A_693 = arith.constant 8.000000e-01 : f32
            %mul3A_694 = vector.broadcast %mul3A_693 : f32 to vector<16xf32>
            %mul3A_695 = arith.mulf %mul3A_694, %get3A_692 : vector<16xf32>
            %add3A_696 = arith.addf %mul3A_689, %mul3A_695 : vector<16xf32>
            %swap3A_697 = arith.index_cast %add3A_651 : i32 to index
            %swap3A_698 = arith.constant 32 : index
            %swap3A_699 = tpu.vector_load %arg12[%swap3A_697, %swap3A_698] {strides = array<i32>} : memref<64x128xf32, #tpu.memory_space<vmem>>, vector<16xf32>,
            tpu.vector_store %arg12[%swap3A_697, %swap3A_698], %add3A_696 {strides = array<i32>} : memref<64x128xf32, #tpu.memory_space<vmem>>, vector<16xf32>,
            %get3A_700 = arith.index_cast %add3A_651 : i32 to index
            %get3A_701 = arith.constant 48 : index
            %get3A_702 = tpu.vector_load %arg12[%get3A_700, %get3A_701] {strides = array<i32>} : memref<64x128xf32, #tpu.memory_space<vmem>>, vector<16xf32>,
            %mul3A_703 = arith.constant 2.000000e-01 : f32
            %mul3A_704 = vector.broadcast %mul3A_703 : f32 to vector<16xf32>
            %mul3A_705 = arith.mulf %mul3A_704, %get3A_702 : vector<16xf32>
            %get3A_706 = arith.index_cast %add3A_651 : i32 to index
            %get3A_707 = arith.constant 48 : index
            %get3A_708 = tpu.vector_load %arg13[%get3A_706, %get3A_707] {strides = array<i32>} : memref<64x128xf32, #tpu.memory_space<vmem>>, vector<16xf32>,
            %mul3A_709 = arith.constant 8.000000e-01 : f32
            %mul3A_710 = vector.broadcast %mul3A_709 : f32 to vector<16xf32>
            %mul3A_711 = arith.mulf %mul3A_710, %get3A_708 : vector<16xf32>
            %add3A_712 = arith.addf %mul3A_705, %mul3A_711 : vector<16xf32>
            %swap3A_713 = arith.index_cast %add3A_651 : i32 to index
            %swap3A_714 = arith.constant 48 : index
            %swap3A_715 = tpu.vector_load %arg12[%swap3A_713, %swap3A_714] {strides = array<i32>} : memref<64x128xf32, #tpu.memory_space<vmem>>, vector<16xf32>,
            tpu.vector_store %arg12[%swap3A_713, %swap3A_714], %add3A_712 {strides = array<i32>} : memref<64x128xf32, #tpu.memory_space<vmem>>, vector<16xf32>,
            %get3A_716 = arith.index_cast %add3A_651 : i32 to index
            %get3A_717 = arith.constant 64 : index
            %get3A_718 = tpu.vector_load %arg12[%get3A_716, %get3A_717] {strides = array<i32>} : memref<64x128xf32, #tpu.memory_space<vmem>>, vector<16xf32>,
            %mul3A_719 = arith.constant 2.000000e-01 : f32
            %mul3A_720 = vector.broadcast %mul3A_719 : f32 to vector<16xf32>
            %mul3A_721 = arith.mulf %mul3A_720, %get3A_718 : vector<16xf32>
            %get3A_722 = arith.index_cast %add3A_651 : i32 to index
            %get3A_723 = arith.constant 64 : index
            %get3A_724 = tpu.vector_load %arg13[%get3A_722, %get3A_723] {strides = array<i32>} : memref<64x128xf32, #tpu.memory_space<vmem>>, vector<16xf32>,
            %mul3A_725 = arith.constant 8.000000e-01 : f32
            %mul3A_726 = vector.broadcast %mul3A_725 : f32 to vector<16xf32>
            %mul3A_727 = arith.mulf %mul3A_726, %get3A_724 : vector<16xf32>
            %add3A_728 = arith.addf %mul3A_721, %mul3A_727 : vector<16xf32>
            %swap3A_729 = arith.index_cast %add3A_651 : i32 to index
            %swap3A_730 = arith.constant 64 : index
            %swap3A_731 = tpu.vector_load %arg12[%swap3A_729, %swap3A_730] {strides = array<i32>} : memref<64x128xf32, #tpu.memory_space<vmem>>, vector<16xf32>,
            tpu.vector_store %arg12[%swap3A_729, %swap3A_730], %add3A_728 {strides = array<i32>} : memref<64x128xf32, #tpu.memory_space<vmem>>, vector<16xf32>,
            %get3A_732 = arith.index_cast %add3A_651 : i32 to index
            %get3A_733 = arith.constant 80 : index
            %get3A_734 = tpu.vector_load %arg12[%get3A_732, %get3A_733] {strides = array<i32>} : memref<64x128xf32, #tpu.memory_space<vmem>>, vector<16xf32>,
            %mul3A_735 = arith.constant 2.000000e-01 : f32
            %mul3A_736 = vector.broadcast %mul3A_735 : f32 to vector<16xf32>
            %mul3A_737 = arith.mulf %mul3A_736, %get3A_734 : vector<16xf32>
            %get3A_738 = arith.index_cast %add3A_651 : i32 to index
            %get3A_739 = arith.constant 80 : index
            %get3A_740 = tpu.vector_load %arg13[%get3A_738, %get3A_739] {strides = array<i32>} : memref<64x128xf32, #tpu.memory_space<vmem>>, vector<16xf32>,
            %mul3A_741 = arith.constant 8.000000e-01 : f32
            %mul3A_742 = vector.broadcast %mul3A_741 : f32 to vector<16xf32>
            %mul3A_743 = arith.mulf %mul3A_742, %get3A_740 : vector<16xf32>
            %add3A_744 = arith.addf %mul3A_737, %mul3A_743 : vector<16xf32>
            %swap3A_745 = arith.index_cast %add3A_651 : i32 to index
            %swap3A_746 = arith.constant 80 : index
            %swap3A_747 = tpu.vector_load %arg12[%swap3A_745, %swap3A_746] {strides = array<i32>} : memref<64x128xf32, #tpu.memory_space<vmem>>, vector<16xf32>,
            tpu.vector_store %arg12[%swap3A_745, %swap3A_746], %add3A_744 {strides = array<i32>} : memref<64x128xf32, #tpu.memory_space<vmem>>, vector<16xf32>,
            %get3A_748 = arith.index_cast %add3A_651 : i32 to index
            %get3A_749 = arith.constant 96 : index
            %get3A_750 = tpu.vector_load %arg12[%get3A_748, %get3A_749] {strides = array<i32>} : memref<64x128xf32, #tpu.memory_space<vmem>>, vector<16xf32>,
            %mul3A_751 = arith.constant 2.000000e-01 : f32
            %mul3A_752 = vector.broadcast %mul3A_751 : f32 to vector<16xf32>
            %mul3A_753 = arith.mulf %mul3A_752, %get3A_750 : vector<16xf32>
            %get3A_754 = arith.index_cast %add3A_651 : i32 to index
            %get3A_755 = arith.constant 96 : index
            %get3A_756 = tpu.vector_load %arg13[%get3A_754, %get3A_755] {strides = array<i32>} : memref<64x128xf32, #tpu.memory_space<vmem>>, vector<16xf32>,
            %mul3A_757 = arith.constant 8.000000e-01 : f32
            %mul3A_758 = vector.broadcast %mul3A_757 : f32 to vector<16xf32>
            %mul3A_759 = arith.mulf %mul3A_758, %get3A_756 : vector<16xf32>
            %add3A_760 = arith.addf %mul3A_753, %mul3A_759 : vector<16xf32>
            %swap3A_761 = arith.index_cast %add3A_651 : i32 to index
            %swap3A_762 = arith.constant 96 : index
            %swap3A_763 = tpu.vector_load %arg12[%swap3A_761, %swap3A_762] {strides = array<i32>} : memref<64x128xf32, #tpu.memory_space<vmem>>, vector<16xf32>,
            tpu.vector_store %arg12[%swap3A_761, %swap3A_762], %add3A_760 {strides = array<i32>} : memref<64x128xf32, #tpu.memory_space<vmem>>, vector<16xf32>,
            %get3A_764 = arith.index_cast %add3A_651 : i32 to index
            %get3A_765 = arith.constant 112 : index
            %get3A_766 = tpu.vector_load %arg12[%get3A_764, %get3A_765] {strides = array<i32>} : memref<64x128xf32, #tpu.memory_space<vmem>>, vector<16xf32>,
            %mul3A_767 = arith.constant 2.000000e-01 : f32
            %mul3A_768 = vector.broadcast %mul3A_767 : f32 to vector<16xf32>
            %mul3A_769 = arith.mulf %mul3A_768, %get3A_766 : vector<16xf32>
            %get3A_770 = arith.index_cast %add3A_651 : i32 to index
            %get3A_771 = arith.constant 112 : index
            %get3A_772 = tpu.vector_load %arg13[%get3A_770, %get3A_771] {strides = array<i32>} : memref<64x128xf32, #tpu.memory_space<vmem>>, vector<16xf32>,
            %mul3A_773 = arith.constant 8.000000e-01 : f32
            %mul3A_774 = vector.broadcast %mul3A_773 : f32 to vector<16xf32>
            %mul3A_775 = arith.mulf %mul3A_774, %get3A_772 : vector<16xf32>
            %add3A_776 = arith.addf %mul3A_769, %mul3A_775 : vector<16xf32>
            %swap3A_777 = arith.index_cast %add3A_651 : i32 to index
            %swap3A_778 = arith.constant 112 : index
            %swap3A_779 = tpu.vector_load %arg12[%swap3A_777, %swap3A_778] {strides = array<i32>} : memref<64x128xf32, #tpu.memory_space<vmem>>, vector<16xf32>,
            tpu.vector_store %arg12[%swap3A_777, %swap3A_778], %add3A_776 {strides = array<i32>} : memref<64x128xf32, #tpu.memory_space<vmem>>, vector<16xf32>,
          }
          %scan3A_247 = arith.constant 16 : i32
          %dma_start3A_248 = arith.constant 0 : i32
          %dma_start3A_249 = arith.constant 0 : i32
          %dma_start3A_250 = tpu.memref_slice %arg2[%dma_start3A_248, %dma_start3A_249] : memref<100000x128xf32, #tpu.memory_space<hbm>> -> memref<100000x128xf32, #tpu.memory_space<hbm>>
          tpu.enqueue_indirect_dma source(%arg12 : memref<64x128xf32, #tpu.memory_space<vmem>>) target(%dma_start3A_250 : memref<100000x128xf32, #tpu.memory_space<hbm>>) offsets(%arg10 : memref<64xi32, #tpu.memory_space<vmem>>) semaphore(%arg16 : memref<!tpu.dma_semaphore, #tpu.memory_space<semaphore_mem>>)
        } else {
        }
        %jit3A_189 = arith.constant 3 : i32
        %eq3A_190 = arith.constant 0 : i32
        %eq3A_191 = arith.cmpi eq, %jit3A_189, %eq3A_190 : i32
        %jit3A_192 = arith.constant 1 : i32
        %select_n3A_193 = arith.select %eq3A_191, %jit3A_192, %jit3A_189 : i32
        %rem3A_194 = arith.remsi %while3A_171, %select_n3A_193 : i32
        %ne3A_195 = arith.constant 0 : i32
        %ne3A_196 = arith.cmpi ne, %rem3A_194, %ne3A_195 : i32
        %lt3A_197 = arith.constant 0 : i32
        %lt3A_198 = arith.cmpi slt, %rem3A_194, %lt3A_197 : i32
        %lt3A_199 = arith.constant 0 : i32
        %lt3A_200 = arith.cmpi slt, %select_n3A_193, %lt3A_199 : i32
        %ne3A_201 = arith.xori %lt3A_198, %lt3A_200 : i1
        %and3A_202 = arith.andi %ne3A_201, %ne3A_196 : i1
        %add3A_203 = arith.addi %rem3A_194, %select_n3A_193 : i32
        %select_n3A_204 = arith.select %and3A_202, %add3A_203, %rem3A_194 : i32
        %eq3A_205 = arith.constant 1 : i32
        %eq3A_206 = arith.cmpi eq, %select_n3A_204, %eq3A_205 : i32
        %convert_element_type3A_207 = arith.extui %eq3A_206 : i1 to i32
        %cond3A_208 = arith.constant 0 : i32
        %cond3A_209 = arith.cmpi ne, %convert_element_type3A_207, %cond3A_208 : i32
        scf.if %cond3A_209 {
          %add3A_231 = arith.constant 2 : i32
          %add3A_232 = arith.addi %while3A_171, %add3A_231 : i32
          %lt3A_233 = arith.cmpi slt, %add3A_232, %div3A_104 : i32
          %convert_element_type3A_234 = arith.extui %lt3A_233 : i1 to i32
          %cond3A_235 = arith.constant 0 : i32
          %cond3A_236 = arith.cmpi ne, %convert_element_type3A_234, %cond3A_235 : i32
          scf.if %cond3A_236 {
            %ge3A_251 = arith.constant 1 : i32
            %ge3A_252 = arith.cmpi sge, %while3A_171, %ge3A_251 : i32
            %convert_element_type3A_253 = arith.extui %ge3A_252 : i1 to i32
            %cond3A_254 = arith.constant 0 : i32
            %cond3A_255 = arith.cmpi ne, %convert_element_type3A_253, %cond3A_254 : i32
            scf.if %cond3A_255 {
              %dma_wait3A_328 = arith.constant 0 : i32
              %dma_wait3A_329 = arith.constant 0 : i32
              %dma_wait3A_330 = tpu.memref_slice %arg2[%dma_wait3A_328, %dma_wait3A_329] : memref<100000x128xf32, #tpu.memory_space<hbm>> -> memref<100000x128xf32, #tpu.memory_space<hbm>>
              tpu.wait_indirect_dma semaphore(%arg16 : memref<!tpu.dma_semaphore, #tpu.memory_space<semaphore_mem>>) src(%arg12 : memref<64x128xf32, #tpu.memory_space<vmem>>) dst(%dma_wait3A_330 : memref<100000x128xf32, #tpu.memory_space<hbm>>)
            } else {
            }
            %add3A_256 = arith.constant 2 : i32
            %add3A_257 = arith.addi %while3A_171, %add3A_256 : i32
            %mul3A_258 = arith.constant 64 : i32
            %mul3A_259 = arith.muli %add3A_257, %mul3A_258 : i32
            %add3A_260 = arith.constant 0 : i32
            %add3A_261 = arith.addi %mul3A_259, %add3A_260 : i32
            %get3A_262 = arith.index_cast %add3A_261 : i32 to index
            %get3A_263 = tpu.vector_load %arg7[%get3A_262] {strides = array<i32>} : memref<16464xi32, #tpu.memory_space<vmem>>, vector<16xi32>,
            %swap3A_264 = arith.constant 0 : index
            %swap3A_265 = tpu.vector_load %arg10[%swap3A_264] {strides = array<i32>} : memref<64xi32, #tpu.memory_space<vmem>>, vector<16xi32>,
            tpu.vector_store %arg10[%swap3A_264], %get3A_263 {strides = array<i32>} : memref<64xi32, #tpu.memory_space<vmem>>, vector<16xi32>,
            %mul3A_266 = arith.constant 64 : i32
            %mul3A_267 = arith.muli %add3A_257, %mul3A_266 : i32
            %add3A_268 = arith.constant 0 : i32
            %add3A_269 = arith.addi %mul3A_267, %add3A_268 : i32
            %get3A_270 = arith.index_cast %add3A_269 : i32 to index
            %get3A_271 = tpu.vector_load %arg8[%get3A_270] {strides = array<i32>} : memref<16464xi32, #tpu.memory_space<vmem>>, vector<16xi32>,
            %swap3A_272 = arith.constant 0 : index
            %swap3A_273 = tpu.vector_load %arg11[%swap3A_272] {strides = array<i32>} : memref<64xi32, #tpu.memory_space<vmem>>, vector<16xi32>,
            tpu.vector_store %arg11[%swap3A_272], %get3A_271 {strides = array<i32>} : memref<64xi32, #tpu.memory_space<vmem>>, vector<16xi32>,
            %mul3A_274 = arith.constant 64 : i32
            %mul3A_275 = arith.muli %add3A_257, %mul3A_274 : i32
            %add3A_276 = arith.constant 16 : i32
            %add3A_277 = arith.addi %mul3A_275, %add3A_276 : i32
            %get3A_278 = arith.index_cast %add3A_277 : i32 to index
            %get3A_279 = tpu.vector_load %arg7[%get3A_278] {strides = array<i32>} : memref<16464xi32, #tpu.memory_space<vmem>>, vector<16xi32>,
            %swap3A_280 = arith.constant 16 : index
            %swap3A_281 = tpu.vector_load %arg10[%swap3A_280] {strides = array<i32>} : memref<64xi32, #tpu.memory_space<vmem>>, vector<16xi32>,
            tpu.vector_store %arg10[%swap3A_280], %get3A_279 {strides = array<i32>} : memref<64xi32, #tpu.memory_space<vmem>>, vector<16xi32>,
            %mul3A_282 = arith.constant 64 : i32
            %mul3A_283 = arith.muli %add3A_257, %mul3A_282 : i32
            %add3A_284 = arith.constant 16 : i32
            %add3A_285 = arith.addi %mul3A_283, %add3A_284 : i32
            %get3A_286 = arith.index_cast %add3A_285 : i32 to index
            %get3A_287 = tpu.vector_load %arg8[%get3A_286] {strides = array<i32>} : memref<16464xi32, #tpu.memory_space<vmem>>, vector<16xi32>,
            %swap3A_288 = arith.constant 16 : index
            %swap3A_289 = tpu.vector_load %arg11[%swap3A_288] {strides = array<i32>} : memref<64xi32, #tpu.memory_space<vmem>>, vector<16xi32>,
            tpu.vector_store %arg11[%swap3A_288], %get3A_287 {strides = array<i32>} : memref<64xi32, #tpu.memory_space<vmem>>, vector<16xi32>,
            %mul3A_290 = arith.constant 64 : i32
            %mul3A_291 = arith.muli %add3A_257, %mul3A_290 : i32
            %add3A_292 = arith.constant 32 : i32
            %add3A_293 = arith.addi %mul3A_291, %add3A_292 : i32
            %get3A_294 = arith.index_cast %add3A_293 : i32 to index
            %get3A_295 = tpu.vector_load %arg7[%get3A_294] {strides = array<i32>} : memref<16464xi32, #tpu.memory_space<vmem>>, vector<16xi32>,
            %swap3A_296 = arith.constant 32 : index
            %swap3A_297 = tpu.vector_load %arg10[%swap3A_296] {strides = array<i32>} : memref<64xi32, #tpu.memory_space<vmem>>, vector<16xi32>,
            tpu.vector_store %arg10[%swap3A_296], %get3A_295 {strides = array<i32>} : memref<64xi32, #tpu.memory_space<vmem>>, vector<16xi32>,
            %mul3A_298 = arith.constant 64 : i32
            %mul3A_299 = arith.muli %add3A_257, %mul3A_298 : i32
            %add3A_300 = arith.constant 32 : i32
            %add3A_301 = arith.addi %mul3A_299, %add3A_300 : i32
            %get3A_302 = arith.index_cast %add3A_301 : i32 to index
            %get3A_303 = tpu.vector_load %arg8[%get3A_302] {strides = array<i32>} : memref<16464xi32, #tpu.memory_space<vmem>>, vector<16xi32>,
            %swap3A_304 = arith.constant 32 : index
            %swap3A_305 = tpu.vector_load %arg11[%swap3A_304] {strides = array<i32>} : memref<64xi32, #tpu.memory_space<vmem>>, vector<16xi32>,
            tpu.vector_store %arg11[%swap3A_304], %get3A_303 {strides = array<i32>} : memref<64xi32, #tpu.memory_space<vmem>>, vector<16xi32>,
            %mul3A_306 = arith.constant 64 : i32
            %mul3A_307 = arith.muli %add3A_257, %mul3A_306 : i32
            %add3A_308 = arith.constant 48 : i32
            %add3A_309 = arith.addi %mul3A_307, %add3A_308 : i32
            %get3A_310 = arith.index_cast %add3A_309 : i32 to index
            %get3A_311 = tpu.vector_load %arg7[%get3A_310] {strides = array<i32>} : memref<16464xi32, #tpu.memory_space<vmem>>, vector<16xi32>,
            %swap3A_312 = arith.constant 48 : index
            %swap3A_313 = tpu.vector_load %arg10[%swap3A_312] {strides = array<i32>} : memref<64xi32, #tpu.memory_space<vmem>>, vector<16xi32>,
            tpu.vector_store %arg10[%swap3A_312], %get3A_311 {strides = array<i32>} : memref<64xi32, #tpu.memory_space<vmem>>, vector<16xi32>,
            %mul3A_314 = arith.constant 64 : i32
            %mul3A_315 = arith.muli %add3A_257, %mul3A_314 : i32
            %add3A_316 = arith.constant 48 : i32
            %add3A_317 = arith.addi %mul3A_315, %add3A_316 : i32
            %get3A_318 = arith.index_cast %add3A_317 : i32 to index
            %get3A_319 = tpu.vector_load %arg8[%get3A_318] {strides = array<i32>} : memref<16464xi32, #tpu.memory_space<vmem>>, vector<16xi32>,
            %swap3A_320 = arith.constant 48 : index
            %swap3A_321 = tpu.vector_load %arg11[%swap3A_320] {strides = array<i32>} : memref<64xi32, #tpu.memory_space<vmem>>, vector<16xi32>,
            tpu.vector_store %arg11[%swap3A_320], %get3A_319 {strides = array<i32>} : memref<64xi32, #tpu.memory_space<vmem>>, vector<16xi32>,
            %dma_start3A_322 = arith.constant 0 : i32
            %dma_start3A_323 = arith.constant 0 : i32
            %dma_start3A_324 = tpu.memref_slice %arg2[%dma_start3A_322, %dma_start3A_323] : memref<100000x128xf32, #tpu.memory_space<hbm>> -> memref<100000x128xf32, #tpu.memory_space<hbm>>
            tpu.enqueue_indirect_dma source(%dma_start3A_324 : memref<100000x128xf32, #tpu.memory_space<hbm>>) target(%arg12 : memref<64x128xf32, #tpu.memory_space<vmem>>) offsets(%arg10 : memref<64xi32, #tpu.memory_space<vmem>>) semaphore(%arg14 : memref<!tpu.dma_semaphore, #tpu.memory_space<semaphore_mem>>)
            %dma_start3A_325 = arith.constant 0 : i32
            %dma_start3A_326 = arith.constant 0 : i32
            %dma_start3A_327 = tpu.memref_slice %arg4[%dma_start3A_325, %dma_start3A_326] : memref<16384x128xf32, #tpu.memory_space<hbm>> -> memref<16384x128xf32, #tpu.memory_space<hbm>>
            tpu.enqueue_indirect_dma source(%dma_start3A_327 : memref<16384x128xf32, #tpu.memory_space<hbm>>) target(%arg13 : memref<64x128xf32, #tpu.memory_space<vmem>>) offsets(%arg11 : memref<64xi32, #tpu.memory_space<vmem>>) semaphore(%arg15 : memref<!tpu.dma_semaphore, #tpu.memory_space<semaphore_mem>>)
          } else {
          }
          %dma_wait3A = arith.constant 0 : i32
          %dma_wait3A_237 = arith.constant 0 : i32
          %dma_wait3A_238 = tpu.memref_slice %arg2[%dma_wait3A, %dma_wait3A_237] : memref<100000x128xf32, #tpu.memory_space<hbm>> -> memref<100000x128xf32, #tpu.memory_space<hbm>>
          tpu.wait_indirect_dma semaphore(%arg21 : memref<!tpu.dma_semaphore, #tpu.memory_space<semaphore_mem>>) src(%dma_wait3A_238 : memref<100000x128xf32, #tpu.memory_space<hbm>>) dst(%arg19 : memref<64x128xf32, #tpu.memory_space<vmem>>)
          %dma_wait3A_239 = arith.constant 0 : i32
          %dma_wait3A_240 = arith.constant 0 : i32
          %dma_wait3A_241 = tpu.memref_slice %arg4[%dma_wait3A_239, %dma_wait3A_240] : memref<16384x128xf32, #tpu.memory_space<hbm>> -> memref<16384x128xf32, #tpu.memory_space<hbm>>
          tpu.wait_indirect_dma semaphore(%arg22 : memref<!tpu.dma_semaphore, #tpu.memory_space<semaphore_mem>>) src(%dma_wait3A_241 : memref<16384x128xf32, #tpu.memory_space<hbm>>) dst(%arg20 : memref<64x128xf32, #tpu.memory_space<vmem>>)
          %scan3A_242 = arith.constant 0 : i32
          %scan3A_243 = arith.constant 0 : i32
          %scan3A_244 = arith.constant 16 : i32
          %scan3A_245 = arith.addi %scan3A_243, %scan3A_244 : i32
          %scan3A_246 = arith.constant 1 : i32
          scf.for %scan3A_251 = %scan3A_243 to %scan3A_245 step %scan3A_246  : i32 {
            %mul3A_252 = arith.constant 4 : i32
            %mul3A_253 = arith.muli %scan3A_251, %mul3A_252 : i32
            %add3A_254 = arith.constant 0 : i32
            %add3A_255 = arith.addi %mul3A_253, %add3A_254 : i32
            %get3A_256 = arith.index_cast %add3A_255 : i32 to index
            %get3A_257 = arith.constant 0 : index
            %get3A_258 = tpu.vector_load %arg19[%get3A_256, %get3A_257] {strides = array<i32>} : memref<64x128xf32, #tpu.memory_space<vmem>>, vector<16xf32>,
            %mul3A_259 = arith.constant 2.000000e-01 : f32
            %mul3A_260 = vector.broadcast %mul3A_259 : f32 to vector<16xf32>
            %mul3A_261 = arith.mulf %mul3A_260, %get3A_258 : vector<16xf32>
            %get3A_262 = arith.index_cast %add3A_255 : i32 to index
            %get3A_263 = arith.constant 0 : index
            %get3A_264 = tpu.vector_load %arg20[%get3A_262, %get3A_263] {strides = array<i32>} : memref<64x128xf32, #tpu.memory_space<vmem>>, vector<16xf32>,
            %mul3A_265 = arith.constant 8.000000e-01 : f32
            %mul3A_266 = vector.broadcast %mul3A_265 : f32 to vector<16xf32>
            %mul3A_267 = arith.mulf %mul3A_266, %get3A_264 : vector<16xf32>
            %add3A_268 = arith.addf %mul3A_261, %mul3A_267 : vector<16xf32>
            %swap3A_269 = arith.index_cast %add3A_255 : i32 to index
            %swap3A_270 = arith.constant 0 : index
            %swap3A_271 = tpu.vector_load %arg19[%swap3A_269, %swap3A_270] {strides = array<i32>} : memref<64x128xf32, #tpu.memory_space<vmem>>, vector<16xf32>,
            tpu.vector_store %arg19[%swap3A_269, %swap3A_270], %add3A_268 {strides = array<i32>} : memref<64x128xf32, #tpu.memory_space<vmem>>, vector<16xf32>,
            %get3A_272 = arith.index_cast %add3A_255 : i32 to index
            %get3A_273 = arith.constant 16 : index
            %get3A_274 = tpu.vector_load %arg19[%get3A_272, %get3A_273] {strides = array<i32>} : memref<64x128xf32, #tpu.memory_space<vmem>>, vector<16xf32>,
            %mul3A_275 = arith.constant 2.000000e-01 : f32
            %mul3A_276 = vector.broadcast %mul3A_275 : f32 to vector<16xf32>
            %mul3A_277 = arith.mulf %mul3A_276, %get3A_274 : vector<16xf32>
            %get3A_278 = arith.index_cast %add3A_255 : i32 to index
            %get3A_279 = arith.constant 16 : index
            %get3A_280 = tpu.vector_load %arg20[%get3A_278, %get3A_279] {strides = array<i32>} : memref<64x128xf32, #tpu.memory_space<vmem>>, vector<16xf32>,
            %mul3A_281 = arith.constant 8.000000e-01 : f32
            %mul3A_282 = vector.broadcast %mul3A_281 : f32 to vector<16xf32>
            %mul3A_283 = arith.mulf %mul3A_282, %get3A_280 : vector<16xf32>
            %add3A_284 = arith.addf %mul3A_277, %mul3A_283 : vector<16xf32>
            %swap3A_285 = arith.index_cast %add3A_255 : i32 to index
            %swap3A_286 = arith.constant 16 : index
            %swap3A_287 = tpu.vector_load %arg19[%swap3A_285, %swap3A_286] {strides = array<i32>} : memref<64x128xf32, #tpu.memory_space<vmem>>, vector<16xf32>,
            tpu.vector_store %arg19[%swap3A_285, %swap3A_286], %add3A_284 {strides = array<i32>} : memref<64x128xf32, #tpu.memory_space<vmem>>, vector<16xf32>,
            %get3A_288 = arith.index_cast %add3A_255 : i32 to index
            %get3A_289 = arith.constant 32 : index
            %get3A_290 = tpu.vector_load %arg19[%get3A_288, %get3A_289] {strides = array<i32>} : memref<64x128xf32, #tpu.memory_space<vmem>>, vector<16xf32>,
            %mul3A_291 = arith.constant 2.000000e-01 : f32
            %mul3A_292 = vector.broadcast %mul3A_291 : f32 to vector<16xf32>
            %mul3A_293 = arith.mulf %mul3A_292, %get3A_290 : vector<16xf32>
            %get3A_294 = arith.index_cast %add3A_255 : i32 to index
            %get3A_295 = arith.constant 32 : index
            %get3A_296 = tpu.vector_load %arg20[%get3A_294, %get3A_295] {strides = array<i32>} : memref<64x128xf32, #tpu.memory_space<vmem>>, vector<16xf32>,
            %mul3A_297 = arith.constant 8.000000e-01 : f32
            %mul3A_298 = vector.broadcast %mul3A_297 : f32 to vector<16xf32>
            %mul3A_299 = arith.mulf %mul3A_298, %get3A_296 : vector<16xf32>
            %add3A_300 = arith.addf %mul3A_293, %mul3A_299 : vector<16xf32>
            %swap3A_301 = arith.index_cast %add3A_255 : i32 to index
            %swap3A_302 = arith.constant 32 : index
            %swap3A_303 = tpu.vector_load %arg19[%swap3A_301, %swap3A_302] {strides = array<i32>} : memref<64x128xf32, #tpu.memory_space<vmem>>, vector<16xf32>,
            tpu.vector_store %arg19[%swap3A_301, %swap3A_302], %add3A_300 {strides = array<i32>} : memref<64x128xf32, #tpu.memory_space<vmem>>, vector<16xf32>,
            %get3A_304 = arith.index_cast %add3A_255 : i32 to index
            %get3A_305 = arith.constant 48 : index
            %get3A_306 = tpu.vector_load %arg19[%get3A_304, %get3A_305] {strides = array<i32>} : memref<64x128xf32, #tpu.memory_space<vmem>>, vector<16xf32>,
            %mul3A_307 = arith.constant 2.000000e-01 : f32
            %mul3A_308 = vector.broadcast %mul3A_307 : f32 to vector<16xf32>
            %mul3A_309 = arith.mulf %mul3A_308, %get3A_306 : vector<16xf32>
            %get3A_310 = arith.index_cast %add3A_255 : i32 to index
            %get3A_311 = arith.constant 48 : index
            %get3A_312 = tpu.vector_load %arg20[%get3A_310, %get3A_311] {strides = array<i32>} : memref<64x128xf32, #tpu.memory_space<vmem>>, vector<16xf32>,
            %mul3A_313 = arith.constant 8.000000e-01 : f32
            %mul3A_314 = vector.broadcast %mul3A_313 : f32 to vector<16xf32>
            %mul3A_315 = arith.mulf %mul3A_314, %get3A_312 : vector<16xf32>
            %add3A_316 = arith.addf %mul3A_309, %mul3A_315 : vector<16xf32>
            %swap3A_317 = arith.index_cast %add3A_255 : i32 to index
            %swap3A_318 = arith.constant 48 : index
            %swap3A_319 = tpu.vector_load %arg19[%swap3A_317, %swap3A_318] {strides = array<i32>} : memref<64x128xf32, #tpu.memory_space<vmem>>, vector<16xf32>,
            tpu.vector_store %arg19[%swap3A_317, %swap3A_318], %add3A_316 {strides = array<i32>} : memref<64x128xf32, #tpu.memory_space<vmem>>, vector<16xf32>,
            %get3A_320 = arith.index_cast %add3A_255 : i32 to index
            %get3A_321 = arith.constant 64 : index
            %get3A_322 = tpu.vector_load %arg19[%get3A_320, %get3A_321] {strides = array<i32>} : memref<64x128xf32, #tpu.memory_space<vmem>>, vector<16xf32>,
            %mul3A_323 = arith.constant 2.000000e-01 : f32
            %mul3A_324 = vector.broadcast %mul3A_323 : f32 to vector<16xf32>
            %mul3A_325 = arith.mulf %mul3A_324, %get3A_322 : vector<16xf32>
            %get3A_326 = arith.index_cast %add3A_255 : i32 to index
            %get3A_327 = arith.constant 64 : index
            %get3A_328 = tpu.vector_load %arg20[%get3A_326, %get3A_327] {strides = array<i32>} : memref<64x128xf32, #tpu.memory_space<vmem>>, vector<16xf32>,
            %mul3A_329 = arith.constant 8.000000e-01 : f32
            %mul3A_330 = vector.broadcast %mul3A_329 : f32 to vector<16xf32>
            %mul3A_331 = arith.mulf %mul3A_330, %get3A_328 : vector<16xf32>
            %add3A_332 = arith.addf %mul3A_325, %mul3A_331 : vector<16xf32>
            %swap3A_333 = arith.index_cast %add3A_255 : i32 to index
            %swap3A_334 = arith.constant 64 : index
            %swap3A_335 = tpu.vector_load %arg19[%swap3A_333, %swap3A_334] {strides = array<i32>} : memref<64x128xf32, #tpu.memory_space<vmem>>, vector<16xf32>,
            tpu.vector_store %arg19[%swap3A_333, %swap3A_334], %add3A_332 {strides = array<i32>} : memref<64x128xf32, #tpu.memory_space<vmem>>, vector<16xf32>,
            %get3A_336 = arith.index_cast %add3A_255 : i32 to index
            %get3A_337 = arith.constant 80 : index
            %get3A_338 = tpu.vector_load %arg19[%get3A_336, %get3A_337] {strides = array<i32>} : memref<64x128xf32, #tpu.memory_space<vmem>>, vector<16xf32>,
            %mul3A_339 = arith.constant 2.000000e-01 : f32
            %mul3A_340 = vector.broadcast %mul3A_339 : f32 to vector<16xf32>
            %mul3A_341 = arith.mulf %mul3A_340, %get3A_338 : vector<16xf32>
            %get3A_342 = arith.index_cast %add3A_255 : i32 to index
            %get3A_343 = arith.constant 80 : index
            %get3A_344 = tpu.vector_load %arg20[%get3A_342, %get3A_343] {strides = array<i32>} : memref<64x128xf32, #tpu.memory_space<vmem>>, vector<16xf32>,
            %mul3A_345 = arith.constant 8.000000e-01 : f32
            %mul3A_346 = vector.broadcast %mul3A_345 : f32 to vector<16xf32>
            %mul3A_347 = arith.mulf %mul3A_346, %get3A_344 : vector<16xf32>
            %add3A_348 = arith.addf %mul3A_341, %mul3A_347 : vector<16xf32>
            %swap3A_349 = arith.index_cast %add3A_255 : i32 to index
            %swap3A_350 = arith.constant 80 : index
            %swap3A_351 = tpu.vector_load %arg19[%swap3A_349, %swap3A_350] {strides = array<i32>} : memref<64x128xf32, #tpu.memory_space<vmem>>, vector<16xf32>,
            tpu.vector_store %arg19[%swap3A_349, %swap3A_350], %add3A_348 {strides = array<i32>} : memref<64x128xf32, #tpu.memory_space<vmem>>, vector<16xf32>,
            %get3A_352 = arith.index_cast %add3A_255 : i32 to index
            %get3A_353 = arith.constant 96 : index
            %get3A_354 = tpu.vector_load %arg19[%get3A_352, %get3A_353] {strides = array<i32>} : memref<64x128xf32, #tpu.memory_space<vmem>>, vector<16xf32>,
            %mul3A_355 = arith.constant 2.000000e-01 : f32
            %mul3A_356 = vector.broadcast %mul3A_355 : f32 to vector<16xf32>
            %mul3A_357 = arith.mulf %mul3A_356, %get3A_354 : vector<16xf32>
            %get3A_358 = arith.index_cast %add3A_255 : i32 to index
            %get3A_359 = arith.constant 96 : index
            %get3A_360 = tpu.vector_load %arg20[%get3A_358, %get3A_359] {strides = array<i32>} : memref<64x128xf32, #tpu.memory_space<vmem>>, vector<16xf32>,
            %mul3A_361 = arith.constant 8.000000e-01 : f32
            %mul3A_362 = vector.broadcast %mul3A_361 : f32 to vector<16xf32>
            %mul3A_363 = arith.mulf %mul3A_362, %get3A_360 : vector<16xf32>
            %add3A_364 = arith.addf %mul3A_357, %mul3A_363 : vector<16xf32>
            %swap3A_365 = arith.index_cast %add3A_255 : i32 to index
            %swap3A_366 = arith.constant 96 : index
            %swap3A_367 = tpu.vector_load %arg19[%swap3A_365, %swap3A_366] {strides = array<i32>} : memref<64x128xf32, #tpu.memory_space<vmem>>, vector<16xf32>,
            tpu.vector_store %arg19[%swap3A_365, %swap3A_366], %add3A_364 {strides = array<i32>} : memref<64x128xf32, #tpu.memory_space<vmem>>, vector<16xf32>,
            %get3A_368 = arith.index_cast %add3A_255 : i32 to index
            %get3A_369 = arith.constant 112 : index
            %get3A_370 = tpu.vector_load %arg19[%get3A_368, %get3A_369] {strides = array<i32>} : memref<64x128xf32, #tpu.memory_space<vmem>>, vector<16xf32>,
            %mul3A_371 = arith.constant 2.000000e-01 : f32
            %mul3A_372 = vector.broadcast %mul3A_371 : f32 to vector<16xf32>
            %mul3A_373 = arith.mulf %mul3A_372, %get3A_370 : vector<16xf32>
            %get3A_374 = arith.index_cast %add3A_255 : i32 to index
            %get3A_375 = arith.constant 112 : index
            %get3A_376 = tpu.vector_load %arg20[%get3A_374, %get3A_375] {strides = array<i32>} : memref<64x128xf32, #tpu.memory_space<vmem>>, vector<16xf32>,
            %mul3A_377 = arith.constant 8.000000e-01 : f32
            %mul3A_378 = vector.broadcast %mul3A_377 : f32 to vector<16xf32>
            %mul3A_379 = arith.mulf %mul3A_378, %get3A_376 : vector<16xf32>
            %add3A_380 = arith.addf %mul3A_373, %mul3A_379 : vector<16xf32>
            %swap3A_381 = arith.index_cast %add3A_255 : i32 to index
            %swap3A_382 = arith.constant 112 : index
            %swap3A_383 = tpu.vector_load %arg19[%swap3A_381, %swap3A_382] {strides = array<i32>} : memref<64x128xf32, #tpu.memory_space<vmem>>, vector<16xf32>,
            tpu.vector_store %arg19[%swap3A_381, %swap3A_382], %add3A_380 {strides = array<i32>} : memref<64x128xf32, #tpu.memory_space<vmem>>, vector<16xf32>,
            %mul3A_384 = arith.constant 4 : i32
            %mul3A_385 = arith.muli %scan3A_251, %mul3A_384 : i32
            %add3A_386 = arith.constant 1 : i32
            %add3A_387 = arith.addi %mul3A_385, %add3A_386 : i32
            %get3A_388 = arith.index_cast %add3A_387 : i32 to index
            %get3A_389 = arith.constant 0 : index
            %get3A_390 = tpu.vector_load %arg19[%get3A_388, %get3A_389] {strides = array<i32>} : memref<64x128xf32, #tpu.memory_space<vmem>>, vector<16xf32>,
            %mul3A_391 = arith.constant 2.000000e-01 : f32
            %mul3A_392 = vector.broadcast %mul3A_391 : f32 to vector<16xf32>
            %mul3A_393 = arith.mulf %mul3A_392, %get3A_390 : vector<16xf32>
            %get3A_394 = arith.index_cast %add3A_387 : i32 to index
            %get3A_395 = arith.constant 0 : index
            %get3A_396 = tpu.vector_load %arg20[%get3A_394, %get3A_395] {strides = array<i32>} : memref<64x128xf32, #tpu.memory_space<vmem>>, vector<16xf32>,
            %mul3A_397 = arith.constant 8.000000e-01 : f32
            %mul3A_398 = vector.broadcast %mul3A_397 : f32 to vector<16xf32>
            %mul3A_399 = arith.mulf %mul3A_398, %get3A_396 : vector<16xf32>
            %add3A_400 = arith.addf %mul3A_393, %mul3A_399 : vector<16xf32>
            %swap3A_401 = arith.index_cast %add3A_387 : i32 to index
            %swap3A_402 = arith.constant 0 : index
            %swap3A_403 = tpu.vector_load %arg19[%swap3A_401, %swap3A_402] {strides = array<i32>} : memref<64x128xf32, #tpu.memory_space<vmem>>, vector<16xf32>,
            tpu.vector_store %arg19[%swap3A_401, %swap3A_402], %add3A_400 {strides = array<i32>} : memref<64x128xf32, #tpu.memory_space<vmem>>, vector<16xf32>,
            %get3A_404 = arith.index_cast %add3A_387 : i32 to index
            %get3A_405 = arith.constant 16 : index
            %get3A_406 = tpu.vector_load %arg19[%get3A_404, %get3A_405] {strides = array<i32>} : memref<64x128xf32, #tpu.memory_space<vmem>>, vector<16xf32>,
            %mul3A_407 = arith.constant 2.000000e-01 : f32
            %mul3A_408 = vector.broadcast %mul3A_407 : f32 to vector<16xf32>
            %mul3A_409 = arith.mulf %mul3A_408, %get3A_406 : vector<16xf32>
            %get3A_410 = arith.index_cast %add3A_387 : i32 to index
            %get3A_411 = arith.constant 16 : index
            %get3A_412 = tpu.vector_load %arg20[%get3A_410, %get3A_411] {strides = array<i32>} : memref<64x128xf32, #tpu.memory_space<vmem>>, vector<16xf32>,
            %mul3A_413 = arith.constant 8.000000e-01 : f32
            %mul3A_414 = vector.broadcast %mul3A_413 : f32 to vector<16xf32>
            %mul3A_415 = arith.mulf %mul3A_414, %get3A_412 : vector<16xf32>
            %add3A_416 = arith.addf %mul3A_409, %mul3A_415 : vector<16xf32>
            %swap3A_417 = arith.index_cast %add3A_387 : i32 to index
            %swap3A_418 = arith.constant 16 : index
            %swap3A_419 = tpu.vector_load %arg19[%swap3A_417, %swap3A_418] {strides = array<i32>} : memref<64x128xf32, #tpu.memory_space<vmem>>, vector<16xf32>,
            tpu.vector_store %arg19[%swap3A_417, %swap3A_418], %add3A_416 {strides = array<i32>} : memref<64x128xf32, #tpu.memory_space<vmem>>, vector<16xf32>,
            %get3A_420 = arith.index_cast %add3A_387 : i32 to index
            %get3A_421 = arith.constant 32 : index
            %get3A_422 = tpu.vector_load %arg19[%get3A_420, %get3A_421] {strides = array<i32>} : memref<64x128xf32, #tpu.memory_space<vmem>>, vector<16xf32>,
            %mul3A_423 = arith.constant 2.000000e-01 : f32
            %mul3A_424 = vector.broadcast %mul3A_423 : f32 to vector<16xf32>
            %mul3A_425 = arith.mulf %mul3A_424, %get3A_422 : vector<16xf32>
            %get3A_426 = arith.index_cast %add3A_387 : i32 to index
            %get3A_427 = arith.constant 32 : index
            %get3A_428 = tpu.vector_load %arg20[%get3A_426, %get3A_427] {strides = array<i32>} : memref<64x128xf32, #tpu.memory_space<vmem>>, vector<16xf32>,
            %mul3A_429 = arith.constant 8.000000e-01 : f32
            %mul3A_430 = vector.broadcast %mul3A_429 : f32 to vector<16xf32>
            %mul3A_431 = arith.mulf %mul3A_430, %get3A_428 : vector<16xf32>
            %add3A_432 = arith.addf %mul3A_425, %mul3A_431 : vector<16xf32>
            %swap3A_433 = arith.index_cast %add3A_387 : i32 to index
            %swap3A_434 = arith.constant 32 : index
            %swap3A_435 = tpu.vector_load %arg19[%swap3A_433, %swap3A_434] {strides = array<i32>} : memref<64x128xf32, #tpu.memory_space<vmem>>, vector<16xf32>,
            tpu.vector_store %arg19[%swap3A_433, %swap3A_434], %add3A_432 {strides = array<i32>} : memref<64x128xf32, #tpu.memory_space<vmem>>, vector<16xf32>,
            %get3A_436 = arith.index_cast %add3A_387 : i32 to index
            %get3A_437 = arith.constant 48 : index
            %get3A_438 = tpu.vector_load %arg19[%get3A_436, %get3A_437] {strides = array<i32>} : memref<64x128xf32, #tpu.memory_space<vmem>>, vector<16xf32>,
            %mul3A_439 = arith.constant 2.000000e-01 : f32
            %mul3A_440 = vector.broadcast %mul3A_439 : f32 to vector<16xf32>
            %mul3A_441 = arith.mulf %mul3A_440, %get3A_438 : vector<16xf32>
            %get3A_442 = arith.index_cast %add3A_387 : i32 to index
            %get3A_443 = arith.constant 48 : index
            %get3A_444 = tpu.vector_load %arg20[%get3A_442, %get3A_443] {strides = array<i32>} : memref<64x128xf32, #tpu.memory_space<vmem>>, vector<16xf32>,
            %mul3A_445 = arith.constant 8.000000e-01 : f32
            %mul3A_446 = vector.broadcast %mul3A_445 : f32 to vector<16xf32>
            %mul3A_447 = arith.mulf %mul3A_446, %get3A_444 : vector<16xf32>
            %add3A_448 = arith.addf %mul3A_441, %mul3A_447 : vector<16xf32>
            %swap3A_449 = arith.index_cast %add3A_387 : i32 to index
            %swap3A_450 = arith.constant 48 : index
            %swap3A_451 = tpu.vector_load %arg19[%swap3A_449, %swap3A_450] {strides = array<i32>} : memref<64x128xf32, #tpu.memory_space<vmem>>, vector<16xf32>,
            tpu.vector_store %arg19[%swap3A_449, %swap3A_450], %add3A_448 {strides = array<i32>} : memref<64x128xf32, #tpu.memory_space<vmem>>, vector<16xf32>,
            %get3A_452 = arith.index_cast %add3A_387 : i32 to index
            %get3A_453 = arith.constant 64 : index
            %get3A_454 = tpu.vector_load %arg19[%get3A_452, %get3A_453] {strides = array<i32>} : memref<64x128xf32, #tpu.memory_space<vmem>>, vector<16xf32>,
            %mul3A_455 = arith.constant 2.000000e-01 : f32
            %mul3A_456 = vector.broadcast %mul3A_455 : f32 to vector<16xf32>
            %mul3A_457 = arith.mulf %mul3A_456, %get3A_454 : vector<16xf32>
            %get3A_458 = arith.index_cast %add3A_387 : i32 to index
            %get3A_459 = arith.constant 64 : index
            %get3A_460 = tpu.vector_load %arg20[%get3A_458, %get3A_459] {strides = array<i32>} : memref<64x128xf32, #tpu.memory_space<vmem>>, vector<16xf32>,
            %mul3A_461 = arith.constant 8.000000e-01 : f32
            %mul3A_462 = vector.broadcast %mul3A_461 : f32 to vector<16xf32>
            %mul3A_463 = arith.mulf %mul3A_462, %get3A_460 : vector<16xf32>
            %add3A_464 = arith.addf %mul3A_457, %mul3A_463 : vector<16xf32>
            %swap3A_465 = arith.index_cast %add3A_387 : i32 to index
            %swap3A_466 = arith.constant 64 : index
            %swap3A_467 = tpu.vector_load %arg19[%swap3A_465, %swap3A_466] {strides = array<i32>} : memref<64x128xf32, #tpu.memory_space<vmem>>, vector<16xf32>,
            tpu.vector_store %arg19[%swap3A_465, %swap3A_466], %add3A_464 {strides = array<i32>} : memref<64x128xf32, #tpu.memory_space<vmem>>, vector<16xf32>,
            %get3A_468 = arith.index_cast %add3A_387 : i32 to index
            %get3A_469 = arith.constant 80 : index
            %get3A_470 = tpu.vector_load %arg19[%get3A_468, %get3A_469] {strides = array<i32>} : memref<64x128xf32, #tpu.memory_space<vmem>>, vector<16xf32>,
            %mul3A_471 = arith.constant 2.000000e-01 : f32
            %mul3A_472 = vector.broadcast %mul3A_471 : f32 to vector<16xf32>
            %mul3A_473 = arith.mulf %mul3A_472, %get3A_470 : vector<16xf32>
            %get3A_474 = arith.index_cast %add3A_387 : i32 to index
            %get3A_475 = arith.constant 80 : index
            %get3A_476 = tpu.vector_load %arg20[%get3A_474, %get3A_475] {strides = array<i32>} : memref<64x128xf32, #tpu.memory_space<vmem>>, vector<16xf32>,
            %mul3A_477 = arith.constant 8.000000e-01 : f32
            %mul3A_478 = vector.broadcast %mul3A_477 : f32 to vector<16xf32>
            %mul3A_479 = arith.mulf %mul3A_478, %get3A_476 : vector<16xf32>
            %add3A_480 = arith.addf %mul3A_473, %mul3A_479 : vector<16xf32>
            %swap3A_481 = arith.index_cast %add3A_387 : i32 to index
            %swap3A_482 = arith.constant 80 : index
            %swap3A_483 = tpu.vector_load %arg19[%swap3A_481, %swap3A_482] {strides = array<i32>} : memref<64x128xf32, #tpu.memory_space<vmem>>, vector<16xf32>,
            tpu.vector_store %arg19[%swap3A_481, %swap3A_482], %add3A_480 {strides = array<i32>} : memref<64x128xf32, #tpu.memory_space<vmem>>, vector<16xf32>,
            %get3A_484 = arith.index_cast %add3A_387 : i32 to index
            %get3A_485 = arith.constant 96 : index
            %get3A_486 = tpu.vector_load %arg19[%get3A_484, %get3A_485] {strides = array<i32>} : memref<64x128xf32, #tpu.memory_space<vmem>>, vector<16xf32>,
            %mul3A_487 = arith.constant 2.000000e-01 : f32
            %mul3A_488 = vector.broadcast %mul3A_487 : f32 to vector<16xf32>
            %mul3A_489 = arith.mulf %mul3A_488, %get3A_486 : vector<16xf32>
            %get3A_490 = arith.index_cast %add3A_387 : i32 to index
            %get3A_491 = arith.constant 96 : index
            %get3A_492 = tpu.vector_load %arg20[%get3A_490, %get3A_491] {strides = array<i32>} : memref<64x128xf32, #tpu.memory_space<vmem>>, vector<16xf32>,
            %mul3A_493 = arith.constant 8.000000e-01 : f32
            %mul3A_494 = vector.broadcast %mul3A_493 : f32 to vector<16xf32>
            %mul3A_495 = arith.mulf %mul3A_494, %get3A_492 : vector<16xf32>
            %add3A_496 = arith.addf %mul3A_489, %mul3A_495 : vector<16xf32>
            %swap3A_497 = arith.index_cast %add3A_387 : i32 to index
            %swap3A_498 = arith.constant 96 : index
            %swap3A_499 = tpu.vector_load %arg19[%swap3A_497, %swap3A_498] {strides = array<i32>} : memref<64x128xf32, #tpu.memory_space<vmem>>, vector<16xf32>,
            tpu.vector_store %arg19[%swap3A_497, %swap3A_498], %add3A_496 {strides = array<i32>} : memref<64x128xf32, #tpu.memory_space<vmem>>, vector<16xf32>,
            %get3A_500 = arith.index_cast %add3A_387 : i32 to index
            %get3A_501 = arith.constant 112 : index
            %get3A_502 = tpu.vector_load %arg19[%get3A_500, %get3A_501] {strides = array<i32>} : memref<64x128xf32, #tpu.memory_space<vmem>>, vector<16xf32>,
            %mul3A_503 = arith.constant 2.000000e-01 : f32
            %mul3A_504 = vector.broadcast %mul3A_503 : f32 to vector<16xf32>
            %mul3A_505 = arith.mulf %mul3A_504, %get3A_502 : vector<16xf32>
            %get3A_506 = arith.index_cast %add3A_387 : i32 to index
            %get3A_507 = arith.constant 112 : index
            %get3A_508 = tpu.vector_load %arg20[%get3A_506, %get3A_507] {strides = array<i32>} : memref<64x128xf32, #tpu.memory_space<vmem>>, vector<16xf32>,
            %mul3A_509 = arith.constant 8.000000e-01 : f32
            %mul3A_510 = vector.broadcast %mul3A_509 : f32 to vector<16xf32>
            %mul3A_511 = arith.mulf %mul3A_510, %get3A_508 : vector<16xf32>
            %add3A_512 = arith.addf %mul3A_505, %mul3A_511 : vector<16xf32>
            %swap3A_513 = arith.index_cast %add3A_387 : i32 to index
            %swap3A_514 = arith.constant 112 : index
            %swap3A_515 = tpu.vector_load %arg19[%swap3A_513, %swap3A_514] {strides = array<i32>} : memref<64x128xf32, #tpu.memory_space<vmem>>, vector<16xf32>,
            tpu.vector_store %arg19[%swap3A_513, %swap3A_514], %add3A_512 {strides = array<i32>} : memref<64x128xf32, #tpu.memory_space<vmem>>, vector<16xf32>,
            %mul3A_516 = arith.constant 4 : i32
            %mul3A_517 = arith.muli %scan3A_251, %mul3A_516 : i32
            %add3A_518 = arith.constant 2 : i32
            %add3A_519 = arith.addi %mul3A_517, %add3A_518 : i32
            %get3A_520 = arith.index_cast %add3A_519 : i32 to index
            %get3A_521 = arith.constant 0 : index
            %get3A_522 = tpu.vector_load %arg19[%get3A_520, %get3A_521] {strides = array<i32>} : memref<64x128xf32, #tpu.memory_space<vmem>>, vector<16xf32>,
            %mul3A_523 = arith.constant 2.000000e-01 : f32
            %mul3A_524 = vector.broadcast %mul3A_523 : f32 to vector<16xf32>
            %mul3A_525 = arith.mulf %mul3A_524, %get3A_522 : vector<16xf32>
            %get3A_526 = arith.index_cast %add3A_519 : i32 to index
            %get3A_527 = arith.constant 0 : index
            %get3A_528 = tpu.vector_load %arg20[%get3A_526, %get3A_527] {strides = array<i32>} : memref<64x128xf32, #tpu.memory_space<vmem>>, vector<16xf32>,
            %mul3A_529 = arith.constant 8.000000e-01 : f32
            %mul3A_530 = vector.broadcast %mul3A_529 : f32 to vector<16xf32>
            %mul3A_531 = arith.mulf %mul3A_530, %get3A_528 : vector<16xf32>
            %add3A_532 = arith.addf %mul3A_525, %mul3A_531 : vector<16xf32>
            %swap3A_533 = arith.index_cast %add3A_519 : i32 to index
            %swap3A_534 = arith.constant 0 : index
            %swap3A_535 = tpu.vector_load %arg19[%swap3A_533, %swap3A_534] {strides = array<i32>} : memref<64x128xf32, #tpu.memory_space<vmem>>, vector<16xf32>,
            tpu.vector_store %arg19[%swap3A_533, %swap3A_534], %add3A_532 {strides = array<i32>} : memref<64x128xf32, #tpu.memory_space<vmem>>, vector<16xf32>,
            %get3A_536 = arith.index_cast %add3A_519 : i32 to index
            %get3A_537 = arith.constant 16 : index
            %get3A_538 = tpu.vector_load %arg19[%get3A_536, %get3A_537] {strides = array<i32>} : memref<64x128xf32, #tpu.memory_space<vmem>>, vector<16xf32>,
            %mul3A_539 = arith.constant 2.000000e-01 : f32
            %mul3A_540 = vector.broadcast %mul3A_539 : f32 to vector<16xf32>
            %mul3A_541 = arith.mulf %mul3A_540, %get3A_538 : vector<16xf32>
            %get3A_542 = arith.index_cast %add3A_519 : i32 to index
            %get3A_543 = arith.constant 16 : index
            %get3A_544 = tpu.vector_load %arg20[%get3A_542, %get3A_543] {strides = array<i32>} : memref<64x128xf32, #tpu.memory_space<vmem>>, vector<16xf32>,
            %mul3A_545 = arith.constant 8.000000e-01 : f32
            %mul3A_546 = vector.broadcast %mul3A_545 : f32 to vector<16xf32>
            %mul3A_547 = arith.mulf %mul3A_546, %get3A_544 : vector<16xf32>
            %add3A_548 = arith.addf %mul3A_541, %mul3A_547 : vector<16xf32>
            %swap3A_549 = arith.index_cast %add3A_519 : i32 to index
            %swap3A_550 = arith.constant 16 : index
            %swap3A_551 = tpu.vector_load %arg19[%swap3A_549, %swap3A_550] {strides = array<i32>} : memref<64x128xf32, #tpu.memory_space<vmem>>, vector<16xf32>,
            tpu.vector_store %arg19[%swap3A_549, %swap3A_550], %add3A_548 {strides = array<i32>} : memref<64x128xf32, #tpu.memory_space<vmem>>, vector<16xf32>,
            %get3A_552 = arith.index_cast %add3A_519 : i32 to index
            %get3A_553 = arith.constant 32 : index
            %get3A_554 = tpu.vector_load %arg19[%get3A_552, %get3A_553] {strides = array<i32>} : memref<64x128xf32, #tpu.memory_space<vmem>>, vector<16xf32>,
            %mul3A_555 = arith.constant 2.000000e-01 : f32
            %mul3A_556 = vector.broadcast %mul3A_555 : f32 to vector<16xf32>
            %mul3A_557 = arith.mulf %mul3A_556, %get3A_554 : vector<16xf32>
            %get3A_558 = arith.index_cast %add3A_519 : i32 to index
            %get3A_559 = arith.constant 32 : index
            %get3A_560 = tpu.vector_load %arg20[%get3A_558, %get3A_559] {strides = array<i32>} : memref<64x128xf32, #tpu.memory_space<vmem>>, vector<16xf32>,
            %mul3A_561 = arith.constant 8.000000e-01 : f32
            %mul3A_562 = vector.broadcast %mul3A_561 : f32 to vector<16xf32>
            %mul3A_563 = arith.mulf %mul3A_562, %get3A_560 : vector<16xf32>
            %add3A_564 = arith.addf %mul3A_557, %mul3A_563 : vector<16xf32>
            %swap3A_565 = arith.index_cast %add3A_519 : i32 to index
            %swap3A_566 = arith.constant 32 : index
            %swap3A_567 = tpu.vector_load %arg19[%swap3A_565, %swap3A_566] {strides = array<i32>} : memref<64x128xf32, #tpu.memory_space<vmem>>, vector<16xf32>,
            tpu.vector_store %arg19[%swap3A_565, %swap3A_566], %add3A_564 {strides = array<i32>} : memref<64x128xf32, #tpu.memory_space<vmem>>, vector<16xf32>,
            %get3A_568 = arith.index_cast %add3A_519 : i32 to index
            %get3A_569 = arith.constant 48 : index
            %get3A_570 = tpu.vector_load %arg19[%get3A_568, %get3A_569] {strides = array<i32>} : memref<64x128xf32, #tpu.memory_space<vmem>>, vector<16xf32>,
            %mul3A_571 = arith.constant 2.000000e-01 : f32
            %mul3A_572 = vector.broadcast %mul3A_571 : f32 to vector<16xf32>
            %mul3A_573 = arith.mulf %mul3A_572, %get3A_570 : vector<16xf32>
            %get3A_574 = arith.index_cast %add3A_519 : i32 to index
            %get3A_575 = arith.constant 48 : index
            %get3A_576 = tpu.vector_load %arg20[%get3A_574, %get3A_575] {strides = array<i32>} : memref<64x128xf32, #tpu.memory_space<vmem>>, vector<16xf32>,
            %mul3A_577 = arith.constant 8.000000e-01 : f32
            %mul3A_578 = vector.broadcast %mul3A_577 : f32 to vector<16xf32>
            %mul3A_579 = arith.mulf %mul3A_578, %get3A_576 : vector<16xf32>
            %add3A_580 = arith.addf %mul3A_573, %mul3A_579 : vector<16xf32>
            %swap3A_581 = arith.index_cast %add3A_519 : i32 to index
            %swap3A_582 = arith.constant 48 : index
            %swap3A_583 = tpu.vector_load %arg19[%swap3A_581, %swap3A_582] {strides = array<i32>} : memref<64x128xf32, #tpu.memory_space<vmem>>, vector<16xf32>,
            tpu.vector_store %arg19[%swap3A_581, %swap3A_582], %add3A_580 {strides = array<i32>} : memref<64x128xf32, #tpu.memory_space<vmem>>, vector<16xf32>,
            %get3A_584 = arith.index_cast %add3A_519 : i32 to index
            %get3A_585 = arith.constant 64 : index
            %get3A_586 = tpu.vector_load %arg19[%get3A_584, %get3A_585] {strides = array<i32>} : memref<64x128xf32, #tpu.memory_space<vmem>>, vector<16xf32>,
            %mul3A_587 = arith.constant 2.000000e-01 : f32
            %mul3A_588 = vector.broadcast %mul3A_587 : f32 to vector<16xf32>
            %mul3A_589 = arith.mulf %mul3A_588, %get3A_586 : vector<16xf32>
            %get3A_590 = arith.index_cast %add3A_519 : i32 to index
            %get3A_591 = arith.constant 64 : index
            %get3A_592 = tpu.vector_load %arg20[%get3A_590, %get3A_591] {strides = array<i32>} : memref<64x128xf32, #tpu.memory_space<vmem>>, vector<16xf32>,
            %mul3A_593 = arith.constant 8.000000e-01 : f32
            %mul3A_594 = vector.broadcast %mul3A_593 : f32 to vector<16xf32>
            %mul3A_595 = arith.mulf %mul3A_594, %get3A_592 : vector<16xf32>
            %add3A_596 = arith.addf %mul3A_589, %mul3A_595 : vector<16xf32>
            %swap3A_597 = arith.index_cast %add3A_519 : i32 to index
            %swap3A_598 = arith.constant 64 : index
            %swap3A_599 = tpu.vector_load %arg19[%swap3A_597, %swap3A_598] {strides = array<i32>} : memref<64x128xf32, #tpu.memory_space<vmem>>, vector<16xf32>,
            tpu.vector_store %arg19[%swap3A_597, %swap3A_598], %add3A_596 {strides = array<i32>} : memref<64x128xf32, #tpu.memory_space<vmem>>, vector<16xf32>,
            %get3A_600 = arith.index_cast %add3A_519 : i32 to index
            %get3A_601 = arith.constant 80 : index
            %get3A_602 = tpu.vector_load %arg19[%get3A_600, %get3A_601] {strides = array<i32>} : memref<64x128xf32, #tpu.memory_space<vmem>>, vector<16xf32>,
            %mul3A_603 = arith.constant 2.000000e-01 : f32
            %mul3A_604 = vector.broadcast %mul3A_603 : f32 to vector<16xf32>
            %mul3A_605 = arith.mulf %mul3A_604, %get3A_602 : vector<16xf32>
            %get3A_606 = arith.index_cast %add3A_519 : i32 to index
            %get3A_607 = arith.constant 80 : index
            %get3A_608 = tpu.vector_load %arg20[%get3A_606, %get3A_607] {strides = array<i32>} : memref<64x128xf32, #tpu.memory_space<vmem>>, vector<16xf32>,
            %mul3A_609 = arith.constant 8.000000e-01 : f32
            %mul3A_610 = vector.broadcast %mul3A_609 : f32 to vector<16xf32>
            %mul3A_611 = arith.mulf %mul3A_610, %get3A_608 : vector<16xf32>
            %add3A_612 = arith.addf %mul3A_605, %mul3A_611 : vector<16xf32>
            %swap3A_613 = arith.index_cast %add3A_519 : i32 to index
            %swap3A_614 = arith.constant 80 : index
            %swap3A_615 = tpu.vector_load %arg19[%swap3A_613, %swap3A_614] {strides = array<i32>} : memref<64x128xf32, #tpu.memory_space<vmem>>, vector<16xf32>,
            tpu.vector_store %arg19[%swap3A_613, %swap3A_614], %add3A_612 {strides = array<i32>} : memref<64x128xf32, #tpu.memory_space<vmem>>, vector<16xf32>,
            %get3A_616 = arith.index_cast %add3A_519 : i32 to index
            %get3A_617 = arith.constant 96 : index
            %get3A_618 = tpu.vector_load %arg19[%get3A_616, %get3A_617] {strides = array<i32>} : memref<64x128xf32, #tpu.memory_space<vmem>>, vector<16xf32>,
            %mul3A_619 = arith.constant 2.000000e-01 : f32
            %mul3A_620 = vector.broadcast %mul3A_619 : f32 to vector<16xf32>
            %mul3A_621 = arith.mulf %mul3A_620, %get3A_618 : vector<16xf32>
            %get3A_622 = arith.index_cast %add3A_519 : i32 to index
            %get3A_623 = arith.constant 96 : index
            %get3A_624 = tpu.vector_load %arg20[%get3A_622, %get3A_623] {strides = array<i32>} : memref<64x128xf32, #tpu.memory_space<vmem>>, vector<16xf32>,
            %mul3A_625 = arith.constant 8.000000e-01 : f32
            %mul3A_626 = vector.broadcast %mul3A_625 : f32 to vector<16xf32>
            %mul3A_627 = arith.mulf %mul3A_626, %get3A_624 : vector<16xf32>
            %add3A_628 = arith.addf %mul3A_621, %mul3A_627 : vector<16xf32>
            %swap3A_629 = arith.index_cast %add3A_519 : i32 to index
            %swap3A_630 = arith.constant 96 : index
            %swap3A_631 = tpu.vector_load %arg19[%swap3A_629, %swap3A_630] {strides = array<i32>} : memref<64x128xf32, #tpu.memory_space<vmem>>, vector<16xf32>,
            tpu.vector_store %arg19[%swap3A_629, %swap3A_630], %add3A_628 {strides = array<i32>} : memref<64x128xf32, #tpu.memory_space<vmem>>, vector<16xf32>,
            %get3A_632 = arith.index_cast %add3A_519 : i32 to index
            %get3A_633 = arith.constant 112 : index
            %get3A_634 = tpu.vector_load %arg19[%get3A_632, %get3A_633] {strides = array<i32>} : memref<64x128xf32, #tpu.memory_space<vmem>>, vector<16xf32>,
            %mul3A_635 = arith.constant 2.000000e-01 : f32
            %mul3A_636 = vector.broadcast %mul3A_635 : f32 to vector<16xf32>
            %mul3A_637 = arith.mulf %mul3A_636, %get3A_634 : vector<16xf32>
            %get3A_638 = arith.index_cast %add3A_519 : i32 to index
            %get3A_639 = arith.constant 112 : index
            %get3A_640 = tpu.vector_load %arg20[%get3A_638, %get3A_639] {strides = array<i32>} : memref<64x128xf32, #tpu.memory_space<vmem>>, vector<16xf32>,
            %mul3A_641 = arith.constant 8.000000e-01 : f32
            %mul3A_642 = vector.broadcast %mul3A_641 : f32 to vector<16xf32>
            %mul3A_643 = arith.mulf %mul3A_642, %get3A_640 : vector<16xf32>
            %add3A_644 = arith.addf %mul3A_637, %mul3A_643 : vector<16xf32>
            %swap3A_645 = arith.index_cast %add3A_519 : i32 to index
            %swap3A_646 = arith.constant 112 : index
            %swap3A_647 = tpu.vector_load %arg19[%swap3A_645, %swap3A_646] {strides = array<i32>} : memref<64x128xf32, #tpu.memory_space<vmem>>, vector<16xf32>,
            tpu.vector_store %arg19[%swap3A_645, %swap3A_646], %add3A_644 {strides = array<i32>} : memref<64x128xf32, #tpu.memory_space<vmem>>, vector<16xf32>,
            %mul3A_648 = arith.constant 4 : i32
            %mul3A_649 = arith.muli %scan3A_251, %mul3A_648 : i32
            %add3A_650 = arith.constant 3 : i32
            %add3A_651 = arith.addi %mul3A_649, %add3A_650 : i32
            %get3A_652 = arith.index_cast %add3A_651 : i32 to index
            %get3A_653 = arith.constant 0 : index
            %get3A_654 = tpu.vector_load %arg19[%get3A_652, %get3A_653] {strides = array<i32>} : memref<64x128xf32, #tpu.memory_space<vmem>>, vector<16xf32>,
            %mul3A_655 = arith.constant 2.000000e-01 : f32
            %mul3A_656 = vector.broadcast %mul3A_655 : f32 to vector<16xf32>
            %mul3A_657 = arith.mulf %mul3A_656, %get3A_654 : vector<16xf32>
            %get3A_658 = arith.index_cast %add3A_651 : i32 to index
            %get3A_659 = arith.constant 0 : index
            %get3A_660 = tpu.vector_load %arg20[%get3A_658, %get3A_659] {strides = array<i32>} : memref<64x128xf32, #tpu.memory_space<vmem>>, vector<16xf32>,
            %mul3A_661 = arith.constant 8.000000e-01 : f32
            %mul3A_662 = vector.broadcast %mul3A_661 : f32 to vector<16xf32>
            %mul3A_663 = arith.mulf %mul3A_662, %get3A_660 : vector<16xf32>
            %add3A_664 = arith.addf %mul3A_657, %mul3A_663 : vector<16xf32>
            %swap3A_665 = arith.index_cast %add3A_651 : i32 to index
            %swap3A_666 = arith.constant 0 : index
            %swap3A_667 = tpu.vector_load %arg19[%swap3A_665, %swap3A_666] {strides = array<i32>} : memref<64x128xf32, #tpu.memory_space<vmem>>, vector<16xf32>,
            tpu.vector_store %arg19[%swap3A_665, %swap3A_666], %add3A_664 {strides = array<i32>} : memref<64x128xf32, #tpu.memory_space<vmem>>, vector<16xf32>,
            %get3A_668 = arith.index_cast %add3A_651 : i32 to index
            %get3A_669 = arith.constant 16 : index
            %get3A_670 = tpu.vector_load %arg19[%get3A_668, %get3A_669] {strides = array<i32>} : memref<64x128xf32, #tpu.memory_space<vmem>>, vector<16xf32>,
            %mul3A_671 = arith.constant 2.000000e-01 : f32
            %mul3A_672 = vector.broadcast %mul3A_671 : f32 to vector<16xf32>
            %mul3A_673 = arith.mulf %mul3A_672, %get3A_670 : vector<16xf32>
            %get3A_674 = arith.index_cast %add3A_651 : i32 to index
            %get3A_675 = arith.constant 16 : index
            %get3A_676 = tpu.vector_load %arg20[%get3A_674, %get3A_675] {strides = array<i32>} : memref<64x128xf32, #tpu.memory_space<vmem>>, vector<16xf32>,
            %mul3A_677 = arith.constant 8.000000e-01 : f32
            %mul3A_678 = vector.broadcast %mul3A_677 : f32 to vector<16xf32>
            %mul3A_679 = arith.mulf %mul3A_678, %get3A_676 : vector<16xf32>
            %add3A_680 = arith.addf %mul3A_673, %mul3A_679 : vector<16xf32>
            %swap3A_681 = arith.index_cast %add3A_651 : i32 to index
            %swap3A_682 = arith.constant 16 : index
            %swap3A_683 = tpu.vector_load %arg19[%swap3A_681, %swap3A_682] {strides = array<i32>} : memref<64x128xf32, #tpu.memory_space<vmem>>, vector<16xf32>,
            tpu.vector_store %arg19[%swap3A_681, %swap3A_682], %add3A_680 {strides = array<i32>} : memref<64x128xf32, #tpu.memory_space<vmem>>, vector<16xf32>,
            %get3A_684 = arith.index_cast %add3A_651 : i32 to index
            %get3A_685 = arith.constant 32 : index
            %get3A_686 = tpu.vector_load %arg19[%get3A_684, %get3A_685] {strides = array<i32>} : memref<64x128xf32, #tpu.memory_space<vmem>>, vector<16xf32>,
            %mul3A_687 = arith.constant 2.000000e-01 : f32
            %mul3A_688 = vector.broadcast %mul3A_687 : f32 to vector<16xf32>
            %mul3A_689 = arith.mulf %mul3A_688, %get3A_686 : vector<16xf32>
            %get3A_690 = arith.index_cast %add3A_651 : i32 to index
            %get3A_691 = arith.constant 32 : index
            %get3A_692 = tpu.vector_load %arg20[%get3A_690, %get3A_691] {strides = array<i32>} : memref<64x128xf32, #tpu.memory_space<vmem>>, vector<16xf32>,
            %mul3A_693 = arith.constant 8.000000e-01 : f32
            %mul3A_694 = vector.broadcast %mul3A_693 : f32 to vector<16xf32>
            %mul3A_695 = arith.mulf %mul3A_694, %get3A_692 : vector<16xf32>
            %add3A_696 = arith.addf %mul3A_689, %mul3A_695 : vector<16xf32>
            %swap3A_697 = arith.index_cast %add3A_651 : i32 to index
            %swap3A_698 = arith.constant 32 : index
            %swap3A_699 = tpu.vector_load %arg19[%swap3A_697, %swap3A_698] {strides = array<i32>} : memref<64x128xf32, #tpu.memory_space<vmem>>, vector<16xf32>,
            tpu.vector_store %arg19[%swap3A_697, %swap3A_698], %add3A_696 {strides = array<i32>} : memref<64x128xf32, #tpu.memory_space<vmem>>, vector<16xf32>,
            %get3A_700 = arith.index_cast %add3A_651 : i32 to index
            %get3A_701 = arith.constant 48 : index
            %get3A_702 = tpu.vector_load %arg19[%get3A_700, %get3A_701] {strides = array<i32>} : memref<64x128xf32, #tpu.memory_space<vmem>>, vector<16xf32>,
            %mul3A_703 = arith.constant 2.000000e-01 : f32
            %mul3A_704 = vector.broadcast %mul3A_703 : f32 to vector<16xf32>
            %mul3A_705 = arith.mulf %mul3A_704, %get3A_702 : vector<16xf32>
            %get3A_706 = arith.index_cast %add3A_651 : i32 to index
            %get3A_707 = arith.constant 48 : index
            %get3A_708 = tpu.vector_load %arg20[%get3A_706, %get3A_707] {strides = array<i32>} : memref<64x128xf32, #tpu.memory_space<vmem>>, vector<16xf32>,
            %mul3A_709 = arith.constant 8.000000e-01 : f32
            %mul3A_710 = vector.broadcast %mul3A_709 : f32 to vector<16xf32>
            %mul3A_711 = arith.mulf %mul3A_710, %get3A_708 : vector<16xf32>
            %add3A_712 = arith.addf %mul3A_705, %mul3A_711 : vector<16xf32>
            %swap3A_713 = arith.index_cast %add3A_651 : i32 to index
            %swap3A_714 = arith.constant 48 : index
            %swap3A_715 = tpu.vector_load %arg19[%swap3A_713, %swap3A_714] {strides = array<i32>} : memref<64x128xf32, #tpu.memory_space<vmem>>, vector<16xf32>,
            tpu.vector_store %arg19[%swap3A_713, %swap3A_714], %add3A_712 {strides = array<i32>} : memref<64x128xf32, #tpu.memory_space<vmem>>, vector<16xf32>,
            %get3A_716 = arith.index_cast %add3A_651 : i32 to index
            %get3A_717 = arith.constant 64 : index
            %get3A_718 = tpu.vector_load %arg19[%get3A_716, %get3A_717] {strides = array<i32>} : memref<64x128xf32, #tpu.memory_space<vmem>>, vector<16xf32>,
            %mul3A_719 = arith.constant 2.000000e-01 : f32
            %mul3A_720 = vector.broadcast %mul3A_719 : f32 to vector<16xf32>
            %mul3A_721 = arith.mulf %mul3A_720, %get3A_718 : vector<16xf32>
            %get3A_722 = arith.index_cast %add3A_651 : i32 to index
            %get3A_723 = arith.constant 64 : index
            %get3A_724 = tpu.vector_load %arg20[%get3A_722, %get3A_723] {strides = array<i32>} : memref<64x128xf32, #tpu.memory_space<vmem>>, vector<16xf32>,
            %mul3A_725 = arith.constant 8.000000e-01 : f32
            %mul3A_726 = vector.broadcast %mul3A_725 : f32 to vector<16xf32>
            %mul3A_727 = arith.mulf %mul3A_726, %get3A_724 : vector<16xf32>
            %add3A_728 = arith.addf %mul3A_721, %mul3A_727 : vector<16xf32>
            %swap3A_729 = arith.index_cast %add3A_651 : i32 to index
            %swap3A_730 = arith.constant 64 : index
            %swap3A_731 = tpu.vector_load %arg19[%swap3A_729, %swap3A_730] {strides = array<i32>} : memref<64x128xf32, #tpu.memory_space<vmem>>, vector<16xf32>,
            tpu.vector_store %arg19[%swap3A_729, %swap3A_730], %add3A_728 {strides = array<i32>} : memref<64x128xf32, #tpu.memory_space<vmem>>, vector<16xf32>,
            %get3A_732 = arith.index_cast %add3A_651 : i32 to index
            %get3A_733 = arith.constant 80 : index
            %get3A_734 = tpu.vector_load %arg19[%get3A_732, %get3A_733] {strides = array<i32>} : memref<64x128xf32, #tpu.memory_space<vmem>>, vector<16xf32>,
            %mul3A_735 = arith.constant 2.000000e-01 : f32
            %mul3A_736 = vector.broadcast %mul3A_735 : f32 to vector<16xf32>
            %mul3A_737 = arith.mulf %mul3A_736, %get3A_734 : vector<16xf32>
            %get3A_738 = arith.index_cast %add3A_651 : i32 to index
            %get3A_739 = arith.constant 80 : index
            %get3A_740 = tpu.vector_load %arg20[%get3A_738, %get3A_739] {strides = array<i32>} : memref<64x128xf32, #tpu.memory_space<vmem>>, vector<16xf32>,
            %mul3A_741 = arith.constant 8.000000e-01 : f32
            %mul3A_742 = vector.broadcast %mul3A_741 : f32 to vector<16xf32>
            %mul3A_743 = arith.mulf %mul3A_742, %get3A_740 : vector<16xf32>
            %add3A_744 = arith.addf %mul3A_737, %mul3A_743 : vector<16xf32>
            %swap3A_745 = arith.index_cast %add3A_651 : i32 to index
            %swap3A_746 = arith.constant 80 : index
            %swap3A_747 = tpu.vector_load %arg19[%swap3A_745, %swap3A_746] {strides = array<i32>} : memref<64x128xf32, #tpu.memory_space<vmem>>, vector<16xf32>,
            tpu.vector_store %arg19[%swap3A_745, %swap3A_746], %add3A_744 {strides = array<i32>} : memref<64x128xf32, #tpu.memory_space<vmem>>, vector<16xf32>,
            %get3A_748 = arith.index_cast %add3A_651 : i32 to index
            %get3A_749 = arith.constant 96 : index
            %get3A_750 = tpu.vector_load %arg19[%get3A_748, %get3A_749] {strides = array<i32>} : memref<64x128xf32, #tpu.memory_space<vmem>>, vector<16xf32>,
            %mul3A_751 = arith.constant 2.000000e-01 : f32
            %mul3A_752 = vector.broadcast %mul3A_751 : f32 to vector<16xf32>
            %mul3A_753 = arith.mulf %mul3A_752, %get3A_750 : vector<16xf32>
            %get3A_754 = arith.index_cast %add3A_651 : i32 to index
            %get3A_755 = arith.constant 96 : index
            %get3A_756 = tpu.vector_load %arg20[%get3A_754, %get3A_755] {strides = array<i32>} : memref<64x128xf32, #tpu.memory_space<vmem>>, vector<16xf32>,
            %mul3A_757 = arith.constant 8.000000e-01 : f32
            %mul3A_758 = vector.broadcast %mul3A_757 : f32 to vector<16xf32>
            %mul3A_759 = arith.mulf %mul3A_758, %get3A_756 : vector<16xf32>
            %add3A_760 = arith.addf %mul3A_753, %mul3A_759 : vector<16xf32>
            %swap3A_761 = arith.index_cast %add3A_651 : i32 to index
            %swap3A_762 = arith.constant 96 : index
            %swap3A_763 = tpu.vector_load %arg19[%swap3A_761, %swap3A_762] {strides = array<i32>} : memref<64x128xf32, #tpu.memory_space<vmem>>, vector<16xf32>,
            tpu.vector_store %arg19[%swap3A_761, %swap3A_762], %add3A_760 {strides = array<i32>} : memref<64x128xf32, #tpu.memory_space<vmem>>, vector<16xf32>,
            %get3A_764 = arith.index_cast %add3A_651 : i32 to index
            %get3A_765 = arith.constant 112 : index
            %get3A_766 = tpu.vector_load %arg19[%get3A_764, %get3A_765] {strides = array<i32>} : memref<64x128xf32, #tpu.memory_space<vmem>>, vector<16xf32>,
            %mul3A_767 = arith.constant 2.000000e-01 : f32
            %mul3A_768 = vector.broadcast %mul3A_767 : f32 to vector<16xf32>
            %mul3A_769 = arith.mulf %mul3A_768, %get3A_766 : vector<16xf32>
            %get3A_770 = arith.index_cast %add3A_651 : i32 to index
            %get3A_771 = arith.constant 112 : index
            %get3A_772 = tpu.vector_load %arg20[%get3A_770, %get3A_771] {strides = array<i32>} : memref<64x128xf32, #tpu.memory_space<vmem>>, vector<16xf32>,
            %mul3A_773 = arith.constant 8.000000e-01 : f32
            %mul3A_774 = vector.broadcast %mul3A_773 : f32 to vector<16xf32>
            %mul3A_775 = arith.mulf %mul3A_774, %get3A_772 : vector<16xf32>
            %add3A_776 = arith.addf %mul3A_769, %mul3A_775 : vector<16xf32>
            %swap3A_777 = arith.index_cast %add3A_651 : i32 to index
            %swap3A_778 = arith.constant 112 : index
            %swap3A_779 = tpu.vector_load %arg19[%swap3A_777, %swap3A_778] {strides = array<i32>} : memref<64x128xf32, #tpu.memory_space<vmem>>, vector<16xf32>,
            tpu.vector_store %arg19[%swap3A_777, %swap3A_778], %add3A_776 {strides = array<i32>} : memref<64x128xf32, #tpu.memory_space<vmem>>, vector<16xf32>,
          }
          %scan3A_247 = arith.constant 16 : i32
          %dma_start3A_248 = arith.constant 0 : i32
          %dma_start3A_249 = arith.constant 0 : i32
          %dma_start3A_250 = tpu.memref_slice %arg2[%dma_start3A_248, %dma_start3A_249] : memref<100000x128xf32, #tpu.memory_space<hbm>> -> memref<100000x128xf32, #tpu.memory_space<hbm>>
          tpu.enqueue_indirect_dma source(%arg19 : memref<64x128xf32, #tpu.memory_space<vmem>>) target(%dma_start3A_250 : memref<100000x128xf32, #tpu.memory_space<hbm>>) offsets(%arg17 : memref<64xi32, #tpu.memory_space<vmem>>) semaphore(%arg23 : memref<!tpu.dma_semaphore, #tpu.memory_space<semaphore_mem>>)
        } else {
        }
        %jit3A_210 = arith.constant 3 : i32
        %eq3A_211 = arith.constant 0 : i32
        %eq3A_212 = arith.cmpi eq, %jit3A_210, %eq3A_211 : i32
        %jit3A_213 = arith.constant 1 : i32
        %select_n3A_214 = arith.select %eq3A_212, %jit3A_213, %jit3A_210 : i32
        %rem3A_215 = arith.remsi %while3A_171, %select_n3A_214 : i32
        %ne3A_216 = arith.constant 0 : i32
        %ne3A_217 = arith.cmpi ne, %rem3A_215, %ne3A_216 : i32
        %lt3A_218 = arith.constant 0 : i32
        %lt3A_219 = arith.cmpi slt, %rem3A_215, %lt3A_218 : i32
        %lt3A_220 = arith.constant 0 : i32
        %lt3A_221 = arith.cmpi slt, %select_n3A_214, %lt3A_220 : i32
        %ne3A_222 = arith.xori %lt3A_219, %lt3A_221 : i1
        %and3A_223 = arith.andi %ne3A_222, %ne3A_217 : i1
        %add3A_224 = arith.addi %rem3A_215, %select_n3A_214 : i32
        %select_n3A_225 = arith.select %and3A_223, %add3A_224, %rem3A_215 : i32
        %eq3A_226 = arith.constant 2 : i32
        %eq3A_227 = arith.cmpi eq, %select_n3A_225, %eq3A_226 : i32
        %convert_element_type3A_228 = arith.extui %eq3A_227 : i1 to i32
        %cond3A_229 = arith.constant 0 : i32
        %cond3A_230 = arith.cmpi ne, %convert_element_type3A_228, %cond3A_229 : i32
        scf.if %cond3A_230 {
          %add3A_231 = arith.constant 2 : i32
          %add3A_232 = arith.addi %while3A_171, %add3A_231 : i32
          %lt3A_233 = arith.cmpi slt, %add3A_232, %div3A_104 : i32
          %convert_element_type3A_234 = arith.extui %lt3A_233 : i1 to i32
          %cond3A_235 = arith.constant 0 : i32
          %cond3A_236 = arith.cmpi ne, %convert_element_type3A_234, %cond3A_235 : i32
          scf.if %cond3A_236 {
            %ge3A_251 = arith.constant 1 : i32
            %ge3A_252 = arith.cmpi sge, %while3A_171, %ge3A_251 : i32
            %convert_element_type3A_253 = arith.extui %ge3A_252 : i1 to i32
            %cond3A_254 = arith.constant 0 : i32
            %cond3A_255 = arith.cmpi ne, %convert_element_type3A_253, %cond3A_254 : i32
            scf.if %cond3A_255 {
              %dma_wait3A_328 = arith.constant 0 : i32
              %dma_wait3A_329 = arith.constant 0 : i32
              %dma_wait3A_330 = tpu.memref_slice %arg2[%dma_wait3A_328, %dma_wait3A_329] : memref<100000x128xf32, #tpu.memory_space<hbm>> -> memref<100000x128xf32, #tpu.memory_space<hbm>>
              tpu.wait_indirect_dma semaphore(%arg23 : memref<!tpu.dma_semaphore, #tpu.memory_space<semaphore_mem>>) src(%arg19 : memref<64x128xf32, #tpu.memory_space<vmem>>) dst(%dma_wait3A_330 : memref<100000x128xf32, #tpu.memory_space<hbm>>)
            } else {
            }
            %add3A_256 = arith.constant 2 : i32
            %add3A_257 = arith.addi %while3A_171, %add3A_256 : i32
            %mul3A_258 = arith.constant 64 : i32
            %mul3A_259 = arith.muli %add3A_257, %mul3A_258 : i32
            %add3A_260 = arith.constant 0 : i32
            %add3A_261 = arith.addi %mul3A_259, %add3A_260 : i32
            %get3A_262 = arith.index_cast %add3A_261 : i32 to index
            %get3A_263 = tpu.vector_load %arg7[%get3A_262] {strides = array<i32>} : memref<16464xi32, #tpu.memory_space<vmem>>, vector<16xi32>,
            %swap3A_264 = arith.constant 0 : index
            %swap3A_265 = tpu.vector_load %arg17[%swap3A_264] {strides = array<i32>} : memref<64xi32, #tpu.memory_space<vmem>>, vector<16xi32>,
            tpu.vector_store %arg17[%swap3A_264], %get3A_263 {strides = array<i32>} : memref<64xi32, #tpu.memory_space<vmem>>, vector<16xi32>,
            %mul3A_266 = arith.constant 64 : i32
            %mul3A_267 = arith.muli %add3A_257, %mul3A_266 : i32
            %add3A_268 = arith.constant 0 : i32
            %add3A_269 = arith.addi %mul3A_267, %add3A_268 : i32
            %get3A_270 = arith.index_cast %add3A_269 : i32 to index
            %get3A_271 = tpu.vector_load %arg8[%get3A_270] {strides = array<i32>} : memref<16464xi32, #tpu.memory_space<vmem>>, vector<16xi32>,
            %swap3A_272 = arith.constant 0 : index
            %swap3A_273 = tpu.vector_load %arg18[%swap3A_272] {strides = array<i32>} : memref<64xi32, #tpu.memory_space<vmem>>, vector<16xi32>,
            tpu.vector_store %arg18[%swap3A_272], %get3A_271 {strides = array<i32>} : memref<64xi32, #tpu.memory_space<vmem>>, vector<16xi32>,
            %mul3A_274 = arith.constant 64 : i32
            %mul3A_275 = arith.muli %add3A_257, %mul3A_274 : i32
            %add3A_276 = arith.constant 16 : i32
            %add3A_277 = arith.addi %mul3A_275, %add3A_276 : i32
            %get3A_278 = arith.index_cast %add3A_277 : i32 to index
            %get3A_279 = tpu.vector_load %arg7[%get3A_278] {strides = array<i32>} : memref<16464xi32, #tpu.memory_space<vmem>>, vector<16xi32>,
            %swap3A_280 = arith.constant 16 : index
            %swap3A_281 = tpu.vector_load %arg17[%swap3A_280] {strides = array<i32>} : memref<64xi32, #tpu.memory_space<vmem>>, vector<16xi32>,
            tpu.vector_store %arg17[%swap3A_280], %get3A_279 {strides = array<i32>} : memref<64xi32, #tpu.memory_space<vmem>>, vector<16xi32>,
            %mul3A_282 = arith.constant 64 : i32
            %mul3A_283 = arith.muli %add3A_257, %mul3A_282 : i32
            %add3A_284 = arith.constant 16 : i32
            %add3A_285 = arith.addi %mul3A_283, %add3A_284 : i32
            %get3A_286 = arith.index_cast %add3A_285 : i32 to index
            %get3A_287 = tpu.vector_load %arg8[%get3A_286] {strides = array<i32>} : memref<16464xi32, #tpu.memory_space<vmem>>, vector<16xi32>,
            %swap3A_288 = arith.constant 16 : index
            %swap3A_289 = tpu.vector_load %arg18[%swap3A_288] {strides = array<i32>} : memref<64xi32, #tpu.memory_space<vmem>>, vector<16xi32>,
            tpu.vector_store %arg18[%swap3A_288], %get3A_287 {strides = array<i32>} : memref<64xi32, #tpu.memory_space<vmem>>, vector<16xi32>,
            %mul3A_290 = arith.constant 64 : i32
            %mul3A_291 = arith.muli %add3A_257, %mul3A_290 : i32
            %add3A_292 = arith.constant 32 : i32
            %add3A_293 = arith.addi %mul3A_291, %add3A_292 : i32
            %get3A_294 = arith.index_cast %add3A_293 : i32 to index
            %get3A_295 = tpu.vector_load %arg7[%get3A_294] {strides = array<i32>} : memref<16464xi32, #tpu.memory_space<vmem>>, vector<16xi32>,
            %swap3A_296 = arith.constant 32 : index
            %swap3A_297 = tpu.vector_load %arg17[%swap3A_296] {strides = array<i32>} : memref<64xi32, #tpu.memory_space<vmem>>, vector<16xi32>,
            tpu.vector_store %arg17[%swap3A_296], %get3A_295 {strides = array<i32>} : memref<64xi32, #tpu.memory_space<vmem>>, vector<16xi32>,
            %mul3A_298 = arith.constant 64 : i32
            %mul3A_299 = arith.muli %add3A_257, %mul3A_298 : i32
            %add3A_300 = arith.constant 32 : i32
            %add3A_301 = arith.addi %mul3A_299, %add3A_300 : i32
            %get3A_302 = arith.index_cast %add3A_301 : i32 to index
            %get3A_303 = tpu.vector_load %arg8[%get3A_302] {strides = array<i32>} : memref<16464xi32, #tpu.memory_space<vmem>>, vector<16xi32>,
            %swap3A_304 = arith.constant 32 : index
            %swap3A_305 = tpu.vector_load %arg18[%swap3A_304] {strides = array<i32>} : memref<64xi32, #tpu.memory_space<vmem>>, vector<16xi32>,
            tpu.vector_store %arg18[%swap3A_304], %get3A_303 {strides = array<i32>} : memref<64xi32, #tpu.memory_space<vmem>>, vector<16xi32>,
            %mul3A_306 = arith.constant 64 : i32
            %mul3A_307 = arith.muli %add3A_257, %mul3A_306 : i32
            %add3A_308 = arith.constant 48 : i32
            %add3A_309 = arith.addi %mul3A_307, %add3A_308 : i32
            %get3A_310 = arith.index_cast %add3A_309 : i32 to index
            %get3A_311 = tpu.vector_load %arg7[%get3A_310] {strides = array<i32>} : memref<16464xi32, #tpu.memory_space<vmem>>, vector<16xi32>,
            %swap3A_312 = arith.constant 48 : index
            %swap3A_313 = tpu.vector_load %arg17[%swap3A_312] {strides = array<i32>} : memref<64xi32, #tpu.memory_space<vmem>>, vector<16xi32>,
            tpu.vector_store %arg17[%swap3A_312], %get3A_311 {strides = array<i32>} : memref<64xi32, #tpu.memory_space<vmem>>, vector<16xi32>,
            %mul3A_314 = arith.constant 64 : i32
            %mul3A_315 = arith.muli %add3A_257, %mul3A_314 : i32
            %add3A_316 = arith.constant 48 : i32
            %add3A_317 = arith.addi %mul3A_315, %add3A_316 : i32
            %get3A_318 = arith.index_cast %add3A_317 : i32 to index
            %get3A_319 = tpu.vector_load %arg8[%get3A_318] {strides = array<i32>} : memref<16464xi32, #tpu.memory_space<vmem>>, vector<16xi32>,
            %swap3A_320 = arith.constant 48 : index
            %swap3A_321 = tpu.vector_load %arg18[%swap3A_320] {strides = array<i32>} : memref<64xi32, #tpu.memory_space<vmem>>, vector<16xi32>,
            tpu.vector_store %arg18[%swap3A_320], %get3A_319 {strides = array<i32>} : memref<64xi32, #tpu.memory_space<vmem>>, vector<16xi32>,
            %dma_start3A_322 = arith.constant 0 : i32
            %dma_start3A_323 = arith.constant 0 : i32
            %dma_start3A_324 = tpu.memref_slice %arg2[%dma_start3A_322, %dma_start3A_323] : memref<100000x128xf32, #tpu.memory_space<hbm>> -> memref<100000x128xf32, #tpu.memory_space<hbm>>
            tpu.enqueue_indirect_dma source(%dma_start3A_324 : memref<100000x128xf32, #tpu.memory_space<hbm>>) target(%arg19 : memref<64x128xf32, #tpu.memory_space<vmem>>) offsets(%arg17 : memref<64xi32, #tpu.memory_space<vmem>>) semaphore(%arg21 : memref<!tpu.dma_semaphore, #tpu.memory_space<semaphore_mem>>)
            %dma_start3A_325 = arith.constant 0 : i32
            %dma_start3A_326 = arith.constant 0 : i32
            %dma_start3A_327 = tpu.memref_slice %arg4[%dma_start3A_325, %dma_start3A_326] : memref<16384x128xf32, #tpu.memory_space<hbm>> -> memref<16384x128xf32, #tpu.memory_space<hbm>>
            tpu.enqueue_indirect_dma source(%dma_start3A_327 : memref<16384x128xf32, #tpu.memory_space<hbm>>) target(%arg20 : memref<64x128xf32, #tpu.memory_space<vmem>>) offsets(%arg18 : memref<64xi32, #tpu.memory_space<vmem>>) semaphore(%arg22 : memref<!tpu.dma_semaphore, #tpu.memory_space<semaphore_mem>>)
          } else {
          }
          %dma_wait3A = arith.constant 0 : i32
          %dma_wait3A_237 = arith.constant 0 : i32
          %dma_wait3A_238 = tpu.memref_slice %arg2[%dma_wait3A, %dma_wait3A_237] : memref<100000x128xf32, #tpu.memory_space<hbm>> -> memref<100000x128xf32, #tpu.memory_space<hbm>>
          tpu.wait_indirect_dma semaphore(%arg28 : memref<!tpu.dma_semaphore, #tpu.memory_space<semaphore_mem>>) src(%dma_wait3A_238 : memref<100000x128xf32, #tpu.memory_space<hbm>>) dst(%arg26 : memref<64x128xf32, #tpu.memory_space<vmem>>)
          %dma_wait3A_239 = arith.constant 0 : i32
          %dma_wait3A_240 = arith.constant 0 : i32
          %dma_wait3A_241 = tpu.memref_slice %arg4[%dma_wait3A_239, %dma_wait3A_240] : memref<16384x128xf32, #tpu.memory_space<hbm>> -> memref<16384x128xf32, #tpu.memory_space<hbm>>
          tpu.wait_indirect_dma semaphore(%arg29 : memref<!tpu.dma_semaphore, #tpu.memory_space<semaphore_mem>>) src(%dma_wait3A_241 : memref<16384x128xf32, #tpu.memory_space<hbm>>) dst(%arg27 : memref<64x128xf32, #tpu.memory_space<vmem>>)
          %scan3A_242 = arith.constant 0 : i32
          %scan3A_243 = arith.constant 0 : i32
          %scan3A_244 = arith.constant 16 : i32
          %scan3A_245 = arith.addi %scan3A_243, %scan3A_244 : i32
          %scan3A_246 = arith.constant 1 : i32
          scf.for %scan3A_251 = %scan3A_243 to %scan3A_245 step %scan3A_246  : i32 {
            %mul3A_252 = arith.constant 4 : i32
            %mul3A_253 = arith.muli %scan3A_251, %mul3A_252 : i32
            %add3A_254 = arith.constant 0 : i32
            %add3A_255 = arith.addi %mul3A_253, %add3A_254 : i32
            %get3A_256 = arith.index_cast %add3A_255 : i32 to index
            %get3A_257 = arith.constant 0 : index
            %get3A_258 = tpu.vector_load %arg26[%get3A_256, %get3A_257] {strides = array<i32>} : memref<64x128xf32, #tpu.memory_space<vmem>>, vector<16xf32>,
            %mul3A_259 = arith.constant 2.000000e-01 : f32
            %mul3A_260 = vector.broadcast %mul3A_259 : f32 to vector<16xf32>
            %mul3A_261 = arith.mulf %mul3A_260, %get3A_258 : vector<16xf32>
            %get3A_262 = arith.index_cast %add3A_255 : i32 to index
            %get3A_263 = arith.constant 0 : index
            %get3A_264 = tpu.vector_load %arg27[%get3A_262, %get3A_263] {strides = array<i32>} : memref<64x128xf32, #tpu.memory_space<vmem>>, vector<16xf32>,
            %mul3A_265 = arith.constant 8.000000e-01 : f32
            %mul3A_266 = vector.broadcast %mul3A_265 : f32 to vector<16xf32>
            %mul3A_267 = arith.mulf %mul3A_266, %get3A_264 : vector<16xf32>
            %add3A_268 = arith.addf %mul3A_261, %mul3A_267 : vector<16xf32>
            %swap3A_269 = arith.index_cast %add3A_255 : i32 to index
            %swap3A_270 = arith.constant 0 : index
            %swap3A_271 = tpu.vector_load %arg26[%swap3A_269, %swap3A_270] {strides = array<i32>} : memref<64x128xf32, #tpu.memory_space<vmem>>, vector<16xf32>,
            tpu.vector_store %arg26[%swap3A_269, %swap3A_270], %add3A_268 {strides = array<i32>} : memref<64x128xf32, #tpu.memory_space<vmem>>, vector<16xf32>,
            %get3A_272 = arith.index_cast %add3A_255 : i32 to index
            %get3A_273 = arith.constant 16 : index
            %get3A_274 = tpu.vector_load %arg26[%get3A_272, %get3A_273] {strides = array<i32>} : memref<64x128xf32, #tpu.memory_space<vmem>>, vector<16xf32>,
            %mul3A_275 = arith.constant 2.000000e-01 : f32
            %mul3A_276 = vector.broadcast %mul3A_275 : f32 to vector<16xf32>
            %mul3A_277 = arith.mulf %mul3A_276, %get3A_274 : vector<16xf32>
            %get3A_278 = arith.index_cast %add3A_255 : i32 to index
            %get3A_279 = arith.constant 16 : index
            %get3A_280 = tpu.vector_load %arg27[%get3A_278, %get3A_279] {strides = array<i32>} : memref<64x128xf32, #tpu.memory_space<vmem>>, vector<16xf32>,
            %mul3A_281 = arith.constant 8.000000e-01 : f32
            %mul3A_282 = vector.broadcast %mul3A_281 : f32 to vector<16xf32>
            %mul3A_283 = arith.mulf %mul3A_282, %get3A_280 : vector<16xf32>
            %add3A_284 = arith.addf %mul3A_277, %mul3A_283 : vector<16xf32>
            %swap3A_285 = arith.index_cast %add3A_255 : i32 to index
            %swap3A_286 = arith.constant 16 : index
            %swap3A_287 = tpu.vector_load %arg26[%swap3A_285, %swap3A_286] {strides = array<i32>} : memref<64x128xf32, #tpu.memory_space<vmem>>, vector<16xf32>,
            tpu.vector_store %arg26[%swap3A_285, %swap3A_286], %add3A_284 {strides = array<i32>} : memref<64x128xf32, #tpu.memory_space<vmem>>, vector<16xf32>,
            %get3A_288 = arith.index_cast %add3A_255 : i32 to index
            %get3A_289 = arith.constant 32 : index
            %get3A_290 = tpu.vector_load %arg26[%get3A_288, %get3A_289] {strides = array<i32>} : memref<64x128xf32, #tpu.memory_space<vmem>>, vector<16xf32>,
            %mul3A_291 = arith.constant 2.000000e-01 : f32
            %mul3A_292 = vector.broadcast %mul3A_291 : f32 to vector<16xf32>
            %mul3A_293 = arith.mulf %mul3A_292, %get3A_290 : vector<16xf32>
            %get3A_294 = arith.index_cast %add3A_255 : i32 to index
            %get3A_295 = arith.constant 32 : index
            %get3A_296 = tpu.vector_load %arg27[%get3A_294, %get3A_295] {strides = array<i32>} : memref<64x128xf32, #tpu.memory_space<vmem>>, vector<16xf32>,
            %mul3A_297 = arith.constant 8.000000e-01 : f32
            %mul3A_298 = vector.broadcast %mul3A_297 : f32 to vector<16xf32>
            %mul3A_299 = arith.mulf %mul3A_298, %get3A_296 : vector<16xf32>
            %add3A_300 = arith.addf %mul3A_293, %mul3A_299 : vector<16xf32>
            %swap3A_301 = arith.index_cast %add3A_255 : i32 to index
            %swap3A_302 = arith.constant 32 : index
            %swap3A_303 = tpu.vector_load %arg26[%swap3A_301, %swap3A_302] {strides = array<i32>} : memref<64x128xf32, #tpu.memory_space<vmem>>, vector<16xf32>,
            tpu.vector_store %arg26[%swap3A_301, %swap3A_302], %add3A_300 {strides = array<i32>} : memref<64x128xf32, #tpu.memory_space<vmem>>, vector<16xf32>,
            %get3A_304 = arith.index_cast %add3A_255 : i32 to index
            %get3A_305 = arith.constant 48 : index
            %get3A_306 = tpu.vector_load %arg26[%get3A_304, %get3A_305] {strides = array<i32>} : memref<64x128xf32, #tpu.memory_space<vmem>>, vector<16xf32>,
            %mul3A_307 = arith.constant 2.000000e-01 : f32
            %mul3A_308 = vector.broadcast %mul3A_307 : f32 to vector<16xf32>
            %mul3A_309 = arith.mulf %mul3A_308, %get3A_306 : vector<16xf32>
            %get3A_310 = arith.index_cast %add3A_255 : i32 to index
            %get3A_311 = arith.constant 48 : index
            %get3A_312 = tpu.vector_load %arg27[%get3A_310, %get3A_311] {strides = array<i32>} : memref<64x128xf32, #tpu.memory_space<vmem>>, vector<16xf32>,
            %mul3A_313 = arith.constant 8.000000e-01 : f32
            %mul3A_314 = vector.broadcast %mul3A_313 : f32 to vector<16xf32>
            %mul3A_315 = arith.mulf %mul3A_314, %get3A_312 : vector<16xf32>
            %add3A_316 = arith.addf %mul3A_309, %mul3A_315 : vector<16xf32>
            %swap3A_317 = arith.index_cast %add3A_255 : i32 to index
            %swap3A_318 = arith.constant 48 : index
            %swap3A_319 = tpu.vector_load %arg26[%swap3A_317, %swap3A_318] {strides = array<i32>} : memref<64x128xf32, #tpu.memory_space<vmem>>, vector<16xf32>,
            tpu.vector_store %arg26[%swap3A_317, %swap3A_318], %add3A_316 {strides = array<i32>} : memref<64x128xf32, #tpu.memory_space<vmem>>, vector<16xf32>,
            %get3A_320 = arith.index_cast %add3A_255 : i32 to index
            %get3A_321 = arith.constant 64 : index
            %get3A_322 = tpu.vector_load %arg26[%get3A_320, %get3A_321] {strides = array<i32>} : memref<64x128xf32, #tpu.memory_space<vmem>>, vector<16xf32>,
            %mul3A_323 = arith.constant 2.000000e-01 : f32
            %mul3A_324 = vector.broadcast %mul3A_323 : f32 to vector<16xf32>
            %mul3A_325 = arith.mulf %mul3A_324, %get3A_322 : vector<16xf32>
            %get3A_326 = arith.index_cast %add3A_255 : i32 to index
            %get3A_327 = arith.constant 64 : index
            %get3A_328 = tpu.vector_load %arg27[%get3A_326, %get3A_327] {strides = array<i32>} : memref<64x128xf32, #tpu.memory_space<vmem>>, vector<16xf32>,
            %mul3A_329 = arith.constant 8.000000e-01 : f32
            %mul3A_330 = vector.broadcast %mul3A_329 : f32 to vector<16xf32>
            %mul3A_331 = arith.mulf %mul3A_330, %get3A_328 : vector<16xf32>
            %add3A_332 = arith.addf %mul3A_325, %mul3A_331 : vector<16xf32>
            %swap3A_333 = arith.index_cast %add3A_255 : i32 to index
            %swap3A_334 = arith.constant 64 : index
            %swap3A_335 = tpu.vector_load %arg26[%swap3A_333, %swap3A_334] {strides = array<i32>} : memref<64x128xf32, #tpu.memory_space<vmem>>, vector<16xf32>,
            tpu.vector_store %arg26[%swap3A_333, %swap3A_334], %add3A_332 {strides = array<i32>} : memref<64x128xf32, #tpu.memory_space<vmem>>, vector<16xf32>,
            %get3A_336 = arith.index_cast %add3A_255 : i32 to index
            %get3A_337 = arith.constant 80 : index
            %get3A_338 = tpu.vector_load %arg26[%get3A_336, %get3A_337] {strides = array<i32>} : memref<64x128xf32, #tpu.memory_space<vmem>>, vector<16xf32>,
            %mul3A_339 = arith.constant 2.000000e-01 : f32
            %mul3A_340 = vector.broadcast %mul3A_339 : f32 to vector<16xf32>
            %mul3A_341 = arith.mulf %mul3A_340, %get3A_338 : vector<16xf32>
            %get3A_342 = arith.index_cast %add3A_255 : i32 to index
            %get3A_343 = arith.constant 80 : index
            %get3A_344 = tpu.vector_load %arg27[%get3A_342, %get3A_343] {strides = array<i32>} : memref<64x128xf32, #tpu.memory_space<vmem>>, vector<16xf32>,
            %mul3A_345 = arith.constant 8.000000e-01 : f32
            %mul3A_346 = vector.broadcast %mul3A_345 : f32 to vector<16xf32>
            %mul3A_347 = arith.mulf %mul3A_346, %get3A_344 : vector<16xf32>
            %add3A_348 = arith.addf %mul3A_341, %mul3A_347 : vector<16xf32>
            %swap3A_349 = arith.index_cast %add3A_255 : i32 to index
            %swap3A_350 = arith.constant 80 : index
            %swap3A_351 = tpu.vector_load %arg26[%swap3A_349, %swap3A_350] {strides = array<i32>} : memref<64x128xf32, #tpu.memory_space<vmem>>, vector<16xf32>,
            tpu.vector_store %arg26[%swap3A_349, %swap3A_350], %add3A_348 {strides = array<i32>} : memref<64x128xf32, #tpu.memory_space<vmem>>, vector<16xf32>,
            %get3A_352 = arith.index_cast %add3A_255 : i32 to index
            %get3A_353 = arith.constant 96 : index
            %get3A_354 = tpu.vector_load %arg26[%get3A_352, %get3A_353] {strides = array<i32>} : memref<64x128xf32, #tpu.memory_space<vmem>>, vector<16xf32>,
            %mul3A_355 = arith.constant 2.000000e-01 : f32
            %mul3A_356 = vector.broadcast %mul3A_355 : f32 to vector<16xf32>
            %mul3A_357 = arith.mulf %mul3A_356, %get3A_354 : vector<16xf32>
            %get3A_358 = arith.index_cast %add3A_255 : i32 to index
            %get3A_359 = arith.constant 96 : index
            %get3A_360 = tpu.vector_load %arg27[%get3A_358, %get3A_359] {strides = array<i32>} : memref<64x128xf32, #tpu.memory_space<vmem>>, vector<16xf32>,
            %mul3A_361 = arith.constant 8.000000e-01 : f32
            %mul3A_362 = vector.broadcast %mul3A_361 : f32 to vector<16xf32>
            %mul3A_363 = arith.mulf %mul3A_362, %get3A_360 : vector<16xf32>
            %add3A_364 = arith.addf %mul3A_357, %mul3A_363 : vector<16xf32>
            %swap3A_365 = arith.index_cast %add3A_255 : i32 to index
            %swap3A_366 = arith.constant 96 : index
            %swap3A_367 = tpu.vector_load %arg26[%swap3A_365, %swap3A_366] {strides = array<i32>} : memref<64x128xf32, #tpu.memory_space<vmem>>, vector<16xf32>,
            tpu.vector_store %arg26[%swap3A_365, %swap3A_366], %add3A_364 {strides = array<i32>} : memref<64x128xf32, #tpu.memory_space<vmem>>, vector<16xf32>,
            %get3A_368 = arith.index_cast %add3A_255 : i32 to index
            %get3A_369 = arith.constant 112 : index
            %get3A_370 = tpu.vector_load %arg26[%get3A_368, %get3A_369] {strides = array<i32>} : memref<64x128xf32, #tpu.memory_space<vmem>>, vector<16xf32>,
            %mul3A_371 = arith.constant 2.000000e-01 : f32
            %mul3A_372 = vector.broadcast %mul3A_371 : f32 to vector<16xf32>
            %mul3A_373 = arith.mulf %mul3A_372, %get3A_370 : vector<16xf32>
            %get3A_374 = arith.index_cast %add3A_255 : i32 to index
            %get3A_375 = arith.constant 112 : index
            %get3A_376 = tpu.vector_load %arg27[%get3A_374, %get3A_375] {strides = array<i32>} : memref<64x128xf32, #tpu.memory_space<vmem>>, vector<16xf32>,
            %mul3A_377 = arith.constant 8.000000e-01 : f32
            %mul3A_378 = vector.broadcast %mul3A_377 : f32 to vector<16xf32>
            %mul3A_379 = arith.mulf %mul3A_378, %get3A_376 : vector<16xf32>
            %add3A_380 = arith.addf %mul3A_373, %mul3A_379 : vector<16xf32>
            %swap3A_381 = arith.index_cast %add3A_255 : i32 to index
            %swap3A_382 = arith.constant 112 : index
            %swap3A_383 = tpu.vector_load %arg26[%swap3A_381, %swap3A_382] {strides = array<i32>} : memref<64x128xf32, #tpu.memory_space<vmem>>, vector<16xf32>,
            tpu.vector_store %arg26[%swap3A_381, %swap3A_382], %add3A_380 {strides = array<i32>} : memref<64x128xf32, #tpu.memory_space<vmem>>, vector<16xf32>,
            %mul3A_384 = arith.constant 4 : i32
            %mul3A_385 = arith.muli %scan3A_251, %mul3A_384 : i32
            %add3A_386 = arith.constant 1 : i32
            %add3A_387 = arith.addi %mul3A_385, %add3A_386 : i32
            %get3A_388 = arith.index_cast %add3A_387 : i32 to index
            %get3A_389 = arith.constant 0 : index
            %get3A_390 = tpu.vector_load %arg26[%get3A_388, %get3A_389] {strides = array<i32>} : memref<64x128xf32, #tpu.memory_space<vmem>>, vector<16xf32>,
            %mul3A_391 = arith.constant 2.000000e-01 : f32
            %mul3A_392 = vector.broadcast %mul3A_391 : f32 to vector<16xf32>
            %mul3A_393 = arith.mulf %mul3A_392, %get3A_390 : vector<16xf32>
            %get3A_394 = arith.index_cast %add3A_387 : i32 to index
            %get3A_395 = arith.constant 0 : index
            %get3A_396 = tpu.vector_load %arg27[%get3A_394, %get3A_395] {strides = array<i32>} : memref<64x128xf32, #tpu.memory_space<vmem>>, vector<16xf32>,
            %mul3A_397 = arith.constant 8.000000e-01 : f32
            %mul3A_398 = vector.broadcast %mul3A_397 : f32 to vector<16xf32>
            %mul3A_399 = arith.mulf %mul3A_398, %get3A_396 : vector<16xf32>
            %add3A_400 = arith.addf %mul3A_393, %mul3A_399 : vector<16xf32>
            %swap3A_401 = arith.index_cast %add3A_387 : i32 to index
            %swap3A_402 = arith.constant 0 : index
            %swap3A_403 = tpu.vector_load %arg26[%swap3A_401, %swap3A_402] {strides = array<i32>} : memref<64x128xf32, #tpu.memory_space<vmem>>, vector<16xf32>,
            tpu.vector_store %arg26[%swap3A_401, %swap3A_402], %add3A_400 {strides = array<i32>} : memref<64x128xf32, #tpu.memory_space<vmem>>, vector<16xf32>,
            %get3A_404 = arith.index_cast %add3A_387 : i32 to index
            %get3A_405 = arith.constant 16 : index
            %get3A_406 = tpu.vector_load %arg26[%get3A_404, %get3A_405] {strides = array<i32>} : memref<64x128xf32, #tpu.memory_space<vmem>>, vector<16xf32>,
            %mul3A_407 = arith.constant 2.000000e-01 : f32
            %mul3A_408 = vector.broadcast %mul3A_407 : f32 to vector<16xf32>
            %mul3A_409 = arith.mulf %mul3A_408, %get3A_406 : vector<16xf32>
            %get3A_410 = arith.index_cast %add3A_387 : i32 to index
            %get3A_411 = arith.constant 16 : index
            %get3A_412 = tpu.vector_load %arg27[%get3A_410, %get3A_411] {strides = array<i32>} : memref<64x128xf32, #tpu.memory_space<vmem>>, vector<16xf32>,
            %mul3A_413 = arith.constant 8.000000e-01 : f32
            %mul3A_414 = vector.broadcast %mul3A_413 : f32 to vector<16xf32>
            %mul3A_415 = arith.mulf %mul3A_414, %get3A_412 : vector<16xf32>
            %add3A_416 = arith.addf %mul3A_409, %mul3A_415 : vector<16xf32>
            %swap3A_417 = arith.index_cast %add3A_387 : i32 to index
            %swap3A_418 = arith.constant 16 : index
            %swap3A_419 = tpu.vector_load %arg26[%swap3A_417, %swap3A_418] {strides = array<i32>} : memref<64x128xf32, #tpu.memory_space<vmem>>, vector<16xf32>,
            tpu.vector_store %arg26[%swap3A_417, %swap3A_418], %add3A_416 {strides = array<i32>} : memref<64x128xf32, #tpu.memory_space<vmem>>, vector<16xf32>,
            %get3A_420 = arith.index_cast %add3A_387 : i32 to index
            %get3A_421 = arith.constant 32 : index
            %get3A_422 = tpu.vector_load %arg26[%get3A_420, %get3A_421] {strides = array<i32>} : memref<64x128xf32, #tpu.memory_space<vmem>>, vector<16xf32>,
            %mul3A_423 = arith.constant 2.000000e-01 : f32
            %mul3A_424 = vector.broadcast %mul3A_423 : f32 to vector<16xf32>
            %mul3A_425 = arith.mulf %mul3A_424, %get3A_422 : vector<16xf32>
            %get3A_426 = arith.index_cast %add3A_387 : i32 to index
            %get3A_427 = arith.constant 32 : index
            %get3A_428 = tpu.vector_load %arg27[%get3A_426, %get3A_427] {strides = array<i32>} : memref<64x128xf32, #tpu.memory_space<vmem>>, vector<16xf32>,
            %mul3A_429 = arith.constant 8.000000e-01 : f32
            %mul3A_430 = vector.broadcast %mul3A_429 : f32 to vector<16xf32>
            %mul3A_431 = arith.mulf %mul3A_430, %get3A_428 : vector<16xf32>
            %add3A_432 = arith.addf %mul3A_425, %mul3A_431 : vector<16xf32>
            %swap3A_433 = arith.index_cast %add3A_387 : i32 to index
            %swap3A_434 = arith.constant 32 : index
            %swap3A_435 = tpu.vector_load %arg26[%swap3A_433, %swap3A_434] {strides = array<i32>} : memref<64x128xf32, #tpu.memory_space<vmem>>, vector<16xf32>,
            tpu.vector_store %arg26[%swap3A_433, %swap3A_434], %add3A_432 {strides = array<i32>} : memref<64x128xf32, #tpu.memory_space<vmem>>, vector<16xf32>,
            %get3A_436 = arith.index_cast %add3A_387 : i32 to index
            %get3A_437 = arith.constant 48 : index
            %get3A_438 = tpu.vector_load %arg26[%get3A_436, %get3A_437] {strides = array<i32>} : memref<64x128xf32, #tpu.memory_space<vmem>>, vector<16xf32>,
            %mul3A_439 = arith.constant 2.000000e-01 : f32
            %mul3A_440 = vector.broadcast %mul3A_439 : f32 to vector<16xf32>
            %mul3A_441 = arith.mulf %mul3A_440, %get3A_438 : vector<16xf32>
            %get3A_442 = arith.index_cast %add3A_387 : i32 to index
            %get3A_443 = arith.constant 48 : index
            %get3A_444 = tpu.vector_load %arg27[%get3A_442, %get3A_443] {strides = array<i32>} : memref<64x128xf32, #tpu.memory_space<vmem>>, vector<16xf32>,
            %mul3A_445 = arith.constant 8.000000e-01 : f32
            %mul3A_446 = vector.broadcast %mul3A_445 : f32 to vector<16xf32>
            %mul3A_447 = arith.mulf %mul3A_446, %get3A_444 : vector<16xf32>
            %add3A_448 = arith.addf %mul3A_441, %mul3A_447 : vector<16xf32>
            %swap3A_449 = arith.index_cast %add3A_387 : i32 to index
            %swap3A_450 = arith.constant 48 : index
            %swap3A_451 = tpu.vector_load %arg26[%swap3A_449, %swap3A_450] {strides = array<i32>} : memref<64x128xf32, #tpu.memory_space<vmem>>, vector<16xf32>,
            tpu.vector_store %arg26[%swap3A_449, %swap3A_450], %add3A_448 {strides = array<i32>} : memref<64x128xf32, #tpu.memory_space<vmem>>, vector<16xf32>,
            %get3A_452 = arith.index_cast %add3A_387 : i32 to index
            %get3A_453 = arith.constant 64 : index
            %get3A_454 = tpu.vector_load %arg26[%get3A_452, %get3A_453] {strides = array<i32>} : memref<64x128xf32, #tpu.memory_space<vmem>>, vector<16xf32>,
            %mul3A_455 = arith.constant 2.000000e-01 : f32
            %mul3A_456 = vector.broadcast %mul3A_455 : f32 to vector<16xf32>
            %mul3A_457 = arith.mulf %mul3A_456, %get3A_454 : vector<16xf32>
            %get3A_458 = arith.index_cast %add3A_387 : i32 to index
            %get3A_459 = arith.constant 64 : index
            %get3A_460 = tpu.vector_load %arg27[%get3A_458, %get3A_459] {strides = array<i32>} : memref<64x128xf32, #tpu.memory_space<vmem>>, vector<16xf32>,
            %mul3A_461 = arith.constant 8.000000e-01 : f32
            %mul3A_462 = vector.broadcast %mul3A_461 : f32 to vector<16xf32>
            %mul3A_463 = arith.mulf %mul3A_462, %get3A_460 : vector<16xf32>
            %add3A_464 = arith.addf %mul3A_457, %mul3A_463 : vector<16xf32>
            %swap3A_465 = arith.index_cast %add3A_387 : i32 to index
            %swap3A_466 = arith.constant 64 : index
            %swap3A_467 = tpu.vector_load %arg26[%swap3A_465, %swap3A_466] {strides = array<i32>} : memref<64x128xf32, #tpu.memory_space<vmem>>, vector<16xf32>,
            tpu.vector_store %arg26[%swap3A_465, %swap3A_466], %add3A_464 {strides = array<i32>} : memref<64x128xf32, #tpu.memory_space<vmem>>, vector<16xf32>,
            %get3A_468 = arith.index_cast %add3A_387 : i32 to index
            %get3A_469 = arith.constant 80 : index
            %get3A_470 = tpu.vector_load %arg26[%get3A_468, %get3A_469] {strides = array<i32>} : memref<64x128xf32, #tpu.memory_space<vmem>>, vector<16xf32>,
            %mul3A_471 = arith.constant 2.000000e-01 : f32
            %mul3A_472 = vector.broadcast %mul3A_471 : f32 to vector<16xf32>
            %mul3A_473 = arith.mulf %mul3A_472, %get3A_470 : vector<16xf32>
            %get3A_474 = arith.index_cast %add3A_387 : i32 to index
            %get3A_475 = arith.constant 80 : index
            %get3A_476 = tpu.vector_load %arg27[%get3A_474, %get3A_475] {strides = array<i32>} : memref<64x128xf32, #tpu.memory_space<vmem>>, vector<16xf32>,
            %mul3A_477 = arith.constant 8.000000e-01 : f32
            %mul3A_478 = vector.broadcast %mul3A_477 : f32 to vector<16xf32>
            %mul3A_479 = arith.mulf %mul3A_478, %get3A_476 : vector<16xf32>
            %add3A_480 = arith.addf %mul3A_473, %mul3A_479 : vector<16xf32>
            %swap3A_481 = arith.index_cast %add3A_387 : i32 to index
            %swap3A_482 = arith.constant 80 : index
            %swap3A_483 = tpu.vector_load %arg26[%swap3A_481, %swap3A_482] {strides = array<i32>} : memref<64x128xf32, #tpu.memory_space<vmem>>, vector<16xf32>,
            tpu.vector_store %arg26[%swap3A_481, %swap3A_482], %add3A_480 {strides = array<i32>} : memref<64x128xf32, #tpu.memory_space<vmem>>, vector<16xf32>,
            %get3A_484 = arith.index_cast %add3A_387 : i32 to index
            %get3A_485 = arith.constant 96 : index
            %get3A_486 = tpu.vector_load %arg26[%get3A_484, %get3A_485] {strides = array<i32>} : memref<64x128xf32, #tpu.memory_space<vmem>>, vector<16xf32>,
            %mul3A_487 = arith.constant 2.000000e-01 : f32
            %mul3A_488 = vector.broadcast %mul3A_487 : f32 to vector<16xf32>
            %mul3A_489 = arith.mulf %mul3A_488, %get3A_486 : vector<16xf32>
            %get3A_490 = arith.index_cast %add3A_387 : i32 to index
            %get3A_491 = arith.constant 96 : index
            %get3A_492 = tpu.vector_load %arg27[%get3A_490, %get3A_491] {strides = array<i32>} : memref<64x128xf32, #tpu.memory_space<vmem>>, vector<16xf32>,
            %mul3A_493 = arith.constant 8.000000e-01 : f32
            %mul3A_494 = vector.broadcast %mul3A_493 : f32 to vector<16xf32>
            %mul3A_495 = arith.mulf %mul3A_494, %get3A_492 : vector<16xf32>
            %add3A_496 = arith.addf %mul3A_489, %mul3A_495 : vector<16xf32>
            %swap3A_497 = arith.index_cast %add3A_387 : i32 to index
            %swap3A_498 = arith.constant 96 : index
            %swap3A_499 = tpu.vector_load %arg26[%swap3A_497, %swap3A_498] {strides = array<i32>} : memref<64x128xf32, #tpu.memory_space<vmem>>, vector<16xf32>,
            tpu.vector_store %arg26[%swap3A_497, %swap3A_498], %add3A_496 {strides = array<i32>} : memref<64x128xf32, #tpu.memory_space<vmem>>, vector<16xf32>,
            %get3A_500 = arith.index_cast %add3A_387 : i32 to index
            %get3A_501 = arith.constant 112 : index
            %get3A_502 = tpu.vector_load %arg26[%get3A_500, %get3A_501] {strides = array<i32>} : memref<64x128xf32, #tpu.memory_space<vmem>>, vector<16xf32>,
            %mul3A_503 = arith.constant 2.000000e-01 : f32
            %mul3A_504 = vector.broadcast %mul3A_503 : f32 to vector<16xf32>
            %mul3A_505 = arith.mulf %mul3A_504, %get3A_502 : vector<16xf32>
            %get3A_506 = arith.index_cast %add3A_387 : i32 to index
            %get3A_507 = arith.constant 112 : index
            %get3A_508 = tpu.vector_load %arg27[%get3A_506, %get3A_507] {strides = array<i32>} : memref<64x128xf32, #tpu.memory_space<vmem>>, vector<16xf32>,
            %mul3A_509 = arith.constant 8.000000e-01 : f32
            %mul3A_510 = vector.broadcast %mul3A_509 : f32 to vector<16xf32>
            %mul3A_511 = arith.mulf %mul3A_510, %get3A_508 : vector<16xf32>
            %add3A_512 = arith.addf %mul3A_505, %mul3A_511 : vector<16xf32>
            %swap3A_513 = arith.index_cast %add3A_387 : i32 to index
            %swap3A_514 = arith.constant 112 : index
            %swap3A_515 = tpu.vector_load %arg26[%swap3A_513, %swap3A_514] {strides = array<i32>} : memref<64x128xf32, #tpu.memory_space<vmem>>, vector<16xf32>,
            tpu.vector_store %arg26[%swap3A_513, %swap3A_514], %add3A_512 {strides = array<i32>} : memref<64x128xf32, #tpu.memory_space<vmem>>, vector<16xf32>,
            %mul3A_516 = arith.constant 4 : i32
            %mul3A_517 = arith.muli %scan3A_251, %mul3A_516 : i32
            %add3A_518 = arith.constant 2 : i32
            %add3A_519 = arith.addi %mul3A_517, %add3A_518 : i32
            %get3A_520 = arith.index_cast %add3A_519 : i32 to index
            %get3A_521 = arith.constant 0 : index
            %get3A_522 = tpu.vector_load %arg26[%get3A_520, %get3A_521] {strides = array<i32>} : memref<64x128xf32, #tpu.memory_space<vmem>>, vector<16xf32>,
            %mul3A_523 = arith.constant 2.000000e-01 : f32
            %mul3A_524 = vector.broadcast %mul3A_523 : f32 to vector<16xf32>
            %mul3A_525 = arith.mulf %mul3A_524, %get3A_522 : vector<16xf32>
            %get3A_526 = arith.index_cast %add3A_519 : i32 to index
            %get3A_527 = arith.constant 0 : index
            %get3A_528 = tpu.vector_load %arg27[%get3A_526, %get3A_527] {strides = array<i32>} : memref<64x128xf32, #tpu.memory_space<vmem>>, vector<16xf32>,
            %mul3A_529 = arith.constant 8.000000e-01 : f32
            %mul3A_530 = vector.broadcast %mul3A_529 : f32 to vector<16xf32>
            %mul3A_531 = arith.mulf %mul3A_530, %get3A_528 : vector<16xf32>
            %add3A_532 = arith.addf %mul3A_525, %mul3A_531 : vector<16xf32>
            %swap3A_533 = arith.index_cast %add3A_519 : i32 to index
            %swap3A_534 = arith.constant 0 : index
            %swap3A_535 = tpu.vector_load %arg26[%swap3A_533, %swap3A_534] {strides = array<i32>} : memref<64x128xf32, #tpu.memory_space<vmem>>, vector<16xf32>,
            tpu.vector_store %arg26[%swap3A_533, %swap3A_534], %add3A_532 {strides = array<i32>} : memref<64x128xf32, #tpu.memory_space<vmem>>, vector<16xf32>,
            %get3A_536 = arith.index_cast %add3A_519 : i32 to index
            %get3A_537 = arith.constant 16 : index
            %get3A_538 = tpu.vector_load %arg26[%get3A_536, %get3A_537] {strides = array<i32>} : memref<64x128xf32, #tpu.memory_space<vmem>>, vector<16xf32>,
            %mul3A_539 = arith.constant 2.000000e-01 : f32
            %mul3A_540 = vector.broadcast %mul3A_539 : f32 to vector<16xf32>
            %mul3A_541 = arith.mulf %mul3A_540, %get3A_538 : vector<16xf32>
            %get3A_542 = arith.index_cast %add3A_519 : i32 to index
            %get3A_543 = arith.constant 16 : index
            %get3A_544 = tpu.vector_load %arg27[%get3A_542, %get3A_543] {strides = array<i32>} : memref<64x128xf32, #tpu.memory_space<vmem>>, vector<16xf32>,
            %mul3A_545 = arith.constant 8.000000e-01 : f32
            %mul3A_546 = vector.broadcast %mul3A_545 : f32 to vector<16xf32>
            %mul3A_547 = arith.mulf %mul3A_546, %get3A_544 : vector<16xf32>
            %add3A_548 = arith.addf %mul3A_541, %mul3A_547 : vector<16xf32>
            %swap3A_549 = arith.index_cast %add3A_519 : i32 to index
            %swap3A_550 = arith.constant 16 : index
            %swap3A_551 = tpu.vector_load %arg26[%swap3A_549, %swap3A_550] {strides = array<i32>} : memref<64x128xf32, #tpu.memory_space<vmem>>, vector<16xf32>,
            tpu.vector_store %arg26[%swap3A_549, %swap3A_550], %add3A_548 {strides = array<i32>} : memref<64x128xf32, #tpu.memory_space<vmem>>, vector<16xf32>,
            %get3A_552 = arith.index_cast %add3A_519 : i32 to index
            %get3A_553 = arith.constant 32 : index
            %get3A_554 = tpu.vector_load %arg26[%get3A_552, %get3A_553] {strides = array<i32>} : memref<64x128xf32, #tpu.memory_space<vmem>>, vector<16xf32>,
            %mul3A_555 = arith.constant 2.000000e-01 : f32
            %mul3A_556 = vector.broadcast %mul3A_555 : f32 to vector<16xf32>
            %mul3A_557 = arith.mulf %mul3A_556, %get3A_554 : vector<16xf32>
            %get3A_558 = arith.index_cast %add3A_519 : i32 to index
            %get3A_559 = arith.constant 32 : index
            %get3A_560 = tpu.vector_load %arg27[%get3A_558, %get3A_559] {strides = array<i32>} : memref<64x128xf32, #tpu.memory_space<vmem>>, vector<16xf32>,
            %mul3A_561 = arith.constant 8.000000e-01 : f32
            %mul3A_562 = vector.broadcast %mul3A_561 : f32 to vector<16xf32>
            %mul3A_563 = arith.mulf %mul3A_562, %get3A_560 : vector<16xf32>
            %add3A_564 = arith.addf %mul3A_557, %mul3A_563 : vector<16xf32>
            %swap3A_565 = arith.index_cast %add3A_519 : i32 to index
            %swap3A_566 = arith.constant 32 : index
            %swap3A_567 = tpu.vector_load %arg26[%swap3A_565, %swap3A_566] {strides = array<i32>} : memref<64x128xf32, #tpu.memory_space<vmem>>, vector<16xf32>,
            tpu.vector_store %arg26[%swap3A_565, %swap3A_566], %add3A_564 {strides = array<i32>} : memref<64x128xf32, #tpu.memory_space<vmem>>, vector<16xf32>,
            %get3A_568 = arith.index_cast %add3A_519 : i32 to index
            %get3A_569 = arith.constant 48 : index
            %get3A_570 = tpu.vector_load %arg26[%get3A_568, %get3A_569] {strides = array<i32>} : memref<64x128xf32, #tpu.memory_space<vmem>>, vector<16xf32>,
            %mul3A_571 = arith.constant 2.000000e-01 : f32
            %mul3A_572 = vector.broadcast %mul3A_571 : f32 to vector<16xf32>
            %mul3A_573 = arith.mulf %mul3A_572, %get3A_570 : vector<16xf32>
            %get3A_574 = arith.index_cast %add3A_519 : i32 to index
            %get3A_575 = arith.constant 48 : index
            %get3A_576 = tpu.vector_load %arg27[%get3A_574, %get3A_575] {strides = array<i32>} : memref<64x128xf32, #tpu.memory_space<vmem>>, vector<16xf32>,
            %mul3A_577 = arith.constant 8.000000e-01 : f32
            %mul3A_578 = vector.broadcast %mul3A_577 : f32 to vector<16xf32>
            %mul3A_579 = arith.mulf %mul3A_578, %get3A_576 : vector<16xf32>
            %add3A_580 = arith.addf %mul3A_573, %mul3A_579 : vector<16xf32>
            %swap3A_581 = arith.index_cast %add3A_519 : i32 to index
            %swap3A_582 = arith.constant 48 : index
            %swap3A_583 = tpu.vector_load %arg26[%swap3A_581, %swap3A_582] {strides = array<i32>} : memref<64x128xf32, #tpu.memory_space<vmem>>, vector<16xf32>,
            tpu.vector_store %arg26[%swap3A_581, %swap3A_582], %add3A_580 {strides = array<i32>} : memref<64x128xf32, #tpu.memory_space<vmem>>, vector<16xf32>,
            %get3A_584 = arith.index_cast %add3A_519 : i32 to index
            %get3A_585 = arith.constant 64 : index
            %get3A_586 = tpu.vector_load %arg26[%get3A_584, %get3A_585] {strides = array<i32>} : memref<64x128xf32, #tpu.memory_space<vmem>>, vector<16xf32>,
            %mul3A_587 = arith.constant 2.000000e-01 : f32
            %mul3A_588 = vector.broadcast %mul3A_587 : f32 to vector<16xf32>
            %mul3A_589 = arith.mulf %mul3A_588, %get3A_586 : vector<16xf32>
            %get3A_590 = arith.index_cast %add3A_519 : i32 to index
            %get3A_591 = arith.constant 64 : index
            %get3A_592 = tpu.vector_load %arg27[%get3A_590, %get3A_591] {strides = array<i32>} : memref<64x128xf32, #tpu.memory_space<vmem>>, vector<16xf32>,
            %mul3A_593 = arith.constant 8.000000e-01 : f32
            %mul3A_594 = vector.broadcast %mul3A_593 : f32 to vector<16xf32>
            %mul3A_595 = arith.mulf %mul3A_594, %get3A_592 : vector<16xf32>
            %add3A_596 = arith.addf %mul3A_589, %mul3A_595 : vector<16xf32>
            %swap3A_597 = arith.index_cast %add3A_519 : i32 to index
            %swap3A_598 = arith.constant 64 : index
            %swap3A_599 = tpu.vector_load %arg26[%swap3A_597, %swap3A_598] {strides = array<i32>} : memref<64x128xf32, #tpu.memory_space<vmem>>, vector<16xf32>,
            tpu.vector_store %arg26[%swap3A_597, %swap3A_598], %add3A_596 {strides = array<i32>} : memref<64x128xf32, #tpu.memory_space<vmem>>, vector<16xf32>,
            %get3A_600 = arith.index_cast %add3A_519 : i32 to index
            %get3A_601 = arith.constant 80 : index
            %get3A_602 = tpu.vector_load %arg26[%get3A_600, %get3A_601] {strides = array<i32>} : memref<64x128xf32, #tpu.memory_space<vmem>>, vector<16xf32>,
            %mul3A_603 = arith.constant 2.000000e-01 : f32
            %mul3A_604 = vector.broadcast %mul3A_603 : f32 to vector<16xf32>
            %mul3A_605 = arith.mulf %mul3A_604, %get3A_602 : vector<16xf32>
            %get3A_606 = arith.index_cast %add3A_519 : i32 to index
            %get3A_607 = arith.constant 80 : index
            %get3A_608 = tpu.vector_load %arg27[%get3A_606, %get3A_607] {strides = array<i32>} : memref<64x128xf32, #tpu.memory_space<vmem>>, vector<16xf32>,
            %mul3A_609 = arith.constant 8.000000e-01 : f32
            %mul3A_610 = vector.broadcast %mul3A_609 : f32 to vector<16xf32>
            %mul3A_611 = arith.mulf %mul3A_610, %get3A_608 : vector<16xf32>
            %add3A_612 = arith.addf %mul3A_605, %mul3A_611 : vector<16xf32>
            %swap3A_613 = arith.index_cast %add3A_519 : i32 to index
            %swap3A_614 = arith.constant 80 : index
            %swap3A_615 = tpu.vector_load %arg26[%swap3A_613, %swap3A_614] {strides = array<i32>} : memref<64x128xf32, #tpu.memory_space<vmem>>, vector<16xf32>,
            tpu.vector_store %arg26[%swap3A_613, %swap3A_614], %add3A_612 {strides = array<i32>} : memref<64x128xf32, #tpu.memory_space<vmem>>, vector<16xf32>,
            %get3A_616 = arith.index_cast %add3A_519 : i32 to index
            %get3A_617 = arith.constant 96 : index
            %get3A_618 = tpu.vector_load %arg26[%get3A_616, %get3A_617] {strides = array<i32>} : memref<64x128xf32, #tpu.memory_space<vmem>>, vector<16xf32>,
            %mul3A_619 = arith.constant 2.000000e-01 : f32
            %mul3A_620 = vector.broadcast %mul3A_619 : f32 to vector<16xf32>
            %mul3A_621 = arith.mulf %mul3A_620, %get3A_618 : vector<16xf32>
            %get3A_622 = arith.index_cast %add3A_519 : i32 to index
            %get3A_623 = arith.constant 96 : index
            %get3A_624 = tpu.vector_load %arg27[%get3A_622, %get3A_623] {strides = array<i32>} : memref<64x128xf32, #tpu.memory_space<vmem>>, vector<16xf32>,
            %mul3A_625 = arith.constant 8.000000e-01 : f32
            %mul3A_626 = vector.broadcast %mul3A_625 : f32 to vector<16xf32>
            %mul3A_627 = arith.mulf %mul3A_626, %get3A_624 : vector<16xf32>
            %add3A_628 = arith.addf %mul3A_621, %mul3A_627 : vector<16xf32>
            %swap3A_629 = arith.index_cast %add3A_519 : i32 to index
            %swap3A_630 = arith.constant 96 : index
            %swap3A_631 = tpu.vector_load %arg26[%swap3A_629, %swap3A_630] {strides = array<i32>} : memref<64x128xf32, #tpu.memory_space<vmem>>, vector<16xf32>,
            tpu.vector_store %arg26[%swap3A_629, %swap3A_630], %add3A_628 {strides = array<i32>} : memref<64x128xf32, #tpu.memory_space<vmem>>, vector<16xf32>,
            %get3A_632 = arith.index_cast %add3A_519 : i32 to index
            %get3A_633 = arith.constant 112 : index
            %get3A_634 = tpu.vector_load %arg26[%get3A_632, %get3A_633] {strides = array<i32>} : memref<64x128xf32, #tpu.memory_space<vmem>>, vector<16xf32>,
            %mul3A_635 = arith.constant 2.000000e-01 : f32
            %mul3A_636 = vector.broadcast %mul3A_635 : f32 to vector<16xf32>
            %mul3A_637 = arith.mulf %mul3A_636, %get3A_634 : vector<16xf32>
            %get3A_638 = arith.index_cast %add3A_519 : i32 to index
            %get3A_639 = arith.constant 112 : index
            %get3A_640 = tpu.vector_load %arg27[%get3A_638, %get3A_639] {strides = array<i32>} : memref<64x128xf32, #tpu.memory_space<vmem>>, vector<16xf32>,
            %mul3A_641 = arith.constant 8.000000e-01 : f32
            %mul3A_642 = vector.broadcast %mul3A_641 : f32 to vector<16xf32>
            %mul3A_643 = arith.mulf %mul3A_642, %get3A_640 : vector<16xf32>
            %add3A_644 = arith.addf %mul3A_637, %mul3A_643 : vector<16xf32>
            %swap3A_645 = arith.index_cast %add3A_519 : i32 to index
            %swap3A_646 = arith.constant 112 : index
            %swap3A_647 = tpu.vector_load %arg26[%swap3A_645, %swap3A_646] {strides = array<i32>} : memref<64x128xf32, #tpu.memory_space<vmem>>, vector<16xf32>,
            tpu.vector_store %arg26[%swap3A_645, %swap3A_646], %add3A_644 {strides = array<i32>} : memref<64x128xf32, #tpu.memory_space<vmem>>, vector<16xf32>,
            %mul3A_648 = arith.constant 4 : i32
            %mul3A_649 = arith.muli %scan3A_251, %mul3A_648 : i32
            %add3A_650 = arith.constant 3 : i32
            %add3A_651 = arith.addi %mul3A_649, %add3A_650 : i32
            %get3A_652 = arith.index_cast %add3A_651 : i32 to index
            %get3A_653 = arith.constant 0 : index
            %get3A_654 = tpu.vector_load %arg26[%get3A_652, %get3A_653] {strides = array<i32>} : memref<64x128xf32, #tpu.memory_space<vmem>>, vector<16xf32>,
            %mul3A_655 = arith.constant 2.000000e-01 : f32
            %mul3A_656 = vector.broadcast %mul3A_655 : f32 to vector<16xf32>
            %mul3A_657 = arith.mulf %mul3A_656, %get3A_654 : vector<16xf32>
            %get3A_658 = arith.index_cast %add3A_651 : i32 to index
            %get3A_659 = arith.constant 0 : index
            %get3A_660 = tpu.vector_load %arg27[%get3A_658, %get3A_659] {strides = array<i32>} : memref<64x128xf32, #tpu.memory_space<vmem>>, vector<16xf32>,
            %mul3A_661 = arith.constant 8.000000e-01 : f32
            %mul3A_662 = vector.broadcast %mul3A_661 : f32 to vector<16xf32>
            %mul3A_663 = arith.mulf %mul3A_662, %get3A_660 : vector<16xf32>
            %add3A_664 = arith.addf %mul3A_657, %mul3A_663 : vector<16xf32>
            %swap3A_665 = arith.index_cast %add3A_651 : i32 to index
            %swap3A_666 = arith.constant 0 : index
            %swap3A_667 = tpu.vector_load %arg26[%swap3A_665, %swap3A_666] {strides = array<i32>} : memref<64x128xf32, #tpu.memory_space<vmem>>, vector<16xf32>,
            tpu.vector_store %arg26[%swap3A_665, %swap3A_666], %add3A_664 {strides = array<i32>} : memref<64x128xf32, #tpu.memory_space<vmem>>, vector<16xf32>,
            %get3A_668 = arith.index_cast %add3A_651 : i32 to index
            %get3A_669 = arith.constant 16 : index
            %get3A_670 = tpu.vector_load %arg26[%get3A_668, %get3A_669] {strides = array<i32>} : memref<64x128xf32, #tpu.memory_space<vmem>>, vector<16xf32>,
            %mul3A_671 = arith.constant 2.000000e-01 : f32
            %mul3A_672 = vector.broadcast %mul3A_671 : f32 to vector<16xf32>
            %mul3A_673 = arith.mulf %mul3A_672, %get3A_670 : vector<16xf32>
            %get3A_674 = arith.index_cast %add3A_651 : i32 to index
            %get3A_675 = arith.constant 16 : index
            %get3A_676 = tpu.vector_load %arg27[%get3A_674, %get3A_675] {strides = array<i32>} : memref<64x128xf32, #tpu.memory_space<vmem>>, vector<16xf32>,
            %mul3A_677 = arith.constant 8.000000e-01 : f32
            %mul3A_678 = vector.broadcast %mul3A_677 : f32 to vector<16xf32>
            %mul3A_679 = arith.mulf %mul3A_678, %get3A_676 : vector<16xf32>
            %add3A_680 = arith.addf %mul3A_673, %mul3A_679 : vector<16xf32>
            %swap3A_681 = arith.index_cast %add3A_651 : i32 to index
            %swap3A_682 = arith.constant 16 : index
            %swap3A_683 = tpu.vector_load %arg26[%swap3A_681, %swap3A_682] {strides = array<i32>} : memref<64x128xf32, #tpu.memory_space<vmem>>, vector<16xf32>,
            tpu.vector_store %arg26[%swap3A_681, %swap3A_682], %add3A_680 {strides = array<i32>} : memref<64x128xf32, #tpu.memory_space<vmem>>, vector<16xf32>,
            %get3A_684 = arith.index_cast %add3A_651 : i32 to index
            %get3A_685 = arith.constant 32 : index
            %get3A_686 = tpu.vector_load %arg26[%get3A_684, %get3A_685] {strides = array<i32>} : memref<64x128xf32, #tpu.memory_space<vmem>>, vector<16xf32>,
            %mul3A_687 = arith.constant 2.000000e-01 : f32
            %mul3A_688 = vector.broadcast %mul3A_687 : f32 to vector<16xf32>
            %mul3A_689 = arith.mulf %mul3A_688, %get3A_686 : vector<16xf32>
            %get3A_690 = arith.index_cast %add3A_651 : i32 to index
            %get3A_691 = arith.constant 32 : index
            %get3A_692 = tpu.vector_load %arg27[%get3A_690, %get3A_691] {strides = array<i32>} : memref<64x128xf32, #tpu.memory_space<vmem>>, vector<16xf32>,
            %mul3A_693 = arith.constant 8.000000e-01 : f32
            %mul3A_694 = vector.broadcast %mul3A_693 : f32 to vector<16xf32>
            %mul3A_695 = arith.mulf %mul3A_694, %get3A_692 : vector<16xf32>
            %add3A_696 = arith.addf %mul3A_689, %mul3A_695 : vector<16xf32>
            %swap3A_697 = arith.index_cast %add3A_651 : i32 to index
            %swap3A_698 = arith.constant 32 : index
            %swap3A_699 = tpu.vector_load %arg26[%swap3A_697, %swap3A_698] {strides = array<i32>} : memref<64x128xf32, #tpu.memory_space<vmem>>, vector<16xf32>,
            tpu.vector_store %arg26[%swap3A_697, %swap3A_698], %add3A_696 {strides = array<i32>} : memref<64x128xf32, #tpu.memory_space<vmem>>, vector<16xf32>,
            %get3A_700 = arith.index_cast %add3A_651 : i32 to index
            %get3A_701 = arith.constant 48 : index
            %get3A_702 = tpu.vector_load %arg26[%get3A_700, %get3A_701] {strides = array<i32>} : memref<64x128xf32, #tpu.memory_space<vmem>>, vector<16xf32>,
            %mul3A_703 = arith.constant 2.000000e-01 : f32
            %mul3A_704 = vector.broadcast %mul3A_703 : f32 to vector<16xf32>
            %mul3A_705 = arith.mulf %mul3A_704, %get3A_702 : vector<16xf32>
            %get3A_706 = arith.index_cast %add3A_651 : i32 to index
            %get3A_707 = arith.constant 48 : index
            %get3A_708 = tpu.vector_load %arg27[%get3A_706, %get3A_707] {strides = array<i32>} : memref<64x128xf32, #tpu.memory_space<vmem>>, vector<16xf32>,
            %mul3A_709 = arith.constant 8.000000e-01 : f32
            %mul3A_710 = vector.broadcast %mul3A_709 : f32 to vector<16xf32>
            %mul3A_711 = arith.mulf %mul3A_710, %get3A_708 : vector<16xf32>
            %add3A_712 = arith.addf %mul3A_705, %mul3A_711 : vector<16xf32>
            %swap3A_713 = arith.index_cast %add3A_651 : i32 to index
            %swap3A_714 = arith.constant 48 : index
            %swap3A_715 = tpu.vector_load %arg26[%swap3A_713, %swap3A_714] {strides = array<i32>} : memref<64x128xf32, #tpu.memory_space<vmem>>, vector<16xf32>,
            tpu.vector_store %arg26[%swap3A_713, %swap3A_714], %add3A_712 {strides = array<i32>} : memref<64x128xf32, #tpu.memory_space<vmem>>, vector<16xf32>,
            %get3A_716 = arith.index_cast %add3A_651 : i32 to index
            %get3A_717 = arith.constant 64 : index
            %get3A_718 = tpu.vector_load %arg26[%get3A_716, %get3A_717] {strides = array<i32>} : memref<64x128xf32, #tpu.memory_space<vmem>>, vector<16xf32>,
            %mul3A_719 = arith.constant 2.000000e-01 : f32
            %mul3A_720 = vector.broadcast %mul3A_719 : f32 to vector<16xf32>
            %mul3A_721 = arith.mulf %mul3A_720, %get3A_718 : vector<16xf32>
            %get3A_722 = arith.index_cast %add3A_651 : i32 to index
            %get3A_723 = arith.constant 64 : index
            %get3A_724 = tpu.vector_load %arg27[%get3A_722, %get3A_723] {strides = array<i32>} : memref<64x128xf32, #tpu.memory_space<vmem>>, vector<16xf32>,
            %mul3A_725 = arith.constant 8.000000e-01 : f32
            %mul3A_726 = vector.broadcast %mul3A_725 : f32 to vector<16xf32>
            %mul3A_727 = arith.mulf %mul3A_726, %get3A_724 : vector<16xf32>
            %add3A_728 = arith.addf %mul3A_721, %mul3A_727 : vector<16xf32>
            %swap3A_729 = arith.index_cast %add3A_651 : i32 to index
            %swap3A_730 = arith.constant 64 : index
            %swap3A_731 = tpu.vector_load %arg26[%swap3A_729, %swap3A_730] {strides = array<i32>} : memref<64x128xf32, #tpu.memory_space<vmem>>, vector<16xf32>,
            tpu.vector_store %arg26[%swap3A_729, %swap3A_730], %add3A_728 {strides = array<i32>} : memref<64x128xf32, #tpu.memory_space<vmem>>, vector<16xf32>,
            %get3A_732 = arith.index_cast %add3A_651 : i32 to index
            %get3A_733 = arith.constant 80 : index
            %get3A_734 = tpu.vector_load %arg26[%get3A_732, %get3A_733] {strides = array<i32>} : memref<64x128xf32, #tpu.memory_space<vmem>>, vector<16xf32>,
            %mul3A_735 = arith.constant 2.000000e-01 : f32
            %mul3A_736 = vector.broadcast %mul3A_735 : f32 to vector<16xf32>
            %mul3A_737 = arith.mulf %mul3A_736, %get3A_734 : vector<16xf32>
            %get3A_738 = arith.index_cast %add3A_651 : i32 to index
            %get3A_739 = arith.constant 80 : index
            %get3A_740 = tpu.vector_load %arg27[%get3A_738, %get3A_739] {strides = array<i32>} : memref<64x128xf32, #tpu.memory_space<vmem>>, vector<16xf32>,
            %mul3A_741 = arith.constant 8.000000e-01 : f32
            %mul3A_742 = vector.broadcast %mul3A_741 : f32 to vector<16xf32>
            %mul3A_743 = arith.mulf %mul3A_742, %get3A_740 : vector<16xf32>
            %add3A_744 = arith.addf %mul3A_737, %mul3A_743 : vector<16xf32>
            %swap3A_745 = arith.index_cast %add3A_651 : i32 to index
            %swap3A_746 = arith.constant 80 : index
            %swap3A_747 = tpu.vector_load %arg26[%swap3A_745, %swap3A_746] {strides = array<i32>} : memref<64x128xf32, #tpu.memory_space<vmem>>, vector<16xf32>,
            tpu.vector_store %arg26[%swap3A_745, %swap3A_746], %add3A_744 {strides = array<i32>} : memref<64x128xf32, #tpu.memory_space<vmem>>, vector<16xf32>,
            %get3A_748 = arith.index_cast %add3A_651 : i32 to index
            %get3A_749 = arith.constant 96 : index
            %get3A_750 = tpu.vector_load %arg26[%get3A_748, %get3A_749] {strides = array<i32>} : memref<64x128xf32, #tpu.memory_space<vmem>>, vector<16xf32>,
            %mul3A_751 = arith.constant 2.000000e-01 : f32
            %mul3A_752 = vector.broadcast %mul3A_751 : f32 to vector<16xf32>
            %mul3A_753 = arith.mulf %mul3A_752, %get3A_750 : vector<16xf32>
            %get3A_754 = arith.index_cast %add3A_651 : i32 to index
            %get3A_755 = arith.constant 96 : index
            %get3A_756 = tpu.vector_load %arg27[%get3A_754, %get3A_755] {strides = array<i32>} : memref<64x128xf32, #tpu.memory_space<vmem>>, vector<16xf32>,
            %mul3A_757 = arith.constant 8.000000e-01 : f32
            %mul3A_758 = vector.broadcast %mul3A_757 : f32 to vector<16xf32>
            %mul3A_759 = arith.mulf %mul3A_758, %get3A_756 : vector<16xf32>
            %add3A_760 = arith.addf %mul3A_753, %mul3A_759 : vector<16xf32>
            %swap3A_761 = arith.index_cast %add3A_651 : i32 to index
            %swap3A_762 = arith.constant 96 : index
            %swap3A_763 = tpu.vector_load %arg26[%swap3A_761, %swap3A_762] {strides = array<i32>} : memref<64x128xf32, #tpu.memory_space<vmem>>, vector<16xf32>,
            tpu.vector_store %arg26[%swap3A_761, %swap3A_762], %add3A_760 {strides = array<i32>} : memref<64x128xf32, #tpu.memory_space<vmem>>, vector<16xf32>,
            %get3A_764 = arith.index_cast %add3A_651 : i32 to index
            %get3A_765 = arith.constant 112 : index
            %get3A_766 = tpu.vector_load %arg26[%get3A_764, %get3A_765] {strides = array<i32>} : memref<64x128xf32, #tpu.memory_space<vmem>>, vector<16xf32>,
            %mul3A_767 = arith.constant 2.000000e-01 : f32
            %mul3A_768 = vector.broadcast %mul3A_767 : f32 to vector<16xf32>
            %mul3A_769 = arith.mulf %mul3A_768, %get3A_766 : vector<16xf32>
            %get3A_770 = arith.index_cast %add3A_651 : i32 to index
            %get3A_771 = arith.constant 112 : index
            %get3A_772 = tpu.vector_load %arg27[%get3A_770, %get3A_771] {strides = array<i32>} : memref<64x128xf32, #tpu.memory_space<vmem>>, vector<16xf32>,
            %mul3A_773 = arith.constant 8.000000e-01 : f32
            %mul3A_774 = vector.broadcast %mul3A_773 : f32 to vector<16xf32>
            %mul3A_775 = arith.mulf %mul3A_774, %get3A_772 : vector<16xf32>
            %add3A_776 = arith.addf %mul3A_769, %mul3A_775 : vector<16xf32>
            %swap3A_777 = arith.index_cast %add3A_651 : i32 to index
            %swap3A_778 = arith.constant 112 : index
            %swap3A_779 = tpu.vector_load %arg26[%swap3A_777, %swap3A_778] {strides = array<i32>} : memref<64x128xf32, #tpu.memory_space<vmem>>, vector<16xf32>,
            tpu.vector_store %arg26[%swap3A_777, %swap3A_778], %add3A_776 {strides = array<i32>} : memref<64x128xf32, #tpu.memory_space<vmem>>, vector<16xf32>,
          }
          %scan3A_247 = arith.constant 16 : i32
          %dma_start3A_248 = arith.constant 0 : i32
          %dma_start3A_249 = arith.constant 0 : i32
          %dma_start3A_250 = tpu.memref_slice %arg2[%dma_start3A_248, %dma_start3A_249] : memref<100000x128xf32, #tpu.memory_space<hbm>> -> memref<100000x128xf32, #tpu.memory_space<hbm>>
          tpu.enqueue_indirect_dma source(%arg26 : memref<64x128xf32, #tpu.memory_space<vmem>>) target(%dma_start3A_250 : memref<100000x128xf32, #tpu.memory_space<hbm>>) offsets(%arg24 : memref<64xi32, #tpu.memory_space<vmem>>) semaphore(%arg30 : memref<!tpu.dma_semaphore, #tpu.memory_space<semaphore_mem>>)
        } else {
        }
      }
      %ge3A_156 = arith.constant 1 : i32
      %ge3A_157 = arith.cmpi sge, %div3A_104, %ge3A_156 : i32
      %convert_element_type3A_158 = arith.extui %ge3A_157 : i1 to i32
      %cond3A_159 = arith.constant 0 : i32
      %cond3A_160 = arith.cmpi ne, %convert_element_type3A_158, %cond3A_159 : i32
      scf.if %cond3A_160 {
        %dma_wait3A = arith.constant 0 : i32
        %dma_wait3A_171 = arith.constant 0 : i32
        %dma_wait3A_172 = tpu.memref_slice %arg2[%dma_wait3A, %dma_wait3A_171] : memref<100000x128xf32, #tpu.memory_space<hbm>> -> memref<100000x128xf32, #tpu.memory_space<hbm>>
        tpu.wait_indirect_dma semaphore(%arg16 : memref<!tpu.dma_semaphore, #tpu.memory_space<semaphore_mem>>) src(%arg12 : memref<64x128xf32, #tpu.memory_space<vmem>>) dst(%dma_wait3A_172 : memref<100000x128xf32, #tpu.memory_space<hbm>>)
      } else {
      }
      %ge3A_161 = arith.constant 2 : i32
      %ge3A_162 = arith.cmpi sge, %div3A_104, %ge3A_161 : i32
      %convert_element_type3A_163 = arith.extui %ge3A_162 : i1 to i32
      %cond3A_164 = arith.constant 0 : i32
      %cond3A_165 = arith.cmpi ne, %convert_element_type3A_163, %cond3A_164 : i32
      scf.if %cond3A_165 {
        %dma_wait3A = arith.constant 0 : i32
        %dma_wait3A_171 = arith.constant 0 : i32
        %dma_wait3A_172 = tpu.memref_slice %arg2[%dma_wait3A, %dma_wait3A_171] : memref<100000x128xf32, #tpu.memory_space<hbm>> -> memref<100000x128xf32, #tpu.memory_space<hbm>>
        tpu.wait_indirect_dma semaphore(%arg23 : memref<!tpu.dma_semaphore, #tpu.memory_space<semaphore_mem>>) src(%arg19 : memref<64x128xf32, #tpu.memory_space<vmem>>) dst(%dma_wait3A_172 : memref<100000x128xf32, #tpu.memory_space<hbm>>)
      } else {
      }
      %ge3A_166 = arith.constant 3 : i32
      %ge3A_167 = arith.cmpi sge, %div3A_104, %ge3A_166 : i32
      %convert_element_type3A_168 = arith.extui %ge3A_167 : i1 to i32
      %cond3A_169 = arith.constant 0 : i32
      %cond3A_170 = arith.cmpi ne, %convert_element_type3A_168, %cond3A_169 : i32
      scf.if %cond3A_170 {
        %dma_wait3A = arith.constant 0 : i32
        %dma_wait3A_171 = arith.constant 0 : i32
        %dma_wait3A_172 = tpu.memref_slice %arg2[%dma_wait3A, %dma_wait3A_171] : memref<100000x128xf32, #tpu.memory_space<hbm>> -> memref<100000x128xf32, #tpu.memory_space<hbm>>
        tpu.wait_indirect_dma semaphore(%arg30 : memref<!tpu.dma_semaphore, #tpu.memory_space<semaphore_mem>>) src(%arg26 : memref<64x128xf32, #tpu.memory_space<vmem>>) dst(%dma_wait3A_172 : memref<100000x128xf32, #tpu.memory_space<hbm>>)
      } else {
      }
    } else {
    }
    return
  }
}

</mosaic_0001>

<sc_bundles>
// kernel: kernel.3.cloned.1.call-start
scs
__scs_entry_jumppad:
0x0: {  	(pc) =	sbr.rel $0x88, $3  }
0x1: {  	(tag) =	ssettag $0x0;
	lr =	simm.s32 $0x1  }
0x2: {  	[smem:$0x3F9E] =	sst lr;
	_ =	strace $0xD0000000  }
0x3: {  	_ = 	snop  }
0x4: {  	_ = 	snop  }
0x5: {  	_ = 	snop  }
0x6: {  	_ = 	snop  }
0x7: {  	_ = 	snop  }
__scs_overlays_trampoline_lowered:
0x8: {  	[smem:$0x3FAD] =	sst s0  }
0x9: {  	[smem:$0x3FAE] =	sst s1  }
0xa: {  	[smem:$0x3FAF] =	sst s2  }
0xb: {  	[smem:$0x3FB0] =	sst s3  }
0xc: {  	[smem:$0x3FB1] =	sst s4  }
0xd: {  	[smem:$0x3FB2] =	sst s5  }
0xe: {  	[smem:$0x3FB3] =	sst s6  }
0xf: {  	[smem:$0x3FB4] =	sst s7  }
0x10: {  	[smem:$0x3FB5] =	sst s8  }
0x11: {  	[smem:$0x3FB6] =	sst s9;
	s0 =	simm.s32 @!p0 $0x0  }
0x12: {  	s1 =	sld [smem:$0x3F9C];
	s0 =	simm.s32 @p0 $0x1  }
0x13: {  	[smem:$0x3FB7] =	sst s0;
	s0 =	simm.s32 @!p1 $0x0  }
0x14: {  	s2 =	sld [smem:$0x3F9B];
	s0 =	simm.s32 @p1 $0x1  }
0x15: {  	[smem:$0x3FB8] =	sst s0;
	s0 =	simm.s32 @!p2 $0x0  }
0x16: {  	s3 =	sld [smem:$0x3FDB];
	s0 =	simm.s32 @p2 $0x1  }
0x17: {  	s4 =	simm.s32 $0x1BF5;
	[smem:$0x3FBA] =	sst s0  }
0x18: {  	s0 =	sld [smem:$0x3F9D];
	_ =	swait.ge [sflag:s4], $0x0  }
0x19: {  	s7 =	sld [smem:$0x3F9E]  }
0x1a: {  	s8 =	sadd.s32 $0xFFFFE003, lr  }
0x1b: {  	s9 =	sadd.s32 $0xFFFFFEF7, lr;
	s5 =	simm.s32 $0xFFFFFFFF;
	p2 =	slt.u32 s8, $0xFFFFF086  }
0x1c: {  	p1 =	slt.u32 s9, $0xF7A;
	s5 =	simm.s32 @!p2 $0x0  }
0x1d: {  	s5 =	simm.s32 @p1 $0x1;
	p0 =	seq.s32 s7, s2  }
0x1e: {  	s7 =	smul.u32 @!p0 $0xF7A, s2;
	p2 =	seq.s32 @!p0 s5, $0x0  }
0x1f: {  	s9 =	smul.u32 $0xF7A, s1;
	s8 =	simm.s32 @!p0 $0x1BF5;
	p2 =	por !p2, p0  }
0x20: {  	[sflag:s8] =	ssyncset.s32 @!p0 $0xFFFFF086;
	s6 =	sadd.s32 @!p0 s3, s7;
	s7 =	simm.s32 @!p0 $0x108  }
0x21: {  	s3 =	sadd.s32 s3, s9;
	s6 =	sadd.s32 @!p0 $0x88, s6;
	s7 =	simm.s32 @p2 $0x1082  }
0x22: {  	[simem:s7], [sflag:s8] =	dma.local @!p0 [hbm:s6], $0xF7A  }
0x23: {  	s9 =	sor.u32 $0xD0000000, s2;
	s6 =	simm.s32 $0x108;
	_ =	swait.ge @!p0 [sflag:s8], $0x0  }
0x24: {  	s3 =	sadd.s32 $0x88, s3;
	s6 =	simm.s32 @!p1 $0x1082;
	[sflag:s4] =	ssyncset.s32 $0xFFFFF086  }
0x25: {  	[simem:s6], [sflag:s4] =	dma.local [hbm:s3], $0xF7A  }
0x26: {  	[smem:$0x3F9E] =	sst s1;
	(tag) =	ssettag s2;
	_ =	strace s9  }
0x27: {  	s1 =	sld [smem:$0x3FAE]  }
0x28: {  	s2 =	sld [smem:$0x3FAF]  }
0x29: {  	s4 =	sld [smem:$0x3FB1]  }
0x2a: {  	p0 =	seq.s32 s5, $0x0;
	s5 =	sld [smem:$0x3FB2]  }
0x2b: {  	s6 =	sld [smem:$0x3FB3]  }
0x2c: {  	s7 =	sld [smem:$0x3FB4]  }
0x2d: {  	s3 =	simm.s32 $0x108;
	s8 =	sld [smem:$0x3FB5]  }
0x2e: {  	s3 =	simm.s32 @!p0 $0x1082;
	s9 =	sld [smem:$0x3FB6]  }
0x2f: {  	lr =	sadd.s32 s0, s3;
	s0 =	sld [smem:$0x3FAD]  }
0x30: {  	s3 =	sld [smem:$0x3FB0]  }
0x31: {  	[smem:$0x3FB9] =	sst s10  }
0x32: {  	s10 =	sld [smem:$0x3FB7];
	_ =	sdelay $0x3  }
0x33: {  	p0 =	seq.s32 s10, $0x1;
	s10 =	sld [smem:$0x3FB9];
	_ =	sdelay $0x3  }
0x34: {  	[smem:$0x3FB9] =	sst s10  }
0x35: {  	s10 =	sld [smem:$0x3FB8];
	_ =	sdelay $0x3  }
0x36: {  	p1 =	seq.s32 s10, $0x1;
	s10 =	sld [smem:$0x3FB9];
	_ =	sdelay $0x3  }
0x37: {  	[smem:$0x3FB9] =	sst s10  }
0x38: {  	s10 =	sld [smem:$0x3FBA]  }
0x39: {  	_ = 	snop;
	(pc) =	sbr.ind lr, $3  }
0x3a: {  	_ = 	snop  }
0x3b: {  	_ = 	snop  }
0x3c: {  	p2 =	seq.s32 s10, $0x1;
	s10 =	sld [smem:$0x3FB9]  }
0x3d: {  	_ =	shalt  }
0x3e: {  	_ =	shalt  }
0x3f: {  	_ =	shalt  }
0x40: {  	_ =	shalt  }
0x41: {  	_ =	shalt  }
0x42: {  	_ =	shalt  }
0x43: {  	_ =	shalt  }
0x44: {  	_ =	shalt  }
0x45: {  	_ =	shalt  }
0x46: {  	_ =	shalt  }
0x47: {  	_ =	shalt  }
0x48: {  	_ =	shalt  }
0x49: {  	_ =	shalt  }
0x4a: {  	_ =	shalt  }
0x4b: {  	_ =	shalt  }
0x4c: {  	_ =	shalt  }
0x4d: {  	_ =	shalt  }
0x4e: {  	_ =	shalt  }
0x4f: {  	_ =	shalt  }
0x50: {  	_ =	shalt  }
0x51: {  	_ =	shalt  }
0x52: {  	_ =	shalt  }
0x53: {  	_ =	shalt  }
0x54: {  	_ =	shalt  }
0x55: {  	_ =	shalt  }
0x56: {  	_ =	shalt  }
0x57: {  	_ =	shalt  }
0x58: {  	_ =	shalt  }
0x59: {  	_ =	shalt  }
0x5a: {  	_ =	shalt  }
0x5b: {  	_ =	shalt  }
0x5c: {  	_ =	shalt  }
0x5d: {  	_ =	shalt  }
0x5e: {  	_ =	shalt  }
0x5f: {  	_ =	shalt  }
0x60: {  	_ =	shalt  }
0x61: {  	_ =	shalt  }
0x62: {  	_ =	shalt  }
0x63: {  	_ =	shalt  }
0x64: {  	_ =	shalt  }
0x65: {  	_ =	shalt  }
0x66: {  	_ =	shalt  }
0x67: {  	_ =	shalt  }
0x68: {  	_ =	shalt  }
0x69: {  	_ =	shalt  }
0x6a: {  	_ =	shalt  }
0x6b: {  	_ =	shalt  }
0x6c: {  	_ =	shalt  }
0x6d: {  	_ =	shalt  }
0x6e: {  	_ =	shalt  }
0x6f: {  	_ =	shalt  }
0x70: {  	_ =	shalt  }
0x71: {  	_ =	shalt  }
0x72: {  	_ =	shalt  }
0x73: {  	_ =	shalt  }
0x74: {  	_ =	shalt  }
0x75: {  	_ =	shalt  }
0x76: {  	_ =	shalt  }
0x77: {  	_ =	shalt  }
0x78: {  	_ =	shalt  }
0x79: {  	_ =	shalt  }
0x7a: {  	_ =	shalt  }
0x7b: {  	_ =	shalt  }
0x7c: {  	_ =	shalt  }
0x7d: {  	_ =	shalt  }
0x7e: {  	_ =	shalt  }
0x7f: {  	_ =	shalt  }
0x80: {  	_ =	shalt  }
0x81: {  	_ =	shalt  }
0x82: {  	_ =	shalt  }
0x83: {  	_ =	shalt  }
0x84: {  	_ =	shalt  }
0x85: {  	_ =	shalt  }
0x86: {  	_ =	shalt  }
0x87: {  	_ =	shalt  }
.Lfunc_end0:
.L_simem_size_0:
called_computation_lowered:
.L_overlay_start_0:
0x88: {  	s2 =	sld [smem:$0x3FD9]  }
0x89: {  	s3 =	sld [smem:$0x3FFE];
	_ =	sdelay $0x1  }
0x8a: {  	s1 =	srdreg.scid  }
0x8b: {  	s0 =	sand.u32 $0x1, s1  }
0x8c: {  	s18 =	sshll.u32 s0, $0xA;
	s2 =	sadd.s32 s3, s2  }
0x8d: {  	s2 =	sadd.s32 s2, s18  }
0x8e: {  	[smem:$0x3FC5] =	sst s2  }
0x8f: {  	_ = 	snop  }
0x90: {  	s2 =	sld [smem:$0x3FC8]  }
0x91: {  	s19 =	sld [smem:$0x3FC7]  }
0x92: {  	s4 =	sld [smem:$0x3FD0];
	(tm) =	ssettm $0x1  }
0x93: {  	s5 =	sld [smem:$0x3FFB];
	_ =	sdelay $0x3  }
0x94: {  	_ =	strace s5  }
0x95: {  	s5 =	sld [smem:$0x3FFC];
	_ =	sdelay $0x3  }
0x96: {  	_ =	strace s5  }
0x97: {  	s5 =	sld [smem:$0x3FFD];
	_ =	sdelay $0x3  }
0x98: {  	_ =	strace s5  }
0x99: {  	_ =	strace $0x8FFFFFFF  }
0x9a: {  	s20 =	sld [smem:$0x3FDB];
	_ =	sdelay $0x1  }
0x9b: {  	s6 =	simm.s32 $_scs_section_size  }
0x9c: {  	s7 =	simm.s32 $_size__tile_overlayer_lowered;
	s8 =	simm.s32 $_tile_overlayer_lowered  }
0x9d: {  	s23 =	simm.s32 $0x1BFF;
	s22 =	sshll.u32 s8, $0x1;
	s5 =	sadd.s32 s6, s20  }
0x9e: {  	s9 =	simm.s32 $0x0;
	s21 =	sshll.u32 s7, $0x1;
	s7 =	sadd.s32 s22, s5  }
0x9f: {  	[timem:s9], [sflag:s23] =	dma.local [hbm:s7], s21  }
0xa0: {  	_ =	swait.ge [sflag:s23], s21  }
0xa1: {  	s6 =	ssub.s32 $0x0, s21;
	[sflag:s23] =	ssyncset.done $0x0  }
0xa2: {  	[sflag:s23] =	ssyncadd.s32 s6;
	_ =	sdelay $0x1  }
0xa3: {  	s24 =	simm.s32 $0x1B8B  }
0xa4: {  	_ =	swait.ge [sflag:s24], $0x1  }
0xa5: {  	[sflag:s24] =	ssyncset.done $0x0  }
0xa6: {  	s25 =	simm.s32 $0x1B8E;
	[sflag:s24] =	ssyncadd.s32 $0xFFFFFFFF  }
0xa7: {  	s26 =	simm.s32 $execute0_lowered;
	[smem:$0x3FD2] =	sst s25  }
0xa8: {  	s6 =	sshll.u32 s26, $0x1;
	_ =	strace $0x80000046;
	[dreg:$0x1] =	wrdreg $0xFFFFFFFF  }
0xa9: {  	s28 =	simm.s32 $_size_execute0_lowered;
	s5 =	sadd.s32 s5, s6;
	[dreg:$0x0] =	wrdreg $0x0  }
0xaa: {  	s6 =	sshll.u32 s28, $0x1;
	[dreg:$0x2] =	wrdreg s5  }
0xab: {  	[dreg:$0x3] =	wrdreg s6  }
0xac: {  	[dreg:$0x4] =	wrdreg $0xC0  }
0xad: {  	_ =	task [dreg:s9], $0x5FFFF  }
0xae: {  	[dreg:$0x1] =	wrdreg $0xFFFFFFFF  }
0xaf: {  	[dreg:$0x0] =	wrdreg $0x60  }
0xb0: {  	[dreg:$0x2] =	wrdreg s4  }
0xb1: {  	[dreg:$0x3] =	wrdreg s2  }
0xb2: {  	[dreg:$0x4] =	wrdreg s19  }
0xb3: {  	[dreg:$0x5] =	wrdreg $0x9  }
0xb4: {  	_ =	task.clear_ibuf [dreg:s9], $0x6FFFF;
	_ =	strace $0x90000046  }
0xb5: {  	s29 =	simm.s32 $0x9;
	_ =	strace $0x80000048  }
0xb6: {  	_ =	swait.ge [sflag:s29], $0x1  }
0xb7: {  	[sflag:s29] =	ssyncadd.s32 $0xFFFFFFFF  }
0xb8: {  	_ =	strace $0x90000048  }
0xb9: {  	_ =	sfence  }
0xba: {  	s30 =	sld [smem:$0x0];
	_ =	sdelay $0x2  }
0xbb: {  	s31 =	sshll.u32 s1, $0xD;
	s1 =	sshrl.u32 s1, $0x2  }
0xbc: {  	s3 =	sand.u32 $0x4000, s31;
	s1 =	sadd.s32 s1, s30  }
0xbd: {  	s0 =	sor.u32 s3, s0;
	s1 =	sshll.u32 s1, $0x11  }
0xbe: {  	s0 =	sor.u32 s1, s0  }
0xbf: {  	s0 =	sadd.s32 $0x8F2B, s0  }
0xc0: {  	[sflag:s0] =	ssyncadd.remote.s32 $0x1  }
0xc1: {  	_ =	sfence.sel $0xFFFF  }
0xc2: {  	[dreg:$0x0] =	wrdreg $0xFFFFFFFF;
	(pc) =	sbr.abs _section_cstart, $3  }
0xc3: {  	[dreg:$0x1] =	wrdreg $0xFFFFFFFF  }
0xc4: {  	_ =	task.clear_ibuf [dreg:s9], $0x2FFFF;
	_ =	strace $0x9FFFFFFF  }
0xc5: {  	(tm) =	ssettm $0x7FFFFFFF  }
tec
execute0_lowered:
.L_overlay_start_1:
0x0: {  	(tag) =	ssettag $0x1  }
0x1: {  	s1 =	rddreg [dreg:$0x0];
	s0 =	srdreg.scid  }
0x2: {  	s2 =	stileid.u32;
	s4 =	rddreg [dreg:$0x2];
	_ =	strace $0x80000047  }
0x3: {  	s6 =	simm.s32 $0x0;
	s7 =	simm.s32 $0xA;
	s8 =	simm.s32 $0xC100  }
0x4: {  	s9 =	simm.s32 $0x40;
	s10 =	simm.s32 $0xCD80;
	s11 =	simm.s32 $0xCE80  }
0x5: {  	s14 =	simm.s32 $0x10E80;
	s15 =	simm.s32 $0x10F80;
	s18 =	simm.s32 $0x7  }
0x6: {  	s19 =	simm.s32 $0x8;
	s0 =	sand.u32 $0x1, s0;
	s2 =	sshll.u32 s2, $0x1  }
.Ltmp0:
0x7: {  	s5 =	ssub.s32 $0x2, s0;
	s0 =	sor.u32 s0, s2;
	(pc) =	sbr.rel .LBB2_1-.Ltmp0, $4  }
0x8: {  	s20 =	simm.s32 $0x14F80;
	s21 =	simm.s32 $0x15080;
	s0 =	smul.u32 $0xC35, s0  }
0x9: {  	s23 =	simm.s32 $0x4;
	s24 =	simm.s32 $0x5;
	s31 =	sshrl.u32 s5, $0x1  }
0xa: {  	v2 =	vlaneseq.u32;
	v3 =	vimm.s32 $0x0;
	s25 =	simm.s32 $0x1;
	s2 =	ssub.s32 s5, s31;
	s12 =	sadd.s32 $0xC35, s0  }
0xb: {  	vm0 =	vmmov $0x1;
	s26 =	simm.s32 $0x2;
	s28 =	simm.s32 $0x0;
	s5 =	smax.u32 s2, $0x1;
	v0 =	vmov s0;
	v1 =	vmov s12  }
.LBB2_41:
0xc: {  	s0 =	simm.s32 $0x3  }
0xd: {  	_ =	swait.ge [sflag:s0], $0x2000  }
0xe: {  	[sflag:s0] =	ssyncset.done $0x0  }
0xf: {  	[sflag:s0] =	ssyncadd.s32 $0xFFFFE000;
	s0 =	simm.s32 @!p0 $0x6  }
0x10: {  	p1 =	slt.u32 @!p0 s29, $0x81;
	_ =	swait.ge @!p0 [sflag:s0], $0x2000  }
0x11: {  	p1 =	por p1, p0;
	[sflag:s0] =	ssyncset.done @!p0 $0x0  }
0x12: {  	[sflag:s0] =	ssyncadd.s32 @!p0 $0xFFFFE000;
	s0 =	simm.s32 @!p1 $0x9  }
0x13: {  	_ =	swait.ge @!p1 [sflag:s0], $0x2000  }
0x14: {  	[sflag:s0] =	ssyncset.done @!p1 $0x0  }
0x15: {  	[sflag:s0] =	ssyncadd.s32 @!p1 $0xFFFFE000  }
.LBB2_42:
0x16: {  	s28 =	sadd.s32 $0x1, s28  }
0x17: {  	p0 =	sne.s32 s28, s5  }
.Ltmp1:
0x18: {  	_ = 	snop;
	(pc) =	sbr.rel @!p0 .LBB2_43-.Ltmp1, $1  }
0x19: {  	_ =	sdelay $0x3  }
.LBB2_1:
0x1a: {  	s0 =	rddreg [dreg:$0x1]  }
0x1b: {  	[tilespmem:s6], [sflag:$0xA] =	stream.linear.gather [hbm4b:s0+s6], $0x4000, $0x38;
	[tilespmem:$0x19080] =	vst v63  }
0x1c: {  	_ =	swait.ge [sflag:s7], $0x4000  }
0x1d: {  	[sflag:s7] =	ssyncset.done $0x0  }
0x1e: {  	[sflag:s7] =	ssyncadd.s32 $0xFFFFC000  }
0x1f: {  	v4 =	vld [tilespmem:s9+$0xFFFFFFC0];
	_ =	sdelay $0x4  }
0x20: {  	vm1 =	vge.s32 v4, v0;
	vm2 =	vlt.s32 v4, v1  }
0x21: {  	s16 =	simm.s32 $0x0;
	vm1 =	vmand vm1, vm2  }
0x22: {  	[tilespmem:s6+$0x4000] =	vst.msk vm1, v4;
	v4 =	vor.u32 s16, v2;
	v5 =	vsel vm1, $0x1, v3  }
0x23: {  	[tilespmem:s6+$0x8080] =	vst.msk vm1, v4;
	(xrf0) =	vadd.scan.msk.s32 $0xffff, v5  }
0x24: {  	v4 =	vld [tilespmem:s9+$0xFFFFFFD0];
	_ =	sdelay $0x4  }
0x25: {  	vm1 =	vge.s32 v4, v0;
	vm2 =	vlt.s32 v4, v1;
	v5, _, _ =	vpop (xrf0)  }
0x26: {  	vm1 =	vmand vm1, vm2;
	(v2sf) =	vpush v5, $0xF  }
0x27: {  	v5 =	vsel vm1, $0x1, v3  }
0x28: {  	(xrf0) =	vadd.scan.msk.s32 $0xffff, v5;
	_ =	sdelay $0x5  }
0x29: {  	v5, _, _ =	vpop (xrf0)  }
0x2a: {  	(v2sf) =	vpush v5, $0xF;
	_ =	sdelay $0x5  }
0x2b: {  	s17 =	spop (v2sf)  }
0x2c: {  	s2 =	simm.s32 $0x10;
	s0 =	sadd.s32 $0x0, s17  }
0x2d: {  	[tilespmem:s0+$0x4000] =	vst.msk vm1, v4;
	v4 =	vor.u32 s2, v2  }
0x2e: {  	[tilespmem:s0+$0x8080] =	vst.msk vm1, v4  }
0x2f: {  	v4 =	vld [tilespmem:s9+$0xFFFFFFE0];
	_ =	sdelay $0x4  }
0x30: {  	vm1 =	vge.s32 v4, v0;
	vm2 =	vlt.s32 v4, v1;
	s22 =	spop (v2sf)  }
0x31: {  	s30 =	simm.s32 $0x20;
	s0 =	sadd.s32 s0, s22;
	vm1 =	vmand vm1, vm2  }
0x32: {  	[tilespmem:s0+$0x4000] =	vst.msk vm1, v4;
	v4 =	vor.u32 s30, v2;
	v5 =	vsel vm1, $0x1, v3  }
0x33: {  	[tilespmem:s0+$0x8080] =	vst.msk vm1, v4;
	(xrf0) =	vadd.scan.msk.s32 $0xffff, v5  }
0x34: {  	v4 =	vld [tilespmem:s9+$0xFFFFFFF0];
	_ =	sdelay $0x4  }
0x35: {  	vm1 =	vge.s32 v4, v0;
	vm2 =	vlt.s32 v4, v1;
	v5, _, _ =	vpop (xrf0)  }
0x36: {  	vm1 =	vmand vm1, vm2;
	(v2sf) =	vpush v5, $0xF  }
0x37: {  	v5 =	vsel vm1, $0x1, v3  }
0x38: {  	(xrf0) =	vadd.scan.msk.s32 $0xffff, v5;
	_ =	sdelay $0x5  }
0x39: {  	v5, _, _ =	vpop (xrf0)  }
0x3a: {  	(v2sf) =	vpush v5, $0xF;
	_ =	sdelay $0x5  }
0x3b: {  	s31 =	spop (v2sf)  }
0x3c: {  	s3 =	simm.s32 $0x30;
	s0 =	sadd.s32 s0, s31  }
0x3d: {  	[tilespmem:s0+$0x4000] =	vst.msk vm1, v4;
	v4 =	vor.u32 s3, v2  }
0x3e: {  	[tilespmem:s0+$0x8080] =	vst.msk vm1, v4  }
0x3f: {  	v4 =	vld [tilespmem:s9+$0x0];
	_ =	sdelay $0x4  }
0x40: {  	vm1 =	vge.s32 v4, v0;
	vm2 =	vlt.s32 v4, v1;
	s12 =	spop (v2sf)  }
0x41: {  	s13 =	simm.s32 $0x40;
	s0 =	sadd.s32 s0, s12;
	vm1 =	vmand vm1, vm2  }
0x42: {  	[tilespmem:s0+$0x4000] =	vst.msk vm1, v4;
	v4 =	vor.u32 s13, v2;
	v5 =	vsel vm1, $0x1, v3  }
0x43: {  	[tilespmem:s0+$0x8080] =	vst.msk vm1, v4;
	(xrf0) =	vadd.scan.msk.s32 $0xffff, v5  }
0x44: {  	v4 =	vld [tilespmem:s9+$0x10];
	_ =	sdelay $0x4  }
0x45: {  	vm1 =	vge.s32 v4, v0;
	vm2 =	vlt.s32 v4, v1;
	v5, _, _ =	vpop (xrf0)  }
0x46: {  	vm1 =	vmand vm1, vm2;
	(v2sf) =	vpush v5, $0xF  }
0x47: {  	v5 =	vsel vm1, $0x1, v3  }
0x48: {  	(xrf0) =	vadd.scan.msk.s32 $0xffff, v5;
	_ =	sdelay $0x5  }
0x49: {  	v5, _, _ =	vpop (xrf0)  }
0x4a: {  	(v2sf) =	vpush v5, $0xF;
	_ =	sdelay $0x5  }
0x4b: {  	s16 =	spop (v2sf)  }
0x4c: {  	s17 =	simm.s32 $0x50;
	s0 =	sadd.s32 s0, s16  }
0x4d: {  	[tilespmem:s0+$0x4000] =	vst.msk vm1, v4;
	v4 =	vor.u32 s17, v2  }
0x4e: {  	[tilespmem:s0+$0x8080] =	vst.msk vm1, v4  }
0x4f: {  	v4 =	vld [tilespmem:s9+$0x20];
	_ =	sdelay $0x4  }
0x50: {  	vm1 =	vge.s32 v4, v0;
	vm2 =	vlt.s32 v4, v1;
	s22 =	spop (v2sf)  }
0x51: {  	s30 =	simm.s32 $0x60;
	s0 =	sadd.s32 s0, s22;
	vm1 =	vmand vm1, vm2  }
0x52: {  	[tilespmem:s0+$0x4000] =	vst.msk vm1, v4;
	v4 =	vor.u32 s30, v2;
	v5 =	vsel vm1, $0x1, v3  }
0x53: {  	[tilespmem:s0+$0x8080] =	vst.msk vm1, v4;
	(xrf0) =	vadd.scan.msk.s32 $0xffff, v5  }
0x54: {  	v4 =	vld [tilespmem:s9+$0x30];
	_ =	sdelay $0x4  }
0x55: {  	vm1 =	vge.s32 v4, v0;
	vm2 =	vlt.s32 v4, v1;
	v5, _, _ =	vpop (xrf0)  }
0x56: {  	vm1 =	vmand vm1, vm2;
	(v2sf) =	vpush v5, $0xF  }
0x57: {  	v5 =	vsel vm1, $0x1, v3  }
0x58: {  	(xrf0) =	vadd.scan.msk.s32 $0xffff, v5;
	_ =	sdelay $0x5  }
0x59: {  	v5, _, _ =	vpop (xrf0)  }
0x5a: {  	(v2sf) =	vpush v5, $0xF;
	_ =	sdelay $0x5  }
0x5b: {  	s31 =	spop (v2sf)  }
0x5c: {  	s13 =	simm.s32 $0x70;
	s12 =	sadd.s32 s0, s31  }
0x5d: {  	[tilespmem:s12+$0x4000] =	vst.msk vm1, v4;
	v4 =	vor.u32 s13, v2  }
0x5e: {  	s29 =	simm.s32 $0xC0;
	[tilespmem:s12+$0x8080] =	vst.msk vm1, v4  }
0x5f: {  	v4 =	vld [tilespmem:s29+$0xFFFFFFC0];
	_ =	sdelay $0x4  }
0x60: {  	s2 =	simm.s32 $0xF0;
	s13 =	simm.s32 $0x170;
	vm1 =	vge.s32 v4, v0;
	vm2 =	vlt.s32 v4, v1;
	s16 =	spop (v2sf)  }
.LBB2_2:
0x61: {  	s17 =	sadd.s32 $0xFFFFFF90, s2  }
0x62: {  	vm1 =	vmand vm1, vm2;
	s12 =	sadd.s32 s12, s16;
	s30 =	smov.u32 s13;
	s0 =	sadd.s32 $0x80, s13  }
0x63: {  	p0 =	sne.s32 s13, $0x3FF0;
	[tilespmem:s12+$0x4000] =	vst.msk vm1, v4;
	v4 =	vor.u32 s17, v2;
	v5 =	vsel vm1, $0x1, v3  }
0x64: {  	[tilespmem:s12+$0x8080] =	vst.msk vm1, v4;
	(xrf0) =	vadd.scan.msk.s32 $0xffff, v5  }
0x65: {  	v4 =	vld [tilespmem:s29+$0xFFFFFFD0];
	_ =	sdelay $0x4  }
0x66: {  	vm1 =	vge.s32 v4, v0;
	vm2 =	vlt.s32 v4, v1;
	v5, _, _ =	vpop (xrf0)  }
0x67: {  	vm1 =	vmand vm1, vm2;
	(v2sf) =	vpush v5, $0xF  }
0x68: {  	v5 =	vsel vm1, $0x1, v3  }
0x69: {  	(xrf0) =	vadd.scan.msk.s32 $0xffff, v5;
	_ =	sdelay $0x5  }
0x6a: {  	v5, _, _ =	vpop (xrf0)  }
0x6b: {  	(v2sf) =	vpush v5, $0xF;
	_ =	sdelay $0x5  }
0x6c: {  	s13 =	spop (v2sf)  }
0x6d: {  	s12 =	sadd.s32 s12, s13;
	s13 =	sadd.s32 $0xFFFFFFA0, s2  }
0x6e: {  	[tilespmem:s12+$0x4000] =	vst.msk vm1, v4;
	v4 =	vor.u32 s13, v2  }
0x6f: {  	[tilespmem:s12+$0x8080] =	vst.msk vm1, v4  }
0x70: {  	v4 =	vld [tilespmem:s29+$0xFFFFFFE0];
	_ =	sdelay $0x4  }
0x71: {  	vm1 =	vge.s32 v4, v0;
	vm2 =	vlt.s32 v4, v1;
	s13 =	spop (v2sf)  }
0x72: {  	s12 =	sadd.s32 s12, s13;
	s13 =	sadd.s32 $0xFFFFFFB0, s2;
	vm1 =	vmand vm1, vm2  }
0x73: {  	[tilespmem:s12+$0x4000] =	vst.msk vm1, v4;
	v4 =	vor.u32 s13, v2;
	v5 =	vsel vm1, $0x1, v3  }
0x74: {  	[tilespmem:s12+$0x8080] =	vst.msk vm1, v4;
	(xrf0) =	vadd.scan.msk.s32 $0xffff, v5  }
0x75: {  	v4 =	vld [tilespmem:s29+$0xFFFFFFF0];
	_ =	sdelay $0x4  }
0x76: {  	vm1 =	vge.s32 v4, v0;
	vm2 =	vlt.s32 v4, v1;
	v5, _, _ =	vpop (xrf0)  }
0x77: {  	vm1 =	vmand vm1, vm2;
	(v2sf) =	vpush v5, $0xF  }
0x78: {  	v5 =	vsel vm1, $0x1, v3  }
0x79: {  	(xrf0) =	vadd.scan.msk.s32 $0xffff, v5;
	_ =	sdelay $0x5  }
0x7a: {  	v5, _, _ =	vpop (xrf0)  }
0x7b: {  	(v2sf) =	vpush v5, $0xF;
	_ =	sdelay $0x5  }
0x7c: {  	s13 =	spop (v2sf)  }
0x7d: {  	s12 =	sadd.s32 s12, s13;
	s13 =	sadd.s32 $0xFFFFFFC0, s2  }
0x7e: {  	[tilespmem:s12+$0x4000] =	vst.msk vm1, v4;
	v4 =	vor.u32 s13, v2  }
0x7f: {  	[tilespmem:s12+$0x8080] =	vst.msk vm1, v4  }
0x80: {  	v4 =	vld [tilespmem:s29+$0x0];
	_ =	sdelay $0x4  }
0x81: {  	vm1 =	vge.s32 v4, v0;
	vm2 =	vlt.s32 v4, v1;
	s13 =	spop (v2sf)  }
0x82: {  	s12 =	sadd.s32 s12, s13;
	s13 =	sadd.s32 $0xFFFFFFD0, s2;
	vm1 =	vmand vm1, vm2  }
0x83: {  	[tilespmem:s12+$0x4000] =	vst.msk vm1, v4;
	v4 =	vor.u32 s13, v2;
	v5 =	vsel vm1, $0x1, v3  }
0x84: {  	[tilespmem:s12+$0x8080] =	vst.msk vm1, v4;
	(xrf0) =	vadd.scan.msk.s32 $0xffff, v5  }
0x85: {  	v4 =	vld [tilespmem:s29+$0x10];
	_ =	sdelay $0x4  }
0x86: {  	vm1 =	vge.s32 v4, v0;
	vm2 =	vlt.s32 v4, v1;
	v5, _, _ =	vpop (xrf0)  }
0x87: {  	vm1 =	vmand vm1, vm2;
	(v2sf) =	vpush v5, $0xF  }
0x88: {  	v5 =	vsel vm1, $0x1, v3  }
0x89: {  	(xrf0) =	vadd.scan.msk.s32 $0xffff, v5;
	_ =	sdelay $0x5  }
0x8a: {  	v5, _, _ =	vpop (xrf0)  }
0x8b: {  	(v2sf) =	vpush v5, $0xF;
	_ =	sdelay $0x5  }
0x8c: {  	s13 =	spop (v2sf)  }
0x8d: {  	s12 =	sadd.s32 s12, s13;
	s13 =	sadd.s32 $0xFFFFFFE0, s2  }
0x8e: {  	[tilespmem:s12+$0x4000] =	vst.msk vm1, v4;
	v4 =	vor.u32 s13, v2  }
0x8f: {  	[tilespmem:s12+$0x8080] =	vst.msk vm1, v4  }
0x90: {  	v4 =	vld [tilespmem:s29+$0x20];
	_ =	sdelay $0x4  }
0x91: {  	vm1 =	vge.s32 v4, v0;
	vm2 =	vlt.s32 v4, v1;
	s13 =	spop (v2sf)  }
0x92: {  	s12 =	sadd.s32 s12, s13;
	s13 =	sadd.s32 $0xFFFFFFF0, s2;
	vm1 =	vmand vm1, vm2  }
0x93: {  	[tilespmem:s12+$0x4000] =	vst.msk vm1, v4;
	v4 =	vor.u32 s13, v2;
	v5 =	vsel vm1, $0x1, v3  }
0x94: {  	[tilespmem:s12+$0x8080] =	vst.msk vm1, v4;
	(xrf0) =	vadd.scan.msk.s32 $0xffff, v5  }
0x95: {  	v4 =	vld [tilespmem:s29+$0x30];
	_ =	sdelay $0x4  }
0x96: {  	vm1 =	vge.s32 v4, v0;
	vm2 =	vlt.s32 v4, v1;
	v5, _, _ =	vpop (xrf0)  }
0x97: {  	vm1 =	vmand vm1, vm2;
	(v2sf) =	vpush v5, $0xF  }
0x98: {  	v5 =	vsel vm1, $0x1, v3  }
0x99: {  	(xrf0) =	vadd.scan.msk.s32 $0xffff, v5;
	_ =	sdelay $0x5  }
0x9a: {  	v5, _, _ =	vpop (xrf0)  }
0x9b: {  	(v2sf) =	vpush v5, $0xF;
	_ =	sdelay $0x5  }
0x9c: {  	s13 =	spop (v2sf)  }
0x9d: {  	s12 =	sadd.s32 s12, s13  }
0x9e: {  	[tilespmem:s12+$0x4000] =	vst.msk vm1, v4;
	v4 =	vor.u32 s2, v2;
	s2 =	smov.u32 s30  }
0x9f: {  	s29 =	sadd.s32 $0x80, s29;
	[tilespmem:s12+$0x8080] =	vst.msk vm1, v4  }
0xa0: {  	v4 =	vld [tilespmem:s29+$0xFFFFFFC0]  }
.Ltmp2:
0xa1: {  	(pc) =	sbr.rel @p0 .LBB2_2-.Ltmp2, $2  }
0xa2: {  	_ =	sdelay $0x2  }
0xa3: {  	s13 =	smov.u32 s0;
	vm1 =	vge.s32 v4, v0;
	vm2 =	vlt.s32 v4, v1;
	s16 =	spop (v2sf)  }
0xa4: {  	s0 =	sadd.s32 $0xFFFFFF90, s2;
	vm1 =	vmand vm1, vm2;
	s12 =	sadd.s32 s12, s16  }
0xa5: {  	[tilespmem:s12+$0x4000] =	vst.msk vm1, v4;
	v4 =	vor.u32 s0, v2;
	v5 =	vsel vm1, $0x1, v3  }
0xa6: {  	[tilespmem:s12+$0x8080] =	vst.msk vm1, v4;
	(xrf0) =	vadd.scan.msk.s32 $0xffff, v5  }
0xa7: {  	v4 =	vld [tilespmem:s29+$0xFFFFFFD0];
	_ =	sdelay $0x4  }
0xa8: {  	vm1 =	vge.s32 v4, v0;
	vm2 =	vlt.s32 v4, v1;
	v5, _, _ =	vpop (xrf0)  }
0xa9: {  	vm1 =	vmand vm1, vm2;
	(v2sf) =	vpush v5, $0xF  }
0xaa: {  	v5 =	vsel vm1, $0x1, v3  }
0xab: {  	(xrf0) =	vadd.scan.msk.s32 $0xffff, v5;
	_ =	sdelay $0x5  }
0xac: {  	v5, _, _ =	vpop (xrf0)  }
0xad: {  	(v2sf) =	vpush v5, $0xF;
	_ =	sdelay $0x5  }
0xae: {  	s3 =	spop (v2sf)  }
0xaf: {  	s13 =	sadd.s32 $0xFFFFFFA0, s2;
	s0 =	sadd.s32 s12, s3  }
0xb0: {  	[tilespmem:s0+$0x4000] =	vst.msk vm1, v4;
	v4 =	vor.u32 s13, v2  }
0xb1: {  	[tilespmem:s0+$0x8080] =	vst.msk vm1, v4  }
0xb2: {  	v4 =	vld [tilespmem:s29+$0xFFFFFFE0];
	_ =	sdelay $0x4  }
0xb3: {  	vm1 =	vge.s32 v4, v0;
	vm2 =	vlt.s32 v4, v1;
	s16 =	spop (v2sf)  }
0xb4: {  	s17 =	sadd.s32 $0xFFFFFFB0, s2;
	s0 =	sadd.s32 s0, s16;
	vm1 =	vmand vm1, vm2  }
0xb5: {  	[tilespmem:s0+$0x4000] =	vst.msk vm1, v4;
	v4 =	vor.u32 s17, v2;
	v5 =	vsel vm1, $0x1, v3  }
0xb6: {  	[tilespmem:s0+$0x8080] =	vst.msk vm1, v4;
	(xrf0) =	vadd.scan.msk.s32 $0xffff, v5  }
0xb7: {  	v4 =	vld [tilespmem:s29+$0xFFFFFFF0];
	_ =	sdelay $0x4  }
0xb8: {  	vm1 =	vge.s32 v4, v0;
	vm2 =	vlt.s32 v4, v1;
	v5, _, _ =	vpop (xrf0)  }
0xb9: {  	vm1 =	vmand vm1, vm2;
	(v2sf) =	vpush v5, $0xF  }
0xba: {  	v5 =	vsel vm1, $0x1, v3  }
0xbb: {  	(xrf0) =	vadd.scan.msk.s32 $0xffff, v5;
	_ =	sdelay $0x5  }
0xbc: {  	v5, _, _ =	vpop (xrf0)  }
0xbd: {  	(v2sf) =	vpush v5, $0xF;
	_ =	sdelay $0x5  }
0xbe: {  	s22 =	spop (v2sf)  }
0xbf: {  	s30 =	sadd.s32 $0xFFFFFFC0, s2;
	s0 =	sadd.s32 s0, s22  }
0xc0: {  	[tilespmem:s0+$0x4000] =	vst.msk vm1, v4;
	v4 =	vor.u32 s30, v2  }
0xc1: {  	[tilespmem:s0+$0x8080] =	vst.msk vm1, v4  }
0xc2: {  	v4 =	vld [tilespmem:s29+$0x0];
	_ =	sdelay $0x4  }
0xc3: {  	vm1 =	vge.s32 v4, v0;
	vm2 =	vlt.s32 v4, v1;
	s31 =	spop (v2sf)  }
0xc4: {  	s3 =	sadd.s32 $0xFFFFFFD0, s2;
	s0 =	sadd.s32 s0, s31;
	vm1 =	vmand vm1, vm2  }
0xc5: {  	[tilespmem:s0+$0x4000] =	vst.msk vm1, v4;
	v4 =	vor.u32 s3, v2;
	v5 =	vsel vm1, $0x1, v3  }
0xc6: {  	[tilespmem:s0+$0x8080] =	vst.msk vm1, v4;
	(xrf0) =	vadd.scan.msk.s32 $0xffff, v5  }
0xc7: {  	v4 =	vld [tilespmem:s29+$0x10];
	_ =	sdelay $0x4  }
0xc8: {  	vm1 =	vge.s32 v4, v0;
	vm2 =	vlt.s32 v4, v1;
	v5, _, _ =	vpop (xrf0)  }
0xc9: {  	vm1 =	vmand vm1, vm2;
	(v2sf) =	vpush v5, $0xF  }
0xca: {  	v5 =	vsel vm1, $0x1, v3  }
0xcb: {  	(xrf0) =	vadd.scan.msk.s32 $0xffff, v5;
	_ =	sdelay $0x5  }
0xcc: {  	v5, _, _ =	vpop (xrf0)  }
0xcd: {  	(v2sf) =	vpush v5, $0xF;
	_ =	sdelay $0x5  }
0xce: {  	s13 =	spop (v2sf)  }
0xcf: {  	s16 =	sadd.s32 $0xFFFFFFE0, s2;
	s0 =	sadd.s32 s0, s13  }
0xd0: {  	[tilespmem:s0+$0x4000] =	vst.msk vm1, v4;
	v4 =	vor.u32 s16, v2  }
0xd1: {  	[tilespmem:s0+$0x8080] =	vst.msk vm1, v4  }
0xd2: {  	v4 =	vld [tilespmem:s29+$0x20];
	_ =	sdelay $0x4  }
0xd3: {  	vm1 =	vge.s32 v4, v0;
	vm2 =	vlt.s32 v4, v1;
	s17 =	spop (v2sf)  }
0xd4: {  	s22 =	sadd.s32 $0xFFFFFFF0, s2;
	s0 =	sadd.s32 s0, s17;
	vm1 =	vmand vm1, vm2  }
0xd5: {  	[tilespmem:s0+$0x4000] =	vst.msk vm1, v4;
	v4 =	vor.u32 s22, v2  }
0xd6: {  	[tilespmem:s0+$0x8080] =	vst.msk vm1, v4  }
0xd7: {  	v4 =	vld [tilespmem:s29+$0x30];
	_ =	sdelay $0x4  }
0xd8: {  	vm2 =	vge.s32 v4, v0;
	vm3 =	vlt.s32 v4, v1  }
0xd9: {  	v5 =	vsel vm1, $0x1, v3;
	vm1 =	vmand vm2, vm3  }
0xda: {  	(xrf0) =	vadd.scan.msk.s32 $0xffff, v5;
	v5 =	vsel vm1, $0x1, v3  }
0xdb: {  	(xrf0) =	vadd.scan.msk.s32 $0xffff, v5;
	_ =	sdelay $0x4  }
0xdc: {  	v5, _, _ =	vpop (xrf0)  }
0xdd: {  	(v2sf) =	vpush v5, $0xF;
	v5, _, _ =	vpop (xrf0)  }
0xde: {  	(v2sf) =	vpush v5, $0xF;
	_ =	sdelay $0xd  }
0xdf: {  	s30 =	spop (v2sf)  }
0xe0: {  	s13 =	sadd.s32 s0, s30;
	s31 =	spop (v2sf)  }
0xe1: {  	s12 =	sadd.s32 s13, s31  }
0xe2: {  	s0 =	sadd.s32 $0xF, s12  }
0xe3: {  	p0 =	slt.s32 s0, $0x10  }
.Ltmp3:
0xe4: {  	_ = 	snop;
	(pc) =	sbr.rel @p0 .LBB2_42-.Ltmp3, $3  }
0xe5: {  	_ =	sdelay $0x1  }
0xe6: {  	[tilespmem:s13+$0x4000] =	vst.msk vm1, v4;
	v4 =	vor.u32 s2, v2  }
0xe7: {  	[tilespmem:s13+$0x8080] =	vst.msk vm1, v4  }
0xe8: {  	s2 =	sshra.s32 s0, $0x1F  }
0xe9: {  	s2 =	sshrl.u32 s2, $0x1C  }
0xea: {  	s30 =	sadd.s32 s2, s0  }
0xeb: {  	s0 =	sshra.s32 s30, $0x4  }
0xec: {  	p0 =	seq.s32 s0, $0x1  }
.Ltmp4:
0xed: {  	_ = 	snop;
	(pc) =	sbr.rel @p0 .LBB2_5-.Ltmp4, $3  }
0xee: {  	_ =	sdelay $0x1  }
0xef: {  	s31 =	simm.s32 $0x4000;
	s16 =	simm.s32 $0x8080  }
0xf0: {  	v4 =	vmov s12;
	s12 =	simm.s32 $0x0;
	p1 =	por $0x0, $0x0;
	v5 =	vld [tilespmem:s31+$0x0];
	s2 =	sadd.s32 $0xFFFFFFFF, s0  }
0xf1: {  	_ =	sdelay $0x3  }
0xf2: {  	v5 =	vsub.s32 v5, v0  }
0xf3: {  	v6 =	vor.u32 s12, v2;
	vm1 =	vgt.s32 v5, $0x0  }
0xf4: {  	v5 =	vnsel vm1, $0x0, v5;
	vm1 =	vlt.s32 v6, v4  }
0xf5: {  	v6 =	vld [tilespmem:s16+$0x0];
	v5 =	vmin.u32 v5, $0xC34  }
0xf6: {  	p2 =	seq.s32 s2, $0x1  }
.Ltmp5:
0xf7: {  	_ = 	snop;
	(pc) =	sbr.rel @p2 .LBB2_7-.Ltmp5, $3  }
0xf8: {  	_ =	sdelay $0x1  }
0xf9: {  	s22 =	simm.s32 $0x4010;
	s29 =	sadd.s32 $0xFFFFFFFF, s2;
	[tilespmem:v5+s8+$0x0] =	vst.idx.msk vm1, v6  }
0xfa: {  	p1 =	por $0x1, $0x1;
	s17 =	simm.s32 $0x0;
	s13 =	simm.s32 $0x8080;
	v5 =	vld [tilespmem:s22+$0x0]  }
.LBB2_8:
0xfb: {  	p2 =	seq.s32 s29, $0x1;
	_ =	sdelay $0x3  }
0xfc: {  	s17 =	sadd.s32 $0x10, s17;
	v5 =	vsub.s32 v5, v0  }
0xfd: {  	v6 =	vor.u32 s17, v2;
	vm1 =	vgt.s32 v5, $0x0  }
0xfe: {  	s13 =	sadd.s32 $0x10, s13;
	v5 =	vnsel vm1, $0x0, v5;
	vm1 =	vlt.s32 v6, v4  }
0xff: {  	v5 =	vmin.u32 v5, $0xC34;
	v6 =	vld [tilespmem:s13+$0x0];
	_ =	sdelay $0x1  }
.Ltmp6:
0x100: {  	(pc) =	sbr.rel @!p2 .LBB2_8-.Ltmp6, $3  }
0x101: {  	_ =	sdelay $0x1  }
0x102: {  	s22 =	sadd.s32 $0x10, s22;
	[tilespmem:v5+s8+$0x0] =	vst.idx.msk vm1, v6  }
0x103: {  	s29 =	sadd.s32 $0xFFFFFFFF, s29;
	v5 =	vld [tilespmem:s22+$0x0]  }
.LBB2_9:
0x104: {  	_ =	sdelay $0x2  }
0x105: {  	s17 =	sadd.s32 @p1 $0x10, s17  }
0x106: {  	s12 =	smov.u32 @p1 s17;
	v5 =	vsub.s32 v5, v0  }
0x107: {  	v6 =	vor.u32 s12, v2;
	s12 =	sadd.s32 @p1 $0x10, s13;
	vm1 =	vgt.s32 v5, $0x0  }
0x108: {  	s16 =	smov.u32 @p1 s12;
	v5 =	vnsel vm1, $0x0, v5;
	vm1 =	vlt.s32 v6, v4  }
0x109: {  	v6 =	vld [tilespmem:s16+$0x0];
	v5 =	vmin.u32 v5, $0xC34;
	_ =	sdelay $0x4  }
0x10a: {  	[tilespmem:v5+s8+$0x0] =	vst.idx.msk vm1, v6  }
.LBB2_11:
.Ltmp7:
0x10b: {  	(pc) =	sbr.rel @p0 .LBB2_12-.Ltmp7, $3  }
0x10c: {  	_ =	sdelay $0x1  }
0x10d: {  	s31 =	simm.s32 $0x4000;
	s30 =	simm.s32 $0x8080  }
0x10e: {  	s29 =	simm.s32 $0x0;
	p1 =	por $0x0, $0x0;
	p2 =	por $0x0, $0x0  }
0x10f: {  	v5 =	vld [tilespmem:s31+$0x0];
	_ =	sdelay $0x2  }
0x110: {  	p3 =	seq.s32 s2, $0x1  }
.Ltmp8:
0x111: {  	_ = 	snop;
	(pc) =	sbr.rel @p3 .LBB2_14-.Ltmp8, $4  }
0x112: {  	v5 =	vsub.s32 v5, v0  }
0x113: {  	vm1 =	vgt.s32 v5, $0x0  }
0x114: {  	v5 =	vnsel vm1, $0x0, v5  }
0x115: {  	s12 =	sadd.s32 $0xFFFFFFFF, s2;
	p1 =	por $0x1, $0x1;
	v5 =	vmin.u32 v5, $0xC34  }
0x116: {  	_ =	sdelay $0x3  }
0x117: {  	v6 =	vld.idx.msk [tilespmem:v5+s8+$0x0], $0xffff  }
0x118: {  	v7 =	vld [tilespmem:s30+$0x0];
	_ =	sdelay $0x3  }
0x119: {  	v8 =	vor.u32 s29, v2  }
0x11a: {  	vm1 =	vlt.s32 v8, v4;
	vm2 =	vlt.s32 v6, v7  }
0x11b: {  	vm1 =	vmand vm1, vm2;
	_ =	sdelay $0x5  }
0x11c: {  	[tilespmem:v5+s8+$0x0] =	vst.idx.msk vm1, v7;
	v5 =	vsel vm1, $0x1, v3  }
0x11d: {  	s17 =	simm.s32 $0x4010;
	(xrf0) =	vadd.scan.msk.s32 $0xffff, v5  }
0x11e: {  	v6 =	vld [tilespmem:s17+$0x0];
	_ =	sdelay $0x4  }
0x11f: {  	v5 =	vsub.s32 v6, v0;
	v6, _, _ =	vpop (xrf0)  }
0x120: {  	(v2sf) =	vpush v6, $0xF  }
0x121: {  	p3 =	seq.s32 s12, $0x1  }
.Ltmp9:
0x122: {  	_ = 	snop;
	(pc) =	sbr.rel @p3 .LBB2_16-.Ltmp9, $4  }
0x123: {  	_ = 	snop  }
0x124: {  	vm1 =	vgt.s32 v5, $0x0  }
0x125: {  	s22 =	sadd.s32 $0xFFFFFFFF, s12;
	p2 =	por $0x1, $0x1;
	v5 =	vnsel vm1, $0x0, v5  }
0x126: {  	s12 =	simm.s32 $0x8080;
	s13 =	simm.s32 $0x0;
	s16 =	simm.s32 $0x0;
	v5 =	vmin.u32 v5, $0xC34  }
.LBB2_17:
0x127: {  	p3 =	seq.s32 s22, $0x1;
	_ =	sdelay $0x3  }
0x128: {  	s12 =	sadd.s32 $0x10, s12;
	v6 =	vld.idx.msk [tilespmem:v5+s8+$0x0], $0xffff  }
0x129: {  	v7 =	vld [tilespmem:s12+$0x0];
	_ =	sdelay $0x2  }
0x12a: {  	s13 =	sadd.s32 $0x10, s13;
	s3 =	spop (v2sf)  }
0x12b: {  	v8 =	vor.u32 s13, v2;
	s16 =	sadd.s32 s16, s3  }
0x12c: {  	vm1 =	vlt.s32 v8, v4;
	vm2 =	vlt.s32 v6, v7  }
0x12d: {  	vm1 =	vmand vm1, vm2  }
0x12e: {  	v6 =	vsel vm1, $0x1, v3  }
0x12f: {  	(xrf0) =	vadd.scan.msk.s32 $0xffff, v6;
	_ =	sdelay $0x3  }
0x130: {  	s17 =	sadd.s32 $0x10, s17;
	[tilespmem:v5+s8+$0x0] =	vst.idx.msk vm1, v7  }
0x131: {  	v5 =	vld [tilespmem:s17+$0x0]  }
0x132: {  	v6, _, _ =	vpop (xrf0)  }
0x133: {  	(v2sf) =	vpush v6, $0xF;
	_ =	sdelay $0x1  }
.Ltmp10:
0x134: {  	(pc) =	sbr.rel @!p3 .LBB2_17-.Ltmp10, $4  }
0x135: {  	v5 =	vsub.s32 v5, v0  }
0x136: {  	vm1 =	vgt.s32 v5, $0x0  }
0x137: {  	v5 =	vnsel vm1, $0x0, v5  }
0x138: {  	s22 =	sadd.s32 $0xFFFFFFFF, s22;
	v5 =	vmin.u32 v5, $0xC34  }
.LBB2_18:
0x139: {  	_ =	sdelay $0x2  }
0x13a: {  	s3 =	sadd.s32 @p2 $0x10, s12;
	s12 =	simm.s32 $0x8080  }
0x13b: {  	v6 =	vld.idx.msk @p1 [tilespmem:v5+s8+$0x0], $0xffff;
	s12 =	smov.u32 @p2 s3  }
0x13c: {  	v7 =	vld @p1 [tilespmem:s12+$0x0];
	_ =	sdelay $0x1  }
0x13d: {  	s3 =	sadd.s32 @p2 $0x10, s13;
	s13 =	simm.s32 $0x0  }
0x13e: {  	s13 =	smov.u32 @p2 s3  }
0x13f: {  	v8 =	vor.u32 @p1 s13, v2  }
0x140: {  	vm1 =	vlt.s32 @p1 v8, v4;
	vm2 =	vlt.s32 @p1 v6, v7  }
0x141: {  	vm1 =	vmand @p1 vm1, vm2;
	_ =	sdelay $0x4  }
0x142: {  	s3 =	sadd.s32 @p1 $0x10, s17  }
0x143: {  	s31 =	smov.u32 @p1 s3;
	[tilespmem:v5+s8+$0x0] =	vst.idx.msk @p1 vm1, v7  }
0x144: {  	v5 =	vld [tilespmem:s31+$0x0];
	_ =	sdelay $0x4  }
0x145: {  	v5 =	vsub.s32 v5, v0  }
0x146: {  	vm2 =	vgt.s32 v5, $0x0  }
0x147: {  	v5 =	vnsel vm2, $0x0, v5  }
0x148: {  	v5 =	vmin.u32 v5, $0xC34;
	_ =	sdelay $0x1  }
0x149: {  	s3 =	sadd.s32 @p1 $0x10, s12  }
0x14a: {  	s30 =	smov.u32 @p1 s3  }
0x14b: {  	v7 =	vld [tilespmem:s30+$0x0]  }
0x14c: {  	v6 =	vld.idx.msk [tilespmem:v5+s8+$0x0], $0xffff;
	_ =	sdelay $0x1  }
0x14d: {  	s12 =	simm.s32 $0x0;
	s3 =	sadd.s32 @p1 $0x10, s13  }
0x14e: {  	s12 =	smov.u32 @p1 s3  }
0x14f: {  	v63 =	vor.u32 s12, v2  }
0x150: {  	v8 =	vsel @p1 vm1, $0x1, v3;
	vm2 =	vlt.s32 v63, v4;
	vm1 =	vlt.s32 v6, v7  }
0x151: {  	(xrf0) =	vadd.scan.msk.s32 @p1 $0xffff, v8;
	vm1 =	vmand vm2, vm1  }
0x152: {  	v6 =	vsel vm1, $0x1, v3  }
0x153: {  	(xrf0) =	vadd.scan.msk.s32 $0xffff, v6;
	_ =	sdelay $0x3  }
0x154: {  	v6, _, _ =	vpop @p1 (xrf0)  }
0x155: {  	(v2sf) =	vpush @p1 v6, $0xF  }
0x156: {  	v6, _, _ =	vpop (xrf0)  }
0x157: {  	(v2sf) =	vpush v6, $0xF;
	_ =	sdelay $0xa  }
0x158: {  	s3 =	spop @p2 (v2sf)  }
0x159: {  	s12 =	simm.s32 $0x0;
	s3 =	sadd.s32 @p2 s16, s3  }
0x15a: {  	s12 =	smov.u32 @p2 s3;
	s13 =	spop @p1 (v2sf)  }
0x15b: {  	s3 =	sadd.s32 @p1 s12, s13  }
0x15c: {  	s29 =	smov.u32 @p1 s3;
	s31 =	spop (v2sf)  }
0x15d: {  	[tilespmem:v5+s8+$0x0] =	vst.idx.msk vm1, v7;
	s12 =	sadd.s32 s29, s31  }
0x15e: {  	p1 =	slt.s32 s12, $0x1  }
.Ltmp11:
0x15f: {  	_ = 	snop;
	(pc) =	sbr.rel @!p1 .LBB2_11-.Ltmp11, $4  }
.Ltmp12:
0x160: {  	_ = 	snop;
	(pc) =	sbr.rel @p1 .LBB2_19-.Ltmp12, $4  }
0x161: {  	_ = 	snop  }
0x162: {  	_ = 	snop  }
0x163: {  	s12 =	simm.s32 $0x4000;
	s29 =	simm.s32 $0x8080;
	s30 =	simm.s32 $0x0  }
0x164: {  	_ = 	snop  }
.LBB2_12:
.Ltmp13:
0x165: {  	(pc) =	sbr.rel .LBB2_18-.Ltmp13, $3  }
0x166: {  	_ =	sdelay $0x1  }
0x167: {  	s12 =	simm.s32 $0x8080  }
0x168: {  	s13 =	simm.s32 $0x0;
	s16 =	simm.s32 $0x0;
	s17 =	simm.s32 $0x4000  }
.LBB2_14:
.Ltmp14:
0x169: {  	(pc) =	sbr.rel .LBB2_18-.Ltmp14, $3  }
0x16a: {  	_ =	sdelay $0x1  }
0x16b: {  	s12 =	simm.s32 $0x8080  }
0x16c: {  	s13 =	simm.s32 $0x0;
	s16 =	simm.s32 $0x0;
	s17 =	simm.s32 $0x4000  }
.LBB2_16:
.Ltmp15:
0x16d: {  	(pc) =	sbr.rel .LBB2_18-.Ltmp15, $2  }
0x16e: {  	_ =	sdelay $0x2  }
0x16f: {  	s12 =	simm.s32 $0x8080;
	s13 =	simm.s32 $0x0;
	s16 =	simm.s32 $0x0  }
.LBB2_19:
0x170: {  	p1 =	sne.s32 s0, $0x1  }
.Ltmp16:
0x171: {  	_ = 	snop;
	(pc) =	sbr.rel @!p1 .LBB2_20-.Ltmp16, $2  }
0x172: {  	_ =	sdelay $0x2  }
0x173: {  	v5 =	vld [tilespmem:s12+$0x0];
	s0 =	sadd.s32 $0xFFFFFFFF, s0;
	p0 =	por $0x0, $0x0  }
0x174: {  	_ =	sdelay $0x3  }
0x175: {  	v6 =	vsub.s32 v5, v0  }
0x176: {  	vm1 =	vgt.s32 v6, $0x0  }
0x177: {  	v6 =	vnsel vm1, $0x0, v6  }
0x178: {  	v6 =	vmin.u32 v6, $0xC34;
	_ =	sdelay $0x3  }
0x179: {  	v7 =	vld [tilespmem:s29+$0x0]  }
0x17a: {  	v6 =	vld.idx.msk [tilespmem:v6+s8+$0x0], $0xffff;
	_ =	sdelay $0x3  }
0x17b: {  	v8 =	vor.u32 s30, v2  }
0x17c: {  	p1 =	sne.s32 s0, $0x1;
	vm1 =	vlt.s32 v8, v4;
	vm2 =	veq.s32 v6, v7  }
.Ltmp17:
0x17d: {  	vm1 =	vmand vm1, vm2;
	(pc) =	sbr.rel @!p1 .LBB2_22-.Ltmp17, $4  }
0x17e: {  	[tilespmem:s30+$0x4000] =	vst.msk vm1, v5;
	v5 =	vsel vm1, $0x1, v3  }
0x17f: {  	(xrf0) =	vadd.scan.msk.s32 $0xffff, v5  }
0x180: {  	s13 =	sadd.s32 $0x10, s12;
	s16 =	sadd.s32 $0xFFFFFFFF, s0;
	p0 =	por $0x1, $0x1;
	[tilespmem:s30+$0x8080] =	vst.msk vm1, v7  }
0x181: {  	s12 =	simm.s32 $0x8080;
	s2 =	simm.s32 $0x0;
	s0 =	simm.s32 $0x0;
	v5 =	vld [tilespmem:s13+$0x0]  }
.LBB2_23:
0x182: {  	p1 =	sne.s32 s16, $0x1;
	_ =	sdelay $0x2  }
0x183: {  	v6, _, _ =	vpop (xrf0)  }
0x184: {  	v7 =	vsub.s32 v5, v0;
	(v2sf) =	vpush v6, $0xF  }
0x185: {  	vm1 =	vgt.s32 v7, $0x0  }
0x186: {  	v6 =	vnsel vm1, $0x0, v7  }
0x187: {  	v6 =	vmin.u32 v6, $0xC34;
	_ =	sdelay $0x4  }
0x188: {  	s12 =	sadd.s32 $0x10, s12;
	v6 =	vld.idx.msk [tilespmem:v6+s8+$0x0], $0xffff  }
0x189: {  	v7 =	vld [tilespmem:s12+$0x0];
	_ =	sdelay $0x2  }
0x18a: {  	s2 =	sadd.s32 $0x10, s2  }
0x18b: {  	v8 =	vor.u32 s2, v2  }
0x18c: {  	vm1 =	vlt.s32 v8, v4;
	vm2 =	veq.s32 v6, v7  }
.Ltmp18:
0x18d: {  	vm1 =	vmand vm1, vm2;
	s3 =	spop (v2sf);
	(pc) =	sbr.rel @p1 .LBB2_23-.Ltmp18, $4  }
0x18e: {  	v6 =	vsel vm1, $0x1, v3;
	s0 =	sadd.s32 s0, s3  }
0x18f: {  	[tilespmem:s0+$0x4000] =	vst.msk vm1, v5;
	(xrf0) =	vadd.scan.msk.s32 $0xffff, v6  }
0x190: {  	s13 =	sadd.s32 $0x10, s13;
	[tilespmem:s0+$0x8080] =	vst.msk vm1, v7  }
0x191: {  	s16 =	sadd.s32 $0xFFFFFFFF, s16;
	v5 =	vld [tilespmem:s13+$0x0]  }
.LBB2_24:
0x192: {  	_ =	sdelay $0x3  }
0x193: {  	v6 =	vsub.s32 v5, v0  }
0x194: {  	vm1 =	vgt.s32 v6, $0x0  }
0x195: {  	v6 =	vnsel vm1, $0x0, v6  }
0x196: {  	v6 =	vmin.u32 v6, $0xC34;
	_ =	sdelay $0x1  }
0x197: {  	s3 =	sadd.s32 @p0 $0x10, s12  }
0x198: {  	s29 =	smov.u32 @p0 s3  }
0x199: {  	v7 =	vld [tilespmem:s29+$0x0]  }
0x19a: {  	v6 =	vld.idx.msk [tilespmem:v6+s8+$0x0], $0xffff;
	_ =	sdelay $0x1  }
0x19b: {  	s2 =	sadd.s32 @p0 $0x10, s2;
	s3 =	simm.s32 $0x0  }
0x19c: {  	s3 =	smov.u32 @p0 s2  }
0x19d: {  	v8 =	vor.u32 s3, v2  }
0x19e: {  	vm1 =	vlt.s32 v8, v4;
	vm2 =	veq.s32 v6, v7  }
0x19f: {  	vm1 =	vmand vm1, vm2  }
0x1a0: {  	v4 =	vsel vm1, $0x1, v3  }
0x1a1: {  	(xrf0) =	vadd.scan.msk.s32 $0xffff, v4;
	_ =	sdelay $0x3  }
0x1a2: {  	v4, _, _ =	vpop @p0 (xrf0)  }
0x1a3: {  	(v2sf) =	vpush @p0 v4, $0xF  }
0x1a4: {  	v4, _, _ =	vpop (xrf0)  }
0x1a5: {  	(v2sf) =	vpush v4, $0xF;
	_ =	sdelay $0xc  }
0x1a6: {  	s2 =	spop @p0 (v2sf)  }
0x1a7: {  	s0 =	sadd.s32 @p0 s0, s2  }
0x1a8: {  	s30 =	smov.u32 @p0 s0;
	s31 =	spop (v2sf)  }
0x1a9: {  	s29 =	sadd.s32 s30, s31  }
0x1aa: {  	p0 =	slt.s32 s29, $0x1  }
.Ltmp19:
0x1ab: {  	_ = 	snop;
	(pc) =	sbr.rel @p0 .LBB2_42-.Ltmp19, $3  }
0x1ac: {  	_ =	sdelay $0x1  }
0x1ad: {  	[tilespmem:s30+$0x4000] =	vst.msk vm1, v5  }
0x1ae: {  	[tilespmem:s30+$0x8080] =	vst.msk vm1, v7  }
0x1af: {  	v4 =	vld [tilespmem:s29+$0x3FFF];
	_ =	sdelay $0x3  }
0x1b0: {  	v5 =	vld [tilespmem:s29+$0x807F]  }
0x1b1: {  	v4 =	vnsel vm0, $0x0, v4  }
0x1b2: {  	(xrf0) =	vadd.scan.msk.s32 $0xffff, v4;
	_ =	sdelay $0x2  }
0x1b3: {  	v4 =	vnsel vm0, $0x0, v5  }
0x1b4: {  	(xrf0) =	vadd.scan.msk.s32 $0xffff, v4;
	_ =	sdelay $0x1  }
0x1b5: {  	v4, _, _ =	vpop (xrf0)  }
0x1b6: {  	v4 =	vbroadcast v4, $0xF;
	_ =	sdelay $0x1  }
0x1b7: {  	[tilespmem:s29+$0x4000] =	vst v4  }
0x1b8: {  	v5, _, _ =	vpop (xrf0);
	[tilespmem:s29+$0x4010] =	vst v4  }
0x1b9: {  	v5 =	vbroadcast v5, $0xF;
	[tilespmem:s29+$0x4020] =	vst v4  }
0x1ba: {  	[tilespmem:s29+$0x4030] =	vst v4  }
0x1bb: {  	[tilespmem:s29+$0x8080] =	vst v5  }
0x1bc: {  	[tilespmem:s29+$0x8090] =	vst v5  }
0x1bd: {  	[tilespmem:s29+$0x80A0] =	vst v5  }
0x1be: {  	[tilespmem:s29+$0x80B0] =	vst v5  }
0x1bf: {  	v4 =	vld [tilespmem:$0x4000]  }
0x1c0: {  	v5 =	vld [tilespmem:$0x8080]  }
0x1c1: {  	v6 =	vld [tilespmem:$0x4010]  }
0x1c2: {  	v7 =	vld [tilespmem:$0x8090]  }
0x1c3: {  	v8 =	vld [tilespmem:$0x4020]  }
0x1c4: {  	v63 =	vld [tilespmem:$0x80B0];
	[tilespmem:$0xCD80] =	vst v4  }
0x1c5: {  	v4 =	vld [tilespmem:$0x80A0];
	[tilespmem:$0xCE00] =	vst v5  }
0x1c6: {  	v5 =	vld [tilespmem:$0x4030];
	[tilespmem:$0xCD90] =	vst v6  }
0x1c7: {  	[tilespmem:$0xCE10] =	vst v7  }
0x1c8: {  	s0 =	sadd.s32 $0x3F, s29;
	[tilespmem:$0xCDA0] =	vst v8  }
0x1c9: {  	p0 =	slt.s32 s0, $0x80;
	[tilespmem:$0xCE30] =	vst v63  }
.Ltmp20:
0x1ca: {  	[tilespmem:$0xCE20] =	vst v4;
	(pc) =	sbr.rel @p0 .LBB2_27-.Ltmp20, $4  }
0x1cb: {  	[tilespmem:$0xCDB0] =	vst v5  }
0x1cc: {  	[tilespmem:s11], [sflag:$0x1] =	stream.indirect.gather [hbm4b:s1+s9], $0x80, s10, s9, $0xb8;
	[tilespmem:$0x19080] =	vst v63  }
0x1cd: {  	s2 =	simm.s32 $0xCE00;
	s3 =	simm.s32 $0xEE80  }
0x1ce: {  	[tilespmem:s3], [sflag:$0x2] =	stream.indirect.gather [hbm4b:s4+s9], $0x80, s2, s9, $0xb8;
	[tilespmem:$0x19080] =	vst v63  }
0x1cf: {  	v4 =	vld [tilespmem:$0x4040]  }
0x1d0: {  	v5 =	vld [tilespmem:$0x80C0]  }
0x1d1: {  	v6 =	vld [tilespmem:$0x4050]  }
0x1d2: {  	v7 =	vld [tilespmem:$0x80D0]  }
0x1d3: {  	v8 =	vld [tilespmem:$0x4060]  }
0x1d4: {  	v63 =	vld [tilespmem:$0x80F0];
	[tilespmem:$0x10E80] =	vst v4  }
0x1d5: {  	v4 =	vld [tilespmem:$0x80E0];
	[tilespmem:$0x10F00] =	vst v5  }
0x1d6: {  	v5 =	vld [tilespmem:$0x4070];
	[tilespmem:$0x10E90] =	vst v6  }
0x1d7: {  	[tilespmem:$0x10F10] =	vst v7  }
0x1d8: {  	[tilespmem:$0x10EA0] =	vst v8  }
0x1d9: {  	[tilespmem:$0x10F30] =	vst v63  }
.Ltmp21:
0x1da: {  	[tilespmem:$0x10F20] =	vst v4;
	(pc) =	sbr.rel .LBB2_28-.Ltmp21, $4  }
0x1db: {  	[tilespmem:$0x10EB0] =	vst v5  }
0x1dc: {  	[tilespmem:s15], [sflag:$0x4] =	stream.indirect.gather [hbm4b:s1+s9], $0x80, s14, s9, $0xb8;
	[tilespmem:$0x19080] =	vst v63  }
0x1dd: {  	s2 =	simm.s32 $0x10F00;
	s3 =	simm.s32 $0x12F80  }
0x1de: {  	[tilespmem:s3], [sflag:$0x5] =	stream.indirect.gather [hbm4b:s4+s9], $0x80, s2, s9, $0xb8;
	[tilespmem:$0x19080] =	vst v63  }
.LBB2_27:
0x1df: {  	p1 =	slt.s32 s0, $0x40  }
.Ltmp22:
0x1e0: {  	_ = 	snop;
	(pc) =	sbr.rel @p1 .LBB2_42-.Ltmp22, $1  }
0x1e1: {  	_ =	sdelay $0x3  }
.LBB2_28:
.Ltmp23:
0x1e2: {  	(pc) =	sbr.rel .LBB2_29-.Ltmp23, $4  }
0x1e3: {  	s2 =	sshra.s32 s0, $0x1F  }
0x1e4: {  	s2 =	sshrl.u32 s2, $0x1A  }
0x1e5: {  	s22 =	sadd.s32 s2, s0  }
0x1e6: {  	s31 =	simm.s32 $0x0;
	s30 =	sshra.s32 s22, $0x6  }
.LBB2_40:
0x1e7: {  	s31 =	sadd.s32 $0x1, s31  }
0x1e8: {  	p1 =	sne.s32 s31, s30  }
.Ltmp24:
0x1e9: {  	_ = 	snop;
	(pc) =	sbr.rel @!p1 .LBB2_41-.Ltmp24, $1  }
0x1ea: {  	_ =	sdelay $0x3  }
.LBB2_29:
0x1eb: {  	s0 =	smulhi.u32 $0xAAAAAAAB, s31;
	_ =	sdelay $0x1  }
0x1ec: {  	s0 =	sshrl.u32 s0, $0x1  }
0x1ed: {  	s0 =	smul.u32 $0x3, s0;
	_ =	sdelay $0x1  }
0x1ee: {  	s2 =	ssub.s32 s31, s0  }
0x1ef: {  	p2 =	seq.s32 s2, $0x2  }
.Ltmp25:
0x1f0: {  	_ = 	snop;
	(pc) =	sbr.rel @p2 .LBB2_37-.Ltmp25, $3  }
0x1f1: {  	_ =	sdelay $0x1  }
0x1f2: {  	s0 =	sadd.s32 $0x2, s31  }
0x1f3: {  	p1 =	sge.s32 s0, s30  }
0x1f4: {  	p2 =	seq.s32 s2, $0x1  }
.Ltmp26:
0x1f5: {  	_ = 	snop;
	(pc) =	sbr.rel @!p2 .LBB2_31-.Ltmp26, $2  }
0x1f6: {  	_ =	sdelay $0x2  }
0x1f7: {  	s0 =	sshll.u32 @!p1 s0, $0x6  }
0x1f8: {  	s2 =	simm.s32 @!p1 $0x3  }
0x1f9: {  	_ =	swait.ge @!p1 [sflag:s2], $0x2000  }
0x1fa: {  	[sflag:s2] =	ssyncset.done @!p1 $0x0  }
0x1fb: {  	[sflag:s2] =	ssyncadd.s32 @!p1 $0xFFFFE000  }
0x1fc: {  	v4 =	vld @!p1 [tilespmem:s0+$0x4000];
	_ =	sdelay $0x4  }
0x1fd: {  	[tilespmem:$0xCD80] =	vst @!p1 v4  }
0x1fe: {  	v4 =	vld @!p1 [tilespmem:s0+$0x8080];
	_ =	sdelay $0x4  }
0x1ff: {  	[tilespmem:$0xCE00] =	vst @!p1 v4  }
0x200: {  	v4 =	vld @!p1 [tilespmem:s0+$0x4010];
	_ =	sdelay $0x4  }
0x201: {  	[tilespmem:$0xCD90] =	vst @!p1 v4  }
0x202: {  	v4 =	vld @!p1 [tilespmem:s0+$0x8090];
	_ =	sdelay $0x4  }
0x203: {  	[tilespmem:$0xCE10] =	vst @!p1 v4  }
0x204: {  	v4 =	vld @!p1 [tilespmem:s0+$0x4020];
	_ =	sdelay $0x4  }
0x205: {  	[tilespmem:$0xCDA0] =	vst @!p1 v4  }
0x206: {  	v4 =	vld @!p1 [tilespmem:s0+$0x80A0];
	_ =	sdelay $0x4  }
0x207: {  	[tilespmem:$0xCE20] =	vst @!p1 v4  }
0x208: {  	v4 =	vld @!p1 [tilespmem:s0+$0x4030];
	_ =	sdelay $0x4  }
0x209: {  	[tilespmem:$0xCDB0] =	vst @!p1 v4  }
0x20a: {  	v4 =	vld @!p1 [tilespmem:s0+$0x80B0];
	_ =	sdelay $0x4  }
0x20b: {  	s3 =	simm.s32 @!p1 $0xCE80;
	s2 =	simm.s32 @!p1 $0xCD80;
	s0 =	simm.s32 @!p1 $0x40;
	[tilespmem:$0xCE30] =	vst @!p1 v4  }
0x20c: {  	[tilespmem:s3], [sflag:$0x1] =	stream.indirect.gather @!p1 [hbm4b:s1+s0], $0x80, s2, s0, $0xb8;
	[tilespmem:$0x19080] =	vst v63  }
0x20d: {  	s2 =	simm.s32 @!p1 $0xCE00;
	s3 =	simm.s32 @!p1 $0xEE80  }
0x20e: {  	[tilespmem:s3], [sflag:$0x2] =	stream.indirect.gather @!p1 [hbm4b:s4+s0], $0x80, s2, s0, $0xb8;
	[tilespmem:$0x19080] =	vst v63  }
0x20f: {  	_ =	swait.ge [sflag:s23], $0x2000  }
0x210: {  	[sflag:s23] =	ssyncset.done $0x0  }
0x211: {  	[sflag:s23] =	ssyncadd.s32 $0xFFFFE000  }
0x212: {  	_ =	swait.ge [sflag:s24], $0x2000  }
0x213: {  	[sflag:s24] =	ssyncset.done $0x0  }
0x214: {  	s2 =	simm.s32 $0x0;
	[sflag:s24] =	ssyncadd.s32 $0xFFFFE000  }
0x215: {  	v11 =	vld [tilespmem:s2+$0x12F80]  }
0x216: {  	v12 =	vld [tilespmem:s2+$0x12F90]  }
0x217: {  	v13 =	vld [tilespmem:s2+$0x12FA0]  }
0x218: {  	v14 =	vld [tilespmem:s2+$0x12FB0]  }
0x219: {  	v15 =	vld [tilespmem:s2+$0x12FC0]  }
0x21a: {  	v16 =	vld [tilespmem:s2+$0x12FD0]  }
0x21b: {  	v17 =	vld [tilespmem:s2+$0x12FE0]  }
0x21c: {  	v18 =	vld [tilespmem:s2+$0x12FF0]  }
0x21d: {  	v19 =	vld [tilespmem:s2+$0x13000]  }
0x21e: {  	v20 =	vld [tilespmem:s2+$0x13010]  }
0x21f: {  	v21 =	vld [tilespmem:s2+$0x13020]  }
0x220: {  	v22 =	vld [tilespmem:s2+$0x13030]  }
0x221: {  	v23 =	vld [tilespmem:s2+$0x13040]  }
0x222: {  	v24 =	vld [tilespmem:s2+$0x13050]  }
0x223: {  	v25 =	vld [tilespmem:s2+$0x13060]  }
0x224: {  	v26 =	vld [tilespmem:s2+$0x13070]  }
0x225: {  	v27 =	vld [tilespmem:s2+$0x13080]  }
0x226: {  	v28 =	vld [tilespmem:s2+$0x13090]  }
0x227: {  	v29 =	vld [tilespmem:s2+$0x130A0]  }
0x228: {  	v30 =	vld [tilespmem:s2+$0x130B0]  }
0x229: {  	v31 =	vld [tilespmem:s2+$0x130C0]  }
0x22a: {  	v32 =	vld [tilespmem:s2+$0x130D0]  }
0x22b: {  	v33 =	vld [tilespmem:s2+$0x130E0]  }
0x22c: {  	v34 =	vld [tilespmem:s2+$0x130F0]  }
0x22d: {  	v35 =	vld [tilespmem:s2+$0x13100]  }
0x22e: {  	v10 =	vld [tilespmem:s2+$0x13110]  }
0x22f: {  	v9 =	vld [tilespmem:s2+$0x13120]  }
0x230: {  	v8 =	vld [tilespmem:s2+$0x13130]  }
0x231: {  	v7 =	vld [tilespmem:s2+$0x13140]  }
0x232: {  	v6 =	vld [tilespmem:s2+$0x13150]  }
0x233: {  	v36 =	vld [tilespmem:s2+$0x10F80]  }
0x234: {  	v37 =	vld [tilespmem:s2+$0x10F90]  }
0x235: {  	v38 =	vld [tilespmem:s2+$0x10FA0]  }
0x236: {  	v39 =	vld [tilespmem:s2+$0x10FB0]  }
0x237: {  	v40 =	vld [tilespmem:s2+$0x10FC0]  }
0x238: {  	v41 =	vld [tilespmem:s2+$0x10FD0];
	v11 =	vmul.f32 $8.000000110e-01, v11;
	v36 =	vmul.f32 $2.000000030e-01, v36  }
0x239: {  	v42 =	vld [tilespmem:s2+$0x10FE0];
	v12 =	vmul.f32 $8.000000110e-01, v12;
	v37 =	vmul.f32 $2.000000030e-01, v37  }
0x23a: {  	v56 =	vld [tilespmem:s2+$0x10FF0];
	v13 =	vmul.f32 $8.000000110e-01, v13;
	v57 =	vmul.f32 $2.000000030e-01, v38;
	v11 =	vadd.f32 v11, v36  }
0x23b: {  	v43 =	vld [tilespmem:s2+$0x11000];
	v14 =	vmul.f32 $8.000000110e-01, v14;
	v58 =	vmul.f32 $2.000000030e-01, v39;
	v12 =	vadd.f32 v12, v37  }
0x23c: {  	v15 =	vmul.f32 $8.000000110e-01, v15;
	v59 =	vmul.f32 $2.000000030e-01, v40;
	v13 =	vadd.f32 v13, v57;
	[tilespmem:s2+$0x10F80] =	vst v11;
	v11 =	vld [tilespmem:s2+$0x11010]  }
0x23d: {  	v16 =	vmul.f32 $8.000000110e-01, v16;
	v60 =	vmul.f32 $2.000000030e-01, v41;
	v14 =	vadd.f32 v14, v58;
	[tilespmem:s2+$0x10F90] =	vst v12;
	v12 =	vld [tilespmem:s2+$0x11020]  }
0x23e: {  	v17 =	vmul.f32 $8.000000110e-01, v17;
	v61 =	vmul.f32 $2.000000030e-01, v42;
	v15 =	vadd.f32 v15, v59;
	[tilespmem:s2+$0x10FA0] =	vst v13;
	v13 =	vld [tilespmem:s2+$0x11030]  }
0x23f: {  	v18 =	vmul.f32 $8.000000110e-01, v18;
	v16 =	vadd.f32 v16, v60;
	v36 =	vmul.f32 $2.000000030e-01, v56;
	[tilespmem:s2+$0x10FB0] =	vst v14;
	v14 =	vld [tilespmem:s2+$0x11040]  }
0x240: {  	v19 =	vmul.f32 $8.000000110e-01, v19;
	v62 =	vmul.f32 $2.000000030e-01, v43;
	v17 =	vadd.f32 v17, v61;
	[tilespmem:s2+$0x10FC0] =	vst v15;
	v15 =	vld [tilespmem:s2+$0x11050]  }
0x241: {  	v20 =	vmul.f32 $8.000000110e-01, v20;
	[tilespmem:s2+$0x10FD0] =	vst v16;
	v16 =	vld [tilespmem:s2+$0x11060];
	v18 =	vadd.f32 v18, v36;
	v11 =	vmul.f32 $2.000000030e-01, v11  }
0x242: {  	v21 =	vmul.f32 $8.000000110e-01, v21;
	v19 =	vadd.f32 v19, v62;
	[tilespmem:s2+$0x10FE0] =	vst v17;
	v17 =	vld [tilespmem:s2+$0x11070];
	v12 =	vmul.f32 $2.000000030e-01, v12  }
0x243: {  	[tilespmem:s2+$0x10FF0] =	vst v18;
	v18 =	vld [tilespmem:s2+$0x11080];
	v13 =	vmul.f32 $2.000000030e-01, v13;
	v11 =	vadd.f32 v20, v11;
	v20 =	vmul.f32 $8.000000110e-01, v22  }
0x244: {  	v5 =	vld [tilespmem:s2+$0x13160];
	[tilespmem:s2+$0x11000] =	vst v19;
	v14 =	vmul.f32 $2.000000030e-01, v14;
	v12 =	vadd.f32 v21, v12;
	v21 =	vmul.f32 $8.000000110e-01, v23  }
0x245: {  	v19 =	vld [tilespmem:s2+$0x11090];
	v15 =	vmul.f32 $2.000000030e-01, v15;
	[tilespmem:s2+$0x11010] =	vst v11;
	v13 =	vadd.f32 v20, v13;
	v20 =	vmul.f32 $8.000000110e-01, v24  }
0x246: {  	v16 =	vmul.f32 $2.000000030e-01, v16;
	v11 =	vld [tilespmem:s2+$0x110A0];
	[tilespmem:s2+$0x11020] =	vst v12;
	v14 =	vadd.f32 v21, v14;
	v21 =	vmul.f32 $8.000000110e-01, v25  }
0x247: {  	v17 =	vmul.f32 $2.000000030e-01, v17;
	v12 =	vld [tilespmem:s2+$0x110B0];
	[tilespmem:s2+$0x11030] =	vst v13;
	v15 =	vadd.f32 v20, v15;
	v20 =	vmul.f32 $8.000000110e-01, v26  }
0x248: {  	v18 =	vmul.f32 $2.000000030e-01, v18;
	v13 =	vld [tilespmem:s2+$0x110C0];
	[tilespmem:s2+$0x11040] =	vst v14;
	v16 =	vadd.f32 v21, v16;
	v21 =	vmul.f32 $8.000000110e-01, v27  }
0x249: {  	v14 =	vld [tilespmem:s2+$0x110D0];
	[tilespmem:s2+$0x11050] =	vst v15;
	v17 =	vadd.f32 v20, v17  }
0x24a: {  	v4 =	vld [tilespmem:s2+$0x13170];
	v19 =	vmul.f32 $2.000000030e-01, v19;
	[tilespmem:s2+$0x11060] =	vst v16;
	v16 =	vmul.f32 $8.000000110e-01, v28;
	v18 =	vadd.f32 v21, v18  }
0x24b: {  	v15 =	vld [tilespmem:s2+$0x110E0];
	v11 =	vmul.f32 $2.000000030e-01, v11;
	[tilespmem:s2+$0x11070] =	vst v17;
	v17 =	vmul.f32 $8.000000110e-01, v29  }
0x24c: {  	v20 =	vld [tilespmem:s2+$0x110F0];
	v22 =	vmul.f32 $2.000000030e-01, v12;
	v16 =	vadd.f32 v16, v19;
	[tilespmem:s2+$0x11080] =	vst v18;
	v18 =	vmul.f32 $8.000000110e-01, v30  }
0x24d: {  	v21 =	vld [tilespmem:s2+$0x11100];
	v13 =	vmul.f32 $2.000000030e-01, v13;
	v11 =	vadd.f32 v17, v11  }
0x24e: {  	v19 =	vld [tilespmem:s2+$0x11110];
	v14 =	vmul.f32 $2.000000030e-01, v14;
	[tilespmem:s2+$0x11090] =	vst v16;
	v16 =	vmul.f32 $8.000000110e-01, v31;
	v17 =	vadd.f32 v18, v22  }
0x24f: {  	s0 =	simm.s32 $0x800;
	v12 =	vld [tilespmem:s2+$0x11120];
	v18 =	vmul.f32 $8.000000110e-01, v32;
	v22 =	vmul.f32 $8.000000110e-01, v34;
	[tilespmem:s2+$0x110A0] =	vst v11  }
0x250: {  	v23 =	vmul.f32 $2.000000030e-01, v15;
	v11 =	vld [tilespmem:s2+$0x11130];
	v16 =	vadd.f32 v16, v13;
	[tilespmem:s2+$0x110B0] =	vst v17;
	v17 =	vmul.f32 $8.000000110e-01, v33  }
0x251: {  	v63 =	vmul.f32 $2.000000030e-01, v20;
	v15 =	vmul.f32 $8.000000110e-01, v10;
	v13 =	vld [tilespmem:s2+$0x11140];
	v18 =	vadd.f32 v18, v14  }
0x252: {  	v20 =	vmul.f32 $2.000000030e-01, v21;
	v14 =	vld [tilespmem:s2+$0x11150];
	[tilespmem:s2+$0x110C0] =	vst v16;
	v16 =	vmul.f32 $8.000000110e-01, v35;
	v17 =	vadd.f32 v17, v23  }
0x253: {  	v10 =	vmul.f32 $8.000000110e-01, v9;
	v9 =	vld [tilespmem:s2+$0x11160];
	v19 =	vmul.f32 $2.000000030e-01, v19;
	[tilespmem:s2+$0x110D0] =	vst v18;
	v18 =	vadd.f32 v22, v63  }
.LBB2_35:
0x254: {  	s3 =	sshra.s32 s0, $0x2;
	p1 =	sne.s32 s0, $0x7800;
	[tilespmem:s2+$0x110E0] =	vst v17;
	v16 =	vadd.f32 v16, v20;
	v12 =	vmul.f32 $2.000000030e-01, v12;
	v17 =	vld [tilespmem:s2+$0x11170]  }
0x255: {  	v8 =	vmul.f32 $8.000000110e-01, v8;
	v20 =	vld [tilespmem:s3+$0x12F80];
	[tilespmem:s2+$0x110F0] =	vst v18;
	v15 =	vadd.f32 v15, v19;
	v11 =	vmul.f32 $2.000000030e-01, v11  }
0x256: {  	v7 =	vmul.f32 $8.000000110e-01, v7;
	v19 =	vld [tilespmem:s3+$0x12F90];
	[tilespmem:s2+$0x11100] =	vst v16;
	v10 =	vadd.f32 v10, v12;
	v12 =	vmul.f32 $2.000000030e-01, v13  }
0x257: {  	v6 =	vmul.f32 $8.000000110e-01, v6;
	v21 =	vld [tilespmem:s3+$0x12FA0];
	[tilespmem:s2+$0x11110] =	vst v15;
	v8 =	vadd.f32 v8, v11;
	v11 =	vmul.f32 $2.000000030e-01, v14  }
0x258: {  	v5 =	vmul.f32 $8.000000110e-01, v5;
	v22 =	vld [tilespmem:s3+$0x12FB0];
	[tilespmem:s2+$0x11120] =	vst v10;
	v7 =	vadd.f32 v7, v12;
	v9 =	vmul.f32 $2.000000030e-01, v9  }
0x259: {  	v4 =	vmul.f32 $8.000000110e-01, v4;
	v23 =	vld [tilespmem:s3+$0x12FC0];
	[tilespmem:s2+$0x11130] =	vst v8;
	v6 =	vadd.f32 v6, v11;
	v8 =	vmul.f32 $2.000000030e-01, v17  }
0x25a: {  	v24 =	vld [tilespmem:s3+$0x12FD0];
	[tilespmem:s2+$0x11140] =	vst v7;
	v5 =	vadd.f32 v5, v9  }
0x25b: {  	v25 =	vld [tilespmem:s3+$0x12FE0];
	[tilespmem:s2+$0x11150] =	vst v6;
	v4 =	vadd.f32 v4, v8  }
0x25c: {  	v26 =	vld [tilespmem:s3+$0x12FF0];
	[tilespmem:s2+$0x11160] =	vst v5  }
0x25d: {  	v27 =	vld [tilespmem:s3+$0x13000];
	[tilespmem:s2+$0x11170] =	vst v4;
	s2 =	smov.u32 s3  }
0x25e: {  	v28 =	vld [tilespmem:s2+$0x13010]  }
0x25f: {  	v29 =	vld [tilespmem:s2+$0x13020]  }
0x260: {  	v30 =	vld [tilespmem:s2+$0x13030]  }
0x261: {  	v31 =	vld [tilespmem:s2+$0x13040]  }
0x262: {  	v32 =	vld [tilespmem:s2+$0x13050]  }
0x263: {  	v33 =	vld [tilespmem:s2+$0x13060]  }
0x264: {  	v34 =	vld [tilespmem:s2+$0x13070]  }
0x265: {  	v35 =	vld [tilespmem:s2+$0x13080]  }
0x266: {  	v18 =	vld [tilespmem:s2+$0x13090]  }
0x267: {  	v17 =	vld [tilespmem:s2+$0x130A0]  }
0x268: {  	v16 =	vld [tilespmem:s2+$0x130B0]  }
0x269: {  	v15 =	vld [tilespmem:s2+$0x130C0]  }
0x26a: {  	v14 =	vld [tilespmem:s2+$0x130D0]  }
0x26b: {  	v13 =	vld [tilespmem:s2+$0x130E0]  }
0x26c: {  	v12 =	vld [tilespmem:s2+$0x130F0]  }
0x26d: {  	v11 =	vld [tilespmem:s2+$0x13100]  }
0x26e: {  	v10 =	vld [tilespmem:s2+$0x13110]  }
0x26f: {  	v9 =	vld [tilespmem:s2+$0x13120]  }
0x270: {  	v8 =	vld [tilespmem:s2+$0x13130]  }
0x271: {  	v7 =	vld [tilespmem:s2+$0x13140]  }
0x272: {  	v6 =	vld [tilespmem:s2+$0x13150]  }
0x273: {  	v5 =	vld [tilespmem:s2+$0x13160]  }
0x274: {  	v4 =	vld [tilespmem:s2+$0x13170]  }
0x275: {  	v36 =	vld [tilespmem:s2+$0x10F80]  }
0x276: {  	v37 =	vld [tilespmem:s2+$0x10F90]  }
0x277: {  	v38 =	vld [tilespmem:s2+$0x10FA0]  }
0x278: {  	v39 =	vld [tilespmem:s2+$0x10FB0]  }
0x279: {  	v20 =	vmul.f32 $8.000000110e-01, v20;
	v19 =	vmul.f32 $8.000000110e-01, v19;
	v40 =	vld [tilespmem:s2+$0x10FC0]  }
0x27a: {  	v21 =	vmul.f32 $8.000000110e-01, v21;
	v36 =	vmul.f32 $2.000000030e-01, v36;
	v41 =	vld [tilespmem:s2+$0x10FD0]  }
0x27b: {  	v22 =	vmul.f32 $8.000000110e-01, v22;
	v37 =	vmul.f32 $2.000000030e-01, v37;
	v42 =	vld [tilespmem:s2+$0x10FE0]  }
0x27c: {  	v23 =	vmul.f32 $8.000000110e-01, v23;
	v20 =	vadd.f32 v20, v36;
	v36 =	vmul.f32 $2.000000030e-01, v38;
	v38 =	vld [tilespmem:s2+$0x10FF0]  }
0x27d: {  	v24 =	vmul.f32 $8.000000110e-01, v24;
	v19 =	vadd.f32 v19, v37;
	v37 =	vmul.f32 $2.000000030e-01, v39;
	v39 =	vld [tilespmem:s2+$0x11000]  }
0x27e: {  	v25 =	vmul.f32 $8.000000110e-01, v25;
	[tilespmem:s2+$0x10F80] =	vst v20;
	v20 =	vadd.f32 v21, v36;
	v21 =	vmul.f32 $2.000000030e-01, v40;
	v36 =	vld [tilespmem:s2+$0x11010]  }
0x27f: {  	v26 =	vmul.f32 $8.000000110e-01, v26;
	[tilespmem:s2+$0x10F90] =	vst v19;
	v19 =	vadd.f32 v22, v37;
	v22 =	vmul.f32 $2.000000030e-01, v41;
	v37 =	vld [tilespmem:s2+$0x11020]  }
0x280: {  	[tilespmem:s2+$0x10FA0] =	vst v20;
	v20 =	vadd.f32 v23, v21;
	v21 =	vmul.f32 $2.000000030e-01, v42;
	v23 =	vmul.f32 $8.000000110e-01, v27;
	v27 =	vld [tilespmem:s2+$0x11030]  }
0x281: {  	[tilespmem:s2+$0x10FB0] =	vst v19;
	v19 =	vadd.f32 v24, v22;
	v22 =	vmul.f32 $2.000000030e-01, v38;
	v24 =	vmul.f32 $8.000000110e-01, v28;
	v28 =	vld [tilespmem:s2+$0x11040]  }
0x282: {  	[tilespmem:s2+$0x10FC0] =	vst v20;
	v20 =	vadd.f32 v25, v21;
	v21 =	vmul.f32 $2.000000030e-01, v39;
	v25 =	vmul.f32 $8.000000110e-01, v29;
	v29 =	vld [tilespmem:s2+$0x11050]  }
0x283: {  	[tilespmem:s2+$0x10FD0] =	vst v19;
	v19 =	vadd.f32 v26, v22;
	v22 =	vmul.f32 $2.000000030e-01, v36;
	v26 =	vmul.f32 $8.000000110e-01, v30;
	v30 =	vld [tilespmem:s2+$0x11060]  }
0x284: {  	[tilespmem:s2+$0x10FE0] =	vst v20;
	v20 =	vadd.f32 v23, v21;
	v21 =	vmul.f32 $2.000000030e-01, v37;
	v23 =	vmul.f32 $8.000000110e-01, v31;
	v31 =	vld [tilespmem:s2+$0x11070]  }
0x285: {  	[tilespmem:s2+$0x10FF0] =	vst v19;
	v19 =	vadd.f32 v24, v22;
	v22 =	vmul.f32 $2.000000030e-01, v27;
	v24 =	vmul.f32 $8.000000110e-01, v32;
	v27 =	vld [tilespmem:s2+$0x11080]  }
0x286: {  	[tilespmem:s2+$0x11000] =	vst v20;
	v20 =	vadd.f32 v25, v21;
	v21 =	vmul.f32 $2.000000030e-01, v28;
	v25 =	vmul.f32 $8.000000110e-01, v33;
	v28 =	vld [tilespmem:s2+$0x11090]  }
0x287: {  	[tilespmem:s2+$0x11010] =	vst v19;
	v19 =	vadd.f32 v26, v22;
	v22 =	vmul.f32 $2.000000030e-01, v29;
	v26 =	vmul.f32 $8.000000110e-01, v34;
	v29 =	vld [tilespmem:s2+$0x110A0]  }
0x288: {  	[tilespmem:s2+$0x11020] =	vst v20;
	v20 =	vadd.f32 v23, v21;
	v21 =	vmul.f32 $2.000000030e-01, v30;
	v23 =	vmul.f32 $8.000000110e-01, v35;
	v30 =	vld [tilespmem:s2+$0x110B0]  }
0x289: {  	v18 =	vmul.f32 $8.000000110e-01, v18;
	[tilespmem:s2+$0x11030] =	vst v19;
	v19 =	vadd.f32 v24, v22;
	v22 =	vmul.f32 $2.000000030e-01, v31;
	v24 =	vld [tilespmem:s2+$0x110C0]  }
0x28a: {  	v17 =	vmul.f32 $8.000000110e-01, v17;
	[tilespmem:s2+$0x11040] =	vst v20;
	v20 =	vadd.f32 v25, v21;
	v21 =	vmul.f32 $2.000000030e-01, v27;
	v25 =	vld [tilespmem:s2+$0x110D0]  }
0x28b: {  	v16 =	vmul.f32 $8.000000110e-01, v16;
	[tilespmem:s2+$0x11050] =	vst v19;
	v19 =	vadd.f32 v26, v22;
	v22 =	vmul.f32 $2.000000030e-01, v28;
	v26 =	vld [tilespmem:s2+$0x110E0]  }
0x28c: {  	v15 =	vmul.f32 $8.000000110e-01, v15;
	[tilespmem:s2+$0x11060] =	vst v20;
	v20 =	vadd.f32 v23, v21;
	v21 =	vmul.f32 $2.000000030e-01, v29;
	v23 =	vld [tilespmem:s2+$0x110F0]  }
0x28d: {  	v14 =	vmul.f32 $8.000000110e-01, v14;
	[tilespmem:s2+$0x11070] =	vst v19;
	v18 =	vadd.f32 v18, v22;
	v19 =	vmul.f32 $2.000000030e-01, v30;
	v22 =	vld [tilespmem:s2+$0x11100]  }
0x28e: {  	[tilespmem:s2+$0x11080] =	vst v20;
	v17 =	vadd.f32 v17, v21;
	v20 =	vmul.f32 $2.000000030e-01, v24;
	v21 =	vmul.f32 $8.000000110e-01, v13;
	v24 =	vld [tilespmem:s2+$0x11110]  }
0x28f: {  	[tilespmem:s2+$0x11090] =	vst v18;
	v18 =	vmul.f32 $2.000000030e-01, v25  }
.Ltmp27:
0x290: {  	v13 =	vadd.f32 v16, v19;
	v19 =	vmul.f32 $8.000000110e-01, v12;
	v12 =	vld [tilespmem:s2+$0x11120];
	(pc) =	sbr.rel @p1 .LBB2_35-.Ltmp27, $4  }
0x291: {  	v16 =	vmul.f32 $8.000000110e-01, v11;
	[tilespmem:s2+$0x110A0] =	vst v17;
	v17 =	vadd.f32 v15, v20;
	v20 =	vmul.f32 $2.000000030e-01, v26;
	v11 =	vld [tilespmem:s2+$0x11130]  }
0x292: {  	v15 =	vmul.f32 $8.000000110e-01, v10;
	[tilespmem:s2+$0x110B0] =	vst v13;
	v18 =	vadd.f32 v14, v18;
	v23 =	vmul.f32 $2.000000030e-01, v23;
	v13 =	vld [tilespmem:s2+$0x11140]  }
0x293: {  	v10 =	vmul.f32 $8.000000110e-01, v9;
	[tilespmem:s2+$0x110C0] =	vst v17;
	v17 =	vadd.f32 v21, v20;
	v20 =	vmul.f32 $2.000000030e-01, v22;
	v14 =	vld [tilespmem:s2+$0x11150]  }
0x294: {  	s0 =	sadd.s32 $0x800, s0;
	[tilespmem:s2+$0x110D0] =	vst v18;
	v18 =	vadd.f32 v19, v23;
	v19 =	vmul.f32 $2.000000030e-01, v24;
	v9 =	vld [tilespmem:s2+$0x11160]  }
0x295: {  	[tilespmem:s2+$0x110E0] =	vst v17;
	v16 =	vadd.f32 v16, v20;
	v12 =	vmul.f32 $2.000000030e-01, v12;
	v60 =	vld [tilespmem:s2+$0x11170]  }
0x296: {  	v8 =	vmul.f32 $8.000000110e-01, v8;
	[tilespmem:s2+$0x110F0] =	vst v18;
	v15 =	vadd.f32 v15, v19;
	v11 =	vmul.f32 $2.000000030e-01, v11  }
0x297: {  	v7 =	vmul.f32 $8.000000110e-01, v7;
	[tilespmem:s2+$0x11100] =	vst v16;
	v10 =	vadd.f32 v10, v12;
	v61 =	vmul.f32 $2.000000030e-01, v13  }
0x298: {  	v6 =	vmul.f32 $8.000000110e-01, v6;
	[tilespmem:s2+$0x11110] =	vst v15;
	v8 =	vadd.f32 v8, v11;
	v62 =	vmul.f32 $2.000000030e-01, v14  }
0x299: {  	v5 =	vmul.f32 $8.000000110e-01, v5;
	[tilespmem:s2+$0x11120] =	vst v10;
	v7 =	vadd.f32 v7, v61;
	v9 =	vmul.f32 $2.000000030e-01, v9  }
0x29a: {  	v4 =	vmul.f32 $8.000000110e-01, v4;
	[tilespmem:s2+$0x11130] =	vst v8;
	v6 =	vadd.f32 v6, v62;
	v63 =	vmul.f32 $2.000000030e-01, v60  }
.Ltmp28:
0x29b: {  	[tilespmem:s2+$0x11140] =	vst v7;
	v5 =	vadd.f32 v5, v9;
	(pc) =	sbr.rel .LBB2_40-.Ltmp28, $4  }
0x29c: {  	[tilespmem:s2+$0x11150] =	vst v6;
	v4 =	vadd.f32 v4, v63  }
0x29d: {  	[tilespmem:s2+$0x11160] =	vst v5  }
0x29e: {  	[tilespmem:s2+$0x11170] =	vst v4  }
0x29f: {  	[hbm4b:s1+s9] =	stream.indirect.scatter [tilespmem:s15], [sflag:$0x6], $0x80, s14, s9, $0xb8;
	[tilespmem:$0x19080] =	vst v63  }
.LBB2_37:
0x2a0: {  	p2 =	seq.s32 @!p1 s31, $0x0  }
0x2a1: {  	p2 =	por p2, p1  }
0x2a2: {  	s2 =	simm.s32 @!p2 $0x6  }
0x2a3: {  	_ =	swait.ge @!p2 [sflag:s2], $0x2000  }
0x2a4: {  	[sflag:s2] =	ssyncset.done @!p2 $0x0  }
0x2a5: {  	s0 =	sshll.u32 @!p1 s0, $0x6;
	[sflag:s2] =	ssyncadd.s32 @!p2 $0xFFFFE000  }
0x2a6: {  	v4 =	vld @!p1 [tilespmem:s0+$0x4000];
	_ =	sdelay $0x4  }
0x2a7: {  	[tilespmem:$0x10E80] =	vst @!p1 v4  }
0x2a8: {  	v4 =	vld @!p1 [tilespmem:s0+$0x8080];
	_ =	sdelay $0x4  }
0x2a9: {  	[tilespmem:$0x10F00] =	vst @!p1 v4  }
0x2aa: {  	v4 =	vld @!p1 [tilespmem:s0+$0x4010];
	_ =	sdelay $0x4  }
0x2ab: {  	[tilespmem:$0x10E90] =	vst @!p1 v4  }
0x2ac: {  	v4 =	vld @!p1 [tilespmem:s0+$0x8090];
	_ =	sdelay $0x4  }
0x2ad: {  	[tilespmem:$0x10F10] =	vst @!p1 v4  }
0x2ae: {  	v4 =	vld @!p1 [tilespmem:s0+$0x4020];
	_ =	sdelay $0x4  }
0x2af: {  	[tilespmem:$0x10EA0] =	vst @!p1 v4  }
0x2b0: {  	v4 =	vld @!p1 [tilespmem:s0+$0x80A0];
	_ =	sdelay $0x4  }
0x2b1: {  	[tilespmem:$0x10F20] =	vst @!p1 v4  }
0x2b2: {  	v4 =	vld @!p1 [tilespmem:s0+$0x4030];
	_ =	sdelay $0x4  }
0x2b3: {  	[tilespmem:$0x10EB0] =	vst @!p1 v4  }
0x2b4: {  	v4 =	vld @!p1 [tilespmem:s0+$0x80B0];
	_ =	sdelay $0x4  }
0x2b5: {  	s3 =	simm.s32 @!p1 $0x10F80;
	s2 =	simm.s32 @!p1 $0x10E80;
	s0 =	simm.s32 @!p1 $0x40;
	[tilespmem:$0x10F30] =	vst @!p1 v4  }
0x2b6: {  	[tilespmem:s3], [sflag:$0x4] =	stream.indirect.gather @!p1 [hbm4b:s1+s0], $0x80, s2, s0, $0xb8;
	[tilespmem:$0x19080] =	vst v63  }
0x2b7: {  	s2 =	simm.s32 @!p1 $0x10F00;
	s3 =	simm.s32 @!p1 $0x12F80  }
0x2b8: {  	[tilespmem:s3], [sflag:$0x5] =	stream.indirect.gather @!p1 [hbm4b:s4+s0], $0x80, s2, s0, $0xb8;
	[tilespmem:$0x19080] =	vst v63  }
0x2b9: {  	_ =	swait.ge [sflag:s18], $0x2000  }
0x2ba: {  	[sflag:s18] =	ssyncset.done $0x0  }
0x2bb: {  	[sflag:s18] =	ssyncadd.s32 $0xFFFFE000  }
0x2bc: {  	_ =	swait.ge [sflag:s19], $0x2000  }
0x2bd: {  	[sflag:s19] =	ssyncset.done $0x0  }
0x2be: {  	s2 =	simm.s32 $0x0;
	[sflag:s19] =	ssyncadd.s32 $0xFFFFE000  }
0x2bf: {  	v11 =	vld [tilespmem:s2+$0x17080]  }
0x2c0: {  	v12 =	vld [tilespmem:s2+$0x17090]  }
0x2c1: {  	v13 =	vld [tilespmem:s2+$0x170A0]  }
0x2c2: {  	v14 =	vld [tilespmem:s2+$0x170B0]  }
0x2c3: {  	v15 =	vld [tilespmem:s2+$0x170C0]  }
0x2c4: {  	v16 =	vld [tilespmem:s2+$0x170D0]  }
0x2c5: {  	v17 =	vld [tilespmem:s2+$0x170E0]  }
0x2c6: {  	v18 =	vld [tilespmem:s2+$0x170F0]  }
0x2c7: {  	v19 =	vld [tilespmem:s2+$0x17100]  }
0x2c8: {  	v20 =	vld [tilespmem:s2+$0x17110]  }
0x2c9: {  	v21 =	vld [tilespmem:s2+$0x17120]  }
0x2ca: {  	v22 =	vld [tilespmem:s2+$0x17130]  }
0x2cb: {  	v23 =	vld [tilespmem:s2+$0x17140]  }
0x2cc: {  	v24 =	vld [tilespmem:s2+$0x17150]  }
0x2cd: {  	v25 =	vld [tilespmem:s2+$0x17160]  }
0x2ce: {  	v26 =	vld [tilespmem:s2+$0x17170]  }
0x2cf: {  	v27 =	vld [tilespmem:s2+$0x17180]  }
0x2d0: {  	v28 =	vld [tilespmem:s2+$0x17190]  }
0x2d1: {  	v29 =	vld [tilespmem:s2+$0x171A0]  }
0x2d2: {  	v30 =	vld [tilespmem:s2+$0x171B0]  }
0x2d3: {  	v31 =	vld [tilespmem:s2+$0x171C0]  }
0x2d4: {  	v32 =	vld [tilespmem:s2+$0x171D0]  }
0x2d5: {  	v33 =	vld [tilespmem:s2+$0x171E0]  }
0x2d6: {  	v34 =	vld [tilespmem:s2+$0x171F0]  }
0x2d7: {  	v35 =	vld [tilespmem:s2+$0x17200]  }
0x2d8: {  	v10 =	vld [tilespmem:s2+$0x17210]  }
0x2d9: {  	v9 =	vld [tilespmem:s2+$0x17220]  }
0x2da: {  	v8 =	vld [tilespmem:s2+$0x17230]  }
0x2db: {  	v7 =	vld [tilespmem:s2+$0x17240]  }
0x2dc: {  	v6 =	vld [tilespmem:s2+$0x17250]  }
0x2dd: {  	v36 =	vld [tilespmem:s2+$0x15080]  }
0x2de: {  	v37 =	vld [tilespmem:s2+$0x15090]  }
0x2df: {  	v38 =	vld [tilespmem:s2+$0x150A0]  }
0x2e0: {  	v39 =	vld [tilespmem:s2+$0x150B0]  }
0x2e1: {  	v40 =	vld [tilespmem:s2+$0x150C0]  }
0x2e2: {  	v41 =	vld [tilespmem:s2+$0x150D0];
	v11 =	vmul.f32 $8.000000110e-01, v11;
	v36 =	vmul.f32 $2.000000030e-01, v36  }
0x2e3: {  	v42 =	vld [tilespmem:s2+$0x150E0];
	v12 =	vmul.f32 $8.000000110e-01, v12;
	v37 =	vmul.f32 $2.000000030e-01, v37  }
0x2e4: {  	v56 =	vld [tilespmem:s2+$0x150F0];
	v13 =	vmul.f32 $8.000000110e-01, v13;
	v57 =	vmul.f32 $2.000000030e-01, v38;
	v11 =	vadd.f32 v11, v36  }
0x2e5: {  	v43 =	vld [tilespmem:s2+$0x15100];
	v14 =	vmul.f32 $8.000000110e-01, v14;
	v58 =	vmul.f32 $2.000000030e-01, v39;
	v12 =	vadd.f32 v12, v37  }
0x2e6: {  	v15 =	vmul.f32 $8.000000110e-01, v15;
	v59 =	vmul.f32 $2.000000030e-01, v40;
	v13 =	vadd.f32 v13, v57;
	[tilespmem:s2+$0x15080] =	vst v11;
	v11 =	vld [tilespmem:s2+$0x15110]  }
0x2e7: {  	v16 =	vmul.f32 $8.000000110e-01, v16;
	v60 =	vmul.f32 $2.000000030e-01, v41;
	v14 =	vadd.f32 v14, v58;
	[tilespmem:s2+$0x15090] =	vst v12;
	v12 =	vld [tilespmem:s2+$0x15120]  }
0x2e8: {  	v17 =	vmul.f32 $8.000000110e-01, v17;
	v61 =	vmul.f32 $2.000000030e-01, v42;
	v15 =	vadd.f32 v15, v59;
	[tilespmem:s2+$0x150A0] =	vst v13;
	v13 =	vld [tilespmem:s2+$0x15130]  }
0x2e9: {  	v18 =	vmul.f32 $8.000000110e-01, v18;
	v16 =	vadd.f32 v16, v60;
	v36 =	vmul.f32 $2.000000030e-01, v56;
	[tilespmem:s2+$0x150B0] =	vst v14;
	v14 =	vld [tilespmem:s2+$0x15140]  }
0x2ea: {  	v19 =	vmul.f32 $8.000000110e-01, v19;
	v62 =	vmul.f32 $2.000000030e-01, v43;
	v17 =	vadd.f32 v17, v61;
	[tilespmem:s2+$0x150C0] =	vst v15;
	v15 =	vld [tilespmem:s2+$0x15150]  }
0x2eb: {  	v20 =	vmul.f32 $8.000000110e-01, v20;
	[tilespmem:s2+$0x150D0] =	vst v16;
	v16 =	vld [tilespmem:s2+$0x15160];
	v18 =	vadd.f32 v18, v36;
	v11 =	vmul.f32 $2.000000030e-01, v11  }
0x2ec: {  	v21 =	vmul.f32 $8.000000110e-01, v21;
	v19 =	vadd.f32 v19, v62;
	[tilespmem:s2+$0x150E0] =	vst v17;
	v17 =	vld [tilespmem:s2+$0x15170];
	v12 =	vmul.f32 $2.000000030e-01, v12  }
0x2ed: {  	[tilespmem:s2+$0x150F0] =	vst v18;
	v18 =	vld [tilespmem:s2+$0x15180];
	v13 =	vmul.f32 $2.000000030e-01, v13;
	v11 =	vadd.f32 v20, v11;
	v20 =	vmul.f32 $8.000000110e-01, v22  }
0x2ee: {  	v5 =	vld [tilespmem:s2+$0x17260];
	[tilespmem:s2+$0x15100] =	vst v19;
	v14 =	vmul.f32 $2.000000030e-01, v14;
	v12 =	vadd.f32 v21, v12;
	v21 =	vmul.f32 $8.000000110e-01, v23  }
0x2ef: {  	v19 =	vld [tilespmem:s2+$0x15190];
	v15 =	vmul.f32 $2.000000030e-01, v15;
	[tilespmem:s2+$0x15110] =	vst v11;
	v13 =	vadd.f32 v20, v13;
	v20 =	vmul.f32 $8.000000110e-01, v24  }
0x2f0: {  	v16 =	vmul.f32 $2.000000030e-01, v16;
	v11 =	vld [tilespmem:s2+$0x151A0];
	[tilespmem:s2+$0x15120] =	vst v12;
	v14 =	vadd.f32 v21, v14;
	v21 =	vmul.f32 $8.000000110e-01, v25  }
0x2f1: {  	v17 =	vmul.f32 $2.000000030e-01, v17;
	v12 =	vld [tilespmem:s2+$0x151B0];
	[tilespmem:s2+$0x15130] =	vst v13;
	v15 =	vadd.f32 v20, v15;
	v20 =	vmul.f32 $8.000000110e-01, v26  }
0x2f2: {  	v18 =	vmul.f32 $2.000000030e-01, v18;
	v13 =	vld [tilespmem:s2+$0x151C0];
	[tilespmem:s2+$0x15140] =	vst v14;
	v16 =	vadd.f32 v21, v16;
	v21 =	vmul.f32 $8.000000110e-01, v27  }
0x2f3: {  	v14 =	vld [tilespmem:s2+$0x151D0];
	[tilespmem:s2+$0x15150] =	vst v15;
	v17 =	vadd.f32 v20, v17  }
0x2f4: {  	v4 =	vld [tilespmem:s2+$0x17270];
	v19 =	vmul.f32 $2.000000030e-01, v19;
	[tilespmem:s2+$0x15160] =	vst v16;
	v16 =	vmul.f32 $8.000000110e-01, v28;
	v18 =	vadd.f32 v21, v18  }
0x2f5: {  	v15 =	vld [tilespmem:s2+$0x151E0];
	v11 =	vmul.f32 $2.000000030e-01, v11;
	[tilespmem:s2+$0x15170] =	vst v17;
	v17 =	vmul.f32 $8.000000110e-01, v29  }
0x2f6: {  	v20 =	vld [tilespmem:s2+$0x151F0];
	v22 =	vmul.f32 $2.000000030e-01, v12;
	v16 =	vadd.f32 v16, v19;
	[tilespmem:s2+$0x15180] =	vst v18;
	v18 =	vmul.f32 $8.000000110e-01, v30  }
0x2f7: {  	v21 =	vld [tilespmem:s2+$0x15200];
	v13 =	vmul.f32 $2.000000030e-01, v13;
	v11 =	vadd.f32 v17, v11  }
0x2f8: {  	v19 =	vld [tilespmem:s2+$0x15210];
	v14 =	vmul.f32 $2.000000030e-01, v14;
	[tilespmem:s2+$0x15190] =	vst v16;
	v16 =	vmul.f32 $8.000000110e-01, v31;
	v17 =	vadd.f32 v18, v22  }
0x2f9: {  	s0 =	simm.s32 $0x800;
	v12 =	vld [tilespmem:s2+$0x15220];
	v18 =	vmul.f32 $8.000000110e-01, v32;
	v22 =	vmul.f32 $8.000000110e-01, v34;
	[tilespmem:s2+$0x151A0] =	vst v11  }
0x2fa: {  	v23 =	vmul.f32 $2.000000030e-01, v15;
	v11 =	vld [tilespmem:s2+$0x15230];
	v16 =	vadd.f32 v16, v13;
	[tilespmem:s2+$0x151B0] =	vst v17;
	v17 =	vmul.f32 $8.000000110e-01, v33  }
0x2fb: {  	v63 =	vmul.f32 $2.000000030e-01, v20;
	v15 =	vmul.f32 $8.000000110e-01, v10;
	v13 =	vld [tilespmem:s2+$0x15240];
	v18 =	vadd.f32 v18, v14  }
0x2fc: {  	v20 =	vmul.f32 $2.000000030e-01, v21;
	v14 =	vld [tilespmem:s2+$0x15250];
	[tilespmem:s2+$0x151C0] =	vst v16;
	v16 =	vmul.f32 $8.000000110e-01, v35;
	v17 =	vadd.f32 v17, v23  }
0x2fd: {  	v10 =	vmul.f32 $8.000000110e-01, v9;
	v9 =	vld [tilespmem:s2+$0x15260];
	v19 =	vmul.f32 $2.000000030e-01, v19;
	[tilespmem:s2+$0x151D0] =	vst v18;
	v18 =	vadd.f32 v22, v63  }
.LBB2_38:
0x2fe: {  	s3 =	sshra.s32 s0, $0x2;
	p1 =	sne.s32 s0, $0x7800;
	[tilespmem:s2+$0x151E0] =	vst v17;
	v16 =	vadd.f32 v16, v20;
	v12 =	vmul.f32 $2.000000030e-01, v12;
	v17 =	vld [tilespmem:s2+$0x15270]  }
0x2ff: {  	v8 =	vmul.f32 $8.000000110e-01, v8;
	v20 =	vld [tilespmem:s3+$0x17080];
	[tilespmem:s2+$0x151F0] =	vst v18;
	v15 =	vadd.f32 v15, v19;
	v11 =	vmul.f32 $2.000000030e-01, v11  }
0x300: {  	v7 =	vmul.f32 $8.000000110e-01, v7;
	v19 =	vld [tilespmem:s3+$0x17090];
	[tilespmem:s2+$0x15200] =	vst v16;
	v10 =	vadd.f32 v10, v12;
	v12 =	vmul.f32 $2.000000030e-01, v13  }
0x301: {  	v6 =	vmul.f32 $8.000000110e-01, v6;
	v21 =	vld [tilespmem:s3+$0x170A0];
	[tilespmem:s2+$0x15210] =	vst v15;
	v8 =	vadd.f32 v8, v11;
	v11 =	vmul.f32 $2.000000030e-01, v14  }
0x302: {  	v5 =	vmul.f32 $8.000000110e-01, v5;
	v22 =	vld [tilespmem:s3+$0x170B0];
	[tilespmem:s2+$0x15220] =	vst v10;
	v7 =	vadd.f32 v7, v12;
	v9 =	vmul.f32 $2.000000030e-01, v9  }
0x303: {  	v4 =	vmul.f32 $8.000000110e-01, v4;
	v23 =	vld [tilespmem:s3+$0x170C0];
	[tilespmem:s2+$0x15230] =	vst v8;
	v6 =	vadd.f32 v6, v11;
	v8 =	vmul.f32 $2.000000030e-01, v17  }
0x304: {  	v24 =	vld [tilespmem:s3+$0x170D0];
	[tilespmem:s2+$0x15240] =	vst v7;
	v5 =	vadd.f32 v5, v9  }
0x305: {  	v25 =	vld [tilespmem:s3+$0x170E0];
	[tilespmem:s2+$0x15250] =	vst v6;
	v4 =	vadd.f32 v4, v8  }
0x306: {  	v26 =	vld [tilespmem:s3+$0x170F0];
	[tilespmem:s2+$0x15260] =	vst v5  }
0x307: {  	v27 =	vld [tilespmem:s3+$0x17100];
	[tilespmem:s2+$0x15270] =	vst v4;
	s2 =	smov.u32 s3  }
0x308: {  	v28 =	vld [tilespmem:s2+$0x17110]  }
0x309: {  	v29 =	vld [tilespmem:s2+$0x17120]  }
0x30a: {  	v30 =	vld [tilespmem:s2+$0x17130]  }
0x30b: {  	v31 =	vld [tilespmem:s2+$0x17140]  }
0x30c: {  	v32 =	vld [tilespmem:s2+$0x17150]  }
0x30d: {  	v33 =	vld [tilespmem:s2+$0x17160]  }
0x30e: {  	v34 =	vld [tilespmem:s2+$0x17170]  }
0x30f: {  	v35 =	vld [tilespmem:s2+$0x17180]  }
0x310: {  	v18 =	vld [tilespmem:s2+$0x17190]  }
0x311: {  	v17 =	vld [tilespmem:s2+$0x171A0]  }
0x312: {  	v16 =	vld [tilespmem:s2+$0x171B0]  }
0x313: {  	v15 =	vld [tilespmem:s2+$0x171C0]  }
0x314: {  	v14 =	vld [tilespmem:s2+$0x171D0]  }
0x315: {  	v13 =	vld [tilespmem:s2+$0x171E0]  }
0x316: {  	v12 =	vld [tilespmem:s2+$0x171F0]  }
0x317: {  	v11 =	vld [tilespmem:s2+$0x17200]  }
0x318: {  	v10 =	vld [tilespmem:s2+$0x17210]  }
0x319: {  	v9 =	vld [tilespmem:s2+$0x17220]  }
0x31a: {  	v8 =	vld [tilespmem:s2+$0x17230]  }
0x31b: {  	v7 =	vld [tilespmem:s2+$0x17240]  }
0x31c: {  	v6 =	vld [tilespmem:s2+$0x17250]  }
0x31d: {  	v5 =	vld [tilespmem:s2+$0x17260]  }
0x31e: {  	v4 =	vld [tilespmem:s2+$0x17270]  }
0x31f: {  	v36 =	vld [tilespmem:s2+$0x15080]  }
0x320: {  	v37 =	vld [tilespmem:s2+$0x15090]  }
0x321: {  	v38 =	vld [tilespmem:s2+$0x150A0]  }
0x322: {  	v39 =	vld [tilespmem:s2+$0x150B0]  }
0x323: {  	v20 =	vmul.f32 $8.000000110e-01, v20;
	v19 =	vmul.f32 $8.000000110e-01, v19;
	v40 =	vld [tilespmem:s2+$0x150C0]  }
0x324: {  	v21 =	vmul.f32 $8.000000110e-01, v21;
	v36 =	vmul.f32 $2.000000030e-01, v36;
	v41 =	vld [tilespmem:s2+$0x150D0]  }
0x325: {  	v22 =	vmul.f32 $8.000000110e-01, v22;
	v37 =	vmul.f32 $2.000000030e-01, v37;
	v42 =	vld [tilespmem:s2+$0x150E0]  }
0x326: {  	v23 =	vmul.f32 $8.000000110e-01, v23;
	v20 =	vadd.f32 v20, v36;
	v36 =	vmul.f32 $2.000000030e-01, v38;
	v38 =	vld [tilespmem:s2+$0x150F0]  }
0x327: {  	v24 =	vmul.f32 $8.000000110e-01, v24;
	v19 =	vadd.f32 v19, v37;
	v37 =	vmul.f32 $2.000000030e-01, v39;
	v39 =	vld [tilespmem:s2+$0x15100]  }
0x328: {  	v25 =	vmul.f32 $8.000000110e-01, v25;
	[tilespmem:s2+$0x15080] =	vst v20;
	v20 =	vadd.f32 v21, v36;
	v21 =	vmul.f32 $2.000000030e-01, v40;
	v36 =	vld [tilespmem:s2+$0x15110]  }
0x329: {  	v26 =	vmul.f32 $8.000000110e-01, v26;
	[tilespmem:s2+$0x15090] =	vst v19;
	v19 =	vadd.f32 v22, v37;
	v22 =	vmul.f32 $2.000000030e-01, v41;
	v37 =	vld [tilespmem:s2+$0x15120]  }
0x32a: {  	[tilespmem:s2+$0x150A0] =	vst v20;
	v20 =	vadd.f32 v23, v21;
	v21 =	vmul.f32 $2.000000030e-01, v42;
	v23 =	vmul.f32 $8.000000110e-01, v27;
	v27 =	vld [tilespmem:s2+$0x15130]  }
0x32b: {  	[tilespmem:s2+$0x150B0] =	vst v19;
	v19 =	vadd.f32 v24, v22;
	v22 =	vmul.f32 $2.000000030e-01, v38;
	v24 =	vmul.f32 $8.000000110e-01, v28;
	v28 =	vld [tilespmem:s2+$0x15140]  }
0x32c: {  	[tilespmem:s2+$0x150C0] =	vst v20;
	v20 =	vadd.f32 v25, v21;
	v21 =	vmul.f32 $2.000000030e-01, v39;
	v25 =	vmul.f32 $8.000000110e-01, v29;
	v29 =	vld [tilespmem:s2+$0x15150]  }
0x32d: {  	[tilespmem:s2+$0x150D0] =	vst v19;
	v19 =	vadd.f32 v26, v22;
	v22 =	vmul.f32 $2.000000030e-01, v36;
	v26 =	vmul.f32 $8.000000110e-01, v30;
	v30 =	vld [tilespmem:s2+$0x15160]  }
0x32e: {  	[tilespmem:s2+$0x150E0] =	vst v20;
	v20 =	vadd.f32 v23, v21;
	v21 =	vmul.f32 $2.000000030e-01, v37;
	v23 =	vmul.f32 $8.000000110e-01, v31;
	v31 =	vld [tilespmem:s2+$0x15170]  }
0x32f: {  	[tilespmem:s2+$0x150F0] =	vst v19;
	v19 =	vadd.f32 v24, v22;
	v22 =	vmul.f32 $2.000000030e-01, v27;
	v24 =	vmul.f32 $8.000000110e-01, v32;
	v27 =	vld [tilespmem:s2+$0x15180]  }
0x330: {  	[tilespmem:s2+$0x15100] =	vst v20;
	v20 =	vadd.f32 v25, v21;
	v21 =	vmul.f32 $2.000000030e-01, v28;
	v25 =	vmul.f32 $8.000000110e-01, v33;
	v28 =	vld [tilespmem:s2+$0x15190]  }
0x331: {  	[tilespmem:s2+$0x15110] =	vst v19;
	v19 =	vadd.f32 v26, v22;
	v22 =	vmul.f32 $2.000000030e-01, v29;
	v26 =	vmul.f32 $8.000000110e-01, v34;
	v29 =	vld [tilespmem:s2+$0x151A0]  }
0x332: {  	[tilespmem:s2+$0x15120] =	vst v20;
	v20 =	vadd.f32 v23, v21;
	v21 =	vmul.f32 $2.000000030e-01, v30;
	v23 =	vmul.f32 $8.000000110e-01, v35;
	v30 =	vld [tilespmem:s2+$0x151B0]  }
0x333: {  	v18 =	vmul.f32 $8.000000110e-01, v18;
	[tilespmem:s2+$0x15130] =	vst v19;
	v19 =	vadd.f32 v24, v22;
	v22 =	vmul.f32 $2.000000030e-01, v31;
	v24 =	vld [tilespmem:s2+$0x151C0]  }
0x334: {  	v17 =	vmul.f32 $8.000000110e-01, v17;
	[tilespmem:s2+$0x15140] =	vst v20;
	v20 =	vadd.f32 v25, v21;
	v21 =	vmul.f32 $2.000000030e-01, v27;
	v25 =	vld [tilespmem:s2+$0x151D0]  }
0x335: {  	v16 =	vmul.f32 $8.000000110e-01, v16;
	[tilespmem:s2+$0x15150] =	vst v19;
	v19 =	vadd.f32 v26, v22;
	v22 =	vmul.f32 $2.000000030e-01, v28;
	v26 =	vld [tilespmem:s2+$0x151E0]  }
0x336: {  	v15 =	vmul.f32 $8.000000110e-01, v15;
	[tilespmem:s2+$0x15160] =	vst v20;
	v20 =	vadd.f32 v23, v21;
	v21 =	vmul.f32 $2.000000030e-01, v29;
	v23 =	vld [tilespmem:s2+$0x151F0]  }
0x337: {  	v14 =	vmul.f32 $8.000000110e-01, v14;
	[tilespmem:s2+$0x15170] =	vst v19;
	v18 =	vadd.f32 v18, v22;
	v19 =	vmul.f32 $2.000000030e-01, v30;
	v22 =	vld [tilespmem:s2+$0x15200]  }
0x338: {  	[tilespmem:s2+$0x15180] =	vst v20;
	v17 =	vadd.f32 v17, v21;
	v20 =	vmul.f32 $2.000000030e-01, v24;
	v21 =	vmul.f32 $8.000000110e-01, v13;
	v24 =	vld [tilespmem:s2+$0x15210]  }
0x339: {  	[tilespmem:s2+$0x15190] =	vst v18;
	v18 =	vmul.f32 $2.000000030e-01, v25  }
.Ltmp29:
0x33a: {  	v13 =	vadd.f32 v16, v19;
	v19 =	vmul.f32 $8.000000110e-01, v12;
	v12 =	vld [tilespmem:s2+$0x15220];
	(pc) =	sbr.rel @p1 .LBB2_38-.Ltmp29, $4  }
0x33b: {  	v16 =	vmul.f32 $8.000000110e-01, v11;
	[tilespmem:s2+$0x151A0] =	vst v17;
	v17 =	vadd.f32 v15, v20;
	v20 =	vmul.f32 $2.000000030e-01, v26;
	v11 =	vld [tilespmem:s2+$0x15230]  }
0x33c: {  	v15 =	vmul.f32 $8.000000110e-01, v10;
	[tilespmem:s2+$0x151B0] =	vst v13;
	v18 =	vadd.f32 v14, v18;
	v23 =	vmul.f32 $2.000000030e-01, v23;
	v13 =	vld [tilespmem:s2+$0x15240]  }
0x33d: {  	v10 =	vmul.f32 $8.000000110e-01, v9;
	[tilespmem:s2+$0x151C0] =	vst v17;
	v17 =	vadd.f32 v21, v20;
	v20 =	vmul.f32 $2.000000030e-01, v22;
	v14 =	vld [tilespmem:s2+$0x15250]  }
0x33e: {  	s0 =	sadd.s32 $0x800, s0;
	[tilespmem:s2+$0x151D0] =	vst v18;
	v18 =	vadd.f32 v19, v23;
	v19 =	vmul.f32 $2.000000030e-01, v24;
	v9 =	vld [tilespmem:s2+$0x15260]  }
0x33f: {  	[tilespmem:s2+$0x151E0] =	vst v17;
	v16 =	vadd.f32 v16, v20;
	v12 =	vmul.f32 $2.000000030e-01, v12;
	v60 =	vld [tilespmem:s2+$0x15270]  }
0x340: {  	v8 =	vmul.f32 $8.000000110e-01, v8;
	[tilespmem:s2+$0x151F0] =	vst v18;
	v15 =	vadd.f32 v15, v19;
	v11 =	vmul.f32 $2.000000030e-01, v11  }
0x341: {  	v7 =	vmul.f32 $8.000000110e-01, v7;
	[tilespmem:s2+$0x15200] =	vst v16;
	v10 =	vadd.f32 v10, v12;
	v61 =	vmul.f32 $2.000000030e-01, v13  }
0x342: {  	v6 =	vmul.f32 $8.000000110e-01, v6;
	[tilespmem:s2+$0x15210] =	vst v15;
	v8 =	vadd.f32 v8, v11;
	v62 =	vmul.f32 $2.000000030e-01, v14  }
0x343: {  	v5 =	vmul.f32 $8.000000110e-01, v5;
	[tilespmem:s2+$0x15220] =	vst v10;
	v7 =	vadd.f32 v7, v61;
	v9 =	vmul.f32 $2.000000030e-01, v9  }
0x344: {  	v4 =	vmul.f32 $8.000000110e-01, v4;
	[tilespmem:s2+$0x15230] =	vst v8;
	v6 =	vadd.f32 v6, v62;
	v63 =	vmul.f32 $2.000000030e-01, v60  }
.Ltmp30:
0x345: {  	[tilespmem:s2+$0x15240] =	vst v7;
	v5 =	vadd.f32 v5, v9;
	(pc) =	sbr.rel .LBB2_40-.Ltmp30, $4  }
0x346: {  	[tilespmem:s2+$0x15250] =	vst v6;
	v4 =	vadd.f32 v4, v63  }
0x347: {  	[tilespmem:s2+$0x15260] =	vst v5  }
0x348: {  	[tilespmem:s2+$0x15270] =	vst v4  }
0x349: {  	[hbm4b:s1+s9] =	stream.indirect.scatter [tilespmem:s21], [sflag:$0x9], $0x80, s20, s9, $0xb8;
	[tilespmem:$0x19080] =	vst v63  }
.LBB2_31:
0x34a: {  	p2 =	seq.s32 @!p1 s31, $0x0  }
0x34b: {  	p2 =	por p2, p1  }
0x34c: {  	s2 =	simm.s32 @!p2 $0x9  }
0x34d: {  	_ =	swait.ge @!p2 [sflag:s2], $0x2000  }
0x34e: {  	[sflag:s2] =	ssyncset.done @!p2 $0x0  }
0x34f: {  	[sflag:s2] =	ssyncadd.s32 @!p2 $0xFFFFE000  }
0x350: {  	v4 =	vld @!p1 [tilespmem:s0+$0x4000];
	_ =	sdelay $0x4  }
0x351: {  	[tilespmem:$0x14F80] =	vst @!p1 v4  }
0x352: {  	v4 =	vld @!p1 [tilespmem:s0+$0x8080];
	_ =	sdelay $0x4  }
0x353: {  	[tilespmem:$0x15000] =	vst @!p1 v4  }
0x354: {  	v4 =	vld @!p1 [tilespmem:s0+$0x4010];
	_ =	sdelay $0x4  }
0x355: {  	[tilespmem:$0x14F90] =	vst @!p1 v4  }
0x356: {  	v4 =	vld @!p1 [tilespmem:s0+$0x8090];
	_ =	sdelay $0x4  }
0x357: {  	[tilespmem:$0x15010] =	vst @!p1 v4  }
0x358: {  	v4 =	vld @!p1 [tilespmem:s0+$0x4020];
	_ =	sdelay $0x4  }
0x359: {  	[tilespmem:$0x14FA0] =	vst @!p1 v4  }
0x35a: {  	v4 =	vld @!p1 [tilespmem:s0+$0x80A0];
	_ =	sdelay $0x4  }
0x35b: {  	[tilespmem:$0x15020] =	vst @!p1 v4  }
0x35c: {  	v4 =	vld @!p1 [tilespmem:s0+$0x4030];
	_ =	sdelay $0x4  }
0x35d: {  	[tilespmem:$0x14FB0] =	vst @!p1 v4  }
0x35e: {  	v4 =	vld @!p1 [tilespmem:s0+$0x80B0];
	_ =	sdelay $0x4  }
0x35f: {  	s3 =	simm.s32 @!p1 $0x15080;
	s2 =	simm.s32 @!p1 $0x14F80;
	s0 =	simm.s32 @!p1 $0x40;
	[tilespmem:$0x15030] =	vst @!p1 v4  }
0x360: {  	[tilespmem:s3], [sflag:$0x7] =	stream.indirect.gather @!p1 [hbm4b:s1+s0], $0x80, s2, s0, $0xb8;
	[tilespmem:$0x19080] =	vst v63  }
0x361: {  	s2 =	simm.s32 @!p1 $0x15000;
	s3 =	simm.s32 @!p1 $0x17080  }
0x362: {  	[tilespmem:s3], [sflag:$0x8] =	stream.indirect.gather @!p1 [hbm4b:s4+s0], $0x80, s2, s0, $0xb8;
	[tilespmem:$0x19080] =	vst v63  }
0x363: {  	_ =	swait.ge [sflag:s25], $0x2000  }
0x364: {  	[sflag:s25] =	ssyncset.done $0x0  }
0x365: {  	[sflag:s25] =	ssyncadd.s32 $0xFFFFE000  }
0x366: {  	_ =	swait.ge [sflag:s26], $0x2000  }
0x367: {  	[sflag:s26] =	ssyncset.done $0x0  }
0x368: {  	s2 =	simm.s32 $0x0;
	[sflag:s26] =	ssyncadd.s32 $0xFFFFE000  }
0x369: {  	v11 =	vld [tilespmem:s2+$0xEE80]  }
0x36a: {  	v12 =	vld [tilespmem:s2+$0xEE90]  }
0x36b: {  	v13 =	vld [tilespmem:s2+$0xEEA0]  }
0x36c: {  	v14 =	vld [tilespmem:s2+$0xEEB0]  }
0x36d: {  	v15 =	vld [tilespmem:s2+$0xEEC0]  }
0x36e: {  	v16 =	vld [tilespmem:s2+$0xEED0]  }
0x36f: {  	v17 =	vld [tilespmem:s2+$0xEEE0]  }
0x370: {  	v18 =	vld [tilespmem:s2+$0xEEF0]  }
0x371: {  	v19 =	vld [tilespmem:s2+$0xEF00]  }
0x372: {  	v20 =	vld [tilespmem:s2+$0xEF10]  }
0x373: {  	v21 =	vld [tilespmem:s2+$0xEF20]  }
0x374: {  	v22 =	vld [tilespmem:s2+$0xEF30]  }
0x375: {  	v23 =	vld [tilespmem:s2+$0xEF40]  }
0x376: {  	v24 =	vld [tilespmem:s2+$0xEF50]  }
0x377: {  	v25 =	vld [tilespmem:s2+$0xEF60]  }
0x378: {  	v26 =	vld [tilespmem:s2+$0xEF70]  }
0x379: {  	v27 =	vld [tilespmem:s2+$0xEF80]  }
0x37a: {  	v28 =	vld [tilespmem:s2+$0xEF90]  }
0x37b: {  	v29 =	vld [tilespmem:s2+$0xEFA0]  }
0x37c: {  	v30 =	vld [tilespmem:s2+$0xEFB0]  }
0x37d: {  	v31 =	vld [tilespmem:s2+$0xEFC0]  }
0x37e: {  	v32 =	vld [tilespmem:s2+$0xEFD0]  }
0x37f: {  	v33 =	vld [tilespmem:s2+$0xEFE0]  }
0x380: {  	v34 =	vld [tilespmem:s2+$0xEFF0]  }
0x381: {  	v35 =	vld [tilespmem:s2+$0xF000]  }
0x382: {  	v10 =	vld [tilespmem:s2+$0xF010]  }
0x383: {  	v9 =	vld [tilespmem:s2+$0xF020]  }
0x384: {  	v8 =	vld [tilespmem:s2+$0xF030]  }
0x385: {  	v7 =	vld [tilespmem:s2+$0xF040]  }
0x386: {  	v6 =	vld [tilespmem:s2+$0xF050]  }
0x387: {  	v36 =	vld [tilespmem:s2+$0xCE80]  }
0x388: {  	v37 =	vld [tilespmem:s2+$0xCE90]  }
0x389: {  	v38 =	vld [tilespmem:s2+$0xCEA0]  }
0x38a: {  	v39 =	vld [tilespmem:s2+$0xCEB0]  }
0x38b: {  	v40 =	vld [tilespmem:s2+$0xCEC0]  }
0x38c: {  	v41 =	vld [tilespmem:s2+$0xCED0];
	v11 =	vmul.f32 $8.000000110e-01, v11;
	v36 =	vmul.f32 $2.000000030e-01, v36  }
0x38d: {  	v42 =	vld [tilespmem:s2+$0xCEE0];
	v12 =	vmul.f32 $8.000000110e-01, v12;
	v37 =	vmul.f32 $2.000000030e-01, v37  }
0x38e: {  	v56 =	vld [tilespmem:s2+$0xCEF0];
	v13 =	vmul.f32 $8.000000110e-01, v13;
	v57 =	vmul.f32 $2.000000030e-01, v38;
	v11 =	vadd.f32 v11, v36  }
0x38f: {  	v43 =	vld [tilespmem:s2+$0xCF00];
	v14 =	vmul.f32 $8.000000110e-01, v14;
	v58 =	vmul.f32 $2.000000030e-01, v39;
	v12 =	vadd.f32 v12, v37  }
0x390: {  	v15 =	vmul.f32 $8.000000110e-01, v15;
	v59 =	vmul.f32 $2.000000030e-01, v40;
	v13 =	vadd.f32 v13, v57;
	[tilespmem:s2+$0xCE80] =	vst v11;
	v11 =	vld [tilespmem:s2+$0xCF10]  }
0x391: {  	v16 =	vmul.f32 $8.000000110e-01, v16;
	v60 =	vmul.f32 $2.000000030e-01, v41;
	v14 =	vadd.f32 v14, v58;
	[tilespmem:s2+$0xCE90] =	vst v12;
	v12 =	vld [tilespmem:s2+$0xCF20]  }
0x392: {  	v17 =	vmul.f32 $8.000000110e-01, v17;
	v61 =	vmul.f32 $2.000000030e-01, v42;
	v15 =	vadd.f32 v15, v59;
	[tilespmem:s2+$0xCEA0] =	vst v13;
	v13 =	vld [tilespmem:s2+$0xCF30]  }
0x393: {  	v18 =	vmul.f32 $8.000000110e-01, v18;
	v16 =	vadd.f32 v16, v60;
	v36 =	vmul.f32 $2.000000030e-01, v56;
	[tilespmem:s2+$0xCEB0] =	vst v14;
	v14 =	vld [tilespmem:s2+$0xCF40]  }
0x394: {  	v19 =	vmul.f32 $8.000000110e-01, v19;
	v62 =	vmul.f32 $2.000000030e-01, v43;
	v17 =	vadd.f32 v17, v61;
	[tilespmem:s2+$0xCEC0] =	vst v15;
	v15 =	vld [tilespmem:s2+$0xCF50]  }
0x395: {  	v20 =	vmul.f32 $8.000000110e-01, v20;
	[tilespmem:s2+$0xCED0] =	vst v16;
	v16 =	vld [tilespmem:s2+$0xCF60];
	v18 =	vadd.f32 v18, v36;
	v11 =	vmul.f32 $2.000000030e-01, v11  }
0x396: {  	v21 =	vmul.f32 $8.000000110e-01, v21;
	v19 =	vadd.f32 v19, v62;
	[tilespmem:s2+$0xCEE0] =	vst v17;
	v17 =	vld [tilespmem:s2+$0xCF70];
	v12 =	vmul.f32 $2.000000030e-01, v12  }
0x397: {  	[tilespmem:s2+$0xCEF0] =	vst v18;
	v18 =	vld [tilespmem:s2+$0xCF80];
	v13 =	vmul.f32 $2.000000030e-01, v13;
	v11 =	vadd.f32 v20, v11;
	v20 =	vmul.f32 $8.000000110e-01, v22  }
0x398: {  	v5 =	vld [tilespmem:s2+$0xF060];
	[tilespmem:s2+$0xCF00] =	vst v19;
	v14 =	vmul.f32 $2.000000030e-01, v14;
	v12 =	vadd.f32 v21, v12;
	v21 =	vmul.f32 $8.000000110e-01, v23  }
0x399: {  	v19 =	vld [tilespmem:s2+$0xCF90];
	v15 =	vmul.f32 $2.000000030e-01, v15;
	[tilespmem:s2+$0xCF10] =	vst v11;
	v13 =	vadd.f32 v20, v13;
	v20 =	vmul.f32 $8.000000110e-01, v24  }
0x39a: {  	v16 =	vmul.f32 $2.000000030e-01, v16;
	v11 =	vld [tilespmem:s2+$0xCFA0];
	[tilespmem:s2+$0xCF20] =	vst v12;
	v14 =	vadd.f32 v21, v14;
	v21 =	vmul.f32 $8.000000110e-01, v25  }
0x39b: {  	v17 =	vmul.f32 $2.000000030e-01, v17;
	v12 =	vld [tilespmem:s2+$0xCFB0];
	[tilespmem:s2+$0xCF30] =	vst v13;
	v15 =	vadd.f32 v20, v15;
	v20 =	vmul.f32 $8.000000110e-01, v26  }
0x39c: {  	v18 =	vmul.f32 $2.000000030e-01, v18;
	v13 =	vld [tilespmem:s2+$0xCFC0];
	[tilespmem:s2+$0xCF40] =	vst v14;
	v16 =	vadd.f32 v21, v16;
	v21 =	vmul.f32 $8.000000110e-01, v27  }
0x39d: {  	v14 =	vld [tilespmem:s2+$0xCFD0];
	[tilespmem:s2+$0xCF50] =	vst v15;
	v17 =	vadd.f32 v20, v17  }
0x39e: {  	v4 =	vld [tilespmem:s2+$0xF070];
	v19 =	vmul.f32 $2.000000030e-01, v19;
	[tilespmem:s2+$0xCF60] =	vst v16;
	v16 =	vmul.f32 $8.000000110e-01, v28;
	v18 =	vadd.f32 v21, v18  }
0x39f: {  	v15 =	vld [tilespmem:s2+$0xCFE0];
	v11 =	vmul.f32 $2.000000030e-01, v11;
	[tilespmem:s2+$0xCF70] =	vst v17;
	v17 =	vmul.f32 $8.000000110e-01, v29  }
0x3a0: {  	v20 =	vld [tilespmem:s2+$0xCFF0];
	v22 =	vmul.f32 $2.000000030e-01, v12;
	v16 =	vadd.f32 v16, v19;
	[tilespmem:s2+$0xCF80] =	vst v18;
	v18 =	vmul.f32 $8.000000110e-01, v30  }
0x3a1: {  	v21 =	vld [tilespmem:s2+$0xD000];
	v13 =	vmul.f32 $2.000000030e-01, v13;
	v11 =	vadd.f32 v17, v11  }
0x3a2: {  	v19 =	vld [tilespmem:s2+$0xD010];
	v14 =	vmul.f32 $2.000000030e-01, v14;
	[tilespmem:s2+$0xCF90] =	vst v16;
	v16 =	vmul.f32 $8.000000110e-01, v31;
	v17 =	vadd.f32 v18, v22  }
0x3a3: {  	s0 =	simm.s32 $0x800;
	v12 =	vld [tilespmem:s2+$0xD020];
	v18 =	vmul.f32 $8.000000110e-01, v32;
	v22 =	vmul.f32 $8.000000110e-01, v34;
	[tilespmem:s2+$0xCFA0] =	vst v11  }
0x3a4: {  	v23 =	vmul.f32 $2.000000030e-01, v15;
	v11 =	vld [tilespmem:s2+$0xD030];
	v16 =	vadd.f32 v16, v13;
	[tilespmem:s2+$0xCFB0] =	vst v17;
	v17 =	vmul.f32 $8.000000110e-01, v33  }
0x3a5: {  	v63 =	vmul.f32 $2.000000030e-01, v20;
	v15 =	vmul.f32 $8.000000110e-01, v10;
	v13 =	vld [tilespmem:s2+$0xD040];
	v18 =	vadd.f32 v18, v14  }
0x3a6: {  	v20 =	vmul.f32 $2.000000030e-01, v21;
	v14 =	vld [tilespmem:s2+$0xD050];
	[tilespmem:s2+$0xCFC0] =	vst v16;
	v16 =	vmul.f32 $8.000000110e-01, v35;
	v17 =	vadd.f32 v17, v23  }
0x3a7: {  	v10 =	vmul.f32 $8.000000110e-01, v9;
	v9 =	vld [tilespmem:s2+$0xD060];
	v19 =	vmul.f32 $2.000000030e-01, v19;
	[tilespmem:s2+$0xCFD0] =	vst v18;
	v18 =	vadd.f32 v22, v63  }
.LBB2_32:
0x3a8: {  	s3 =	sshra.s32 s0, $0x2;
	p1 =	sne.s32 s0, $0x7800;
	[tilespmem:s2+$0xCFE0] =	vst v17;
	v16 =	vadd.f32 v16, v20;
	v12 =	vmul.f32 $2.000000030e-01, v12;
	v17 =	vld [tilespmem:s2+$0xD070]  }
0x3a9: {  	v8 =	vmul.f32 $8.000000110e-01, v8;
	v20 =	vld [tilespmem:s3+$0xEE80];
	[tilespmem:s2+$0xCFF0] =	vst v18;
	v15 =	vadd.f32 v15, v19;
	v11 =	vmul.f32 $2.000000030e-01, v11  }
0x3aa: {  	v7 =	vmul.f32 $8.000000110e-01, v7;
	v19 =	vld [tilespmem:s3+$0xEE90];
	[tilespmem:s2+$0xD000] =	vst v16;
	v10 =	vadd.f32 v10, v12;
	v12 =	vmul.f32 $2.000000030e-01, v13  }
0x3ab: {  	v6 =	vmul.f32 $8.000000110e-01, v6;
	v21 =	vld [tilespmem:s3+$0xEEA0];
	[tilespmem:s2+$0xD010] =	vst v15;
	v8 =	vadd.f32 v8, v11;
	v11 =	vmul.f32 $2.000000030e-01, v14  }
0x3ac: {  	v5 =	vmul.f32 $8.000000110e-01, v5;
	v22 =	vld [tilespmem:s3+$0xEEB0];
	[tilespmem:s2+$0xD020] =	vst v10;
	v7 =	vadd.f32 v7, v12;
	v9 =	vmul.f32 $2.000000030e-01, v9  }
0x3ad: {  	v4 =	vmul.f32 $8.000000110e-01, v4;
	v23 =	vld [tilespmem:s3+$0xEEC0];
	[tilespmem:s2+$0xD030] =	vst v8;
	v6 =	vadd.f32 v6, v11;
	v8 =	vmul.f32 $2.000000030e-01, v17  }
0x3ae: {  	v24 =	vld [tilespmem:s3+$0xEED0];
	[tilespmem:s2+$0xD040] =	vst v7;
	v5 =	vadd.f32 v5, v9  }
0x3af: {  	v25 =	vld [tilespmem:s3+$0xEEE0];
	[tilespmem:s2+$0xD050] =	vst v6;
	v4 =	vadd.f32 v4, v8  }
0x3b0: {  	v26 =	vld [tilespmem:s3+$0xEEF0];
	[tilespmem:s2+$0xD060] =	vst v5  }
0x3b1: {  	v27 =	vld [tilespmem:s3+$0xEF00];
	[tilespmem:s2+$0xD070] =	vst v4;
	s2 =	smov.u32 s3  }
0x3b2: {  	v28 =	vld [tilespmem:s2+$0xEF10]  }
0x3b3: {  	v29 =	vld [tilespmem:s2+$0xEF20]  }
0x3b4: {  	v30 =	vld [tilespmem:s2+$0xEF30]  }
0x3b5: {  	v31 =	vld [tilespmem:s2+$0xEF40]  }
0x3b6: {  	v32 =	vld [tilespmem:s2+$0xEF50]  }
0x3b7: {  	v33 =	vld [tilespmem:s2+$0xEF60]  }
0x3b8: {  	v34 =	vld [tilespmem:s2+$0xEF70]  }
0x3b9: {  	v35 =	vld [tilespmem:s2+$0xEF80]  }
0x3ba: {  	v18 =	vld [tilespmem:s2+$0xEF90]  }
0x3bb: {  	v17 =	vld [tilespmem:s2+$0xEFA0]  }
0x3bc: {  	v16 =	vld [tilespmem:s2+$0xEFB0]  }
0x3bd: {  	v15 =	vld [tilespmem:s2+$0xEFC0]  }
0x3be: {  	v14 =	vld [tilespmem:s2+$0xEFD0]  }
0x3bf: {  	v13 =	vld [tilespmem:s2+$0xEFE0]  }
0x3c0: {  	v12 =	vld [tilespmem:s2+$0xEFF0]  }
0x3c1: {  	v11 =	vld [tilespmem:s2+$0xF000]  }
0x3c2: {  	v10 =	vld [tilespmem:s2+$0xF010]  }
0x3c3: {  	v9 =	vld [tilespmem:s2+$0xF020]  }
0x3c4: {  	v8 =	vld [tilespmem:s2+$0xF030]  }
0x3c5: {  	v7 =	vld [tilespmem:s2+$0xF040]  }
0x3c6: {  	v6 =	vld [tilespmem:s2+$0xF050]  }
0x3c7: {  	v5 =	vld [tilespmem:s2+$0xF060]  }
0x3c8: {  	v4 =	vld [tilespmem:s2+$0xF070]  }
0x3c9: {  	v36 =	vld [tilespmem:s2+$0xCE80]  }
0x3ca: {  	v37 =	vld [tilespmem:s2+$0xCE90]  }
0x3cb: {  	v38 =	vld [tilespmem:s2+$0xCEA0]  }
0x3cc: {  	v39 =	vld [tilespmem:s2+$0xCEB0]  }
0x3cd: {  	v20 =	vmul.f32 $8.000000110e-01, v20;
	v19 =	vmul.f32 $8.000000110e-01, v19;
	v40 =	vld [tilespmem:s2+$0xCEC0]  }
0x3ce: {  	v21 =	vmul.f32 $8.000000110e-01, v21;
	v36 =	vmul.f32 $2.000000030e-01, v36;
	v41 =	vld [tilespmem:s2+$0xCED0]  }
0x3cf: {  	v22 =	vmul.f32 $8.000000110e-01, v22;
	v37 =	vmul.f32 $2.000000030e-01, v37;
	v42 =	vld [tilespmem:s2+$0xCEE0]  }
0x3d0: {  	v23 =	vmul.f32 $8.000000110e-01, v23;
	v20 =	vadd.f32 v20, v36;
	v36 =	vmul.f32 $2.000000030e-01, v38;
	v38 =	vld [tilespmem:s2+$0xCEF0]  }
0x3d1: {  	v24 =	vmul.f32 $8.000000110e-01, v24;
	v19 =	vadd.f32 v19, v37;
	v37 =	vmul.f32 $2.000000030e-01, v39;
	v39 =	vld [tilespmem:s2+$0xCF00]  }
0x3d2: {  	v25 =	vmul.f32 $8.000000110e-01, v25;
	[tilespmem:s2+$0xCE80] =	vst v20;
	v20 =	vadd.f32 v21, v36;
	v21 =	vmul.f32 $2.000000030e-01, v40;
	v36 =	vld [tilespmem:s2+$0xCF10]  }
0x3d3: {  	v26 =	vmul.f32 $8.000000110e-01, v26;
	[tilespmem:s2+$0xCE90] =	vst v19;
	v19 =	vadd.f32 v22, v37;
	v22 =	vmul.f32 $2.000000030e-01, v41;
	v37 =	vld [tilespmem:s2+$0xCF20]  }
0x3d4: {  	[tilespmem:s2+$0xCEA0] =	vst v20;
	v20 =	vadd.f32 v23, v21;
	v21 =	vmul.f32 $2.000000030e-01, v42;
	v23 =	vmul.f32 $8.000000110e-01, v27;
	v27 =	vld [tilespmem:s2+$0xCF30]  }
0x3d5: {  	[tilespmem:s2+$0xCEB0] =	vst v19;
	v19 =	vadd.f32 v24, v22;
	v22 =	vmul.f32 $2.000000030e-01, v38;
	v24 =	vmul.f32 $8.000000110e-01, v28;
	v28 =	vld [tilespmem:s2+$0xCF40]  }
0x3d6: {  	[tilespmem:s2+$0xCEC0] =	vst v20;
	v20 =	vadd.f32 v25, v21;
	v21 =	vmul.f32 $2.000000030e-01, v39;
	v25 =	vmul.f32 $8.000000110e-01, v29;
	v29 =	vld [tilespmem:s2+$0xCF50]  }
0x3d7: {  	[tilespmem:s2+$0xCED0] =	vst v19;
	v19 =	vadd.f32 v26, v22;
	v22 =	vmul.f32 $2.000000030e-01, v36;
	v26 =	vmul.f32 $8.000000110e-01, v30;
	v30 =	vld [tilespmem:s2+$0xCF60]  }
0x3d8: {  	[tilespmem:s2+$0xCEE0] =	vst v20;
	v20 =	vadd.f32 v23, v21;
	v21 =	vmul.f32 $2.000000030e-01, v37;
	v23 =	vmul.f32 $8.000000110e-01, v31;
	v31 =	vld [tilespmem:s2+$0xCF70]  }
0x3d9: {  	[tilespmem:s2+$0xCEF0] =	vst v19;
	v19 =	vadd.f32 v24, v22;
	v22 =	vmul.f32 $2.000000030e-01, v27;
	v24 =	vmul.f32 $8.000000110e-01, v32;
	v27 =	vld [tilespmem:s2+$0xCF80]  }
0x3da: {  	[tilespmem:s2+$0xCF00] =	vst v20;
	v20 =	vadd.f32 v25, v21;
	v21 =	vmul.f32 $2.000000030e-01, v28;
	v25 =	vmul.f32 $8.000000110e-01, v33;
	v28 =	vld [tilespmem:s2+$0xCF90]  }
0x3db: {  	[tilespmem:s2+$0xCF10] =	vst v19;
	v19 =	vadd.f32 v26, v22;
	v22 =	vmul.f32 $2.000000030e-01, v29;
	v26 =	vmul.f32 $8.000000110e-01, v34;
	v29 =	vld [tilespmem:s2+$0xCFA0]  }
0x3dc: {  	[tilespmem:s2+$0xCF20] =	vst v20;
	v20 =	vadd.f32 v23, v21;
	v21 =	vmul.f32 $2.000000030e-01, v30;
	v23 =	vmul.f32 $8.000000110e-01, v35;
	v30 =	vld [tilespmem:s2+$0xCFB0]  }
0x3dd: {  	v18 =	vmul.f32 $8.000000110e-01, v18;
	[tilespmem:s2+$0xCF30] =	vst v19;
	v19 =	vadd.f32 v24, v22;
	v22 =	vmul.f32 $2.000000030e-01, v31;
	v24 =	vld [tilespmem:s2+$0xCFC0]  }
0x3de: {  	v17 =	vmul.f32 $8.000000110e-01, v17;
	[tilespmem:s2+$0xCF40] =	vst v20;
	v20 =	vadd.f32 v25, v21;
	v21 =	vmul.f32 $2.000000030e-01, v27;
	v25 =	vld [tilespmem:s2+$0xCFD0]  }
0x3df: {  	v16 =	vmul.f32 $8.000000110e-01, v16;
	[tilespmem:s2+$0xCF50] =	vst v19;
	v19 =	vadd.f32 v26, v22;
	v22 =	vmul.f32 $2.000000030e-01, v28;
	v26 =	vld [tilespmem:s2+$0xCFE0]  }
0x3e0: {  	v15 =	vmul.f32 $8.000000110e-01, v15;
	[tilespmem:s2+$0xCF60] =	vst v20;
	v20 =	vadd.f32 v23, v21;
	v21 =	vmul.f32 $2.000000030e-01, v29;
	v23 =	vld [tilespmem:s2+$0xCFF0]  }
0x3e1: {  	v14 =	vmul.f32 $8.000000110e-01, v14;
	[tilespmem:s2+$0xCF70] =	vst v19;
	v18 =	vadd.f32 v18, v22;
	v19 =	vmul.f32 $2.000000030e-01, v30;
	v22 =	vld [tilespmem:s2+$0xD000]  }
0x3e2: {  	[tilespmem:s2+$0xCF80] =	vst v20;
	v17 =	vadd.f32 v17, v21;
	v20 =	vmul.f32 $2.000000030e-01, v24;
	v21 =	vmul.f32 $8.000000110e-01, v13;
	v24 =	vld [tilespmem:s2+$0xD010]  }
0x3e3: {  	[tilespmem:s2+$0xCF90] =	vst v18;
	v18 =	vmul.f32 $2.000000030e-01, v25  }
.Ltmp31:
0x3e4: {  	v13 =	vadd.f32 v16, v19;
	v19 =	vmul.f32 $8.000000110e-01, v12;
	v12 =	vld [tilespmem:s2+$0xD020];
	(pc) =	sbr.rel @p1 .LBB2_32-.Ltmp31, $4  }
0x3e5: {  	v16 =	vmul.f32 $8.000000110e-01, v11;
	[tilespmem:s2+$0xCFA0] =	vst v17;
	v17 =	vadd.f32 v15, v20;
	v20 =	vmul.f32 $2.000000030e-01, v26;
	v11 =	vld [tilespmem:s2+$0xD030]  }
0x3e6: {  	v15 =	vmul.f32 $8.000000110e-01, v10;
	[tilespmem:s2+$0xCFB0] =	vst v13;
	v18 =	vadd.f32 v14, v18;
	v23 =	vmul.f32 $2.000000030e-01, v23;
	v13 =	vld [tilespmem:s2+$0xD040]  }
0x3e7: {  	v10 =	vmul.f32 $8.000000110e-01, v9;
	[tilespmem:s2+$0xCFC0] =	vst v17;
	v17 =	vadd.f32 v21, v20;
	v20 =	vmul.f32 $2.000000030e-01, v22;
	v14 =	vld [tilespmem:s2+$0xD050]  }
0x3e8: {  	s0 =	sadd.s32 $0x800, s0;
	[tilespmem:s2+$0xCFD0] =	vst v18;
	v18 =	vadd.f32 v19, v23;
	v19 =	vmul.f32 $2.000000030e-01, v24;
	v9 =	vld [tilespmem:s2+$0xD060]  }
0x3e9: {  	[tilespmem:s2+$0xCFE0] =	vst v17;
	v16 =	vadd.f32 v16, v20;
	v12 =	vmul.f32 $2.000000030e-01, v12;
	v60 =	vld [tilespmem:s2+$0xD070]  }
0x3ea: {  	v8 =	vmul.f32 $8.000000110e-01, v8;
	[tilespmem:s2+$0xCFF0] =	vst v18;
	v15 =	vadd.f32 v15, v19;
	v11 =	vmul.f32 $2.000000030e-01, v11  }
0x3eb: {  	v7 =	vmul.f32 $8.000000110e-01, v7;
	[tilespmem:s2+$0xD000] =	vst v16;
	v10 =	vadd.f32 v10, v12;
	v61 =	vmul.f32 $2.000000030e-01, v13  }
0x3ec: {  	v6 =	vmul.f32 $8.000000110e-01, v6;
	[tilespmem:s2+$0xD010] =	vst v15;
	v8 =	vadd.f32 v8, v11;
	v62 =	vmul.f32 $2.000000030e-01, v14  }
0x3ed: {  	v5 =	vmul.f32 $8.000000110e-01, v5;
	[tilespmem:s2+$0xD020] =	vst v10;
	v7 =	vadd.f32 v7, v61;
	v9 =	vmul.f32 $2.000000030e-01, v9  }
0x3ee: {  	v4 =	vmul.f32 $8.000000110e-01, v4;
	[tilespmem:s2+$0xD030] =	vst v8;
	v6 =	vadd.f32 v6, v62;
	v63 =	vmul.f32 $2.000000030e-01, v60  }
.Ltmp32:
0x3ef: {  	[tilespmem:s2+$0xD040] =	vst v7;
	v5 =	vadd.f32 v5, v9;
	(pc) =	sbr.rel .LBB2_40-.Ltmp32, $4  }
0x3f0: {  	[tilespmem:s2+$0xD050] =	vst v6;
	v4 =	vadd.f32 v4, v63  }
0x3f1: {  	[tilespmem:s2+$0xD060] =	vst v5  }
0x3f2: {  	[tilespmem:s2+$0xD070] =	vst v4  }
0x3f3: {  	[hbm4b:s1+s9] =	stream.indirect.scatter [tilespmem:s11], [sflag:$0x3], $0x80, s10, s9, $0xb8;
	[tilespmem:$0x19080] =	vst v63  }
.LBB2_5:
.Ltmp33:
0x3f4: {  	(pc) =	sbr.rel .LBB2_9-.Ltmp33, $2  }
0x3f5: {  	_ =	sdelay $0x2  }
0x3f6: {  	s17 =	simm.s32 $0x0;
	s13 =	simm.s32 $0x8080  }
.LBB2_20:
.Ltmp34:
0x3f7: {  	(pc) =	sbr.rel .LBB2_24-.Ltmp34, $2  }
0x3f8: {  	_ =	sdelay $0x2  }
0x3f9: {  	s12 =	simm.s32 $0x8080;
	s2 =	simm.s32 $0x0;
	s0 =	simm.s32 $0x0  }
.LBB2_7:
.Ltmp35:
0x3fa: {  	(pc) =	sbr.rel .LBB2_9-.Ltmp35, $2  }
0x3fb: {  	_ =	sdelay $0x2  }
0x3fc: {  	s17 =	simm.s32 $0x0;
	s13 =	simm.s32 $0x8080  }
.LBB2_22:
.Ltmp36:
0x3fd: {  	(pc) =	sbr.rel .LBB2_24-.Ltmp36, $2  }
0x3fe: {  	_ =	sdelay $0x2  }
0x3ff: {  	s12 =	simm.s32 $0x8080;
	s2 =	simm.s32 $0x0;
	s0 =	simm.s32 $0x0  }
.LBB2_43:
0x400: {  	_ =	sfence.sel $0x180000  }
0x401: {  	[bflag:$0x0] =	sbarrier.arrive $0xFFFF  }
0x402: {  	_ =	strace $0x90000047  }
0x403: {  	s0 =	stileid.u32;
	[bflag:$0x2] =	sbarrier.arrive $0xFFFF  }
0x404: {  	p0 =	sne.s32 s0, $0x0;
	s0 =	rddreg [dreg:$0x3]  }
0x405: {  	s0 =	sadd.s32 @!p0 $0x100000, s0  }
0x406: {  	[sflag:s0] =	ssyncadd.tile.s32 @!p0 $0x1;
	_ =	shalt  }
.Lfunc_end2:
_tile_overlayer_lowered:
.L_overlay_start_2:
0x407: {  	(tag) =	ssettag $0x2  }
0x408: {  	s0 =	rddreg [dreg:$0x0];
	s2 =	stileid.u32  }
0x409: {  	s1 =	rddreg [dreg:$0x1];
	p0 =	sne.s32 s2, $0x0  }
0x40a: {  	s3 =	rddreg [dreg:$0x2];
	[bflag:$0x3] =	sbarrier.arrive $0xFFFF;
	s2 =	simm.s32 @!p0 $0x1C0A  }
0x40b: {  	[timem:s3], [sflag:s2] =	dma.local @!p0 [hbm:s0], s1  }
0x40c: {  	s0 =	simm.s32 @!p0 $0xA  }
0x40d: {  	_ =	swait.ge @!p0 [sflag:s0], s1  }
0x40e: {  	s1 =	ssub.s32 @!p0 $0x0, s1;
	[sflag:s0] =	ssyncset.done @!p0 $0x0  }
0x40f: {  	[sflag:s0] =	ssyncadd.s32 @!p0 s1  }
0x410: {  	[bflag:$0x3] =	sbarrier.arrive $0xFFFF  }
0x411: {  	_ =	shalt  }

</sc_bundles>
